<compile_context>
chip_gen: v7x
topology: tpu7x:2x2x1
jax: 0.10.2.dev20260603
libtpu: 0.0.44.dev20260713+nightly
codegen_flags: <defaults>
</compile_context>

<pallas_src>
import functools

import jax
import jax.numpy as jnp
from jax import lax
from jax.experimental import pallas as pl
from jax.experimental.pallas import tpu as pltpu
from jax.experimental.pallas import tpu_sc as plsc

_NC = 2
_NS = 16
_L = 16
_W = 128
_NEG = float(jnp.finfo(jnp.float32).min)


@functools.lru_cache(maxsize=None)
def _build(B, S, H, NI):
    NW = _NC * _NS
    P = B * NI
    SUB = H // _W
    RPC = _L // SUB
    SUBLOG = SUB.bit_length() - 1
    assert H % _W == 0 and _L % SUB == 0 and SUB == 1 << SUBLOG
    PPW = (P + NW - 1) // NW

    mesh = plsc.VectorSubcoreMesh(core_axis_name="c", subcore_axis_name="s")

    @functools.partial(
        pl.kernel,
        mesh=mesh,
        out_type=jax.ShapeDtypeStruct((P, SUB, _W), jnp.float32),
        scratch_types=[
            pltpu.VMEM((_L, _W), jnp.float32),
            pltpu.VMEM((SUB, _W), jnp.float32),
            pltpu.VMEM((2 * P + _L,), jnp.int32),
            pltpu.SemaphoreType.DMA,
        ],
    )
    def sc_kernel(hid_hbm, se_hbm, miss_hbm, out_hbm,
                  rows_v, acc_v, se_v, sem):
        wid = lax.axis_index("s") * _NC + lax.axis_index("c")

        def do_pair(p):
            b = p // NI
            i = p % NI

            pltpu.sync_copy(se_hbm, se_v.at[pl.ds(0, 2 * P)])
            s = se_v[pl.ds(p, _L)][0]
            e = se_v[pl.ds(P + p, _L)][0]
            valid = jnp.logical_and(s >= 0, e >= 0)
            cs = jnp.clip(s, 0, S)
            ce = jnp.clip(e, 0, S)
            ln = ce - cs
            base = (b * S + cs) * SUB

            for j in range(SUB):
                for k in range(_W // _L):
                    acc_v[j, pl.ds(k * _L, _L)] = jnp.full(
                        (_L,), _NEG, jnp.float32)

            nchunks = jnp.maximum(-(-ln // RPC), 0)

            def chunk_body(c, carry):
                lanes = lax.iota(jnp.int32, _L)
                jvec = lanes & (SUB - 1)
                rvec = lanes >> SUBLOG
                row = jnp.minimum(c * RPC + rvec, ln - 1)
                idx = base + row * SUB + jvec
                pltpu.async_copy(hid_hbm.at[idx], rows_v, sem).wait()
                for j in range(SUB):
                    for k in range(_W // _L):
                        sl = pl.ds(k * _L, _L)
                        m = rows_v[j, sl]
                        for r in range(1, RPC):
                            m = jnp.maximum(m, rows_v[r * SUB + j, sl])
                        acc_v[j, sl] = jnp.maximum(acc_v[j, sl], m)
                return carry

            lax.fori_loop(0, nchunks, chunk_body, jnp.int32(0))

            @pl.when(jnp.logical_not(valid))
            def _():
                pltpu.sync_copy(miss_hbm.at[i], acc_v)

            pltpu.sync_copy(acc_v, out_hbm.at[p])

        for t in range(PPW):
            p = wid + t * NW
            if P % NW == 0:
                do_pair(p)
            else:
                pl.when(p < P)(lambda: do_pair(p))

    return sc_kernel


def kernel(hidden_state, start_indices, end_indices, missing_embeddings):
    B, S, H = hidden_state.shape
    NI = start_indices.shape[1]
    sc = _build(B, S, H, NI)
    se = jnp.concatenate(
        [start_indices.reshape(B * NI), end_indices.reshape(B * NI)])
    out = sc(
        hidden_state.reshape(B * S * (H // _W), _W),
        se,
        missing_embeddings.reshape(NI, H // _W, _W),
        )
    return out.reshape(B, NI * H)

# --- scband reference (transcript-rebuilt; emitter-appended) ---
"""Pipeline reference for scband-span-max-pooler-60748017435289 (READ-ONLY COPY).

The authoritative reference and input builder live on the scoring server;
editing this copy changes nothing except your own understanding.
"""

import jax, jax.numpy as jnp
import numpy as np

B, S, H, NI = 16, 2048, 1024, 2

def setup_inputs(seed: int = 0):
    key = jax.random.key(seed)
    k1, k2 = jax.random.split(key)
    hidden_state = jax.random.normal(k1, (B, S, H), dtype=jnp.float32)
    # start=0, end=1 guarantees valid spans (start < end, both non-negative)
    start_indices = jnp.zeros((B, NI), dtype=jnp.int32)
    end_indices = jnp.ones((B, NI), dtype=jnp.int32)
    missing_embeddings = jax.random.normal(k2, (NI, H), dtype=jnp.float32)
    return {"hidden_state": hidden_state, "start_indices": start_indices,
            "end_indices": end_indices, "missing_embeddings": missing_embeddings}

def reference(hidden_state, start_indices, end_indices, missing_embeddings):
    b, s, h = hidden_state.shape
    ni = start_indices.shape[1]
    pos = jnp.arange(s)
    # mask[b, i, s] = start[b, i] <= s < end[b, i]
    mask = (pos[None, None, :] >= start_indices[:, :, None]) & (pos[None, None, :] < end_indices[:, :, None])
    neg = jnp.finfo(hidden_state.dtype).min
    masked = jnp.where(mask[:, :, :, None], hidden_state[:, None, :, :], neg)
    span_max = jnp.max(masked, axis=2)  # [b, ni, h]
    valid = (start_indices >= 0) & (end_indices >= 0)
    out = jnp.where(valid[:, :, None], span_max, missing_embeddings[None, :, :])
    return out.reshape(b, ni * h)

if __name__ == "__main__":
    import jax
    _d = setup_inputs()
    print(jax.jit(kernel)(*tuple(_d.values())))

</pallas_src>

<mosaic_0001>
#map = affine_map<(d0, d1) -> (0, 0)>
#map1 = affine_map<(d0, d1) -> (0)>
#map2 = affine_map<(d0, d1) -> (0, 0, 0)>
module attributes {stable_mosaic.version = 14 : i64} {
  func.func @sc_kernel(%arg0: i32, %arg1: i32, %arg2: memref<262144x128xf32, #tpu.memory_space<hbm>>, %arg3: memref<64xi32, #tpu.memory_space<hbm>>, %arg4: memref<2x8x128xf32, #tpu.memory_space<hbm>>, %arg5: memref<32x8x128xf32, #tpu.memory_space<hbm>>, %arg6: memref<16x128xf32, #tpu.memory_space<vmem>>, %arg7: memref<8x128xf32, #tpu.memory_space<vmem>>, %arg8: memref<80xi32, #tpu.memory_space<vmem>>, %arg9: memref<!tpu.dma_semaphore, #tpu.memory_space<semaphore_mem>>) attributes {dimension_semantics = [#tpu.dimension_semantics<core_parallel>, #tpu.dimension_semantics<subcore_parallel>], iteration_bounds = array<i64: 2, 16>, scalar_prefetch = 0 : i64, scratch_operands = 4 : i64, tpu.core_type = #tpu.core_type<sc_vector_subcore>, window_params = [{transform_indices = #map}, {transform_indices = #map1}, {transform_indices = #map2}, {transform_indices = #map2}]} {
    %mul3A = arith.constant 2 : i32
    %mul3A_0 = arith.muli %arg1, %mul3A : i32
    %add3A = arith.addi %mul3A_0, %arg0 : i32
    %add3A_1 = arith.constant 0 : i32
    %add3A_2 = arith.addi %add3A, %add3A_1 : i32
    %jit3A = arith.constant 2 : i32
    %div3A = arith.divsi %add3A_2, %jit3A : i32
    %sign3A = arith.constant 0 : i32
    %sign3A_3 = arith.cmpi sgt, %add3A_2, %sign3A : i32
    %sign3A_4 = arith.extui %sign3A_3 : i1 to i32
    %sign3A_5 = arith.constant 0 : i32
    %sign3A_6 = arith.cmpi slt, %add3A_2, %sign3A_5 : i32
    %sign3A_7 = arith.extui %sign3A_6 : i1 to i32
    %sign3A_8 = arith.subi %sign3A_4, %sign3A_7 : i32
    %sign3A_9 = arith.constant 0 : i32
    %sign3A_10 = arith.cmpi sgt, %jit3A, %sign3A_9 : i32
    %sign3A_11 = arith.extui %sign3A_10 : i1 to i32
    %sign3A_12 = arith.constant 0 : i32
    %sign3A_13 = arith.cmpi slt, %jit3A, %sign3A_12 : i32
    %sign3A_14 = arith.extui %sign3A_13 : i1 to i32
    %sign3A_15 = arith.subi %sign3A_11, %sign3A_14 : i32
    %ne3A = arith.cmpi ne, %sign3A_8, %sign3A_15 : i32
    %rem3A = arith.remsi %add3A_2, %jit3A : i32
    %ne3A_16 = arith.constant 0 : i32
    %ne3A_17 = arith.cmpi ne, %rem3A, %ne3A_16 : i32
    %and3A = arith.andi %ne3A, %ne3A_17 : i1
    %sub3A = arith.constant 1 : i32
    %sub3A_18 = arith.subi %div3A, %sub3A : i32
    %select_n3A = arith.select %and3A, %sub3A_18, %div3A : i32
    %jit3A_19 = arith.constant 2 : i32
    %eq3A = arith.constant 0 : i32
    %eq3A_20 = arith.cmpi eq, %jit3A_19, %eq3A : i32
    %jit3A_21 = arith.constant 1 : i32
    %select_n3A_22 = arith.select %eq3A_20, %jit3A_21, %jit3A_19 : i32
    %rem3A_23 = arith.remsi %add3A_2, %select_n3A_22 : i32
    %ne3A_24 = arith.constant 0 : i32
    %ne3A_25 = arith.cmpi ne, %rem3A_23, %ne3A_24 : i32
    %lt3A = arith.constant 0 : i32
    %lt3A_26 = arith.cmpi slt, %rem3A_23, %lt3A : i32
    %lt3A_27 = arith.constant 0 : i32
    %lt3A_28 = arith.cmpi slt, %select_n3A_22, %lt3A_27 : i32
    %ne3A_29 = arith.xori %lt3A_26, %lt3A_28 : i1
    %and3A_30 = arith.andi %ne3A_29, %ne3A_25 : i1
    %add3A_31 = arith.addi %rem3A_23, %select_n3A_22 : i32
    %select_n3A_32 = arith.select %and3A_30, %add3A_31, %rem3A_23 : i32
    "tpu.region"() ({
      %run_scoped3A = tpu.sem_alloc : memref<!tpu.dma_semaphore, #tpu.memory_space<semaphore_mem>>
      %dma_start3A = arith.constant 0 : i32
      %dma_start3A_608 = tpu.memref_slice %arg8[%dma_start3A] : memref<80xi32, #tpu.memory_space<vmem>> -> memref<64xi32, #tpu.memory_space<vmem>>
      %dma_start3A_609 = arith.constant 0 : i32
      %dma_start3A_610 = tpu.memref_slice %arg8[%dma_start3A_609] : memref<80xi32, #tpu.memory_space<vmem>> -> memref<64xi32, #tpu.memory_space<vmem>>
      tpu.enqueue_dma source(%arg3 : memref<64xi32, #tpu.memory_space<hbm>>) target(%dma_start3A_610 : memref<64xi32, #tpu.memory_space<vmem>>) target_semaphore(%run_scoped3A : memref<!tpu.dma_semaphore, #tpu.memory_space<semaphore_mem>>)
      %dma_wait3A = arith.constant 0 : i32
      %dma_wait3A_611 = tpu.memref_slice %arg8[%dma_wait3A] : memref<80xi32, #tpu.memory_space<vmem>> -> memref<64xi32, #tpu.memory_space<vmem>>
      %dma_wait3A_612 = arith.constant 0 : i32
      %dma_wait3A_613 = tpu.memref_slice %arg8[%dma_wait3A_612] : memref<80xi32, #tpu.memory_space<vmem>> -> memref<64xi32, #tpu.memory_space<vmem>>
      tpu.wait_dma2 semaphore(%run_scoped3A : memref<!tpu.dma_semaphore, #tpu.memory_space<semaphore_mem>>) src(%arg3 : memref<64xi32, #tpu.memory_space<hbm>>) dst(%dma_wait3A_613 : memref<64xi32, #tpu.memory_space<vmem>>)
      tpu.yield
    }) : () -> ()
    %get3A = arith.index_cast %add3A_2 : i32 to index
    %get3A_33 = tpu.vector_load %arg8[%get3A] {strides = array<i32>} : memref<80xi32, #tpu.memory_space<vmem>>, vector<16xi32>,
    %get3A_34 = vector.shape_cast %get3A_33 : vector<16xi32> to vector<16xi32>
    %slice3A = vector.extract_strided_slice %get3A_34 {offsets = [0], sizes = [1], strides = [1]} : vector<16xi32> to vector<1xi32>
    %squeeze3A = vector.extract %slice3A[0] : i32 from vector<1xi32>
    %add3A_35 = arith.constant 32 : i32
    %add3A_36 = arith.addi %add3A_35, %add3A_2 : i32
    %get3A_37 = arith.index_cast %add3A_36 : i32 to index
    %get3A_38 = tpu.vector_load %arg8[%get3A_37] {strides = array<i32>} : memref<80xi32, #tpu.memory_space<vmem>>, vector<16xi32>,
    %get3A_39 = vector.shape_cast %get3A_38 : vector<16xi32> to vector<16xi32>
    %slice3A_40 = vector.extract_strided_slice %get3A_39 {offsets = [0], sizes = [1], strides = [1]} : vector<16xi32> to vector<1xi32>
    %squeeze3A_41 = vector.extract %slice3A_40[0] : i32 from vector<1xi32>
    %ge3A = arith.constant 0 : i32
    %ge3A_42 = arith.cmpi sge, %squeeze3A, %ge3A : i32
    %ge3A_43 = arith.constant 0 : i32
    %ge3A_44 = arith.cmpi sge, %squeeze3A_41, %ge3A_43 : i32
    %and3A_45 = arith.andi %ge3A_42, %ge3A_44 : i1
    %jit3A_46 = arith.constant 0 : i32
    %jit3A_47 = arith.constant 2048 : i32
    %max3A = arith.maxsi %jit3A_46, %squeeze3A : i32
    %min3A = arith.minsi %jit3A_47, %max3A : i32
    %jit3A_48 = arith.constant 0 : i32
    %jit3A_49 = arith.constant 2048 : i32
    %max3A_50 = arith.maxsi %jit3A_48, %squeeze3A_41 : i32
    %min3A_51 = arith.minsi %jit3A_49, %max3A_50 : i32
    %sub3A_52 = arith.subi %min3A_51, %min3A : i32
    %mul3A_53 = arith.constant 2048 : i32
    %mul3A_54 = arith.muli %select_n3A, %mul3A_53 : i32
    %add3A_55 = arith.addi %mul3A_54, %min3A : i32
    %mul3A_56 = arith.constant 8 : i32
    %mul3A_57 = arith.muli %add3A_55, %mul3A_56 : i32
    %broadcast_in_dim3A = arith.constant -3.40282347E+38 : f32
    %broadcast_in_dim3A_58 = vector.broadcast %broadcast_in_dim3A : f32 to vector<16xf32>
    %swap3A = arith.constant 0 : i32
    %swap3A_59 = arith.index_cast %swap3A : i32 to index
    %swap3A_60 = arith.constant 0 : index
    %swap3A_61 = tpu.vector_load %arg7[%swap3A_59, %swap3A_60] {strides = array<i32>} : memref<8x128xf32, #tpu.memory_space<vmem>>, vector<1x16xf32>,
    %swap3A_62 = vector.shape_cast %swap3A_61 : vector<1x16xf32> to vector<16xf32>
    %swap3A_63 = vector.shape_cast %broadcast_in_dim3A_58 : vector<16xf32> to vector<1x16xf32>
    tpu.vector_store %arg7[%swap3A_59, %swap3A_60], %swap3A_63 {strides = array<i32>} : memref<8x128xf32, #tpu.memory_space<vmem>>, vector<1x16xf32>,
    %broadcast_in_dim3A_64 = arith.constant -3.40282347E+38 : f32
    %broadcast_in_dim3A_65 = vector.broadcast %broadcast_in_dim3A_64 : f32 to vector<16xf32>
    %swap3A_66 = arith.constant 0 : i32
    %swap3A_67 = arith.index_cast %swap3A_66 : i32 to index
    %swap3A_68 = arith.constant 16 : index
    %swap3A_69 = tpu.vector_load %arg7[%swap3A_67, %swap3A_68] {strides = array<i32>} : memref<8x128xf32, #tpu.memory_space<vmem>>, vector<1x16xf32>,
    %swap3A_70 = vector.shape_cast %swap3A_69 : vector<1x16xf32> to vector<16xf32>
    %swap3A_71 = vector.shape_cast %broadcast_in_dim3A_65 : vector<16xf32> to vector<1x16xf32>
    tpu.vector_store %arg7[%swap3A_67, %swap3A_68], %swap3A_71 {strides = array<i32>} : memref<8x128xf32, #tpu.memory_space<vmem>>, vector<1x16xf32>,
    %broadcast_in_dim3A_72 = arith.constant -3.40282347E+38 : f32
    %broadcast_in_dim3A_73 = vector.broadcast %broadcast_in_dim3A_72 : f32 to vector<16xf32>
    %swap3A_74 = arith.constant 0 : i32
    %swap3A_75 = arith.index_cast %swap3A_74 : i32 to index
    %swap3A_76 = arith.constant 32 : index
    %swap3A_77 = tpu.vector_load %arg7[%swap3A_75, %swap3A_76] {strides = array<i32>} : memref<8x128xf32, #tpu.memory_space<vmem>>, vector<1x16xf32>,
    %swap3A_78 = vector.shape_cast %swap3A_77 : vector<1x16xf32> to vector<16xf32>
    %swap3A_79 = vector.shape_cast %broadcast_in_dim3A_73 : vector<16xf32> to vector<1x16xf32>
    tpu.vector_store %arg7[%swap3A_75, %swap3A_76], %swap3A_79 {strides = array<i32>} : memref<8x128xf32, #tpu.memory_space<vmem>>, vector<1x16xf32>,
    %broadcast_in_dim3A_80 = arith.constant -3.40282347E+38 : f32
    %broadcast_in_dim3A_81 = vector.broadcast %broadcast_in_dim3A_80 : f32 to vector<16xf32>
    %swap3A_82 = arith.constant 0 : i32
    %swap3A_83 = arith.index_cast %swap3A_82 : i32 to index
    %swap3A_84 = arith.constant 48 : index
    %swap3A_85 = tpu.vector_load %arg7[%swap3A_83, %swap3A_84] {strides = array<i32>} : memref<8x128xf32, #tpu.memory_space<vmem>>, vector<1x16xf32>,
    %swap3A_86 = vector.shape_cast %swap3A_85 : vector<1x16xf32> to vector<16xf32>
    %swap3A_87 = vector.shape_cast %broadcast_in_dim3A_81 : vector<16xf32> to vector<1x16xf32>
    tpu.vector_store %arg7[%swap3A_83, %swap3A_84], %swap3A_87 {strides = array<i32>} : memref<8x128xf32, #tpu.memory_space<vmem>>, vector<1x16xf32>,
    %broadcast_in_dim3A_88 = arith.constant -3.40282347E+38 : f32
    %broadcast_in_dim3A_89 = vector.broadcast %broadcast_in_dim3A_88 : f32 to vector<16xf32>
    %swap3A_90 = arith.constant 0 : i32
    %swap3A_91 = arith.index_cast %swap3A_90 : i32 to index
    %swap3A_92 = arith.constant 64 : index
    %swap3A_93 = tpu.vector_load %arg7[%swap3A_91, %swap3A_92] {strides = array<i32>} : memref<8x128xf32, #tpu.memory_space<vmem>>, vector<1x16xf32>,
    %swap3A_94 = vector.shape_cast %swap3A_93 : vector<1x16xf32> to vector<16xf32>
    %swap3A_95 = vector.shape_cast %broadcast_in_dim3A_89 : vector<16xf32> to vector<1x16xf32>
    tpu.vector_store %arg7[%swap3A_91, %swap3A_92], %swap3A_95 {strides = array<i32>} : memref<8x128xf32, #tpu.memory_space<vmem>>, vector<1x16xf32>,
    %broadcast_in_dim3A_96 = arith.constant -3.40282347E+38 : f32
    %broadcast_in_dim3A_97 = vector.broadcast %broadcast_in_dim3A_96 : f32 to vector<16xf32>
    %swap3A_98 = arith.constant 0 : i32
    %swap3A_99 = arith.index_cast %swap3A_98 : i32 to index
    %swap3A_100 = arith.constant 80 : index
    %swap3A_101 = tpu.vector_load %arg7[%swap3A_99, %swap3A_100] {strides = array<i32>} : memref<8x128xf32, #tpu.memory_space<vmem>>, vector<1x16xf32>,
    %swap3A_102 = vector.shape_cast %swap3A_101 : vector<1x16xf32> to vector<16xf32>
    %swap3A_103 = vector.shape_cast %broadcast_in_dim3A_97 : vector<16xf32> to vector<1x16xf32>
    tpu.vector_store %arg7[%swap3A_99, %swap3A_100], %swap3A_103 {strides = array<i32>} : memref<8x128xf32, #tpu.memory_space<vmem>>, vector<1x16xf32>,
    %broadcast_in_dim3A_104 = arith.constant -3.40282347E+38 : f32
    %broadcast_in_dim3A_105 = vector.broadcast %broadcast_in_dim3A_104 : f32 to vector<16xf32>
    %swap3A_106 = arith.constant 0 : i32
    %swap3A_107 = arith.index_cast %swap3A_106 : i32 to index
    %swap3A_108 = arith.constant 96 : index
    %swap3A_109 = tpu.vector_load %arg7[%swap3A_107, %swap3A_108] {strides = array<i32>} : memref<8x128xf32, #tpu.memory_space<vmem>>, vector<1x16xf32>,
    %swap3A_110 = vector.shape_cast %swap3A_109 : vector<1x16xf32> to vector<16xf32>
    %swap3A_111 = vector.shape_cast %broadcast_in_dim3A_105 : vector<16xf32> to vector<1x16xf32>
    tpu.vector_store %arg7[%swap3A_107, %swap3A_108], %swap3A_111 {strides = array<i32>} : memref<8x128xf32, #tpu.memory_space<vmem>>, vector<1x16xf32>,
    %broadcast_in_dim3A_112 = arith.constant -3.40282347E+38 : f32
    %broadcast_in_dim3A_113 = vector.broadcast %broadcast_in_dim3A_112 : f32 to vector<16xf32>
    %swap3A_114 = arith.constant 0 : i32
    %swap3A_115 = arith.index_cast %swap3A_114 : i32 to index
    %swap3A_116 = arith.constant 112 : index
    %swap3A_117 = tpu.vector_load %arg7[%swap3A_115, %swap3A_116] {strides = array<i32>} : memref<8x128xf32, #tpu.memory_space<vmem>>, vector<1x16xf32>,
    %swap3A_118 = vector.shape_cast %swap3A_117 : vector<1x16xf32> to vector<16xf32>
    %swap3A_119 = vector.shape_cast %broadcast_in_dim3A_113 : vector<16xf32> to vector<1x16xf32>
    tpu.vector_store %arg7[%swap3A_115, %swap3A_116], %swap3A_119 {strides = array<i32>} : memref<8x128xf32, #tpu.memory_space<vmem>>, vector<1x16xf32>,
    %broadcast_in_dim3A_120 = arith.constant -3.40282347E+38 : f32
    %broadcast_in_dim3A_121 = vector.broadcast %broadcast_in_dim3A_120 : f32 to vector<16xf32>
    %swap3A_122 = arith.constant 1 : i32
    %swap3A_123 = arith.index_cast %swap3A_122 : i32 to index
    %swap3A_124 = arith.constant 0 : index
    %swap3A_125 = tpu.vector_load %arg7[%swap3A_123, %swap3A_124] {strides = array<i32>} : memref<8x128xf32, #tpu.memory_space<vmem>>, vector<1x16xf32>,
    %swap3A_126 = vector.shape_cast %swap3A_125 : vector<1x16xf32> to vector<16xf32>
    %swap3A_127 = vector.shape_cast %broadcast_in_dim3A_121 : vector<16xf32> to vector<1x16xf32>
    tpu.vector_store %arg7[%swap3A_123, %swap3A_124], %swap3A_127 {strides = array<i32>} : memref<8x128xf32, #tpu.memory_space<vmem>>, vector<1x16xf32>,
    %broadcast_in_dim3A_128 = arith.constant -3.40282347E+38 : f32
    %broadcast_in_dim3A_129 = vector.broadcast %broadcast_in_dim3A_128 : f32 to vector<16xf32>
    %swap3A_130 = arith.constant 1 : i32
    %swap3A_131 = arith.index_cast %swap3A_130 : i32 to index
    %swap3A_132 = arith.constant 16 : index
    %swap3A_133 = tpu.vector_load %arg7[%swap3A_131, %swap3A_132] {strides = array<i32>} : memref<8x128xf32, #tpu.memory_space<vmem>>, vector<1x16xf32>,
    %swap3A_134 = vector.shape_cast %swap3A_133 : vector<1x16xf32> to vector<16xf32>
    %swap3A_135 = vector.shape_cast %broadcast_in_dim3A_129 : vector<16xf32> to vector<1x16xf32>
    tpu.vector_store %arg7[%swap3A_131, %swap3A_132], %swap3A_135 {strides = array<i32>} : memref<8x128xf32, #tpu.memory_space<vmem>>, vector<1x16xf32>,
    %broadcast_in_dim3A_136 = arith.constant -3.40282347E+38 : f32
    %broadcast_in_dim3A_137 = vector.broadcast %broadcast_in_dim3A_136 : f32 to vector<16xf32>
    %swap3A_138 = arith.constant 1 : i32
    %swap3A_139 = arith.index_cast %swap3A_138 : i32 to index
    %swap3A_140 = arith.constant 32 : index
    %swap3A_141 = tpu.vector_load %arg7[%swap3A_139, %swap3A_140] {strides = array<i32>} : memref<8x128xf32, #tpu.memory_space<vmem>>, vector<1x16xf32>,
    %swap3A_142 = vector.shape_cast %swap3A_141 : vector<1x16xf32> to vector<16xf32>
    %swap3A_143 = vector.shape_cast %broadcast_in_dim3A_137 : vector<16xf32> to vector<1x16xf32>
    tpu.vector_store %arg7[%swap3A_139, %swap3A_140], %swap3A_143 {strides = array<i32>} : memref<8x128xf32, #tpu.memory_space<vmem>>, vector<1x16xf32>,
    %broadcast_in_dim3A_144 = arith.constant -3.40282347E+38 : f32
    %broadcast_in_dim3A_145 = vector.broadcast %broadcast_in_dim3A_144 : f32 to vector<16xf32>
    %swap3A_146 = arith.constant 1 : i32
    %swap3A_147 = arith.index_cast %swap3A_146 : i32 to index
    %swap3A_148 = arith.constant 48 : index
    %swap3A_149 = tpu.vector_load %arg7[%swap3A_147, %swap3A_148] {strides = array<i32>} : memref<8x128xf32, #tpu.memory_space<vmem>>, vector<1x16xf32>,
    %swap3A_150 = vector.shape_cast %swap3A_149 : vector<1x16xf32> to vector<16xf32>
    %swap3A_151 = vector.shape_cast %broadcast_in_dim3A_145 : vector<16xf32> to vector<1x16xf32>
    tpu.vector_store %arg7[%swap3A_147, %swap3A_148], %swap3A_151 {strides = array<i32>} : memref<8x128xf32, #tpu.memory_space<vmem>>, vector<1x16xf32>,
    %broadcast_in_dim3A_152 = arith.constant -3.40282347E+38 : f32
    %broadcast_in_dim3A_153 = vector.broadcast %broadcast_in_dim3A_152 : f32 to vector<16xf32>
    %swap3A_154 = arith.constant 1 : i32
    %swap3A_155 = arith.index_cast %swap3A_154 : i32 to index
    %swap3A_156 = arith.constant 64 : index
    %swap3A_157 = tpu.vector_load %arg7[%swap3A_155, %swap3A_156] {strides = array<i32>} : memref<8x128xf32, #tpu.memory_space<vmem>>, vector<1x16xf32>,
    %swap3A_158 = vector.shape_cast %swap3A_157 : vector<1x16xf32> to vector<16xf32>
    %swap3A_159 = vector.shape_cast %broadcast_in_dim3A_153 : vector<16xf32> to vector<1x16xf32>
    tpu.vector_store %arg7[%swap3A_155, %swap3A_156], %swap3A_159 {strides = array<i32>} : memref<8x128xf32, #tpu.memory_space<vmem>>, vector<1x16xf32>,
    %broadcast_in_dim3A_160 = arith.constant -3.40282347E+38 : f32
    %broadcast_in_dim3A_161 = vector.broadcast %broadcast_in_dim3A_160 : f32 to vector<16xf32>
    %swap3A_162 = arith.constant 1 : i32
    %swap3A_163 = arith.index_cast %swap3A_162 : i32 to index
    %swap3A_164 = arith.constant 80 : index
    %swap3A_165 = tpu.vector_load %arg7[%swap3A_163, %swap3A_164] {strides = array<i32>} : memref<8x128xf32, #tpu.memory_space<vmem>>, vector<1x16xf32>,
    %swap3A_166 = vector.shape_cast %swap3A_165 : vector<1x16xf32> to vector<16xf32>
    %swap3A_167 = vector.shape_cast %broadcast_in_dim3A_161 : vector<16xf32> to vector<1x16xf32>
    tpu.vector_store %arg7[%swap3A_163, %swap3A_164], %swap3A_167 {strides = array<i32>} : memref<8x128xf32, #tpu.memory_space<vmem>>, vector<1x16xf32>,
    %broadcast_in_dim3A_168 = arith.constant -3.40282347E+38 : f32
    %broadcast_in_dim3A_169 = vector.broadcast %broadcast_in_dim3A_168 : f32 to vector<16xf32>
    %swap3A_170 = arith.constant 1 : i32
    %swap3A_171 = arith.index_cast %swap3A_170 : i32 to index
    %swap3A_172 = arith.constant 96 : index
    %swap3A_173 = tpu.vector_load %arg7[%swap3A_171, %swap3A_172] {strides = array<i32>} : memref<8x128xf32, #tpu.memory_space<vmem>>, vector<1x16xf32>,
    %swap3A_174 = vector.shape_cast %swap3A_173 : vector<1x16xf32> to vector<16xf32>
    %swap3A_175 = vector.shape_cast %broadcast_in_dim3A_169 : vector<16xf32> to vector<1x16xf32>
    tpu.vector_store %arg7[%swap3A_171, %swap3A_172], %swap3A_175 {strides = array<i32>} : memref<8x128xf32, #tpu.memory_space<vmem>>, vector<1x16xf32>,
    %broadcast_in_dim3A_176 = arith.constant -3.40282347E+38 : f32
    %broadcast_in_dim3A_177 = vector.broadcast %broadcast_in_dim3A_176 : f32 to vector<16xf32>
    %swap3A_178 = arith.constant 1 : i32
    %swap3A_179 = arith.index_cast %swap3A_178 : i32 to index
    %swap3A_180 = arith.constant 112 : index
    %swap3A_181 = tpu.vector_load %arg7[%swap3A_179, %swap3A_180] {strides = array<i32>} : memref<8x128xf32, #tpu.memory_space<vmem>>, vector<1x16xf32>,
    %swap3A_182 = vector.shape_cast %swap3A_181 : vector<1x16xf32> to vector<16xf32>
    %swap3A_183 = vector.shape_cast %broadcast_in_dim3A_177 : vector<16xf32> to vector<1x16xf32>
    tpu.vector_store %arg7[%swap3A_179, %swap3A_180], %swap3A_183 {strides = array<i32>} : memref<8x128xf32, #tpu.memory_space<vmem>>, vector<1x16xf32>,
    %broadcast_in_dim3A_184 = arith.constant -3.40282347E+38 : f32
    %broadcast_in_dim3A_185 = vector.broadcast %broadcast_in_dim3A_184 : f32 to vector<16xf32>
    %swap3A_186 = arith.constant 2 : i32
    %swap3A_187 = arith.index_cast %swap3A_186 : i32 to index
    %swap3A_188 = arith.constant 0 : index
    %swap3A_189 = tpu.vector_load %arg7[%swap3A_187, %swap3A_188] {strides = array<i32>} : memref<8x128xf32, #tpu.memory_space<vmem>>, vector<1x16xf32>,
    %swap3A_190 = vector.shape_cast %swap3A_189 : vector<1x16xf32> to vector<16xf32>
    %swap3A_191 = vector.shape_cast %broadcast_in_dim3A_185 : vector<16xf32> to vector<1x16xf32>
    tpu.vector_store %arg7[%swap3A_187, %swap3A_188], %swap3A_191 {strides = array<i32>} : memref<8x128xf32, #tpu.memory_space<vmem>>, vector<1x16xf32>,
    %broadcast_in_dim3A_192 = arith.constant -3.40282347E+38 : f32
    %broadcast_in_dim3A_193 = vector.broadcast %broadcast_in_dim3A_192 : f32 to vector<16xf32>
    %swap3A_194 = arith.constant 2 : i32
    %swap3A_195 = arith.index_cast %swap3A_194 : i32 to index
    %swap3A_196 = arith.constant 16 : index
    %swap3A_197 = tpu.vector_load %arg7[%swap3A_195, %swap3A_196] {strides = array<i32>} : memref<8x128xf32, #tpu.memory_space<vmem>>, vector<1x16xf32>,
    %swap3A_198 = vector.shape_cast %swap3A_197 : vector<1x16xf32> to vector<16xf32>
    %swap3A_199 = vector.shape_cast %broadcast_in_dim3A_193 : vector<16xf32> to vector<1x16xf32>
    tpu.vector_store %arg7[%swap3A_195, %swap3A_196], %swap3A_199 {strides = array<i32>} : memref<8x128xf32, #tpu.memory_space<vmem>>, vector<1x16xf32>,
    %broadcast_in_dim3A_200 = arith.constant -3.40282347E+38 : f32
    %broadcast_in_dim3A_201 = vector.broadcast %broadcast_in_dim3A_200 : f32 to vector<16xf32>
    %swap3A_202 = arith.constant 2 : i32
    %swap3A_203 = arith.index_cast %swap3A_202 : i32 to index
    %swap3A_204 = arith.constant 32 : index
    %swap3A_205 = tpu.vector_load %arg7[%swap3A_203, %swap3A_204] {strides = array<i32>} : memref<8x128xf32, #tpu.memory_space<vmem>>, vector<1x16xf32>,
    %swap3A_206 = vector.shape_cast %swap3A_205 : vector<1x16xf32> to vector<16xf32>
    %swap3A_207 = vector.shape_cast %broadcast_in_dim3A_201 : vector<16xf32> to vector<1x16xf32>
    tpu.vector_store %arg7[%swap3A_203, %swap3A_204], %swap3A_207 {strides = array<i32>} : memref<8x128xf32, #tpu.memory_space<vmem>>, vector<1x16xf32>,
    %broadcast_in_dim3A_208 = arith.constant -3.40282347E+38 : f32
    %broadcast_in_dim3A_209 = vector.broadcast %broadcast_in_dim3A_208 : f32 to vector<16xf32>
    %swap3A_210 = arith.constant 2 : i32
    %swap3A_211 = arith.index_cast %swap3A_210 : i32 to index
    %swap3A_212 = arith.constant 48 : index
    %swap3A_213 = tpu.vector_load %arg7[%swap3A_211, %swap3A_212] {strides = array<i32>} : memref<8x128xf32, #tpu.memory_space<vmem>>, vector<1x16xf32>,
    %swap3A_214 = vector.shape_cast %swap3A_213 : vector<1x16xf32> to vector<16xf32>
    %swap3A_215 = vector.shape_cast %broadcast_in_dim3A_209 : vector<16xf32> to vector<1x16xf32>
    tpu.vector_store %arg7[%swap3A_211, %swap3A_212], %swap3A_215 {strides = array<i32>} : memref<8x128xf32, #tpu.memory_space<vmem>>, vector<1x16xf32>,
    %broadcast_in_dim3A_216 = arith.constant -3.40282347E+38 : f32
    %broadcast_in_dim3A_217 = vector.broadcast %broadcast_in_dim3A_216 : f32 to vector<16xf32>
    %swap3A_218 = arith.constant 2 : i32
    %swap3A_219 = arith.index_cast %swap3A_218 : i32 to index
    %swap3A_220 = arith.constant 64 : index
    %swap3A_221 = tpu.vector_load %arg7[%swap3A_219, %swap3A_220] {strides = array<i32>} : memref<8x128xf32, #tpu.memory_space<vmem>>, vector<1x16xf32>,
    %swap3A_222 = vector.shape_cast %swap3A_221 : vector<1x16xf32> to vector<16xf32>
    %swap3A_223 = vector.shape_cast %broadcast_in_dim3A_217 : vector<16xf32> to vector<1x16xf32>
    tpu.vector_store %arg7[%swap3A_219, %swap3A_220], %swap3A_223 {strides = array<i32>} : memref<8x128xf32, #tpu.memory_space<vmem>>, vector<1x16xf32>,
    %broadcast_in_dim3A_224 = arith.constant -3.40282347E+38 : f32
    %broadcast_in_dim3A_225 = vector.broadcast %broadcast_in_dim3A_224 : f32 to vector<16xf32>
    %swap3A_226 = arith.constant 2 : i32
    %swap3A_227 = arith.index_cast %swap3A_226 : i32 to index
    %swap3A_228 = arith.constant 80 : index
    %swap3A_229 = tpu.vector_load %arg7[%swap3A_227, %swap3A_228] {strides = array<i32>} : memref<8x128xf32, #tpu.memory_space<vmem>>, vector<1x16xf32>,
    %swap3A_230 = vector.shape_cast %swap3A_229 : vector<1x16xf32> to vector<16xf32>
    %swap3A_231 = vector.shape_cast %broadcast_in_dim3A_225 : vector<16xf32> to vector<1x16xf32>
    tpu.vector_store %arg7[%swap3A_227, %swap3A_228], %swap3A_231 {strides = array<i32>} : memref<8x128xf32, #tpu.memory_space<vmem>>, vector<1x16xf32>,
    %broadcast_in_dim3A_232 = arith.constant -3.40282347E+38 : f32
    %broadcast_in_dim3A_233 = vector.broadcast %broadcast_in_dim3A_232 : f32 to vector<16xf32>
    %swap3A_234 = arith.constant 2 : i32
    %swap3A_235 = arith.index_cast %swap3A_234 : i32 to index
    %swap3A_236 = arith.constant 96 : index
    %swap3A_237 = tpu.vector_load %arg7[%swap3A_235, %swap3A_236] {strides = array<i32>} : memref<8x128xf32, #tpu.memory_space<vmem>>, vector<1x16xf32>,
    %swap3A_238 = vector.shape_cast %swap3A_237 : vector<1x16xf32> to vector<16xf32>
    %swap3A_239 = vector.shape_cast %broadcast_in_dim3A_233 : vector<16xf32> to vector<1x16xf32>
    tpu.vector_store %arg7[%swap3A_235, %swap3A_236], %swap3A_239 {strides = array<i32>} : memref<8x128xf32, #tpu.memory_space<vmem>>, vector<1x16xf32>,
    %broadcast_in_dim3A_240 = arith.constant -3.40282347E+38 : f32
    %broadcast_in_dim3A_241 = vector.broadcast %broadcast_in_dim3A_240 : f32 to vector<16xf32>
    %swap3A_242 = arith.constant 2 : i32
    %swap3A_243 = arith.index_cast %swap3A_242 : i32 to index
    %swap3A_244 = arith.constant 112 : index
    %swap3A_245 = tpu.vector_load %arg7[%swap3A_243, %swap3A_244] {strides = array<i32>} : memref<8x128xf32, #tpu.memory_space<vmem>>, vector<1x16xf32>,
    %swap3A_246 = vector.shape_cast %swap3A_245 : vector<1x16xf32> to vector<16xf32>
    %swap3A_247 = vector.shape_cast %broadcast_in_dim3A_241 : vector<16xf32> to vector<1x16xf32>
    tpu.vector_store %arg7[%swap3A_243, %swap3A_244], %swap3A_247 {strides = array<i32>} : memref<8x128xf32, #tpu.memory_space<vmem>>, vector<1x16xf32>,
    %broadcast_in_dim3A_248 = arith.constant -3.40282347E+38 : f32
    %broadcast_in_dim3A_249 = vector.broadcast %broadcast_in_dim3A_248 : f32 to vector<16xf32>
    %swap3A_250 = arith.constant 3 : i32
    %swap3A_251 = arith.index_cast %swap3A_250 : i32 to index
    %swap3A_252 = arith.constant 0 : index
    %swap3A_253 = tpu.vector_load %arg7[%swap3A_251, %swap3A_252] {strides = array<i32>} : memref<8x128xf32, #tpu.memory_space<vmem>>, vector<1x16xf32>,
    %swap3A_254 = vector.shape_cast %swap3A_253 : vector<1x16xf32> to vector<16xf32>
    %swap3A_255 = vector.shape_cast %broadcast_in_dim3A_249 : vector<16xf32> to vector<1x16xf32>
    tpu.vector_store %arg7[%swap3A_251, %swap3A_252], %swap3A_255 {strides = array<i32>} : memref<8x128xf32, #tpu.memory_space<vmem>>, vector<1x16xf32>,
    %broadcast_in_dim3A_256 = arith.constant -3.40282347E+38 : f32
    %broadcast_in_dim3A_257 = vector.broadcast %broadcast_in_dim3A_256 : f32 to vector<16xf32>
    %swap3A_258 = arith.constant 3 : i32
    %swap3A_259 = arith.index_cast %swap3A_258 : i32 to index
    %swap3A_260 = arith.constant 16 : index
    %swap3A_261 = tpu.vector_load %arg7[%swap3A_259, %swap3A_260] {strides = array<i32>} : memref<8x128xf32, #tpu.memory_space<vmem>>, vector<1x16xf32>,
    %swap3A_262 = vector.shape_cast %swap3A_261 : vector<1x16xf32> to vector<16xf32>
    %swap3A_263 = vector.shape_cast %broadcast_in_dim3A_257 : vector<16xf32> to vector<1x16xf32>
    tpu.vector_store %arg7[%swap3A_259, %swap3A_260], %swap3A_263 {strides = array<i32>} : memref<8x128xf32, #tpu.memory_space<vmem>>, vector<1x16xf32>,
    %broadcast_in_dim3A_264 = arith.constant -3.40282347E+38 : f32
    %broadcast_in_dim3A_265 = vector.broadcast %broadcast_in_dim3A_264 : f32 to vector<16xf32>
    %swap3A_266 = arith.constant 3 : i32
    %swap3A_267 = arith.index_cast %swap3A_266 : i32 to index
    %swap3A_268 = arith.constant 32 : index
    %swap3A_269 = tpu.vector_load %arg7[%swap3A_267, %swap3A_268] {strides = array<i32>} : memref<8x128xf32, #tpu.memory_space<vmem>>, vector<1x16xf32>,
    %swap3A_270 = vector.shape_cast %swap3A_269 : vector<1x16xf32> to vector<16xf32>
    %swap3A_271 = vector.shape_cast %broadcast_in_dim3A_265 : vector<16xf32> to vector<1x16xf32>
    tpu.vector_store %arg7[%swap3A_267, %swap3A_268], %swap3A_271 {strides = array<i32>} : memref<8x128xf32, #tpu.memory_space<vmem>>, vector<1x16xf32>,
    %broadcast_in_dim3A_272 = arith.constant -3.40282347E+38 : f32
    %broadcast_in_dim3A_273 = vector.broadcast %broadcast_in_dim3A_272 : f32 to vector<16xf32>
    %swap3A_274 = arith.constant 3 : i32
    %swap3A_275 = arith.index_cast %swap3A_274 : i32 to index
    %swap3A_276 = arith.constant 48 : index
    %swap3A_277 = tpu.vector_load %arg7[%swap3A_275, %swap3A_276] {strides = array<i32>} : memref<8x128xf32, #tpu.memory_space<vmem>>, vector<1x16xf32>,
    %swap3A_278 = vector.shape_cast %swap3A_277 : vector<1x16xf32> to vector<16xf32>
    %swap3A_279 = vector.shape_cast %broadcast_in_dim3A_273 : vector<16xf32> to vector<1x16xf32>
    tpu.vector_store %arg7[%swap3A_275, %swap3A_276], %swap3A_279 {strides = array<i32>} : memref<8x128xf32, #tpu.memory_space<vmem>>, vector<1x16xf32>,
    %broadcast_in_dim3A_280 = arith.constant -3.40282347E+38 : f32
    %broadcast_in_dim3A_281 = vector.broadcast %broadcast_in_dim3A_280 : f32 to vector<16xf32>
    %swap3A_282 = arith.constant 3 : i32
    %swap3A_283 = arith.index_cast %swap3A_282 : i32 to index
    %swap3A_284 = arith.constant 64 : index
    %swap3A_285 = tpu.vector_load %arg7[%swap3A_283, %swap3A_284] {strides = array<i32>} : memref<8x128xf32, #tpu.memory_space<vmem>>, vector<1x16xf32>,
    %swap3A_286 = vector.shape_cast %swap3A_285 : vector<1x16xf32> to vector<16xf32>
    %swap3A_287 = vector.shape_cast %broadcast_in_dim3A_281 : vector<16xf32> to vector<1x16xf32>
    tpu.vector_store %arg7[%swap3A_283, %swap3A_284], %swap3A_287 {strides = array<i32>} : memref<8x128xf32, #tpu.memory_space<vmem>>, vector<1x16xf32>,
    %broadcast_in_dim3A_288 = arith.constant -3.40282347E+38 : f32
    %broadcast_in_dim3A_289 = vector.broadcast %broadcast_in_dim3A_288 : f32 to vector<16xf32>
    %swap3A_290 = arith.constant 3 : i32
    %swap3A_291 = arith.index_cast %swap3A_290 : i32 to index
    %swap3A_292 = arith.constant 80 : index
    %swap3A_293 = tpu.vector_load %arg7[%swap3A_291, %swap3A_292] {strides = array<i32>} : memref<8x128xf32, #tpu.memory_space<vmem>>, vector<1x16xf32>,
    %swap3A_294 = vector.shape_cast %swap3A_293 : vector<1x16xf32> to vector<16xf32>
    %swap3A_295 = vector.shape_cast %broadcast_in_dim3A_289 : vector<16xf32> to vector<1x16xf32>
    tpu.vector_store %arg7[%swap3A_291, %swap3A_292], %swap3A_295 {strides = array<i32>} : memref<8x128xf32, #tpu.memory_space<vmem>>, vector<1x16xf32>,
    %broadcast_in_dim3A_296 = arith.constant -3.40282347E+38 : f32
    %broadcast_in_dim3A_297 = vector.broadcast %broadcast_in_dim3A_296 : f32 to vector<16xf32>
    %swap3A_298 = arith.constant 3 : i32
    %swap3A_299 = arith.index_cast %swap3A_298 : i32 to index
    %swap3A_300 = arith.constant 96 : index
    %swap3A_301 = tpu.vector_load %arg7[%swap3A_299, %swap3A_300] {strides = array<i32>} : memref<8x128xf32, #tpu.memory_space<vmem>>, vector<1x16xf32>,
    %swap3A_302 = vector.shape_cast %swap3A_301 : vector<1x16xf32> to vector<16xf32>
    %swap3A_303 = vector.shape_cast %broadcast_in_dim3A_297 : vector<16xf32> to vector<1x16xf32>
    tpu.vector_store %arg7[%swap3A_299, %swap3A_300], %swap3A_303 {strides = array<i32>} : memref<8x128xf32, #tpu.memory_space<vmem>>, vector<1x16xf32>,
    %broadcast_in_dim3A_304 = arith.constant -3.40282347E+38 : f32
    %broadcast_in_dim3A_305 = vector.broadcast %broadcast_in_dim3A_304 : f32 to vector<16xf32>
    %swap3A_306 = arith.constant 3 : i32
    %swap3A_307 = arith.index_cast %swap3A_306 : i32 to index
    %swap3A_308 = arith.constant 112 : index
    %swap3A_309 = tpu.vector_load %arg7[%swap3A_307, %swap3A_308] {strides = array<i32>} : memref<8x128xf32, #tpu.memory_space<vmem>>, vector<1x16xf32>,
    %swap3A_310 = vector.shape_cast %swap3A_309 : vector<1x16xf32> to vector<16xf32>
    %swap3A_311 = vector.shape_cast %broadcast_in_dim3A_305 : vector<16xf32> to vector<1x16xf32>
    tpu.vector_store %arg7[%swap3A_307, %swap3A_308], %swap3A_311 {strides = array<i32>} : memref<8x128xf32, #tpu.memory_space<vmem>>, vector<1x16xf32>,
    %broadcast_in_dim3A_312 = arith.constant -3.40282347E+38 : f32
    %broadcast_in_dim3A_313 = vector.broadcast %broadcast_in_dim3A_312 : f32 to vector<16xf32>
    %swap3A_314 = arith.constant 4 : i32
    %swap3A_315 = arith.index_cast %swap3A_314 : i32 to index
    %swap3A_316 = arith.constant 0 : index
    %swap3A_317 = tpu.vector_load %arg7[%swap3A_315, %swap3A_316] {strides = array<i32>} : memref<8x128xf32, #tpu.memory_space<vmem>>, vector<1x16xf32>,
    %swap3A_318 = vector.shape_cast %swap3A_317 : vector<1x16xf32> to vector<16xf32>
    %swap3A_319 = vector.shape_cast %broadcast_in_dim3A_313 : vector<16xf32> to vector<1x16xf32>
    tpu.vector_store %arg7[%swap3A_315, %swap3A_316], %swap3A_319 {strides = array<i32>} : memref<8x128xf32, #tpu.memory_space<vmem>>, vector<1x16xf32>,
    %broadcast_in_dim3A_320 = arith.constant -3.40282347E+38 : f32
    %broadcast_in_dim3A_321 = vector.broadcast %broadcast_in_dim3A_320 : f32 to vector<16xf32>
    %swap3A_322 = arith.constant 4 : i32
    %swap3A_323 = arith.index_cast %swap3A_322 : i32 to index
    %swap3A_324 = arith.constant 16 : index
    %swap3A_325 = tpu.vector_load %arg7[%swap3A_323, %swap3A_324] {strides = array<i32>} : memref<8x128xf32, #tpu.memory_space<vmem>>, vector<1x16xf32>,
    %swap3A_326 = vector.shape_cast %swap3A_325 : vector<1x16xf32> to vector<16xf32>
    %swap3A_327 = vector.shape_cast %broadcast_in_dim3A_321 : vector<16xf32> to vector<1x16xf32>
    tpu.vector_store %arg7[%swap3A_323, %swap3A_324], %swap3A_327 {strides = array<i32>} : memref<8x128xf32, #tpu.memory_space<vmem>>, vector<1x16xf32>,
    %broadcast_in_dim3A_328 = arith.constant -3.40282347E+38 : f32
    %broadcast_in_dim3A_329 = vector.broadcast %broadcast_in_dim3A_328 : f32 to vector<16xf32>
    %swap3A_330 = arith.constant 4 : i32
    %swap3A_331 = arith.index_cast %swap3A_330 : i32 to index
    %swap3A_332 = arith.constant 32 : index
    %swap3A_333 = tpu.vector_load %arg7[%swap3A_331, %swap3A_332] {strides = array<i32>} : memref<8x128xf32, #tpu.memory_space<vmem>>, vector<1x16xf32>,
    %swap3A_334 = vector.shape_cast %swap3A_333 : vector<1x16xf32> to vector<16xf32>
    %swap3A_335 = vector.shape_cast %broadcast_in_dim3A_329 : vector<16xf32> to vector<1x16xf32>
    tpu.vector_store %arg7[%swap3A_331, %swap3A_332], %swap3A_335 {strides = array<i32>} : memref<8x128xf32, #tpu.memory_space<vmem>>, vector<1x16xf32>,
    %broadcast_in_dim3A_336 = arith.constant -3.40282347E+38 : f32
    %broadcast_in_dim3A_337 = vector.broadcast %broadcast_in_dim3A_336 : f32 to vector<16xf32>
    %swap3A_338 = arith.constant 4 : i32
    %swap3A_339 = arith.index_cast %swap3A_338 : i32 to index
    %swap3A_340 = arith.constant 48 : index
    %swap3A_341 = tpu.vector_load %arg7[%swap3A_339, %swap3A_340] {strides = array<i32>} : memref<8x128xf32, #tpu.memory_space<vmem>>, vector<1x16xf32>,
    %swap3A_342 = vector.shape_cast %swap3A_341 : vector<1x16xf32> to vector<16xf32>
    %swap3A_343 = vector.shape_cast %broadcast_in_dim3A_337 : vector<16xf32> to vector<1x16xf32>
    tpu.vector_store %arg7[%swap3A_339, %swap3A_340], %swap3A_343 {strides = array<i32>} : memref<8x128xf32, #tpu.memory_space<vmem>>, vector<1x16xf32>,
    %broadcast_in_dim3A_344 = arith.constant -3.40282347E+38 : f32
    %broadcast_in_dim3A_345 = vector.broadcast %broadcast_in_dim3A_344 : f32 to vector<16xf32>
    %swap3A_346 = arith.constant 4 : i32
    %swap3A_347 = arith.index_cast %swap3A_346 : i32 to index
    %swap3A_348 = arith.constant 64 : index
    %swap3A_349 = tpu.vector_load %arg7[%swap3A_347, %swap3A_348] {strides = array<i32>} : memref<8x128xf32, #tpu.memory_space<vmem>>, vector<1x16xf32>,
    %swap3A_350 = vector.shape_cast %swap3A_349 : vector<1x16xf32> to vector<16xf32>
    %swap3A_351 = vector.shape_cast %broadcast_in_dim3A_345 : vector<16xf32> to vector<1x16xf32>
    tpu.vector_store %arg7[%swap3A_347, %swap3A_348], %swap3A_351 {strides = array<i32>} : memref<8x128xf32, #tpu.memory_space<vmem>>, vector<1x16xf32>,
    %broadcast_in_dim3A_352 = arith.constant -3.40282347E+38 : f32
    %broadcast_in_dim3A_353 = vector.broadcast %broadcast_in_dim3A_352 : f32 to vector<16xf32>
    %swap3A_354 = arith.constant 4 : i32
    %swap3A_355 = arith.index_cast %swap3A_354 : i32 to index
    %swap3A_356 = arith.constant 80 : index
    %swap3A_357 = tpu.vector_load %arg7[%swap3A_355, %swap3A_356] {strides = array<i32>} : memref<8x128xf32, #tpu.memory_space<vmem>>, vector<1x16xf32>,
    %swap3A_358 = vector.shape_cast %swap3A_357 : vector<1x16xf32> to vector<16xf32>
    %swap3A_359 = vector.shape_cast %broadcast_in_dim3A_353 : vector<16xf32> to vector<1x16xf32>
    tpu.vector_store %arg7[%swap3A_355, %swap3A_356], %swap3A_359 {strides = array<i32>} : memref<8x128xf32, #tpu.memory_space<vmem>>, vector<1x16xf32>,
    %broadcast_in_dim3A_360 = arith.constant -3.40282347E+38 : f32
    %broadcast_in_dim3A_361 = vector.broadcast %broadcast_in_dim3A_360 : f32 to vector<16xf32>
    %swap3A_362 = arith.constant 4 : i32
    %swap3A_363 = arith.index_cast %swap3A_362 : i32 to index
    %swap3A_364 = arith.constant 96 : index
    %swap3A_365 = tpu.vector_load %arg7[%swap3A_363, %swap3A_364] {strides = array<i32>} : memref<8x128xf32, #tpu.memory_space<vmem>>, vector<1x16xf32>,
    %swap3A_366 = vector.shape_cast %swap3A_365 : vector<1x16xf32> to vector<16xf32>
    %swap3A_367 = vector.shape_cast %broadcast_in_dim3A_361 : vector<16xf32> to vector<1x16xf32>
    tpu.vector_store %arg7[%swap3A_363, %swap3A_364], %swap3A_367 {strides = array<i32>} : memref<8x128xf32, #tpu.memory_space<vmem>>, vector<1x16xf32>,
    %broadcast_in_dim3A_368 = arith.constant -3.40282347E+38 : f32
    %broadcast_in_dim3A_369 = vector.broadcast %broadcast_in_dim3A_368 : f32 to vector<16xf32>
    %swap3A_370 = arith.constant 4 : i32
    %swap3A_371 = arith.index_cast %swap3A_370 : i32 to index
    %swap3A_372 = arith.constant 112 : index
    %swap3A_373 = tpu.vector_load %arg7[%swap3A_371, %swap3A_372] {strides = array<i32>} : memref<8x128xf32, #tpu.memory_space<vmem>>, vector<1x16xf32>,
    %swap3A_374 = vector.shape_cast %swap3A_373 : vector<1x16xf32> to vector<16xf32>
    %swap3A_375 = vector.shape_cast %broadcast_in_dim3A_369 : vector<16xf32> to vector<1x16xf32>
    tpu.vector_store %arg7[%swap3A_371, %swap3A_372], %swap3A_375 {strides = array<i32>} : memref<8x128xf32, #tpu.memory_space<vmem>>, vector<1x16xf32>,
    %broadcast_in_dim3A_376 = arith.constant -3.40282347E+38 : f32
    %broadcast_in_dim3A_377 = vector.broadcast %broadcast_in_dim3A_376 : f32 to vector<16xf32>
    %swap3A_378 = arith.constant 5 : i32
    %swap3A_379 = arith.index_cast %swap3A_378 : i32 to index
    %swap3A_380 = arith.constant 0 : index
    %swap3A_381 = tpu.vector_load %arg7[%swap3A_379, %swap3A_380] {strides = array<i32>} : memref<8x128xf32, #tpu.memory_space<vmem>>, vector<1x16xf32>,
    %swap3A_382 = vector.shape_cast %swap3A_381 : vector<1x16xf32> to vector<16xf32>
    %swap3A_383 = vector.shape_cast %broadcast_in_dim3A_377 : vector<16xf32> to vector<1x16xf32>
    tpu.vector_store %arg7[%swap3A_379, %swap3A_380], %swap3A_383 {strides = array<i32>} : memref<8x128xf32, #tpu.memory_space<vmem>>, vector<1x16xf32>,
    %broadcast_in_dim3A_384 = arith.constant -3.40282347E+38 : f32
    %broadcast_in_dim3A_385 = vector.broadcast %broadcast_in_dim3A_384 : f32 to vector<16xf32>
    %swap3A_386 = arith.constant 5 : i32
    %swap3A_387 = arith.index_cast %swap3A_386 : i32 to index
    %swap3A_388 = arith.constant 16 : index
    %swap3A_389 = tpu.vector_load %arg7[%swap3A_387, %swap3A_388] {strides = array<i32>} : memref<8x128xf32, #tpu.memory_space<vmem>>, vector<1x16xf32>,
    %swap3A_390 = vector.shape_cast %swap3A_389 : vector<1x16xf32> to vector<16xf32>
    %swap3A_391 = vector.shape_cast %broadcast_in_dim3A_385 : vector<16xf32> to vector<1x16xf32>
    tpu.vector_store %arg7[%swap3A_387, %swap3A_388], %swap3A_391 {strides = array<i32>} : memref<8x128xf32, #tpu.memory_space<vmem>>, vector<1x16xf32>,
    %broadcast_in_dim3A_392 = arith.constant -3.40282347E+38 : f32
    %broadcast_in_dim3A_393 = vector.broadcast %broadcast_in_dim3A_392 : f32 to vector<16xf32>
    %swap3A_394 = arith.constant 5 : i32
    %swap3A_395 = arith.index_cast %swap3A_394 : i32 to index
    %swap3A_396 = arith.constant 32 : index
    %swap3A_397 = tpu.vector_load %arg7[%swap3A_395, %swap3A_396] {strides = array<i32>} : memref<8x128xf32, #tpu.memory_space<vmem>>, vector<1x16xf32>,
    %swap3A_398 = vector.shape_cast %swap3A_397 : vector<1x16xf32> to vector<16xf32>
    %swap3A_399 = vector.shape_cast %broadcast_in_dim3A_393 : vector<16xf32> to vector<1x16xf32>
    tpu.vector_store %arg7[%swap3A_395, %swap3A_396], %swap3A_399 {strides = array<i32>} : memref<8x128xf32, #tpu.memory_space<vmem>>, vector<1x16xf32>,
    %broadcast_in_dim3A_400 = arith.constant -3.40282347E+38 : f32
    %broadcast_in_dim3A_401 = vector.broadcast %broadcast_in_dim3A_400 : f32 to vector<16xf32>
    %swap3A_402 = arith.constant 5 : i32
    %swap3A_403 = arith.index_cast %swap3A_402 : i32 to index
    %swap3A_404 = arith.constant 48 : index
    %swap3A_405 = tpu.vector_load %arg7[%swap3A_403, %swap3A_404] {strides = array<i32>} : memref<8x128xf32, #tpu.memory_space<vmem>>, vector<1x16xf32>,
    %swap3A_406 = vector.shape_cast %swap3A_405 : vector<1x16xf32> to vector<16xf32>
    %swap3A_407 = vector.shape_cast %broadcast_in_dim3A_401 : vector<16xf32> to vector<1x16xf32>
    tpu.vector_store %arg7[%swap3A_403, %swap3A_404], %swap3A_407 {strides = array<i32>} : memref<8x128xf32, #tpu.memory_space<vmem>>, vector<1x16xf32>,
    %broadcast_in_dim3A_408 = arith.constant -3.40282347E+38 : f32
    %broadcast_in_dim3A_409 = vector.broadcast %broadcast_in_dim3A_408 : f32 to vector<16xf32>
    %swap3A_410 = arith.constant 5 : i32
    %swap3A_411 = arith.index_cast %swap3A_410 : i32 to index
    %swap3A_412 = arith.constant 64 : index
    %swap3A_413 = tpu.vector_load %arg7[%swap3A_411, %swap3A_412] {strides = array<i32>} : memref<8x128xf32, #tpu.memory_space<vmem>>, vector<1x16xf32>,
    %swap3A_414 = vector.shape_cast %swap3A_413 : vector<1x16xf32> to vector<16xf32>
    %swap3A_415 = vector.shape_cast %broadcast_in_dim3A_409 : vector<16xf32> to vector<1x16xf32>
    tpu.vector_store %arg7[%swap3A_411, %swap3A_412], %swap3A_415 {strides = array<i32>} : memref<8x128xf32, #tpu.memory_space<vmem>>, vector<1x16xf32>,
    %broadcast_in_dim3A_416 = arith.constant -3.40282347E+38 : f32
    %broadcast_in_dim3A_417 = vector.broadcast %broadcast_in_dim3A_416 : f32 to vector<16xf32>
    %swap3A_418 = arith.constant 5 : i32
    %swap3A_419 = arith.index_cast %swap3A_418 : i32 to index
    %swap3A_420 = arith.constant 80 : index
    %swap3A_421 = tpu.vector_load %arg7[%swap3A_419, %swap3A_420] {strides = array<i32>} : memref<8x128xf32, #tpu.memory_space<vmem>>, vector<1x16xf32>,
    %swap3A_422 = vector.shape_cast %swap3A_421 : vector<1x16xf32> to vector<16xf32>
    %swap3A_423 = vector.shape_cast %broadcast_in_dim3A_417 : vector<16xf32> to vector<1x16xf32>
    tpu.vector_store %arg7[%swap3A_419, %swap3A_420], %swap3A_423 {strides = array<i32>} : memref<8x128xf32, #tpu.memory_space<vmem>>, vector<1x16xf32>,
    %broadcast_in_dim3A_424 = arith.constant -3.40282347E+38 : f32
    %broadcast_in_dim3A_425 = vector.broadcast %broadcast_in_dim3A_424 : f32 to vector<16xf32>
    %swap3A_426 = arith.constant 5 : i32
    %swap3A_427 = arith.index_cast %swap3A_426 : i32 to index
    %swap3A_428 = arith.constant 96 : index
    %swap3A_429 = tpu.vector_load %arg7[%swap3A_427, %swap3A_428] {strides = array<i32>} : memref<8x128xf32, #tpu.memory_space<vmem>>, vector<1x16xf32>,
    %swap3A_430 = vector.shape_cast %swap3A_429 : vector<1x16xf32> to vector<16xf32>
    %swap3A_431 = vector.shape_cast %broadcast_in_dim3A_425 : vector<16xf32> to vector<1x16xf32>
    tpu.vector_store %arg7[%swap3A_427, %swap3A_428], %swap3A_431 {strides = array<i32>} : memref<8x128xf32, #tpu.memory_space<vmem>>, vector<1x16xf32>,
    %broadcast_in_dim3A_432 = arith.constant -3.40282347E+38 : f32
    %broadcast_in_dim3A_433 = vector.broadcast %broadcast_in_dim3A_432 : f32 to vector<16xf32>
    %swap3A_434 = arith.constant 5 : i32
    %swap3A_435 = arith.index_cast %swap3A_434 : i32 to index
    %swap3A_436 = arith.constant 112 : index
    %swap3A_437 = tpu.vector_load %arg7[%swap3A_435, %swap3A_436] {strides = array<i32>} : memref<8x128xf32, #tpu.memory_space<vmem>>, vector<1x16xf32>,
    %swap3A_438 = vector.shape_cast %swap3A_437 : vector<1x16xf32> to vector<16xf32>
    %swap3A_439 = vector.shape_cast %broadcast_in_dim3A_433 : vector<16xf32> to vector<1x16xf32>
    tpu.vector_store %arg7[%swap3A_435, %swap3A_436], %swap3A_439 {strides = array<i32>} : memref<8x128xf32, #tpu.memory_space<vmem>>, vector<1x16xf32>,
    %broadcast_in_dim3A_440 = arith.constant -3.40282347E+38 : f32
    %broadcast_in_dim3A_441 = vector.broadcast %broadcast_in_dim3A_440 : f32 to vector<16xf32>
    %swap3A_442 = arith.constant 6 : i32
    %swap3A_443 = arith.index_cast %swap3A_442 : i32 to index
    %swap3A_444 = arith.constant 0 : index
    %swap3A_445 = tpu.vector_load %arg7[%swap3A_443, %swap3A_444] {strides = array<i32>} : memref<8x128xf32, #tpu.memory_space<vmem>>, vector<1x16xf32>,
    %swap3A_446 = vector.shape_cast %swap3A_445 : vector<1x16xf32> to vector<16xf32>
    %swap3A_447 = vector.shape_cast %broadcast_in_dim3A_441 : vector<16xf32> to vector<1x16xf32>
    tpu.vector_store %arg7[%swap3A_443, %swap3A_444], %swap3A_447 {strides = array<i32>} : memref<8x128xf32, #tpu.memory_space<vmem>>, vector<1x16xf32>,
    %broadcast_in_dim3A_448 = arith.constant -3.40282347E+38 : f32
    %broadcast_in_dim3A_449 = vector.broadcast %broadcast_in_dim3A_448 : f32 to vector<16xf32>
    %swap3A_450 = arith.constant 6 : i32
    %swap3A_451 = arith.index_cast %swap3A_450 : i32 to index
    %swap3A_452 = arith.constant 16 : index
    %swap3A_453 = tpu.vector_load %arg7[%swap3A_451, %swap3A_452] {strides = array<i32>} : memref<8x128xf32, #tpu.memory_space<vmem>>, vector<1x16xf32>,
    %swap3A_454 = vector.shape_cast %swap3A_453 : vector<1x16xf32> to vector<16xf32>
    %swap3A_455 = vector.shape_cast %broadcast_in_dim3A_449 : vector<16xf32> to vector<1x16xf32>
    tpu.vector_store %arg7[%swap3A_451, %swap3A_452], %swap3A_455 {strides = array<i32>} : memref<8x128xf32, #tpu.memory_space<vmem>>, vector<1x16xf32>,
    %broadcast_in_dim3A_456 = arith.constant -3.40282347E+38 : f32
    %broadcast_in_dim3A_457 = vector.broadcast %broadcast_in_dim3A_456 : f32 to vector<16xf32>
    %swap3A_458 = arith.constant 6 : i32
    %swap3A_459 = arith.index_cast %swap3A_458 : i32 to index
    %swap3A_460 = arith.constant 32 : index
    %swap3A_461 = tpu.vector_load %arg7[%swap3A_459, %swap3A_460] {strides = array<i32>} : memref<8x128xf32, #tpu.memory_space<vmem>>, vector<1x16xf32>,
    %swap3A_462 = vector.shape_cast %swap3A_461 : vector<1x16xf32> to vector<16xf32>
    %swap3A_463 = vector.shape_cast %broadcast_in_dim3A_457 : vector<16xf32> to vector<1x16xf32>
    tpu.vector_store %arg7[%swap3A_459, %swap3A_460], %swap3A_463 {strides = array<i32>} : memref<8x128xf32, #tpu.memory_space<vmem>>, vector<1x16xf32>,
    %broadcast_in_dim3A_464 = arith.constant -3.40282347E+38 : f32
    %broadcast_in_dim3A_465 = vector.broadcast %broadcast_in_dim3A_464 : f32 to vector<16xf32>
    %swap3A_466 = arith.constant 6 : i32
    %swap3A_467 = arith.index_cast %swap3A_466 : i32 to index
    %swap3A_468 = arith.constant 48 : index
    %swap3A_469 = tpu.vector_load %arg7[%swap3A_467, %swap3A_468] {strides = array<i32>} : memref<8x128xf32, #tpu.memory_space<vmem>>, vector<1x16xf32>,
    %swap3A_470 = vector.shape_cast %swap3A_469 : vector<1x16xf32> to vector<16xf32>
    %swap3A_471 = vector.shape_cast %broadcast_in_dim3A_465 : vector<16xf32> to vector<1x16xf32>
    tpu.vector_store %arg7[%swap3A_467, %swap3A_468], %swap3A_471 {strides = array<i32>} : memref<8x128xf32, #tpu.memory_space<vmem>>, vector<1x16xf32>,
    %broadcast_in_dim3A_472 = arith.constant -3.40282347E+38 : f32
    %broadcast_in_dim3A_473 = vector.broadcast %broadcast_in_dim3A_472 : f32 to vector<16xf32>
    %swap3A_474 = arith.constant 6 : i32
    %swap3A_475 = arith.index_cast %swap3A_474 : i32 to index
    %swap3A_476 = arith.constant 64 : index
    %swap3A_477 = tpu.vector_load %arg7[%swap3A_475, %swap3A_476] {strides = array<i32>} : memref<8x128xf32, #tpu.memory_space<vmem>>, vector<1x16xf32>,
    %swap3A_478 = vector.shape_cast %swap3A_477 : vector<1x16xf32> to vector<16xf32>
    %swap3A_479 = vector.shape_cast %broadcast_in_dim3A_473 : vector<16xf32> to vector<1x16xf32>
    tpu.vector_store %arg7[%swap3A_475, %swap3A_476], %swap3A_479 {strides = array<i32>} : memref<8x128xf32, #tpu.memory_space<vmem>>, vector<1x16xf32>,
    %broadcast_in_dim3A_480 = arith.constant -3.40282347E+38 : f32
    %broadcast_in_dim3A_481 = vector.broadcast %broadcast_in_dim3A_480 : f32 to vector<16xf32>
    %swap3A_482 = arith.constant 6 : i32
    %swap3A_483 = arith.index_cast %swap3A_482 : i32 to index
    %swap3A_484 = arith.constant 80 : index
    %swap3A_485 = tpu.vector_load %arg7[%swap3A_483, %swap3A_484] {strides = array<i32>} : memref<8x128xf32, #tpu.memory_space<vmem>>, vector<1x16xf32>,
    %swap3A_486 = vector.shape_cast %swap3A_485 : vector<1x16xf32> to vector<16xf32>
    %swap3A_487 = vector.shape_cast %broadcast_in_dim3A_481 : vector<16xf32> to vector<1x16xf32>
    tpu.vector_store %arg7[%swap3A_483, %swap3A_484], %swap3A_487 {strides = array<i32>} : memref<8x128xf32, #tpu.memory_space<vmem>>, vector<1x16xf32>,
    %broadcast_in_dim3A_488 = arith.constant -3.40282347E+38 : f32
    %broadcast_in_dim3A_489 = vector.broadcast %broadcast_in_dim3A_488 : f32 to vector<16xf32>
    %swap3A_490 = arith.constant 6 : i32
    %swap3A_491 = arith.index_cast %swap3A_490 : i32 to index
    %swap3A_492 = arith.constant 96 : index
    %swap3A_493 = tpu.vector_load %arg7[%swap3A_491, %swap3A_492] {strides = array<i32>} : memref<8x128xf32, #tpu.memory_space<vmem>>, vector<1x16xf32>,
    %swap3A_494 = vector.shape_cast %swap3A_493 : vector<1x16xf32> to vector<16xf32>
    %swap3A_495 = vector.shape_cast %broadcast_in_dim3A_489 : vector<16xf32> to vector<1x16xf32>
    tpu.vector_store %arg7[%swap3A_491, %swap3A_492], %swap3A_495 {strides = array<i32>} : memref<8x128xf32, #tpu.memory_space<vmem>>, vector<1x16xf32>,
    %broadcast_in_dim3A_496 = arith.constant -3.40282347E+38 : f32
    %broadcast_in_dim3A_497 = vector.broadcast %broadcast_in_dim3A_496 : f32 to vector<16xf32>
    %swap3A_498 = arith.constant 6 : i32
    %swap3A_499 = arith.index_cast %swap3A_498 : i32 to index
    %swap3A_500 = arith.constant 112 : index
    %swap3A_501 = tpu.vector_load %arg7[%swap3A_499, %swap3A_500] {strides = array<i32>} : memref<8x128xf32, #tpu.memory_space<vmem>>, vector<1x16xf32>,
    %swap3A_502 = vector.shape_cast %swap3A_501 : vector<1x16xf32> to vector<16xf32>
    %swap3A_503 = vector.shape_cast %broadcast_in_dim3A_497 : vector<16xf32> to vector<1x16xf32>
    tpu.vector_store %arg7[%swap3A_499, %swap3A_500], %swap3A_503 {strides = array<i32>} : memref<8x128xf32, #tpu.memory_space<vmem>>, vector<1x16xf32>,
    %broadcast_in_dim3A_504 = arith.constant -3.40282347E+38 : f32
    %broadcast_in_dim3A_505 = vector.broadcast %broadcast_in_dim3A_504 : f32 to vector<16xf32>
    %swap3A_506 = arith.constant 7 : i32
    %swap3A_507 = arith.index_cast %swap3A_506 : i32 to index
    %swap3A_508 = arith.constant 0 : index
    %swap3A_509 = tpu.vector_load %arg7[%swap3A_507, %swap3A_508] {strides = array<i32>} : memref<8x128xf32, #tpu.memory_space<vmem>>, vector<1x16xf32>,
    %swap3A_510 = vector.shape_cast %swap3A_509 : vector<1x16xf32> to vector<16xf32>
    %swap3A_511 = vector.shape_cast %broadcast_in_dim3A_505 : vector<16xf32> to vector<1x16xf32>
    tpu.vector_store %arg7[%swap3A_507, %swap3A_508], %swap3A_511 {strides = array<i32>} : memref<8x128xf32, #tpu.memory_space<vmem>>, vector<1x16xf32>,
    %broadcast_in_dim3A_512 = arith.constant -3.40282347E+38 : f32
    %broadcast_in_dim3A_513 = vector.broadcast %broadcast_in_dim3A_512 : f32 to vector<16xf32>
    %swap3A_514 = arith.constant 7 : i32
    %swap3A_515 = arith.index_cast %swap3A_514 : i32 to index
    %swap3A_516 = arith.constant 16 : index
    %swap3A_517 = tpu.vector_load %arg7[%swap3A_515, %swap3A_516] {strides = array<i32>} : memref<8x128xf32, #tpu.memory_space<vmem>>, vector<1x16xf32>,
    %swap3A_518 = vector.shape_cast %swap3A_517 : vector<1x16xf32> to vector<16xf32>
    %swap3A_519 = vector.shape_cast %broadcast_in_dim3A_513 : vector<16xf32> to vector<1x16xf32>
    tpu.vector_store %arg7[%swap3A_515, %swap3A_516], %swap3A_519 {strides = array<i32>} : memref<8x128xf32, #tpu.memory_space<vmem>>, vector<1x16xf32>,
    %broadcast_in_dim3A_520 = arith.constant -3.40282347E+38 : f32
    %broadcast_in_dim3A_521 = vector.broadcast %broadcast_in_dim3A_520 : f32 to vector<16xf32>
    %swap3A_522 = arith.constant 7 : i32
    %swap3A_523 = arith.index_cast %swap3A_522 : i32 to index
    %swap3A_524 = arith.constant 32 : index
    %swap3A_525 = tpu.vector_load %arg7[%swap3A_523, %swap3A_524] {strides = array<i32>} : memref<8x128xf32, #tpu.memory_space<vmem>>, vector<1x16xf32>,
    %swap3A_526 = vector.shape_cast %swap3A_525 : vector<1x16xf32> to vector<16xf32>
    %swap3A_527 = vector.shape_cast %broadcast_in_dim3A_521 : vector<16xf32> to vector<1x16xf32>
    tpu.vector_store %arg7[%swap3A_523, %swap3A_524], %swap3A_527 {strides = array<i32>} : memref<8x128xf32, #tpu.memory_space<vmem>>, vector<1x16xf32>,
    %broadcast_in_dim3A_528 = arith.constant -3.40282347E+38 : f32
    %broadcast_in_dim3A_529 = vector.broadcast %broadcast_in_dim3A_528 : f32 to vector<16xf32>
    %swap3A_530 = arith.constant 7 : i32
    %swap3A_531 = arith.index_cast %swap3A_530 : i32 to index
    %swap3A_532 = arith.constant 48 : index
    %swap3A_533 = tpu.vector_load %arg7[%swap3A_531, %swap3A_532] {strides = array<i32>} : memref<8x128xf32, #tpu.memory_space<vmem>>, vector<1x16xf32>,
    %swap3A_534 = vector.shape_cast %swap3A_533 : vector<1x16xf32> to vector<16xf32>
    %swap3A_535 = vector.shape_cast %broadcast_in_dim3A_529 : vector<16xf32> to vector<1x16xf32>
    tpu.vector_store %arg7[%swap3A_531, %swap3A_532], %swap3A_535 {strides = array<i32>} : memref<8x128xf32, #tpu.memory_space<vmem>>, vector<1x16xf32>,
    %broadcast_in_dim3A_536 = arith.constant -3.40282347E+38 : f32
    %broadcast_in_dim3A_537 = vector.broadcast %broadcast_in_dim3A_536 : f32 to vector<16xf32>
    %swap3A_538 = arith.constant 7 : i32
    %swap3A_539 = arith.index_cast %swap3A_538 : i32 to index
    %swap3A_540 = arith.constant 64 : index
    %swap3A_541 = tpu.vector_load %arg7[%swap3A_539, %swap3A_540] {strides = array<i32>} : memref<8x128xf32, #tpu.memory_space<vmem>>, vector<1x16xf32>,
    %swap3A_542 = vector.shape_cast %swap3A_541 : vector<1x16xf32> to vector<16xf32>
    %swap3A_543 = vector.shape_cast %broadcast_in_dim3A_537 : vector<16xf32> to vector<1x16xf32>
    tpu.vector_store %arg7[%swap3A_539, %swap3A_540], %swap3A_543 {strides = array<i32>} : memref<8x128xf32, #tpu.memory_space<vmem>>, vector<1x16xf32>,
    %broadcast_in_dim3A_544 = arith.constant -3.40282347E+38 : f32
    %broadcast_in_dim3A_545 = vector.broadcast %broadcast_in_dim3A_544 : f32 to vector<16xf32>
    %swap3A_546 = arith.constant 7 : i32
    %swap3A_547 = arith.index_cast %swap3A_546 : i32 to index
    %swap3A_548 = arith.constant 80 : index
    %swap3A_549 = tpu.vector_load %arg7[%swap3A_547, %swap3A_548] {strides = array<i32>} : memref<8x128xf32, #tpu.memory_space<vmem>>, vector<1x16xf32>,
    %swap3A_550 = vector.shape_cast %swap3A_549 : vector<1x16xf32> to vector<16xf32>
    %swap3A_551 = vector.shape_cast %broadcast_in_dim3A_545 : vector<16xf32> to vector<1x16xf32>
    tpu.vector_store %arg7[%swap3A_547, %swap3A_548], %swap3A_551 {strides = array<i32>} : memref<8x128xf32, #tpu.memory_space<vmem>>, vector<1x16xf32>,
    %broadcast_in_dim3A_552 = arith.constant -3.40282347E+38 : f32
    %broadcast_in_dim3A_553 = vector.broadcast %broadcast_in_dim3A_552 : f32 to vector<16xf32>
    %swap3A_554 = arith.constant 7 : i32
    %swap3A_555 = arith.index_cast %swap3A_554 : i32 to index
    %swap3A_556 = arith.constant 96 : index
    %swap3A_557 = tpu.vector_load %arg7[%swap3A_555, %swap3A_556] {strides = array<i32>} : memref<8x128xf32, #tpu.memory_space<vmem>>, vector<1x16xf32>,
    %swap3A_558 = vector.shape_cast %swap3A_557 : vector<1x16xf32> to vector<16xf32>
    %swap3A_559 = vector.shape_cast %broadcast_in_dim3A_553 : vector<16xf32> to vector<1x16xf32>
    tpu.vector_store %arg7[%swap3A_555, %swap3A_556], %swap3A_559 {strides = array<i32>} : memref<8x128xf32, #tpu.memory_space<vmem>>, vector<1x16xf32>,
    %broadcast_in_dim3A_560 = arith.constant -3.40282347E+38 : f32
    %broadcast_in_dim3A_561 = vector.broadcast %broadcast_in_dim3A_560 : f32 to vector<16xf32>
    %swap3A_562 = arith.constant 7 : i32
    %swap3A_563 = arith.index_cast %swap3A_562 : i32 to index
    %swap3A_564 = arith.constant 112 : index
    %swap3A_565 = tpu.vector_load %arg7[%swap3A_563, %swap3A_564] {strides = array<i32>} : memref<8x128xf32, #tpu.memory_space<vmem>>, vector<1x16xf32>,
    %swap3A_566 = vector.shape_cast %swap3A_565 : vector<1x16xf32> to vector<16xf32>
    %swap3A_567 = vector.shape_cast %broadcast_in_dim3A_561 : vector<16xf32> to vector<1x16xf32>
    tpu.vector_store %arg7[%swap3A_563, %swap3A_564], %swap3A_567 {strides = array<i32>} : memref<8x128xf32, #tpu.memory_space<vmem>>, vector<1x16xf32>,
    %neg3A = arith.constant 0 : i32
    %neg3A_568 = arith.subi %neg3A, %sub3A_52 : i32
    %jit3A_569 = arith.constant 2 : i32
    %div3A_570 = arith.divsi %neg3A_568, %jit3A_569 : i32
    %sign3A_571 = arith.constant 0 : i32
    %sign3A_572 = arith.cmpi sgt, %neg3A_568, %sign3A_571 : i32
    %sign3A_573 = arith.extui %sign3A_572 : i1 to i32
    %sign3A_574 = arith.constant 0 : i32
    %sign3A_575 = arith.cmpi slt, %neg3A_568, %sign3A_574 : i32
    %sign3A_576 = arith.extui %sign3A_575 : i1 to i32
    %sign3A_577 = arith.subi %sign3A_573, %sign3A_576 : i32
    %sign3A_578 = arith.constant 0 : i32
    %sign3A_579 = arith.cmpi sgt, %jit3A_569, %sign3A_578 : i32
    %sign3A_580 = arith.extui %sign3A_579 : i1 to i32
    %sign3A_581 = arith.constant 0 : i32
    %sign3A_582 = arith.cmpi slt, %jit3A_569, %sign3A_581 : i32
    %sign3A_583 = arith.extui %sign3A_582 : i1 to i32
    %sign3A_584 = arith.subi %sign3A_580, %sign3A_583 : i32
    %ne3A_585 = arith.cmpi ne, %sign3A_577, %sign3A_584 : i32
    %rem3A_586 = arith.remsi %neg3A_568, %jit3A_569 : i32
    %ne3A_587 = arith.constant 0 : i32
    %ne3A_588 = arith.cmpi ne, %rem3A_586, %ne3A_587 : i32
    %and3A_589 = arith.andi %ne3A_585, %ne3A_588 : i1
    %sub3A_590 = arith.constant 1 : i32
    %sub3A_591 = arith.subi %div3A_570, %sub3A_590 : i32
    %select_n3A_592 = arith.select %and3A_589, %sub3A_591, %div3A_570 : i32
    %neg3A_593 = arith.constant 0 : i32
    %neg3A_594 = arith.subi %neg3A_593, %select_n3A_592 : i32
    %max3A_595 = arith.constant 0 : i32
    %max3A_596 = arith.maxsi %neg3A_594, %max3A_595 : i32
    %while3A = arith.constant 0 : i32
    %while3A_597 = arith.constant 0 : i32
    %while3A_598 = arith.subi %max3A_596, %while3A_597 : i32
    %while3A_599 = arith.addi %while3A_597, %while3A_598 : i32
    %while3A_600 = arith.constant 1 : i32
    %while3A_601 = arith.divsi %while3A_598, %while3A_600 : i32
    %while3A_602 = arith.muli %while3A_601, %while3A_600 : i32
    %while3A_603 = arith.addi %while3A_597, %while3A_602 : i32
    %while3A_604 = arith.constant 1 : i32
    scf.for %while3A_608 = %while3A_597 to %while3A_603 step %while3A_604  : i32 {
      %iota3A = tpu.iota {dimensions = array<i32: 0>} : vector<16xi32>
      %and3A_609 = arith.constant 7 : i32
      %and3A_610 = vector.broadcast %and3A_609 : i32 to vector<16xi32>
      %and3A_611 = arith.andi %iota3A, %and3A_610 : vector<16xi32>
      %shift_right_arithmetic3A = arith.constant 3 : i32
      %shift_right_arithmetic3A_612 = vector.broadcast %shift_right_arithmetic3A : i32 to vector<16xi32>
      %shift_right_arithmetic3A_613 = arith.shrsi %iota3A, %shift_right_arithmetic3A_612 : vector<16xi32>
      %mul3A_614 = arith.constant 2 : i32
      %mul3A_615 = arith.muli %while3A_608, %mul3A_614 : i32
      %add3A_616 = vector.broadcast %mul3A_615 : i32 to vector<16xi32>
      %add3A_617 = arith.addi %add3A_616, %shift_right_arithmetic3A_613 : vector<16xi32>
      %sub3A_618 = arith.constant 1 : i32
      %sub3A_619 = arith.subi %sub3A_52, %sub3A_618 : i32
      %min3A_620 = vector.broadcast %sub3A_619 : i32 to vector<16xi32>
      %min3A_621 = arith.minsi %add3A_617, %min3A_620 : vector<16xi32>
      %mul3A_622 = arith.constant 8 : i32
      %mul3A_623 = vector.broadcast %mul3A_622 : i32 to vector<16xi32>
      %mul3A_624 = arith.muli %min3A_621, %mul3A_623 : vector<16xi32>
      %add3A_625 = vector.broadcast %mul3A_57 : i32 to vector<16xi32>
      %add3A_626 = arith.addi %add3A_625, %mul3A_624 : vector<16xi32>
      %add3A_627 = arith.addi %add3A_626, %and3A_611 : vector<16xi32>
      %dma_start3A = arith.constant 0 : i32
      %dma_start3A_628 = arith.constant 0 : i32
      %dma_start3A_629 = tpu.memref_slice %arg2[%dma_start3A, %dma_start3A_628] : memref<262144x128xf32, #tpu.memory_space<hbm>> -> memref<262144x128xf32, #tpu.memory_space<hbm>>
      tpu.enqueue_indirect_dma source(%dma_start3A_629 : memref<262144x128xf32, #tpu.memory_space<hbm>>) target(%arg6 : memref<16x128xf32, #tpu.memory_space<vmem>>) offsets(%add3A_627 : vector<16xi32>) semaphore(%arg9 : memref<!tpu.dma_semaphore, #tpu.memory_space<semaphore_mem>>)
      %dma_wait3A = arith.constant 0 : i32
      %dma_wait3A_630 = arith.constant 0 : i32
      %dma_wait3A_631 = tpu.memref_slice %arg2[%dma_wait3A, %dma_wait3A_630] : memref<262144x128xf32, #tpu.memory_space<hbm>> -> memref<262144x128xf32, #tpu.memory_space<hbm>>
      tpu.wait_indirect_dma semaphore(%arg9 : memref<!tpu.dma_semaphore, #tpu.memory_space<semaphore_mem>>) src(%dma_wait3A_631 : memref<262144x128xf32, #tpu.memory_space<hbm>>) dst(%arg6 : memref<16x128xf32, #tpu.memory_space<vmem>>)
      %get3A_632 = arith.constant 0 : i32
      %get3A_633 = arith.index_cast %get3A_632 : i32 to index
      %get3A_634 = arith.constant 0 : index
      %get3A_635 = tpu.vector_load %arg6[%get3A_633, %get3A_634] {strides = array<i32>} : memref<16x128xf32, #tpu.memory_space<vmem>>, vector<1x16xf32>,
      %get3A_636 = vector.shape_cast %get3A_635 : vector<1x16xf32> to vector<16xf32>
      %get3A_637 = arith.constant 8 : i32
      %get3A_638 = arith.index_cast %get3A_637 : i32 to index
      %get3A_639 = arith.constant 0 : index
      %get3A_640 = tpu.vector_load %arg6[%get3A_638, %get3A_639] {strides = array<i32>} : memref<16x128xf32, #tpu.memory_space<vmem>>, vector<1x16xf32>,
      %get3A_641 = vector.shape_cast %get3A_640 : vector<1x16xf32> to vector<16xf32>
      %max3A_642 = arith.maximumf %get3A_636, %get3A_641 : vector<16xf32>
      %get3A_643 = arith.constant 0 : i32
      %get3A_644 = arith.index_cast %get3A_643 : i32 to index
      %get3A_645 = arith.constant 0 : index
      %get3A_646 = tpu.vector_load %arg7[%get3A_644, %get3A_645] {strides = array<i32>} : memref<8x128xf32, #tpu.memory_space<vmem>>, vector<1x16xf32>,
      %get3A_647 = vector.shape_cast %get3A_646 : vector<1x16xf32> to vector<16xf32>
      %max3A_648 = arith.maximumf %get3A_647, %max3A_642 : vector<16xf32>
      %swap3A_649 = arith.constant 0 : i32
      %swap3A_650 = arith.index_cast %swap3A_649 : i32 to index
      %swap3A_651 = arith.constant 0 : index
      %swap3A_652 = tpu.vector_load %arg7[%swap3A_650, %swap3A_651] {strides = array<i32>} : memref<8x128xf32, #tpu.memory_space<vmem>>, vector<1x16xf32>,
      %swap3A_653 = vector.shape_cast %swap3A_652 : vector<1x16xf32> to vector<16xf32>
      %swap3A_654 = vector.shape_cast %max3A_648 : vector<16xf32> to vector<1x16xf32>
      tpu.vector_store %arg7[%swap3A_650, %swap3A_651], %swap3A_654 {strides = array<i32>} : memref<8x128xf32, #tpu.memory_space<vmem>>, vector<1x16xf32>,
      %get3A_655 = arith.constant 0 : i32
      %get3A_656 = arith.index_cast %get3A_655 : i32 to index
      %get3A_657 = arith.constant 16 : index
      %get3A_658 = tpu.vector_load %arg6[%get3A_656, %get3A_657] {strides = array<i32>} : memref<16x128xf32, #tpu.memory_space<vmem>>, vector<1x16xf32>,
      %get3A_659 = vector.shape_cast %get3A_658 : vector<1x16xf32> to vector<16xf32>
      %get3A_660 = arith.constant 8 : i32
      %get3A_661 = arith.index_cast %get3A_660 : i32 to index
      %get3A_662 = arith.constant 16 : index
      %get3A_663 = tpu.vector_load %arg6[%get3A_661, %get3A_662] {strides = array<i32>} : memref<16x128xf32, #tpu.memory_space<vmem>>, vector<1x16xf32>,
      %get3A_664 = vector.shape_cast %get3A_663 : vector<1x16xf32> to vector<16xf32>
      %max3A_665 = arith.maximumf %get3A_659, %get3A_664 : vector<16xf32>
      %get3A_666 = arith.constant 0 : i32
      %get3A_667 = arith.index_cast %get3A_666 : i32 to index
      %get3A_668 = arith.constant 16 : index
      %get3A_669 = tpu.vector_load %arg7[%get3A_667, %get3A_668] {strides = array<i32>} : memref<8x128xf32, #tpu.memory_space<vmem>>, vector<1x16xf32>,
      %get3A_670 = vector.shape_cast %get3A_669 : vector<1x16xf32> to vector<16xf32>
      %max3A_671 = arith.maximumf %get3A_670, %max3A_665 : vector<16xf32>
      %swap3A_672 = arith.constant 0 : i32
      %swap3A_673 = arith.index_cast %swap3A_672 : i32 to index
      %swap3A_674 = arith.constant 16 : index
      %swap3A_675 = tpu.vector_load %arg7[%swap3A_673, %swap3A_674] {strides = array<i32>} : memref<8x128xf32, #tpu.memory_space<vmem>>, vector<1x16xf32>,
      %swap3A_676 = vector.shape_cast %swap3A_675 : vector<1x16xf32> to vector<16xf32>
      %swap3A_677 = vector.shape_cast %max3A_671 : vector<16xf32> to vector<1x16xf32>
      tpu.vector_store %arg7[%swap3A_673, %swap3A_674], %swap3A_677 {strides = array<i32>} : memref<8x128xf32, #tpu.memory_space<vmem>>, vector<1x16xf32>,
      %get3A_678 = arith.constant 0 : i32
      %get3A_679 = arith.index_cast %get3A_678 : i32 to index
      %get3A_680 = arith.constant 32 : index
      %get3A_681 = tpu.vector_load %arg6[%get3A_679, %get3A_680] {strides = array<i32>} : memref<16x128xf32, #tpu.memory_space<vmem>>, vector<1x16xf32>,
      %get3A_682 = vector.shape_cast %get3A_681 : vector<1x16xf32> to vector<16xf32>
      %get3A_683 = arith.constant 8 : i32
      %get3A_684 = arith.index_cast %get3A_683 : i32 to index
      %get3A_685 = arith.constant 32 : index
      %get3A_686 = tpu.vector_load %arg6[%get3A_684, %get3A_685] {strides = array<i32>} : memref<16x128xf32, #tpu.memory_space<vmem>>, vector<1x16xf32>,
      %get3A_687 = vector.shape_cast %get3A_686 : vector<1x16xf32> to vector<16xf32>
      %max3A_688 = arith.maximumf %get3A_682, %get3A_687 : vector<16xf32>
      %get3A_689 = arith.constant 0 : i32
      %get3A_690 = arith.index_cast %get3A_689 : i32 to index
      %get3A_691 = arith.constant 32 : index
      %get3A_692 = tpu.vector_load %arg7[%get3A_690, %get3A_691] {strides = array<i32>} : memref<8x128xf32, #tpu.memory_space<vmem>>, vector<1x16xf32>,
      %get3A_693 = vector.shape_cast %get3A_692 : vector<1x16xf32> to vector<16xf32>
      %max3A_694 = arith.maximumf %get3A_693, %max3A_688 : vector<16xf32>
      %swap3A_695 = arith.constant 0 : i32
      %swap3A_696 = arith.index_cast %swap3A_695 : i32 to index
      %swap3A_697 = arith.constant 32 : index
      %swap3A_698 = tpu.vector_load %arg7[%swap3A_696, %swap3A_697] {strides = array<i32>} : memref<8x128xf32, #tpu.memory_space<vmem>>, vector<1x16xf32>,
      %swap3A_699 = vector.shape_cast %swap3A_698 : vector<1x16xf32> to vector<16xf32>
      %swap3A_700 = vector.shape_cast %max3A_694 : vector<16xf32> to vector<1x16xf32>
      tpu.vector_store %arg7[%swap3A_696, %swap3A_697], %swap3A_700 {strides = array<i32>} : memref<8x128xf32, #tpu.memory_space<vmem>>, vector<1x16xf32>,
      %get3A_701 = arith.constant 0 : i32
      %get3A_702 = arith.index_cast %get3A_701 : i32 to index
      %get3A_703 = arith.constant 48 : index
      %get3A_704 = tpu.vector_load %arg6[%get3A_702, %get3A_703] {strides = array<i32>} : memref<16x128xf32, #tpu.memory_space<vmem>>, vector<1x16xf32>,
      %get3A_705 = vector.shape_cast %get3A_704 : vector<1x16xf32> to vector<16xf32>
      %get3A_706 = arith.constant 8 : i32
      %get3A_707 = arith.index_cast %get3A_706 : i32 to index
      %get3A_708 = arith.constant 48 : index
      %get3A_709 = tpu.vector_load %arg6[%get3A_707, %get3A_708] {strides = array<i32>} : memref<16x128xf32, #tpu.memory_space<vmem>>, vector<1x16xf32>,
      %get3A_710 = vector.shape_cast %get3A_709 : vector<1x16xf32> to vector<16xf32>
      %max3A_711 = arith.maximumf %get3A_705, %get3A_710 : vector<16xf32>
      %get3A_712 = arith.constant 0 : i32
      %get3A_713 = arith.index_cast %get3A_712 : i32 to index
      %get3A_714 = arith.constant 48 : index
      %get3A_715 = tpu.vector_load %arg7[%get3A_713, %get3A_714] {strides = array<i32>} : memref<8x128xf32, #tpu.memory_space<vmem>>, vector<1x16xf32>,
      %get3A_716 = vector.shape_cast %get3A_715 : vector<1x16xf32> to vector<16xf32>
      %max3A_717 = arith.maximumf %get3A_716, %max3A_711 : vector<16xf32>
      %swap3A_718 = arith.constant 0 : i32
      %swap3A_719 = arith.index_cast %swap3A_718 : i32 to index
      %swap3A_720 = arith.constant 48 : index
      %swap3A_721 = tpu.vector_load %arg7[%swap3A_719, %swap3A_720] {strides = array<i32>} : memref<8x128xf32, #tpu.memory_space<vmem>>, vector<1x16xf32>,
      %swap3A_722 = vector.shape_cast %swap3A_721 : vector<1x16xf32> to vector<16xf32>
      %swap3A_723 = vector.shape_cast %max3A_717 : vector<16xf32> to vector<1x16xf32>
      tpu.vector_store %arg7[%swap3A_719, %swap3A_720], %swap3A_723 {strides = array<i32>} : memref<8x128xf32, #tpu.memory_space<vmem>>, vector<1x16xf32>,
      %get3A_724 = arith.constant 0 : i32
      %get3A_725 = arith.index_cast %get3A_724 : i32 to index
      %get3A_726 = arith.constant 64 : index
      %get3A_727 = tpu.vector_load %arg6[%get3A_725, %get3A_726] {strides = array<i32>} : memref<16x128xf32, #tpu.memory_space<vmem>>, vector<1x16xf32>,
      %get3A_728 = vector.shape_cast %get3A_727 : vector<1x16xf32> to vector<16xf32>
      %get3A_729 = arith.constant 8 : i32
      %get3A_730 = arith.index_cast %get3A_729 : i32 to index
      %get3A_731 = arith.constant 64 : index
      %get3A_732 = tpu.vector_load %arg6[%get3A_730, %get3A_731] {strides = array<i32>} : memref<16x128xf32, #tpu.memory_space<vmem>>, vector<1x16xf32>,
      %get3A_733 = vector.shape_cast %get3A_732 : vector<1x16xf32> to vector<16xf32>
      %max3A_734 = arith.maximumf %get3A_728, %get3A_733 : vector<16xf32>
      %get3A_735 = arith.constant 0 : i32
      %get3A_736 = arith.index_cast %get3A_735 : i32 to index
      %get3A_737 = arith.constant 64 : index
      %get3A_738 = tpu.vector_load %arg7[%get3A_736, %get3A_737] {strides = array<i32>} : memref<8x128xf32, #tpu.memory_space<vmem>>, vector<1x16xf32>,
      %get3A_739 = vector.shape_cast %get3A_738 : vector<1x16xf32> to vector<16xf32>
      %max3A_740 = arith.maximumf %get3A_739, %max3A_734 : vector<16xf32>
      %swap3A_741 = arith.constant 0 : i32
      %swap3A_742 = arith.index_cast %swap3A_741 : i32 to index
      %swap3A_743 = arith.constant 64 : index
      %swap3A_744 = tpu.vector_load %arg7[%swap3A_742, %swap3A_743] {strides = array<i32>} : memref<8x128xf32, #tpu.memory_space<vmem>>, vector<1x16xf32>,
      %swap3A_745 = vector.shape_cast %swap3A_744 : vector<1x16xf32> to vector<16xf32>
      %swap3A_746 = vector.shape_cast %max3A_740 : vector<16xf32> to vector<1x16xf32>
      tpu.vector_store %arg7[%swap3A_742, %swap3A_743], %swap3A_746 {strides = array<i32>} : memref<8x128xf32, #tpu.memory_space<vmem>>, vector<1x16xf32>,
      %get3A_747 = arith.constant 0 : i32
      %get3A_748 = arith.index_cast %get3A_747 : i32 to index
      %get3A_749 = arith.constant 80 : index
      %get3A_750 = tpu.vector_load %arg6[%get3A_748, %get3A_749] {strides = array<i32>} : memref<16x128xf32, #tpu.memory_space<vmem>>, vector<1x16xf32>,
      %get3A_751 = vector.shape_cast %get3A_750 : vector<1x16xf32> to vector<16xf32>
      %get3A_752 = arith.constant 8 : i32
      %get3A_753 = arith.index_cast %get3A_752 : i32 to index
      %get3A_754 = arith.constant 80 : index
      %get3A_755 = tpu.vector_load %arg6[%get3A_753, %get3A_754] {strides = array<i32>} : memref<16x128xf32, #tpu.memory_space<vmem>>, vector<1x16xf32>,
      %get3A_756 = vector.shape_cast %get3A_755 : vector<1x16xf32> to vector<16xf32>
      %max3A_757 = arith.maximumf %get3A_751, %get3A_756 : vector<16xf32>
      %get3A_758 = arith.constant 0 : i32
      %get3A_759 = arith.index_cast %get3A_758 : i32 to index
      %get3A_760 = arith.constant 80 : index
      %get3A_761 = tpu.vector_load %arg7[%get3A_759, %get3A_760] {strides = array<i32>} : memref<8x128xf32, #tpu.memory_space<vmem>>, vector<1x16xf32>,
      %get3A_762 = vector.shape_cast %get3A_761 : vector<1x16xf32> to vector<16xf32>
      %max3A_763 = arith.maximumf %get3A_762, %max3A_757 : vector<16xf32>
      %swap3A_764 = arith.constant 0 : i32
      %swap3A_765 = arith.index_cast %swap3A_764 : i32 to index
      %swap3A_766 = arith.constant 80 : index
      %swap3A_767 = tpu.vector_load %arg7[%swap3A_765, %swap3A_766] {strides = array<i32>} : memref<8x128xf32, #tpu.memory_space<vmem>>, vector<1x16xf32>,
      %swap3A_768 = vector.shape_cast %swap3A_767 : vector<1x16xf32> to vector<16xf32>
      %swap3A_769 = vector.shape_cast %max3A_763 : vector<16xf32> to vector<1x16xf32>
      tpu.vector_store %arg7[%swap3A_765, %swap3A_766], %swap3A_769 {strides = array<i32>} : memref<8x128xf32, #tpu.memory_space<vmem>>, vector<1x16xf32>,
      %get3A_770 = arith.constant 0 : i32
      %get3A_771 = arith.index_cast %get3A_770 : i32 to index
      %get3A_772 = arith.constant 96 : index
      %get3A_773 = tpu.vector_load %arg6[%get3A_771, %get3A_772] {strides = array<i32>} : memref<16x128xf32, #tpu.memory_space<vmem>>, vector<1x16xf32>,
      %get3A_774 = vector.shape_cast %get3A_773 : vector<1x16xf32> to vector<16xf32>
      %get3A_775 = arith.constant 8 : i32
      %get3A_776 = arith.index_cast %get3A_775 : i32 to index
      %get3A_777 = arith.constant 96 : index
      %get3A_778 = tpu.vector_load %arg6[%get3A_776, %get3A_777] {strides = array<i32>} : memref<16x128xf32, #tpu.memory_space<vmem>>, vector<1x16xf32>,
      %get3A_779 = vector.shape_cast %get3A_778 : vector<1x16xf32> to vector<16xf32>
      %max3A_780 = arith.maximumf %get3A_774, %get3A_779 : vector<16xf32>
      %get3A_781 = arith.constant 0 : i32
      %get3A_782 = arith.index_cast %get3A_781 : i32 to index
      %get3A_783 = arith.constant 96 : index
      %get3A_784 = tpu.vector_load %arg7[%get3A_782, %get3A_783] {strides = array<i32>} : memref<8x128xf32, #tpu.memory_space<vmem>>, vector<1x16xf32>,
      %get3A_785 = vector.shape_cast %get3A_784 : vector<1x16xf32> to vector<16xf32>
      %max3A_786 = arith.maximumf %get3A_785, %max3A_780 : vector<16xf32>
      %swap3A_787 = arith.constant 0 : i32
      %swap3A_788 = arith.index_cast %swap3A_787 : i32 to index
      %swap3A_789 = arith.constant 96 : index
      %swap3A_790 = tpu.vector_load %arg7[%swap3A_788, %swap3A_789] {strides = array<i32>} : memref<8x128xf32, #tpu.memory_space<vmem>>, vector<1x16xf32>,
      %swap3A_791 = vector.shape_cast %swap3A_790 : vector<1x16xf32> to vector<16xf32>
      %swap3A_792 = vector.shape_cast %max3A_786 : vector<16xf32> to vector<1x16xf32>
      tpu.vector_store %arg7[%swap3A_788, %swap3A_789], %swap3A_792 {strides = array<i32>} : memref<8x128xf32, #tpu.memory_space<vmem>>, vector<1x16xf32>,
      %get3A_793 = arith.constant 0 : i32
      %get3A_794 = arith.index_cast %get3A_793 : i32 to index
      %get3A_795 = arith.constant 112 : index
      %get3A_796 = tpu.vector_load %arg6[%get3A_794, %get3A_795] {strides = array<i32>} : memref<16x128xf32, #tpu.memory_space<vmem>>, vector<1x16xf32>,
      %get3A_797 = vector.shape_cast %get3A_796 : vector<1x16xf32> to vector<16xf32>
      %get3A_798 = arith.constant 8 : i32
      %get3A_799 = arith.index_cast %get3A_798 : i32 to index
      %get3A_800 = arith.constant 112 : index
      %get3A_801 = tpu.vector_load %arg6[%get3A_799, %get3A_800] {strides = array<i32>} : memref<16x128xf32, #tpu.memory_space<vmem>>, vector<1x16xf32>,
      %get3A_802 = vector.shape_cast %get3A_801 : vector<1x16xf32> to vector<16xf32>
      %max3A_803 = arith.maximumf %get3A_797, %get3A_802 : vector<16xf32>
      %get3A_804 = arith.constant 0 : i32
      %get3A_805 = arith.index_cast %get3A_804 : i32 to index
      %get3A_806 = arith.constant 112 : index
      %get3A_807 = tpu.vector_load %arg7[%get3A_805, %get3A_806] {strides = array<i32>} : memref<8x128xf32, #tpu.memory_space<vmem>>, vector<1x16xf32>,
      %get3A_808 = vector.shape_cast %get3A_807 : vector<1x16xf32> to vector<16xf32>
      %max3A_809 = arith.maximumf %get3A_808, %max3A_803 : vector<16xf32>
      %swap3A_810 = arith.constant 0 : i32
      %swap3A_811 = arith.index_cast %swap3A_810 : i32 to index
      %swap3A_812 = arith.constant 112 : index
      %swap3A_813 = tpu.vector_load %arg7[%swap3A_811, %swap3A_812] {strides = array<i32>} : memref<8x128xf32, #tpu.memory_space<vmem>>, vector<1x16xf32>,
      %swap3A_814 = vector.shape_cast %swap3A_813 : vector<1x16xf32> to vector<16xf32>
      %swap3A_815 = vector.shape_cast %max3A_809 : vector<16xf32> to vector<1x16xf32>
      tpu.vector_store %arg7[%swap3A_811, %swap3A_812], %swap3A_815 {strides = array<i32>} : memref<8x128xf32, #tpu.memory_space<vmem>>, vector<1x16xf32>,
      %get3A_816 = arith.constant 1 : i32
      %get3A_817 = arith.index_cast %get3A_816 : i32 to index
      %get3A_818 = arith.constant 0 : index
      %get3A_819 = tpu.vector_load %arg6[%get3A_817, %get3A_818] {strides = array<i32>} : memref<16x128xf32, #tpu.memory_space<vmem>>, vector<1x16xf32>,
      %get3A_820 = vector.shape_cast %get3A_819 : vector<1x16xf32> to vector<16xf32>
      %get3A_821 = arith.constant 9 : i32
      %get3A_822 = arith.index_cast %get3A_821 : i32 to index
      %get3A_823 = arith.constant 0 : index
      %get3A_824 = tpu.vector_load %arg6[%get3A_822, %get3A_823] {strides = array<i32>} : memref<16x128xf32, #tpu.memory_space<vmem>>, vector<1x16xf32>,
      %get3A_825 = vector.shape_cast %get3A_824 : vector<1x16xf32> to vector<16xf32>
      %max3A_826 = arith.maximumf %get3A_820, %get3A_825 : vector<16xf32>
      %get3A_827 = arith.constant 1 : i32
      %get3A_828 = arith.index_cast %get3A_827 : i32 to index
      %get3A_829 = arith.constant 0 : index
      %get3A_830 = tpu.vector_load %arg7[%get3A_828, %get3A_829] {strides = array<i32>} : memref<8x128xf32, #tpu.memory_space<vmem>>, vector<1x16xf32>,
      %get3A_831 = vector.shape_cast %get3A_830 : vector<1x16xf32> to vector<16xf32>
      %max3A_832 = arith.maximumf %get3A_831, %max3A_826 : vector<16xf32>
      %swap3A_833 = arith.constant 1 : i32
      %swap3A_834 = arith.index_cast %swap3A_833 : i32 to index
      %swap3A_835 = arith.constant 0 : index
      %swap3A_836 = tpu.vector_load %arg7[%swap3A_834, %swap3A_835] {strides = array<i32>} : memref<8x128xf32, #tpu.memory_space<vmem>>, vector<1x16xf32>,
      %swap3A_837 = vector.shape_cast %swap3A_836 : vector<1x16xf32> to vector<16xf32>
      %swap3A_838 = vector.shape_cast %max3A_832 : vector<16xf32> to vector<1x16xf32>
      tpu.vector_store %arg7[%swap3A_834, %swap3A_835], %swap3A_838 {strides = array<i32>} : memref<8x128xf32, #tpu.memory_space<vmem>>, vector<1x16xf32>,
      %get3A_839 = arith.constant 1 : i32
      %get3A_840 = arith.index_cast %get3A_839 : i32 to index
      %get3A_841 = arith.constant 16 : index
      %get3A_842 = tpu.vector_load %arg6[%get3A_840, %get3A_841] {strides = array<i32>} : memref<16x128xf32, #tpu.memory_space<vmem>>, vector<1x16xf32>,
      %get3A_843 = vector.shape_cast %get3A_842 : vector<1x16xf32> to vector<16xf32>
      %get3A_844 = arith.constant 9 : i32
      %get3A_845 = arith.index_cast %get3A_844 : i32 to index
      %get3A_846 = arith.constant 16 : index
      %get3A_847 = tpu.vector_load %arg6[%get3A_845, %get3A_846] {strides = array<i32>} : memref<16x128xf32, #tpu.memory_space<vmem>>, vector<1x16xf32>,
      %get3A_848 = vector.shape_cast %get3A_847 : vector<1x16xf32> to vector<16xf32>
      %max3A_849 = arith.maximumf %get3A_843, %get3A_848 : vector<16xf32>
      %get3A_850 = arith.constant 1 : i32
      %get3A_851 = arith.index_cast %get3A_850 : i32 to index
      %get3A_852 = arith.constant 16 : index
      %get3A_853 = tpu.vector_load %arg7[%get3A_851, %get3A_852] {strides = array<i32>} : memref<8x128xf32, #tpu.memory_space<vmem>>, vector<1x16xf32>,
      %get3A_854 = vector.shape_cast %get3A_853 : vector<1x16xf32> to vector<16xf32>
      %max3A_855 = arith.maximumf %get3A_854, %max3A_849 : vector<16xf32>
      %swap3A_856 = arith.constant 1 : i32
      %swap3A_857 = arith.index_cast %swap3A_856 : i32 to index
      %swap3A_858 = arith.constant 16 : index
      %swap3A_859 = tpu.vector_load %arg7[%swap3A_857, %swap3A_858] {strides = array<i32>} : memref<8x128xf32, #tpu.memory_space<vmem>>, vector<1x16xf32>,
      %swap3A_860 = vector.shape_cast %swap3A_859 : vector<1x16xf32> to vector<16xf32>
      %swap3A_861 = vector.shape_cast %max3A_855 : vector<16xf32> to vector<1x16xf32>
      tpu.vector_store %arg7[%swap3A_857, %swap3A_858], %swap3A_861 {strides = array<i32>} : memref<8x128xf32, #tpu.memory_space<vmem>>, vector<1x16xf32>,
      %get3A_862 = arith.constant 1 : i32
      %get3A_863 = arith.index_cast %get3A_862 : i32 to index
      %get3A_864 = arith.constant 32 : index
      %get3A_865 = tpu.vector_load %arg6[%get3A_863, %get3A_864] {strides = array<i32>} : memref<16x128xf32, #tpu.memory_space<vmem>>, vector<1x16xf32>,
      %get3A_866 = vector.shape_cast %get3A_865 : vector<1x16xf32> to vector<16xf32>
      %get3A_867 = arith.constant 9 : i32
      %get3A_868 = arith.index_cast %get3A_867 : i32 to index
      %get3A_869 = arith.constant 32 : index
      %get3A_870 = tpu.vector_load %arg6[%get3A_868, %get3A_869] {strides = array<i32>} : memref<16x128xf32, #tpu.memory_space<vmem>>, vector<1x16xf32>,
      %get3A_871 = vector.shape_cast %get3A_870 : vector<1x16xf32> to vector<16xf32>
      %max3A_872 = arith.maximumf %get3A_866, %get3A_871 : vector<16xf32>
      %get3A_873 = arith.constant 1 : i32
      %get3A_874 = arith.index_cast %get3A_873 : i32 to index
      %get3A_875 = arith.constant 32 : index
      %get3A_876 = tpu.vector_load %arg7[%get3A_874, %get3A_875] {strides = array<i32>} : memref<8x128xf32, #tpu.memory_space<vmem>>, vector<1x16xf32>,
      %get3A_877 = vector.shape_cast %get3A_876 : vector<1x16xf32> to vector<16xf32>
      %max3A_878 = arith.maximumf %get3A_877, %max3A_872 : vector<16xf32>
      %swap3A_879 = arith.constant 1 : i32
      %swap3A_880 = arith.index_cast %swap3A_879 : i32 to index
      %swap3A_881 = arith.constant 32 : index
      %swap3A_882 = tpu.vector_load %arg7[%swap3A_880, %swap3A_881] {strides = array<i32>} : memref<8x128xf32, #tpu.memory_space<vmem>>, vector<1x16xf32>,
      %swap3A_883 = vector.shape_cast %swap3A_882 : vector<1x16xf32> to vector<16xf32>
      %swap3A_884 = vector.shape_cast %max3A_878 : vector<16xf32> to vector<1x16xf32>
      tpu.vector_store %arg7[%swap3A_880, %swap3A_881], %swap3A_884 {strides = array<i32>} : memref<8x128xf32, #tpu.memory_space<vmem>>, vector<1x16xf32>,
      %get3A_885 = arith.constant 1 : i32
      %get3A_886 = arith.index_cast %get3A_885 : i32 to index
      %get3A_887 = arith.constant 48 : index
      %get3A_888 = tpu.vector_load %arg6[%get3A_886, %get3A_887] {strides = array<i32>} : memref<16x128xf32, #tpu.memory_space<vmem>>, vector<1x16xf32>,
      %get3A_889 = vector.shape_cast %get3A_888 : vector<1x16xf32> to vector<16xf32>
      %get3A_890 = arith.constant 9 : i32
      %get3A_891 = arith.index_cast %get3A_890 : i32 to index
      %get3A_892 = arith.constant 48 : index
      %get3A_893 = tpu.vector_load %arg6[%get3A_891, %get3A_892] {strides = array<i32>} : memref<16x128xf32, #tpu.memory_space<vmem>>, vector<1x16xf32>,
      %get3A_894 = vector.shape_cast %get3A_893 : vector<1x16xf32> to vector<16xf32>
      %max3A_895 = arith.maximumf %get3A_889, %get3A_894 : vector<16xf32>
      %get3A_896 = arith.constant 1 : i32
      %get3A_897 = arith.index_cast %get3A_896 : i32 to index
      %get3A_898 = arith.constant 48 : index
      %get3A_899 = tpu.vector_load %arg7[%get3A_897, %get3A_898] {strides = array<i32>} : memref<8x128xf32, #tpu.memory_space<vmem>>, vector<1x16xf32>,
      %get3A_900 = vector.shape_cast %get3A_899 : vector<1x16xf32> to vector<16xf32>
      %max3A_901 = arith.maximumf %get3A_900, %max3A_895 : vector<16xf32>
      %swap3A_902 = arith.constant 1 : i32
      %swap3A_903 = arith.index_cast %swap3A_902 : i32 to index
      %swap3A_904 = arith.constant 48 : index
      %swap3A_905 = tpu.vector_load %arg7[%swap3A_903, %swap3A_904] {strides = array<i32>} : memref<8x128xf32, #tpu.memory_space<vmem>>, vector<1x16xf32>,
      %swap3A_906 = vector.shape_cast %swap3A_905 : vector<1x16xf32> to vector<16xf32>
      %swap3A_907 = vector.shape_cast %max3A_901 : vector<16xf32> to vector<1x16xf32>
      tpu.vector_store %arg7[%swap3A_903, %swap3A_904], %swap3A_907 {strides = array<i32>} : memref<8x128xf32, #tpu.memory_space<vmem>>, vector<1x16xf32>,
      %get3A_908 = arith.constant 1 : i32
      %get3A_909 = arith.index_cast %get3A_908 : i32 to index
      %get3A_910 = arith.constant 64 : index
      %get3A_911 = tpu.vector_load %arg6[%get3A_909, %get3A_910] {strides = array<i32>} : memref<16x128xf32, #tpu.memory_space<vmem>>, vector<1x16xf32>,
      %get3A_912 = vector.shape_cast %get3A_911 : vector<1x16xf32> to vector<16xf32>
      %get3A_913 = arith.constant 9 : i32
      %get3A_914 = arith.index_cast %get3A_913 : i32 to index
      %get3A_915 = arith.constant 64 : index
      %get3A_916 = tpu.vector_load %arg6[%get3A_914, %get3A_915] {strides = array<i32>} : memref<16x128xf32, #tpu.memory_space<vmem>>, vector<1x16xf32>,
      %get3A_917 = vector.shape_cast %get3A_916 : vector<1x16xf32> to vector<16xf32>
      %max3A_918 = arith.maximumf %get3A_912, %get3A_917 : vector<16xf32>
      %get3A_919 = arith.constant 1 : i32
      %get3A_920 = arith.index_cast %get3A_919 : i32 to index
      %get3A_921 = arith.constant 64 : index
      %get3A_922 = tpu.vector_load %arg7[%get3A_920, %get3A_921] {strides = array<i32>} : memref<8x128xf32, #tpu.memory_space<vmem>>, vector<1x16xf32>,
      %get3A_923 = vector.shape_cast %get3A_922 : vector<1x16xf32> to vector<16xf32>
      %max3A_924 = arith.maximumf %get3A_923, %max3A_918 : vector<16xf32>
      %swap3A_925 = arith.constant 1 : i32
      %swap3A_926 = arith.index_cast %swap3A_925 : i32 to index
      %swap3A_927 = arith.constant 64 : index
      %swap3A_928 = tpu.vector_load %arg7[%swap3A_926, %swap3A_927] {strides = array<i32>} : memref<8x128xf32, #tpu.memory_space<vmem>>, vector<1x16xf32>,
      %swap3A_929 = vector.shape_cast %swap3A_928 : vector<1x16xf32> to vector<16xf32>
      %swap3A_930 = vector.shape_cast %max3A_924 : vector<16xf32> to vector<1x16xf32>
      tpu.vector_store %arg7[%swap3A_926, %swap3A_927], %swap3A_930 {strides = array<i32>} : memref<8x128xf32, #tpu.memory_space<vmem>>, vector<1x16xf32>,
      %get3A_931 = arith.constant 1 : i32
      %get3A_932 = arith.index_cast %get3A_931 : i32 to index
      %get3A_933 = arith.constant 80 : index
      %get3A_934 = tpu.vector_load %arg6[%get3A_932, %get3A_933] {strides = array<i32>} : memref<16x128xf32, #tpu.memory_space<vmem>>, vector<1x16xf32>,
      %get3A_935 = vector.shape_cast %get3A_934 : vector<1x16xf32> to vector<16xf32>
      %get3A_936 = arith.constant 9 : i32
      %get3A_937 = arith.index_cast %get3A_936 : i32 to index
      %get3A_938 = arith.constant 80 : index
      %get3A_939 = tpu.vector_load %arg6[%get3A_937, %get3A_938] {strides = array<i32>} : memref<16x128xf32, #tpu.memory_space<vmem>>, vector<1x16xf32>,
      %get3A_940 = vector.shape_cast %get3A_939 : vector<1x16xf32> to vector<16xf32>
      %max3A_941 = arith.maximumf %get3A_935, %get3A_940 : vector<16xf32>
      %get3A_942 = arith.constant 1 : i32
      %get3A_943 = arith.index_cast %get3A_942 : i32 to index
      %get3A_944 = arith.constant 80 : index
      %get3A_945 = tpu.vector_load %arg7[%get3A_943, %get3A_944] {strides = array<i32>} : memref<8x128xf32, #tpu.memory_space<vmem>>, vector<1x16xf32>,
      %get3A_946 = vector.shape_cast %get3A_945 : vector<1x16xf32> to vector<16xf32>
      %max3A_947 = arith.maximumf %get3A_946, %max3A_941 : vector<16xf32>
      %swap3A_948 = arith.constant 1 : i32
      %swap3A_949 = arith.index_cast %swap3A_948 : i32 to index
      %swap3A_950 = arith.constant 80 : index
      %swap3A_951 = tpu.vector_load %arg7[%swap3A_949, %swap3A_950] {strides = array<i32>} : memref<8x128xf32, #tpu.memory_space<vmem>>, vector<1x16xf32>,
      %swap3A_952 = vector.shape_cast %swap3A_951 : vector<1x16xf32> to vector<16xf32>
      %swap3A_953 = vector.shape_cast %max3A_947 : vector<16xf32> to vector<1x16xf32>
      tpu.vector_store %arg7[%swap3A_949, %swap3A_950], %swap3A_953 {strides = array<i32>} : memref<8x128xf32, #tpu.memory_space<vmem>>, vector<1x16xf32>,
      %get3A_954 = arith.constant 1 : i32
      %get3A_955 = arith.index_cast %get3A_954 : i32 to index
      %get3A_956 = arith.constant 96 : index
      %get3A_957 = tpu.vector_load %arg6[%get3A_955, %get3A_956] {strides = array<i32>} : memref<16x128xf32, #tpu.memory_space<vmem>>, vector<1x16xf32>,
      %get3A_958 = vector.shape_cast %get3A_957 : vector<1x16xf32> to vector<16xf32>
      %get3A_959 = arith.constant 9 : i32
      %get3A_960 = arith.index_cast %get3A_959 : i32 to index
      %get3A_961 = arith.constant 96 : index
      %get3A_962 = tpu.vector_load %arg6[%get3A_960, %get3A_961] {strides = array<i32>} : memref<16x128xf32, #tpu.memory_space<vmem>>, vector<1x16xf32>,
      %get3A_963 = vector.shape_cast %get3A_962 : vector<1x16xf32> to vector<16xf32>
      %max3A_964 = arith.maximumf %get3A_958, %get3A_963 : vector<16xf32>
      %get3A_965 = arith.constant 1 : i32
      %get3A_966 = arith.index_cast %get3A_965 : i32 to index
      %get3A_967 = arith.constant 96 : index
      %get3A_968 = tpu.vector_load %arg7[%get3A_966, %get3A_967] {strides = array<i32>} : memref<8x128xf32, #tpu.memory_space<vmem>>, vector<1x16xf32>,
      %get3A_969 = vector.shape_cast %get3A_968 : vector<1x16xf32> to vector<16xf32>
      %max3A_970 = arith.maximumf %get3A_969, %max3A_964 : vector<16xf32>
      %swap3A_971 = arith.constant 1 : i32
      %swap3A_972 = arith.index_cast %swap3A_971 : i32 to index
      %swap3A_973 = arith.constant 96 : index
      %swap3A_974 = tpu.vector_load %arg7[%swap3A_972, %swap3A_973] {strides = array<i32>} : memref<8x128xf32, #tpu.memory_space<vmem>>, vector<1x16xf32>,
      %swap3A_975 = vector.shape_cast %swap3A_974 : vector<1x16xf32> to vector<16xf32>
      %swap3A_976 = vector.shape_cast %max3A_970 : vector<16xf32> to vector<1x16xf32>
      tpu.vector_store %arg7[%swap3A_972, %swap3A_973], %swap3A_976 {strides = array<i32>} : memref<8x128xf32, #tpu.memory_space<vmem>>, vector<1x16xf32>,
      %get3A_977 = arith.constant 1 : i32
      %get3A_978 = arith.index_cast %get3A_977 : i32 to index
      %get3A_979 = arith.constant 112 : index
      %get3A_980 = tpu.vector_load %arg6[%get3A_978, %get3A_979] {strides = array<i32>} : memref<16x128xf32, #tpu.memory_space<vmem>>, vector<1x16xf32>,
      %get3A_981 = vector.shape_cast %get3A_980 : vector<1x16xf32> to vector<16xf32>
      %get3A_982 = arith.constant 9 : i32
      %get3A_983 = arith.index_cast %get3A_982 : i32 to index
      %get3A_984 = arith.constant 112 : index
      %get3A_985 = tpu.vector_load %arg6[%get3A_983, %get3A_984] {strides = array<i32>} : memref<16x128xf32, #tpu.memory_space<vmem>>, vector<1x16xf32>,
      %get3A_986 = vector.shape_cast %get3A_985 : vector<1x16xf32> to vector<16xf32>
      %max3A_987 = arith.maximumf %get3A_981, %get3A_986 : vector<16xf32>
      %get3A_988 = arith.constant 1 : i32
      %get3A_989 = arith.index_cast %get3A_988 : i32 to index
      %get3A_990 = arith.constant 112 : index
      %get3A_991 = tpu.vector_load %arg7[%get3A_989, %get3A_990] {strides = array<i32>} : memref<8x128xf32, #tpu.memory_space<vmem>>, vector<1x16xf32>,
      %get3A_992 = vector.shape_cast %get3A_991 : vector<1x16xf32> to vector<16xf32>
      %max3A_993 = arith.maximumf %get3A_992, %max3A_987 : vector<16xf32>
      %swap3A_994 = arith.constant 1 : i32
      %swap3A_995 = arith.index_cast %swap3A_994 : i32 to index
      %swap3A_996 = arith.constant 112 : index
      %swap3A_997 = tpu.vector_load %arg7[%swap3A_995, %swap3A_996] {strides = array<i32>} : memref<8x128xf32, #tpu.memory_space<vmem>>, vector<1x16xf32>,
      %swap3A_998 = vector.shape_cast %swap3A_997 : vector<1x16xf32> to vector<16xf32>
      %swap3A_999 = vector.shape_cast %max3A_993 : vector<16xf32> to vector<1x16xf32>
      tpu.vector_store %arg7[%swap3A_995, %swap3A_996], %swap3A_999 {strides = array<i32>} : memref<8x128xf32, #tpu.memory_space<vmem>>, vector<1x16xf32>,
      %get3A_1000 = arith.constant 2 : i32
      %get3A_1001 = arith.index_cast %get3A_1000 : i32 to index
      %get3A_1002 = arith.constant 0 : index
      %get3A_1003 = tpu.vector_load %arg6[%get3A_1001, %get3A_1002] {strides = array<i32>} : memref<16x128xf32, #tpu.memory_space<vmem>>, vector<1x16xf32>,
      %get3A_1004 = vector.shape_cast %get3A_1003 : vector<1x16xf32> to vector<16xf32>
      %get3A_1005 = arith.constant 10 : i32
      %get3A_1006 = arith.index_cast %get3A_1005 : i32 to index
      %get3A_1007 = arith.constant 0 : index
      %get3A_1008 = tpu.vector_load %arg6[%get3A_1006, %get3A_1007] {strides = array<i32>} : memref<16x128xf32, #tpu.memory_space<vmem>>, vector<1x16xf32>,
      %get3A_1009 = vector.shape_cast %get3A_1008 : vector<1x16xf32> to vector<16xf32>
      %max3A_1010 = arith.maximumf %get3A_1004, %get3A_1009 : vector<16xf32>
      %get3A_1011 = arith.constant 2 : i32
      %get3A_1012 = arith.index_cast %get3A_1011 : i32 to index
      %get3A_1013 = arith.constant 0 : index
      %get3A_1014 = tpu.vector_load %arg7[%get3A_1012, %get3A_1013] {strides = array<i32>} : memref<8x128xf32, #tpu.memory_space<vmem>>, vector<1x16xf32>,
      %get3A_1015 = vector.shape_cast %get3A_1014 : vector<1x16xf32> to vector<16xf32>
      %max3A_1016 = arith.maximumf %get3A_1015, %max3A_1010 : vector<16xf32>
      %swap3A_1017 = arith.constant 2 : i32
      %swap3A_1018 = arith.index_cast %swap3A_1017 : i32 to index
      %swap3A_1019 = arith.constant 0 : index
      %swap3A_1020 = tpu.vector_load %arg7[%swap3A_1018, %swap3A_1019] {strides = array<i32>} : memref<8x128xf32, #tpu.memory_space<vmem>>, vector<1x16xf32>,
      %swap3A_1021 = vector.shape_cast %swap3A_1020 : vector<1x16xf32> to vector<16xf32>
      %swap3A_1022 = vector.shape_cast %max3A_1016 : vector<16xf32> to vector<1x16xf32>
      tpu.vector_store %arg7[%swap3A_1018, %swap3A_1019], %swap3A_1022 {strides = array<i32>} : memref<8x128xf32, #tpu.memory_space<vmem>>, vector<1x16xf32>,
      %get3A_1023 = arith.constant 2 : i32
      %get3A_1024 = arith.index_cast %get3A_1023 : i32 to index
      %get3A_1025 = arith.constant 16 : index
      %get3A_1026 = tpu.vector_load %arg6[%get3A_1024, %get3A_1025] {strides = array<i32>} : memref<16x128xf32, #tpu.memory_space<vmem>>, vector<1x16xf32>,
      %get3A_1027 = vector.shape_cast %get3A_1026 : vector<1x16xf32> to vector<16xf32>
      %get3A_1028 = arith.constant 10 : i32
      %get3A_1029 = arith.index_cast %get3A_1028 : i32 to index
      %get3A_1030 = arith.constant 16 : index
      %get3A_1031 = tpu.vector_load %arg6[%get3A_1029, %get3A_1030] {strides = array<i32>} : memref<16x128xf32, #tpu.memory_space<vmem>>, vector<1x16xf32>,
      %get3A_1032 = vector.shape_cast %get3A_1031 : vector<1x16xf32> to vector<16xf32>
      %max3A_1033 = arith.maximumf %get3A_1027, %get3A_1032 : vector<16xf32>
      %get3A_1034 = arith.constant 2 : i32
      %get3A_1035 = arith.index_cast %get3A_1034 : i32 to index
      %get3A_1036 = arith.constant 16 : index
      %get3A_1037 = tpu.vector_load %arg7[%get3A_1035, %get3A_1036] {strides = array<i32>} : memref<8x128xf32, #tpu.memory_space<vmem>>, vector<1x16xf32>,
      %get3A_1038 = vector.shape_cast %get3A_1037 : vector<1x16xf32> to vector<16xf32>
      %max3A_1039 = arith.maximumf %get3A_1038, %max3A_1033 : vector<16xf32>
      %swap3A_1040 = arith.constant 2 : i32
      %swap3A_1041 = arith.index_cast %swap3A_1040 : i32 to index
      %swap3A_1042 = arith.constant 16 : index
      %swap3A_1043 = tpu.vector_load %arg7[%swap3A_1041, %swap3A_1042] {strides = array<i32>} : memref<8x128xf32, #tpu.memory_space<vmem>>, vector<1x16xf32>,
      %swap3A_1044 = vector.shape_cast %swap3A_1043 : vector<1x16xf32> to vector<16xf32>
      %swap3A_1045 = vector.shape_cast %max3A_1039 : vector<16xf32> to vector<1x16xf32>
      tpu.vector_store %arg7[%swap3A_1041, %swap3A_1042], %swap3A_1045 {strides = array<i32>} : memref<8x128xf32, #tpu.memory_space<vmem>>, vector<1x16xf32>,
      %get3A_1046 = arith.constant 2 : i32
      %get3A_1047 = arith.index_cast %get3A_1046 : i32 to index
      %get3A_1048 = arith.constant 32 : index
      %get3A_1049 = tpu.vector_load %arg6[%get3A_1047, %get3A_1048] {strides = array<i32>} : memref<16x128xf32, #tpu.memory_space<vmem>>, vector<1x16xf32>,
      %get3A_1050 = vector.shape_cast %get3A_1049 : vector<1x16xf32> to vector<16xf32>
      %get3A_1051 = arith.constant 10 : i32
      %get3A_1052 = arith.index_cast %get3A_1051 : i32 to index
      %get3A_1053 = arith.constant 32 : index
      %get3A_1054 = tpu.vector_load %arg6[%get3A_1052, %get3A_1053] {strides = array<i32>} : memref<16x128xf32, #tpu.memory_space<vmem>>, vector<1x16xf32>,
      %get3A_1055 = vector.shape_cast %get3A_1054 : vector<1x16xf32> to vector<16xf32>
      %max3A_1056 = arith.maximumf %get3A_1050, %get3A_1055 : vector<16xf32>
      %get3A_1057 = arith.constant 2 : i32
      %get3A_1058 = arith.index_cast %get3A_1057 : i32 to index
      %get3A_1059 = arith.constant 32 : index
      %get3A_1060 = tpu.vector_load %arg7[%get3A_1058, %get3A_1059] {strides = array<i32>} : memref<8x128xf32, #tpu.memory_space<vmem>>, vector<1x16xf32>,
      %get3A_1061 = vector.shape_cast %get3A_1060 : vector<1x16xf32> to vector<16xf32>
      %max3A_1062 = arith.maximumf %get3A_1061, %max3A_1056 : vector<16xf32>
      %swap3A_1063 = arith.constant 2 : i32
      %swap3A_1064 = arith.index_cast %swap3A_1063 : i32 to index
      %swap3A_1065 = arith.constant 32 : index
      %swap3A_1066 = tpu.vector_load %arg7[%swap3A_1064, %swap3A_1065] {strides = array<i32>} : memref<8x128xf32, #tpu.memory_space<vmem>>, vector<1x16xf32>,
      %swap3A_1067 = vector.shape_cast %swap3A_1066 : vector<1x16xf32> to vector<16xf32>
      %swap3A_1068 = vector.shape_cast %max3A_1062 : vector<16xf32> to vector<1x16xf32>
      tpu.vector_store %arg7[%swap3A_1064, %swap3A_1065], %swap3A_1068 {strides = array<i32>} : memref<8x128xf32, #tpu.memory_space<vmem>>, vector<1x16xf32>,
      %get3A_1069 = arith.constant 2 : i32
      %get3A_1070 = arith.index_cast %get3A_1069 : i32 to index
      %get3A_1071 = arith.constant 48 : index
      %get3A_1072 = tpu.vector_load %arg6[%get3A_1070, %get3A_1071] {strides = array<i32>} : memref<16x128xf32, #tpu.memory_space<vmem>>, vector<1x16xf32>,
      %get3A_1073 = vector.shape_cast %get3A_1072 : vector<1x16xf32> to vector<16xf32>
      %get3A_1074 = arith.constant 10 : i32
      %get3A_1075 = arith.index_cast %get3A_1074 : i32 to index
      %get3A_1076 = arith.constant 48 : index
      %get3A_1077 = tpu.vector_load %arg6[%get3A_1075, %get3A_1076] {strides = array<i32>} : memref<16x128xf32, #tpu.memory_space<vmem>>, vector<1x16xf32>,
      %get3A_1078 = vector.shape_cast %get3A_1077 : vector<1x16xf32> to vector<16xf32>
      %max3A_1079 = arith.maximumf %get3A_1073, %get3A_1078 : vector<16xf32>
      %get3A_1080 = arith.constant 2 : i32
      %get3A_1081 = arith.index_cast %get3A_1080 : i32 to index
      %get3A_1082 = arith.constant 48 : index
      %get3A_1083 = tpu.vector_load %arg7[%get3A_1081, %get3A_1082] {strides = array<i32>} : memref<8x128xf32, #tpu.memory_space<vmem>>, vector<1x16xf32>,
      %get3A_1084 = vector.shape_cast %get3A_1083 : vector<1x16xf32> to vector<16xf32>
      %max3A_1085 = arith.maximumf %get3A_1084, %max3A_1079 : vector<16xf32>
      %swap3A_1086 = arith.constant 2 : i32
      %swap3A_1087 = arith.index_cast %swap3A_1086 : i32 to index
      %swap3A_1088 = arith.constant 48 : index
      %swap3A_1089 = tpu.vector_load %arg7[%swap3A_1087, %swap3A_1088] {strides = array<i32>} : memref<8x128xf32, #tpu.memory_space<vmem>>, vector<1x16xf32>,
      %swap3A_1090 = vector.shape_cast %swap3A_1089 : vector<1x16xf32> to vector<16xf32>
      %swap3A_1091 = vector.shape_cast %max3A_1085 : vector<16xf32> to vector<1x16xf32>
      tpu.vector_store %arg7[%swap3A_1087, %swap3A_1088], %swap3A_1091 {strides = array<i32>} : memref<8x128xf32, #tpu.memory_space<vmem>>, vector<1x16xf32>,
      %get3A_1092 = arith.constant 2 : i32
      %get3A_1093 = arith.index_cast %get3A_1092 : i32 to index
      %get3A_1094 = arith.constant 64 : index
      %get3A_1095 = tpu.vector_load %arg6[%get3A_1093, %get3A_1094] {strides = array<i32>} : memref<16x128xf32, #tpu.memory_space<vmem>>, vector<1x16xf32>,
      %get3A_1096 = vector.shape_cast %get3A_1095 : vector<1x16xf32> to vector<16xf32>
      %get3A_1097 = arith.constant 10 : i32
      %get3A_1098 = arith.index_cast %get3A_1097 : i32 to index
      %get3A_1099 = arith.constant 64 : index
      %get3A_1100 = tpu.vector_load %arg6[%get3A_1098, %get3A_1099] {strides = array<i32>} : memref<16x128xf32, #tpu.memory_space<vmem>>, vector<1x16xf32>,
      %get3A_1101 = vector.shape_cast %get3A_1100 : vector<1x16xf32> to vector<16xf32>
      %max3A_1102 = arith.maximumf %get3A_1096, %get3A_1101 : vector<16xf32>
      %get3A_1103 = arith.constant 2 : i32
      %get3A_1104 = arith.index_cast %get3A_1103 : i32 to index
      %get3A_1105 = arith.constant 64 : index
      %get3A_1106 = tpu.vector_load %arg7[%get3A_1104, %get3A_1105] {strides = array<i32>} : memref<8x128xf32, #tpu.memory_space<vmem>>, vector<1x16xf32>,
      %get3A_1107 = vector.shape_cast %get3A_1106 : vector<1x16xf32> to vector<16xf32>
      %max3A_1108 = arith.maximumf %get3A_1107, %max3A_1102 : vector<16xf32>
      %swap3A_1109 = arith.constant 2 : i32
      %swap3A_1110 = arith.index_cast %swap3A_1109 : i32 to index
      %swap3A_1111 = arith.constant 64 : index
      %swap3A_1112 = tpu.vector_load %arg7[%swap3A_1110, %swap3A_1111] {strides = array<i32>} : memref<8x128xf32, #tpu.memory_space<vmem>>, vector<1x16xf32>,
      %swap3A_1113 = vector.shape_cast %swap3A_1112 : vector<1x16xf32> to vector<16xf32>
      %swap3A_1114 = vector.shape_cast %max3A_1108 : vector<16xf32> to vector<1x16xf32>
      tpu.vector_store %arg7[%swap3A_1110, %swap3A_1111], %swap3A_1114 {strides = array<i32>} : memref<8x128xf32, #tpu.memory_space<vmem>>, vector<1x16xf32>,
      %get3A_1115 = arith.constant 2 : i32
      %get3A_1116 = arith.index_cast %get3A_1115 : i32 to index
      %get3A_1117 = arith.constant 80 : index
      %get3A_1118 = tpu.vector_load %arg6[%get3A_1116, %get3A_1117] {strides = array<i32>} : memref<16x128xf32, #tpu.memory_space<vmem>>, vector<1x16xf32>,
      %get3A_1119 = vector.shape_cast %get3A_1118 : vector<1x16xf32> to vector<16xf32>
      %get3A_1120 = arith.constant 10 : i32
      %get3A_1121 = arith.index_cast %get3A_1120 : i32 to index
      %get3A_1122 = arith.constant 80 : index
      %get3A_1123 = tpu.vector_load %arg6[%get3A_1121, %get3A_1122] {strides = array<i32>} : memref<16x128xf32, #tpu.memory_space<vmem>>, vector<1x16xf32>,
      %get3A_1124 = vector.shape_cast %get3A_1123 : vector<1x16xf32> to vector<16xf32>
      %max3A_1125 = arith.maximumf %get3A_1119, %get3A_1124 : vector<16xf32>
      %get3A_1126 = arith.constant 2 : i32
      %get3A_1127 = arith.index_cast %get3A_1126 : i32 to index
      %get3A_1128 = arith.constant 80 : index
      %get3A_1129 = tpu.vector_load %arg7[%get3A_1127, %get3A_1128] {strides = array<i32>} : memref<8x128xf32, #tpu.memory_space<vmem>>, vector<1x16xf32>,
      %get3A_1130 = vector.shape_cast %get3A_1129 : vector<1x16xf32> to vector<16xf32>
      %max3A_1131 = arith.maximumf %get3A_1130, %max3A_1125 : vector<16xf32>
      %swap3A_1132 = arith.constant 2 : i32
      %swap3A_1133 = arith.index_cast %swap3A_1132 : i32 to index
      %swap3A_1134 = arith.constant 80 : index
      %swap3A_1135 = tpu.vector_load %arg7[%swap3A_1133, %swap3A_1134] {strides = array<i32>} : memref<8x128xf32, #tpu.memory_space<vmem>>, vector<1x16xf32>,
      %swap3A_1136 = vector.shape_cast %swap3A_1135 : vector<1x16xf32> to vector<16xf32>
      %swap3A_1137 = vector.shape_cast %max3A_1131 : vector<16xf32> to vector<1x16xf32>
      tpu.vector_store %arg7[%swap3A_1133, %swap3A_1134], %swap3A_1137 {strides = array<i32>} : memref<8x128xf32, #tpu.memory_space<vmem>>, vector<1x16xf32>,
      %get3A_1138 = arith.constant 2 : i32
      %get3A_1139 = arith.index_cast %get3A_1138 : i32 to index
      %get3A_1140 = arith.constant 96 : index
      %get3A_1141 = tpu.vector_load %arg6[%get3A_1139, %get3A_1140] {strides = array<i32>} : memref<16x128xf32, #tpu.memory_space<vmem>>, vector<1x16xf32>,
      %get3A_1142 = vector.shape_cast %get3A_1141 : vector<1x16xf32> to vector<16xf32>
      %get3A_1143 = arith.constant 10 : i32
      %get3A_1144 = arith.index_cast %get3A_1143 : i32 to index
      %get3A_1145 = arith.constant 96 : index
      %get3A_1146 = tpu.vector_load %arg6[%get3A_1144, %get3A_1145] {strides = array<i32>} : memref<16x128xf32, #tpu.memory_space<vmem>>, vector<1x16xf32>,
      %get3A_1147 = vector.shape_cast %get3A_1146 : vector<1x16xf32> to vector<16xf32>
      %max3A_1148 = arith.maximumf %get3A_1142, %get3A_1147 : vector<16xf32>
      %get3A_1149 = arith.constant 2 : i32
      %get3A_1150 = arith.index_cast %get3A_1149 : i32 to index
      %get3A_1151 = arith.constant 96 : index
      %get3A_1152 = tpu.vector_load %arg7[%get3A_1150, %get3A_1151] {strides = array<i32>} : memref<8x128xf32, #tpu.memory_space<vmem>>, vector<1x16xf32>,
      %get3A_1153 = vector.shape_cast %get3A_1152 : vector<1x16xf32> to vector<16xf32>
      %max3A_1154 = arith.maximumf %get3A_1153, %max3A_1148 : vector<16xf32>
      %swap3A_1155 = arith.constant 2 : i32
      %swap3A_1156 = arith.index_cast %swap3A_1155 : i32 to index
      %swap3A_1157 = arith.constant 96 : index
      %swap3A_1158 = tpu.vector_load %arg7[%swap3A_1156, %swap3A_1157] {strides = array<i32>} : memref<8x128xf32, #tpu.memory_space<vmem>>, vector<1x16xf32>,
      %swap3A_1159 = vector.shape_cast %swap3A_1158 : vector<1x16xf32> to vector<16xf32>
      %swap3A_1160 = vector.shape_cast %max3A_1154 : vector<16xf32> to vector<1x16xf32>
      tpu.vector_store %arg7[%swap3A_1156, %swap3A_1157], %swap3A_1160 {strides = array<i32>} : memref<8x128xf32, #tpu.memory_space<vmem>>, vector<1x16xf32>,
      %get3A_1161 = arith.constant 2 : i32
      %get3A_1162 = arith.index_cast %get3A_1161 : i32 to index
      %get3A_1163 = arith.constant 112 : index
      %get3A_1164 = tpu.vector_load %arg6[%get3A_1162, %get3A_1163] {strides = array<i32>} : memref<16x128xf32, #tpu.memory_space<vmem>>, vector<1x16xf32>,
      %get3A_1165 = vector.shape_cast %get3A_1164 : vector<1x16xf32> to vector<16xf32>
      %get3A_1166 = arith.constant 10 : i32
      %get3A_1167 = arith.index_cast %get3A_1166 : i32 to index
      %get3A_1168 = arith.constant 112 : index
      %get3A_1169 = tpu.vector_load %arg6[%get3A_1167, %get3A_1168] {strides = array<i32>} : memref<16x128xf32, #tpu.memory_space<vmem>>, vector<1x16xf32>,
      %get3A_1170 = vector.shape_cast %get3A_1169 : vector<1x16xf32> to vector<16xf32>
      %max3A_1171 = arith.maximumf %get3A_1165, %get3A_1170 : vector<16xf32>
      %get3A_1172 = arith.constant 2 : i32
      %get3A_1173 = arith.index_cast %get3A_1172 : i32 to index
      %get3A_1174 = arith.constant 112 : index
      %get3A_1175 = tpu.vector_load %arg7[%get3A_1173, %get3A_1174] {strides = array<i32>} : memref<8x128xf32, #tpu.memory_space<vmem>>, vector<1x16xf32>,
      %get3A_1176 = vector.shape_cast %get3A_1175 : vector<1x16xf32> to vector<16xf32>
      %max3A_1177 = arith.maximumf %get3A_1176, %max3A_1171 : vector<16xf32>
      %swap3A_1178 = arith.constant 2 : i32
      %swap3A_1179 = arith.index_cast %swap3A_1178 : i32 to index
      %swap3A_1180 = arith.constant 112 : index
      %swap3A_1181 = tpu.vector_load %arg7[%swap3A_1179, %swap3A_1180] {strides = array<i32>} : memref<8x128xf32, #tpu.memory_space<vmem>>, vector<1x16xf32>,
      %swap3A_1182 = vector.shape_cast %swap3A_1181 : vector<1x16xf32> to vector<16xf32>
      %swap3A_1183 = vector.shape_cast %max3A_1177 : vector<16xf32> to vector<1x16xf32>
      tpu.vector_store %arg7[%swap3A_1179, %swap3A_1180], %swap3A_1183 {strides = array<i32>} : memref<8x128xf32, #tpu.memory_space<vmem>>, vector<1x16xf32>,
      %get3A_1184 = arith.constant 3 : i32
      %get3A_1185 = arith.index_cast %get3A_1184 : i32 to index
      %get3A_1186 = arith.constant 0 : index
      %get3A_1187 = tpu.vector_load %arg6[%get3A_1185, %get3A_1186] {strides = array<i32>} : memref<16x128xf32, #tpu.memory_space<vmem>>, vector<1x16xf32>,
      %get3A_1188 = vector.shape_cast %get3A_1187 : vector<1x16xf32> to vector<16xf32>
      %get3A_1189 = arith.constant 11 : i32
      %get3A_1190 = arith.index_cast %get3A_1189 : i32 to index
      %get3A_1191 = arith.constant 0 : index
      %get3A_1192 = tpu.vector_load %arg6[%get3A_1190, %get3A_1191] {strides = array<i32>} : memref<16x128xf32, #tpu.memory_space<vmem>>, vector<1x16xf32>,
      %get3A_1193 = vector.shape_cast %get3A_1192 : vector<1x16xf32> to vector<16xf32>
      %max3A_1194 = arith.maximumf %get3A_1188, %get3A_1193 : vector<16xf32>
      %get3A_1195 = arith.constant 3 : i32
      %get3A_1196 = arith.index_cast %get3A_1195 : i32 to index
      %get3A_1197 = arith.constant 0 : index
      %get3A_1198 = tpu.vector_load %arg7[%get3A_1196, %get3A_1197] {strides = array<i32>} : memref<8x128xf32, #tpu.memory_space<vmem>>, vector<1x16xf32>,
      %get3A_1199 = vector.shape_cast %get3A_1198 : vector<1x16xf32> to vector<16xf32>
      %max3A_1200 = arith.maximumf %get3A_1199, %max3A_1194 : vector<16xf32>
      %swap3A_1201 = arith.constant 3 : i32
      %swap3A_1202 = arith.index_cast %swap3A_1201 : i32 to index
      %swap3A_1203 = arith.constant 0 : index
      %swap3A_1204 = tpu.vector_load %arg7[%swap3A_1202, %swap3A_1203] {strides = array<i32>} : memref<8x128xf32, #tpu.memory_space<vmem>>, vector<1x16xf32>,
      %swap3A_1205 = vector.shape_cast %swap3A_1204 : vector<1x16xf32> to vector<16xf32>
      %swap3A_1206 = vector.shape_cast %max3A_1200 : vector<16xf32> to vector<1x16xf32>
      tpu.vector_store %arg7[%swap3A_1202, %swap3A_1203], %swap3A_1206 {strides = array<i32>} : memref<8x128xf32, #tpu.memory_space<vmem>>, vector<1x16xf32>,
      %get3A_1207 = arith.constant 3 : i32
      %get3A_1208 = arith.index_cast %get3A_1207 : i32 to index
      %get3A_1209 = arith.constant 16 : index
      %get3A_1210 = tpu.vector_load %arg6[%get3A_1208, %get3A_1209] {strides = array<i32>} : memref<16x128xf32, #tpu.memory_space<vmem>>, vector<1x16xf32>,
      %get3A_1211 = vector.shape_cast %get3A_1210 : vector<1x16xf32> to vector<16xf32>
      %get3A_1212 = arith.constant 11 : i32
      %get3A_1213 = arith.index_cast %get3A_1212 : i32 to index
      %get3A_1214 = arith.constant 16 : index
      %get3A_1215 = tpu.vector_load %arg6[%get3A_1213, %get3A_1214] {strides = array<i32>} : memref<16x128xf32, #tpu.memory_space<vmem>>, vector<1x16xf32>,
      %get3A_1216 = vector.shape_cast %get3A_1215 : vector<1x16xf32> to vector<16xf32>
      %max3A_1217 = arith.maximumf %get3A_1211, %get3A_1216 : vector<16xf32>
      %get3A_1218 = arith.constant 3 : i32
      %get3A_1219 = arith.index_cast %get3A_1218 : i32 to index
      %get3A_1220 = arith.constant 16 : index
      %get3A_1221 = tpu.vector_load %arg7[%get3A_1219, %get3A_1220] {strides = array<i32>} : memref<8x128xf32, #tpu.memory_space<vmem>>, vector<1x16xf32>,
      %get3A_1222 = vector.shape_cast %get3A_1221 : vector<1x16xf32> to vector<16xf32>
      %max3A_1223 = arith.maximumf %get3A_1222, %max3A_1217 : vector<16xf32>
      %swap3A_1224 = arith.constant 3 : i32
      %swap3A_1225 = arith.index_cast %swap3A_1224 : i32 to index
      %swap3A_1226 = arith.constant 16 : index
      %swap3A_1227 = tpu.vector_load %arg7[%swap3A_1225, %swap3A_1226] {strides = array<i32>} : memref<8x128xf32, #tpu.memory_space<vmem>>, vector<1x16xf32>,
      %swap3A_1228 = vector.shape_cast %swap3A_1227 : vector<1x16xf32> to vector<16xf32>
      %swap3A_1229 = vector.shape_cast %max3A_1223 : vector<16xf32> to vector<1x16xf32>
      tpu.vector_store %arg7[%swap3A_1225, %swap3A_1226], %swap3A_1229 {strides = array<i32>} : memref<8x128xf32, #tpu.memory_space<vmem>>, vector<1x16xf32>,
      %get3A_1230 = arith.constant 3 : i32
      %get3A_1231 = arith.index_cast %get3A_1230 : i32 to index
      %get3A_1232 = arith.constant 32 : index
      %get3A_1233 = tpu.vector_load %arg6[%get3A_1231, %get3A_1232] {strides = array<i32>} : memref<16x128xf32, #tpu.memory_space<vmem>>, vector<1x16xf32>,
      %get3A_1234 = vector.shape_cast %get3A_1233 : vector<1x16xf32> to vector<16xf32>
      %get3A_1235 = arith.constant 11 : i32
      %get3A_1236 = arith.index_cast %get3A_1235 : i32 to index
      %get3A_1237 = arith.constant 32 : index
      %get3A_1238 = tpu.vector_load %arg6[%get3A_1236, %get3A_1237] {strides = array<i32>} : memref<16x128xf32, #tpu.memory_space<vmem>>, vector<1x16xf32>,
      %get3A_1239 = vector.shape_cast %get3A_1238 : vector<1x16xf32> to vector<16xf32>
      %max3A_1240 = arith.maximumf %get3A_1234, %get3A_1239 : vector<16xf32>
      %get3A_1241 = arith.constant 3 : i32
      %get3A_1242 = arith.index_cast %get3A_1241 : i32 to index
      %get3A_1243 = arith.constant 32 : index
      %get3A_1244 = tpu.vector_load %arg7[%get3A_1242, %get3A_1243] {strides = array<i32>} : memref<8x128xf32, #tpu.memory_space<vmem>>, vector<1x16xf32>,
      %get3A_1245 = vector.shape_cast %get3A_1244 : vector<1x16xf32> to vector<16xf32>
      %max3A_1246 = arith.maximumf %get3A_1245, %max3A_1240 : vector<16xf32>
      %swap3A_1247 = arith.constant 3 : i32
      %swap3A_1248 = arith.index_cast %swap3A_1247 : i32 to index
      %swap3A_1249 = arith.constant 32 : index
      %swap3A_1250 = tpu.vector_load %arg7[%swap3A_1248, %swap3A_1249] {strides = array<i32>} : memref<8x128xf32, #tpu.memory_space<vmem>>, vector<1x16xf32>,
      %swap3A_1251 = vector.shape_cast %swap3A_1250 : vector<1x16xf32> to vector<16xf32>
      %swap3A_1252 = vector.shape_cast %max3A_1246 : vector<16xf32> to vector<1x16xf32>
      tpu.vector_store %arg7[%swap3A_1248, %swap3A_1249], %swap3A_1252 {strides = array<i32>} : memref<8x128xf32, #tpu.memory_space<vmem>>, vector<1x16xf32>,
      %get3A_1253 = arith.constant 3 : i32
      %get3A_1254 = arith.index_cast %get3A_1253 : i32 to index
      %get3A_1255 = arith.constant 48 : index
      %get3A_1256 = tpu.vector_load %arg6[%get3A_1254, %get3A_1255] {strides = array<i32>} : memref<16x128xf32, #tpu.memory_space<vmem>>, vector<1x16xf32>,
      %get3A_1257 = vector.shape_cast %get3A_1256 : vector<1x16xf32> to vector<16xf32>
      %get3A_1258 = arith.constant 11 : i32
      %get3A_1259 = arith.index_cast %get3A_1258 : i32 to index
      %get3A_1260 = arith.constant 48 : index
      %get3A_1261 = tpu.vector_load %arg6[%get3A_1259, %get3A_1260] {strides = array<i32>} : memref<16x128xf32, #tpu.memory_space<vmem>>, vector<1x16xf32>,
      %get3A_1262 = vector.shape_cast %get3A_1261 : vector<1x16xf32> to vector<16xf32>
      %max3A_1263 = arith.maximumf %get3A_1257, %get3A_1262 : vector<16xf32>
      %get3A_1264 = arith.constant 3 : i32
      %get3A_1265 = arith.index_cast %get3A_1264 : i32 to index
      %get3A_1266 = arith.constant 48 : index
      %get3A_1267 = tpu.vector_load %arg7[%get3A_1265, %get3A_1266] {strides = array<i32>} : memref<8x128xf32, #tpu.memory_space<vmem>>, vector<1x16xf32>,
      %get3A_1268 = vector.shape_cast %get3A_1267 : vector<1x16xf32> to vector<16xf32>
      %max3A_1269 = arith.maximumf %get3A_1268, %max3A_1263 : vector<16xf32>
      %swap3A_1270 = arith.constant 3 : i32
      %swap3A_1271 = arith.index_cast %swap3A_1270 : i32 to index
      %swap3A_1272 = arith.constant 48 : index
      %swap3A_1273 = tpu.vector_load %arg7[%swap3A_1271, %swap3A_1272] {strides = array<i32>} : memref<8x128xf32, #tpu.memory_space<vmem>>, vector<1x16xf32>,
      %swap3A_1274 = vector.shape_cast %swap3A_1273 : vector<1x16xf32> to vector<16xf32>
      %swap3A_1275 = vector.shape_cast %max3A_1269 : vector<16xf32> to vector<1x16xf32>
      tpu.vector_store %arg7[%swap3A_1271, %swap3A_1272], %swap3A_1275 {strides = array<i32>} : memref<8x128xf32, #tpu.memory_space<vmem>>, vector<1x16xf32>,
      %get3A_1276 = arith.constant 3 : i32
      %get3A_1277 = arith.index_cast %get3A_1276 : i32 to index
      %get3A_1278 = arith.constant 64 : index
      %get3A_1279 = tpu.vector_load %arg6[%get3A_1277, %get3A_1278] {strides = array<i32>} : memref<16x128xf32, #tpu.memory_space<vmem>>, vector<1x16xf32>,
      %get3A_1280 = vector.shape_cast %get3A_1279 : vector<1x16xf32> to vector<16xf32>
      %get3A_1281 = arith.constant 11 : i32
      %get3A_1282 = arith.index_cast %get3A_1281 : i32 to index
      %get3A_1283 = arith.constant 64 : index
      %get3A_1284 = tpu.vector_load %arg6[%get3A_1282, %get3A_1283] {strides = array<i32>} : memref<16x128xf32, #tpu.memory_space<vmem>>, vector<1x16xf32>,
      %get3A_1285 = vector.shape_cast %get3A_1284 : vector<1x16xf32> to vector<16xf32>
      %max3A_1286 = arith.maximumf %get3A_1280, %get3A_1285 : vector<16xf32>
      %get3A_1287 = arith.constant 3 : i32
      %get3A_1288 = arith.index_cast %get3A_1287 : i32 to index
      %get3A_1289 = arith.constant 64 : index
      %get3A_1290 = tpu.vector_load %arg7[%get3A_1288, %get3A_1289] {strides = array<i32>} : memref<8x128xf32, #tpu.memory_space<vmem>>, vector<1x16xf32>,
      %get3A_1291 = vector.shape_cast %get3A_1290 : vector<1x16xf32> to vector<16xf32>
      %max3A_1292 = arith.maximumf %get3A_1291, %max3A_1286 : vector<16xf32>
      %swap3A_1293 = arith.constant 3 : i32
      %swap3A_1294 = arith.index_cast %swap3A_1293 : i32 to index
      %swap3A_1295 = arith.constant 64 : index
      %swap3A_1296 = tpu.vector_load %arg7[%swap3A_1294, %swap3A_1295] {strides = array<i32>} : memref<8x128xf32, #tpu.memory_space<vmem>>, vector<1x16xf32>,
      %swap3A_1297 = vector.shape_cast %swap3A_1296 : vector<1x16xf32> to vector<16xf32>
      %swap3A_1298 = vector.shape_cast %max3A_1292 : vector<16xf32> to vector<1x16xf32>
      tpu.vector_store %arg7[%swap3A_1294, %swap3A_1295], %swap3A_1298 {strides = array<i32>} : memref<8x128xf32, #tpu.memory_space<vmem>>, vector<1x16xf32>,
      %get3A_1299 = arith.constant 3 : i32
      %get3A_1300 = arith.index_cast %get3A_1299 : i32 to index
      %get3A_1301 = arith.constant 80 : index
      %get3A_1302 = tpu.vector_load %arg6[%get3A_1300, %get3A_1301] {strides = array<i32>} : memref<16x128xf32, #tpu.memory_space<vmem>>, vector<1x16xf32>,
      %get3A_1303 = vector.shape_cast %get3A_1302 : vector<1x16xf32> to vector<16xf32>
      %get3A_1304 = arith.constant 11 : i32
      %get3A_1305 = arith.index_cast %get3A_1304 : i32 to index
      %get3A_1306 = arith.constant 80 : index
      %get3A_1307 = tpu.vector_load %arg6[%get3A_1305, %get3A_1306] {strides = array<i32>} : memref<16x128xf32, #tpu.memory_space<vmem>>, vector<1x16xf32>,
      %get3A_1308 = vector.shape_cast %get3A_1307 : vector<1x16xf32> to vector<16xf32>
      %max3A_1309 = arith.maximumf %get3A_1303, %get3A_1308 : vector<16xf32>
      %get3A_1310 = arith.constant 3 : i32
      %get3A_1311 = arith.index_cast %get3A_1310 : i32 to index
      %get3A_1312 = arith.constant 80 : index
      %get3A_1313 = tpu.vector_load %arg7[%get3A_1311, %get3A_1312] {strides = array<i32>} : memref<8x128xf32, #tpu.memory_space<vmem>>, vector<1x16xf32>,
      %get3A_1314 = vector.shape_cast %get3A_1313 : vector<1x16xf32> to vector<16xf32>
      %max3A_1315 = arith.maximumf %get3A_1314, %max3A_1309 : vector<16xf32>
      %swap3A_1316 = arith.constant 3 : i32
      %swap3A_1317 = arith.index_cast %swap3A_1316 : i32 to index
      %swap3A_1318 = arith.constant 80 : index
      %swap3A_1319 = tpu.vector_load %arg7[%swap3A_1317, %swap3A_1318] {strides = array<i32>} : memref<8x128xf32, #tpu.memory_space<vmem>>, vector<1x16xf32>,
      %swap3A_1320 = vector.shape_cast %swap3A_1319 : vector<1x16xf32> to vector<16xf32>
      %swap3A_1321 = vector.shape_cast %max3A_1315 : vector<16xf32> to vector<1x16xf32>
      tpu.vector_store %arg7[%swap3A_1317, %swap3A_1318], %swap3A_1321 {strides = array<i32>} : memref<8x128xf32, #tpu.memory_space<vmem>>, vector<1x16xf32>,
      %get3A_1322 = arith.constant 3 : i32
      %get3A_1323 = arith.index_cast %get3A_1322 : i32 to index
      %get3A_1324 = arith.constant 96 : index
      %get3A_1325 = tpu.vector_load %arg6[%get3A_1323, %get3A_1324] {strides = array<i32>} : memref<16x128xf32, #tpu.memory_space<vmem>>, vector<1x16xf32>,
      %get3A_1326 = vector.shape_cast %get3A_1325 : vector<1x16xf32> to vector<16xf32>
      %get3A_1327 = arith.constant 11 : i32
      %get3A_1328 = arith.index_cast %get3A_1327 : i32 to index
      %get3A_1329 = arith.constant 96 : index
      %get3A_1330 = tpu.vector_load %arg6[%get3A_1328, %get3A_1329] {strides = array<i32>} : memref<16x128xf32, #tpu.memory_space<vmem>>, vector<1x16xf32>,
      %get3A_1331 = vector.shape_cast %get3A_1330 : vector<1x16xf32> to vector<16xf32>
      %max3A_1332 = arith.maximumf %get3A_1326, %get3A_1331 : vector<16xf32>
      %get3A_1333 = arith.constant 3 : i32
      %get3A_1334 = arith.index_cast %get3A_1333 : i32 to index
      %get3A_1335 = arith.constant 96 : index
      %get3A_1336 = tpu.vector_load %arg7[%get3A_1334, %get3A_1335] {strides = array<i32>} : memref<8x128xf32, #tpu.memory_space<vmem>>, vector<1x16xf32>,
      %get3A_1337 = vector.shape_cast %get3A_1336 : vector<1x16xf32> to vector<16xf32>
      %max3A_1338 = arith.maximumf %get3A_1337, %max3A_1332 : vector<16xf32>
      %swap3A_1339 = arith.constant 3 : i32
      %swap3A_1340 = arith.index_cast %swap3A_1339 : i32 to index
      %swap3A_1341 = arith.constant 96 : index
      %swap3A_1342 = tpu.vector_load %arg7[%swap3A_1340, %swap3A_1341] {strides = array<i32>} : memref<8x128xf32, #tpu.memory_space<vmem>>, vector<1x16xf32>,
      %swap3A_1343 = vector.shape_cast %swap3A_1342 : vector<1x16xf32> to vector<16xf32>
      %swap3A_1344 = vector.shape_cast %max3A_1338 : vector<16xf32> to vector<1x16xf32>
      tpu.vector_store %arg7[%swap3A_1340, %swap3A_1341], %swap3A_1344 {strides = array<i32>} : memref<8x128xf32, #tpu.memory_space<vmem>>, vector<1x16xf32>,
      %get3A_1345 = arith.constant 3 : i32
      %get3A_1346 = arith.index_cast %get3A_1345 : i32 to index
      %get3A_1347 = arith.constant 112 : index
      %get3A_1348 = tpu.vector_load %arg6[%get3A_1346, %get3A_1347] {strides = array<i32>} : memref<16x128xf32, #tpu.memory_space<vmem>>, vector<1x16xf32>,
      %get3A_1349 = vector.shape_cast %get3A_1348 : vector<1x16xf32> to vector<16xf32>
      %get3A_1350 = arith.constant 11 : i32
      %get3A_1351 = arith.index_cast %get3A_1350 : i32 to index
      %get3A_1352 = arith.constant 112 : index
      %get3A_1353 = tpu.vector_load %arg6[%get3A_1351, %get3A_1352] {strides = array<i32>} : memref<16x128xf32, #tpu.memory_space<vmem>>, vector<1x16xf32>,
      %get3A_1354 = vector.shape_cast %get3A_1353 : vector<1x16xf32> to vector<16xf32>
      %max3A_1355 = arith.maximumf %get3A_1349, %get3A_1354 : vector<16xf32>
      %get3A_1356 = arith.constant 3 : i32
      %get3A_1357 = arith.index_cast %get3A_1356 : i32 to index
      %get3A_1358 = arith.constant 112 : index
      %get3A_1359 = tpu.vector_load %arg7[%get3A_1357, %get3A_1358] {strides = array<i32>} : memref<8x128xf32, #tpu.memory_space<vmem>>, vector<1x16xf32>,
      %get3A_1360 = vector.shape_cast %get3A_1359 : vector<1x16xf32> to vector<16xf32>
      %max3A_1361 = arith.maximumf %get3A_1360, %max3A_1355 : vector<16xf32>
      %swap3A_1362 = arith.constant 3 : i32
      %swap3A_1363 = arith.index_cast %swap3A_1362 : i32 to index
      %swap3A_1364 = arith.constant 112 : index
      %swap3A_1365 = tpu.vector_load %arg7[%swap3A_1363, %swap3A_1364] {strides = array<i32>} : memref<8x128xf32, #tpu.memory_space<vmem>>, vector<1x16xf32>,
      %swap3A_1366 = vector.shape_cast %swap3A_1365 : vector<1x16xf32> to vector<16xf32>
      %swap3A_1367 = vector.shape_cast %max3A_1361 : vector<16xf32> to vector<1x16xf32>
      tpu.vector_store %arg7[%swap3A_1363, %swap3A_1364], %swap3A_1367 {strides = array<i32>} : memref<8x128xf32, #tpu.memory_space<vmem>>, vector<1x16xf32>,
      %get3A_1368 = arith.constant 4 : i32
      %get3A_1369 = arith.index_cast %get3A_1368 : i32 to index
      %get3A_1370 = arith.constant 0 : index
      %get3A_1371 = tpu.vector_load %arg6[%get3A_1369, %get3A_1370] {strides = array<i32>} : memref<16x128xf32, #tpu.memory_space<vmem>>, vector<1x16xf32>,
      %get3A_1372 = vector.shape_cast %get3A_1371 : vector<1x16xf32> to vector<16xf32>
      %get3A_1373 = arith.constant 12 : i32
      %get3A_1374 = arith.index_cast %get3A_1373 : i32 to index
      %get3A_1375 = arith.constant 0 : index
      %get3A_1376 = tpu.vector_load %arg6[%get3A_1374, %get3A_1375] {strides = array<i32>} : memref<16x128xf32, #tpu.memory_space<vmem>>, vector<1x16xf32>,
      %get3A_1377 = vector.shape_cast %get3A_1376 : vector<1x16xf32> to vector<16xf32>
      %max3A_1378 = arith.maximumf %get3A_1372, %get3A_1377 : vector<16xf32>
      %get3A_1379 = arith.constant 4 : i32
      %get3A_1380 = arith.index_cast %get3A_1379 : i32 to index
      %get3A_1381 = arith.constant 0 : index
      %get3A_1382 = tpu.vector_load %arg7[%get3A_1380, %get3A_1381] {strides = array<i32>} : memref<8x128xf32, #tpu.memory_space<vmem>>, vector<1x16xf32>,
      %get3A_1383 = vector.shape_cast %get3A_1382 : vector<1x16xf32> to vector<16xf32>
      %max3A_1384 = arith.maximumf %get3A_1383, %max3A_1378 : vector<16xf32>
      %swap3A_1385 = arith.constant 4 : i32
      %swap3A_1386 = arith.index_cast %swap3A_1385 : i32 to index
      %swap3A_1387 = arith.constant 0 : index
      %swap3A_1388 = tpu.vector_load %arg7[%swap3A_1386, %swap3A_1387] {strides = array<i32>} : memref<8x128xf32, #tpu.memory_space<vmem>>, vector<1x16xf32>,
      %swap3A_1389 = vector.shape_cast %swap3A_1388 : vector<1x16xf32> to vector<16xf32>
      %swap3A_1390 = vector.shape_cast %max3A_1384 : vector<16xf32> to vector<1x16xf32>
      tpu.vector_store %arg7[%swap3A_1386, %swap3A_1387], %swap3A_1390 {strides = array<i32>} : memref<8x128xf32, #tpu.memory_space<vmem>>, vector<1x16xf32>,
      %get3A_1391 = arith.constant 4 : i32
      %get3A_1392 = arith.index_cast %get3A_1391 : i32 to index
      %get3A_1393 = arith.constant 16 : index
      %get3A_1394 = tpu.vector_load %arg6[%get3A_1392, %get3A_1393] {strides = array<i32>} : memref<16x128xf32, #tpu.memory_space<vmem>>, vector<1x16xf32>,
      %get3A_1395 = vector.shape_cast %get3A_1394 : vector<1x16xf32> to vector<16xf32>
      %get3A_1396 = arith.constant 12 : i32
      %get3A_1397 = arith.index_cast %get3A_1396 : i32 to index
      %get3A_1398 = arith.constant 16 : index
      %get3A_1399 = tpu.vector_load %arg6[%get3A_1397, %get3A_1398] {strides = array<i32>} : memref<16x128xf32, #tpu.memory_space<vmem>>, vector<1x16xf32>,
      %get3A_1400 = vector.shape_cast %get3A_1399 : vector<1x16xf32> to vector<16xf32>
      %max3A_1401 = arith.maximumf %get3A_1395, %get3A_1400 : vector<16xf32>
      %get3A_1402 = arith.constant 4 : i32
      %get3A_1403 = arith.index_cast %get3A_1402 : i32 to index
      %get3A_1404 = arith.constant 16 : index
      %get3A_1405 = tpu.vector_load %arg7[%get3A_1403, %get3A_1404] {strides = array<i32>} : memref<8x128xf32, #tpu.memory_space<vmem>>, vector<1x16xf32>,
      %get3A_1406 = vector.shape_cast %get3A_1405 : vector<1x16xf32> to vector<16xf32>
      %max3A_1407 = arith.maximumf %get3A_1406, %max3A_1401 : vector<16xf32>
      %swap3A_1408 = arith.constant 4 : i32
      %swap3A_1409 = arith.index_cast %swap3A_1408 : i32 to index
      %swap3A_1410 = arith.constant 16 : index
      %swap3A_1411 = tpu.vector_load %arg7[%swap3A_1409, %swap3A_1410] {strides = array<i32>} : memref<8x128xf32, #tpu.memory_space<vmem>>, vector<1x16xf32>,
      %swap3A_1412 = vector.shape_cast %swap3A_1411 : vector<1x16xf32> to vector<16xf32>
      %swap3A_1413 = vector.shape_cast %max3A_1407 : vector<16xf32> to vector<1x16xf32>
      tpu.vector_store %arg7[%swap3A_1409, %swap3A_1410], %swap3A_1413 {strides = array<i32>} : memref<8x128xf32, #tpu.memory_space<vmem>>, vector<1x16xf32>,
      %get3A_1414 = arith.constant 4 : i32
      %get3A_1415 = arith.index_cast %get3A_1414 : i32 to index
      %get3A_1416 = arith.constant 32 : index
      %get3A_1417 = tpu.vector_load %arg6[%get3A_1415, %get3A_1416] {strides = array<i32>} : memref<16x128xf32, #tpu.memory_space<vmem>>, vector<1x16xf32>,
      %get3A_1418 = vector.shape_cast %get3A_1417 : vector<1x16xf32> to vector<16xf32>
      %get3A_1419 = arith.constant 12 : i32
      %get3A_1420 = arith.index_cast %get3A_1419 : i32 to index
      %get3A_1421 = arith.constant 32 : index
      %get3A_1422 = tpu.vector_load %arg6[%get3A_1420, %get3A_1421] {strides = array<i32>} : memref<16x128xf32, #tpu.memory_space<vmem>>, vector<1x16xf32>,
      %get3A_1423 = vector.shape_cast %get3A_1422 : vector<1x16xf32> to vector<16xf32>
      %max3A_1424 = arith.maximumf %get3A_1418, %get3A_1423 : vector<16xf32>
      %get3A_1425 = arith.constant 4 : i32
      %get3A_1426 = arith.index_cast %get3A_1425 : i32 to index
      %get3A_1427 = arith.constant 32 : index
      %get3A_1428 = tpu.vector_load %arg7[%get3A_1426, %get3A_1427] {strides = array<i32>} : memref<8x128xf32, #tpu.memory_space<vmem>>, vector<1x16xf32>,
      %get3A_1429 = vector.shape_cast %get3A_1428 : vector<1x16xf32> to vector<16xf32>
      %max3A_1430 = arith.maximumf %get3A_1429, %max3A_1424 : vector<16xf32>
      %swap3A_1431 = arith.constant 4 : i32
      %swap3A_1432 = arith.index_cast %swap3A_1431 : i32 to index
      %swap3A_1433 = arith.constant 32 : index
      %swap3A_1434 = tpu.vector_load %arg7[%swap3A_1432, %swap3A_1433] {strides = array<i32>} : memref<8x128xf32, #tpu.memory_space<vmem>>, vector<1x16xf32>,
      %swap3A_1435 = vector.shape_cast %swap3A_1434 : vector<1x16xf32> to vector<16xf32>
      %swap3A_1436 = vector.shape_cast %max3A_1430 : vector<16xf32> to vector<1x16xf32>
      tpu.vector_store %arg7[%swap3A_1432, %swap3A_1433], %swap3A_1436 {strides = array<i32>} : memref<8x128xf32, #tpu.memory_space<vmem>>, vector<1x16xf32>,
      %get3A_1437 = arith.constant 4 : i32
      %get3A_1438 = arith.index_cast %get3A_1437 : i32 to index
      %get3A_1439 = arith.constant 48 : index
      %get3A_1440 = tpu.vector_load %arg6[%get3A_1438, %get3A_1439] {strides = array<i32>} : memref<16x128xf32, #tpu.memory_space<vmem>>, vector<1x16xf32>,
      %get3A_1441 = vector.shape_cast %get3A_1440 : vector<1x16xf32> to vector<16xf32>
      %get3A_1442 = arith.constant 12 : i32
      %get3A_1443 = arith.index_cast %get3A_1442 : i32 to index
      %get3A_1444 = arith.constant 48 : index
      %get3A_1445 = tpu.vector_load %arg6[%get3A_1443, %get3A_1444] {strides = array<i32>} : memref<16x128xf32, #tpu.memory_space<vmem>>, vector<1x16xf32>,
      %get3A_1446 = vector.shape_cast %get3A_1445 : vector<1x16xf32> to vector<16xf32>
      %max3A_1447 = arith.maximumf %get3A_1441, %get3A_1446 : vector<16xf32>
      %get3A_1448 = arith.constant 4 : i32
      %get3A_1449 = arith.index_cast %get3A_1448 : i32 to index
      %get3A_1450 = arith.constant 48 : index
      %get3A_1451 = tpu.vector_load %arg7[%get3A_1449, %get3A_1450] {strides = array<i32>} : memref<8x128xf32, #tpu.memory_space<vmem>>, vector<1x16xf32>,
      %get3A_1452 = vector.shape_cast %get3A_1451 : vector<1x16xf32> to vector<16xf32>
      %max3A_1453 = arith.maximumf %get3A_1452, %max3A_1447 : vector<16xf32>
      %swap3A_1454 = arith.constant 4 : i32
      %swap3A_1455 = arith.index_cast %swap3A_1454 : i32 to index
      %swap3A_1456 = arith.constant 48 : index
      %swap3A_1457 = tpu.vector_load %arg7[%swap3A_1455, %swap3A_1456] {strides = array<i32>} : memref<8x128xf32, #tpu.memory_space<vmem>>, vector<1x16xf32>,
      %swap3A_1458 = vector.shape_cast %swap3A_1457 : vector<1x16xf32> to vector<16xf32>
      %swap3A_1459 = vector.shape_cast %max3A_1453 : vector<16xf32> to vector<1x16xf32>
      tpu.vector_store %arg7[%swap3A_1455, %swap3A_1456], %swap3A_1459 {strides = array<i32>} : memref<8x128xf32, #tpu.memory_space<vmem>>, vector<1x16xf32>,
      %get3A_1460 = arith.constant 4 : i32
      %get3A_1461 = arith.index_cast %get3A_1460 : i32 to index
      %get3A_1462 = arith.constant 64 : index
      %get3A_1463 = tpu.vector_load %arg6[%get3A_1461, %get3A_1462] {strides = array<i32>} : memref<16x128xf32, #tpu.memory_space<vmem>>, vector<1x16xf32>,
      %get3A_1464 = vector.shape_cast %get3A_1463 : vector<1x16xf32> to vector<16xf32>
      %get3A_1465 = arith.constant 12 : i32
      %get3A_1466 = arith.index_cast %get3A_1465 : i32 to index
      %get3A_1467 = arith.constant 64 : index
      %get3A_1468 = tpu.vector_load %arg6[%get3A_1466, %get3A_1467] {strides = array<i32>} : memref<16x128xf32, #tpu.memory_space<vmem>>, vector<1x16xf32>,
      %get3A_1469 = vector.shape_cast %get3A_1468 : vector<1x16xf32> to vector<16xf32>
      %max3A_1470 = arith.maximumf %get3A_1464, %get3A_1469 : vector<16xf32>
      %get3A_1471 = arith.constant 4 : i32
      %get3A_1472 = arith.index_cast %get3A_1471 : i32 to index
      %get3A_1473 = arith.constant 64 : index
      %get3A_1474 = tpu.vector_load %arg7[%get3A_1472, %get3A_1473] {strides = array<i32>} : memref<8x128xf32, #tpu.memory_space<vmem>>, vector<1x16xf32>,
      %get3A_1475 = vector.shape_cast %get3A_1474 : vector<1x16xf32> to vector<16xf32>
      %max3A_1476 = arith.maximumf %get3A_1475, %max3A_1470 : vector<16xf32>
      %swap3A_1477 = arith.constant 4 : i32
      %swap3A_1478 = arith.index_cast %swap3A_1477 : i32 to index
      %swap3A_1479 = arith.constant 64 : index
      %swap3A_1480 = tpu.vector_load %arg7[%swap3A_1478, %swap3A_1479] {strides = array<i32>} : memref<8x128xf32, #tpu.memory_space<vmem>>, vector<1x16xf32>,
      %swap3A_1481 = vector.shape_cast %swap3A_1480 : vector<1x16xf32> to vector<16xf32>
      %swap3A_1482 = vector.shape_cast %max3A_1476 : vector<16xf32> to vector<1x16xf32>
      tpu.vector_store %arg7[%swap3A_1478, %swap3A_1479], %swap3A_1482 {strides = array<i32>} : memref<8x128xf32, #tpu.memory_space<vmem>>, vector<1x16xf32>,
      %get3A_1483 = arith.constant 4 : i32
      %get3A_1484 = arith.index_cast %get3A_1483 : i32 to index
      %get3A_1485 = arith.constant 80 : index
      %get3A_1486 = tpu.vector_load %arg6[%get3A_1484, %get3A_1485] {strides = array<i32>} : memref<16x128xf32, #tpu.memory_space<vmem>>, vector<1x16xf32>,
      %get3A_1487 = vector.shape_cast %get3A_1486 : vector<1x16xf32> to vector<16xf32>
      %get3A_1488 = arith.constant 12 : i32
      %get3A_1489 = arith.index_cast %get3A_1488 : i32 to index
      %get3A_1490 = arith.constant 80 : index
      %get3A_1491 = tpu.vector_load %arg6[%get3A_1489, %get3A_1490] {strides = array<i32>} : memref<16x128xf32, #tpu.memory_space<vmem>>, vector<1x16xf32>,
      %get3A_1492 = vector.shape_cast %get3A_1491 : vector<1x16xf32> to vector<16xf32>
      %max3A_1493 = arith.maximumf %get3A_1487, %get3A_1492 : vector<16xf32>
      %get3A_1494 = arith.constant 4 : i32
      %get3A_1495 = arith.index_cast %get3A_1494 : i32 to index
      %get3A_1496 = arith.constant 80 : index
      %get3A_1497 = tpu.vector_load %arg7[%get3A_1495, %get3A_1496] {strides = array<i32>} : memref<8x128xf32, #tpu.memory_space<vmem>>, vector<1x16xf32>,
      %get3A_1498 = vector.shape_cast %get3A_1497 : vector<1x16xf32> to vector<16xf32>
      %max3A_1499 = arith.maximumf %get3A_1498, %max3A_1493 : vector<16xf32>
      %swap3A_1500 = arith.constant 4 : i32
      %swap3A_1501 = arith.index_cast %swap3A_1500 : i32 to index
      %swap3A_1502 = arith.constant 80 : index
      %swap3A_1503 = tpu.vector_load %arg7[%swap3A_1501, %swap3A_1502] {strides = array<i32>} : memref<8x128xf32, #tpu.memory_space<vmem>>, vector<1x16xf32>,
      %swap3A_1504 = vector.shape_cast %swap3A_1503 : vector<1x16xf32> to vector<16xf32>
      %swap3A_1505 = vector.shape_cast %max3A_1499 : vector<16xf32> to vector<1x16xf32>
      tpu.vector_store %arg7[%swap3A_1501, %swap3A_1502], %swap3A_1505 {strides = array<i32>} : memref<8x128xf32, #tpu.memory_space<vmem>>, vector<1x16xf32>,
      %get3A_1506 = arith.constant 4 : i32
      %get3A_1507 = arith.index_cast %get3A_1506 : i32 to index
      %get3A_1508 = arith.constant 96 : index
      %get3A_1509 = tpu.vector_load %arg6[%get3A_1507, %get3A_1508] {strides = array<i32>} : memref<16x128xf32, #tpu.memory_space<vmem>>, vector<1x16xf32>,
      %get3A_1510 = vector.shape_cast %get3A_1509 : vector<1x16xf32> to vector<16xf32>
      %get3A_1511 = arith.constant 12 : i32
      %get3A_1512 = arith.index_cast %get3A_1511 : i32 to index
      %get3A_1513 = arith.constant 96 : index
      %get3A_1514 = tpu.vector_load %arg6[%get3A_1512, %get3A_1513] {strides = array<i32>} : memref<16x128xf32, #tpu.memory_space<vmem>>, vector<1x16xf32>,
      %get3A_1515 = vector.shape_cast %get3A_1514 : vector<1x16xf32> to vector<16xf32>
      %max3A_1516 = arith.maximumf %get3A_1510, %get3A_1515 : vector<16xf32>
      %get3A_1517 = arith.constant 4 : i32
      %get3A_1518 = arith.index_cast %get3A_1517 : i32 to index
      %get3A_1519 = arith.constant 96 : index
      %get3A_1520 = tpu.vector_load %arg7[%get3A_1518, %get3A_1519] {strides = array<i32>} : memref<8x128xf32, #tpu.memory_space<vmem>>, vector<1x16xf32>,
      %get3A_1521 = vector.shape_cast %get3A_1520 : vector<1x16xf32> to vector<16xf32>
      %max3A_1522 = arith.maximumf %get3A_1521, %max3A_1516 : vector<16xf32>
      %swap3A_1523 = arith.constant 4 : i32
      %swap3A_1524 = arith.index_cast %swap3A_1523 : i32 to index
      %swap3A_1525 = arith.constant 96 : index
      %swap3A_1526 = tpu.vector_load %arg7[%swap3A_1524, %swap3A_1525] {strides = array<i32>} : memref<8x128xf32, #tpu.memory_space<vmem>>, vector<1x16xf32>,
      %swap3A_1527 = vector.shape_cast %swap3A_1526 : vector<1x16xf32> to vector<16xf32>
      %swap3A_1528 = vector.shape_cast %max3A_1522 : vector<16xf32> to vector<1x16xf32>
      tpu.vector_store %arg7[%swap3A_1524, %swap3A_1525], %swap3A_1528 {strides = array<i32>} : memref<8x128xf32, #tpu.memory_space<vmem>>, vector<1x16xf32>,
      %get3A_1529 = arith.constant 4 : i32
      %get3A_1530 = arith.index_cast %get3A_1529 : i32 to index
      %get3A_1531 = arith.constant 112 : index
      %get3A_1532 = tpu.vector_load %arg6[%get3A_1530, %get3A_1531] {strides = array<i32>} : memref<16x128xf32, #tpu.memory_space<vmem>>, vector<1x16xf32>,
      %get3A_1533 = vector.shape_cast %get3A_1532 : vector<1x16xf32> to vector<16xf32>
      %get3A_1534 = arith.constant 12 : i32
      %get3A_1535 = arith.index_cast %get3A_1534 : i32 to index
      %get3A_1536 = arith.constant 112 : index
      %get3A_1537 = tpu.vector_load %arg6[%get3A_1535, %get3A_1536] {strides = array<i32>} : memref<16x128xf32, #tpu.memory_space<vmem>>, vector<1x16xf32>,
      %get3A_1538 = vector.shape_cast %get3A_1537 : vector<1x16xf32> to vector<16xf32>
      %max3A_1539 = arith.maximumf %get3A_1533, %get3A_1538 : vector<16xf32>
      %get3A_1540 = arith.constant 4 : i32
      %get3A_1541 = arith.index_cast %get3A_1540 : i32 to index
      %get3A_1542 = arith.constant 112 : index
      %get3A_1543 = tpu.vector_load %arg7[%get3A_1541, %get3A_1542] {strides = array<i32>} : memref<8x128xf32, #tpu.memory_space<vmem>>, vector<1x16xf32>,
      %get3A_1544 = vector.shape_cast %get3A_1543 : vector<1x16xf32> to vector<16xf32>
      %max3A_1545 = arith.maximumf %get3A_1544, %max3A_1539 : vector<16xf32>
      %swap3A_1546 = arith.constant 4 : i32
      %swap3A_1547 = arith.index_cast %swap3A_1546 : i32 to index
      %swap3A_1548 = arith.constant 112 : index
      %swap3A_1549 = tpu.vector_load %arg7[%swap3A_1547, %swap3A_1548] {strides = array<i32>} : memref<8x128xf32, #tpu.memory_space<vmem>>, vector<1x16xf32>,
      %swap3A_1550 = vector.shape_cast %swap3A_1549 : vector<1x16xf32> to vector<16xf32>
      %swap3A_1551 = vector.shape_cast %max3A_1545 : vector<16xf32> to vector<1x16xf32>
      tpu.vector_store %arg7[%swap3A_1547, %swap3A_1548], %swap3A_1551 {strides = array<i32>} : memref<8x128xf32, #tpu.memory_space<vmem>>, vector<1x16xf32>,
      %get3A_1552 = arith.constant 5 : i32
      %get3A_1553 = arith.index_cast %get3A_1552 : i32 to index
      %get3A_1554 = arith.constant 0 : index
      %get3A_1555 = tpu.vector_load %arg6[%get3A_1553, %get3A_1554] {strides = array<i32>} : memref<16x128xf32, #tpu.memory_space<vmem>>, vector<1x16xf32>,
      %get3A_1556 = vector.shape_cast %get3A_1555 : vector<1x16xf32> to vector<16xf32>
      %get3A_1557 = arith.constant 13 : i32
      %get3A_1558 = arith.index_cast %get3A_1557 : i32 to index
      %get3A_1559 = arith.constant 0 : index
      %get3A_1560 = tpu.vector_load %arg6[%get3A_1558, %get3A_1559] {strides = array<i32>} : memref<16x128xf32, #tpu.memory_space<vmem>>, vector<1x16xf32>,
      %get3A_1561 = vector.shape_cast %get3A_1560 : vector<1x16xf32> to vector<16xf32>
      %max3A_1562 = arith.maximumf %get3A_1556, %get3A_1561 : vector<16xf32>
      %get3A_1563 = arith.constant 5 : i32
      %get3A_1564 = arith.index_cast %get3A_1563 : i32 to index
      %get3A_1565 = arith.constant 0 : index
      %get3A_1566 = tpu.vector_load %arg7[%get3A_1564, %get3A_1565] {strides = array<i32>} : memref<8x128xf32, #tpu.memory_space<vmem>>, vector<1x16xf32>,
      %get3A_1567 = vector.shape_cast %get3A_1566 : vector<1x16xf32> to vector<16xf32>
      %max3A_1568 = arith.maximumf %get3A_1567, %max3A_1562 : vector<16xf32>
      %swap3A_1569 = arith.constant 5 : i32
      %swap3A_1570 = arith.index_cast %swap3A_1569 : i32 to index
      %swap3A_1571 = arith.constant 0 : index
      %swap3A_1572 = tpu.vector_load %arg7[%swap3A_1570, %swap3A_1571] {strides = array<i32>} : memref<8x128xf32, #tpu.memory_space<vmem>>, vector<1x16xf32>,
      %swap3A_1573 = vector.shape_cast %swap3A_1572 : vector<1x16xf32> to vector<16xf32>
      %swap3A_1574 = vector.shape_cast %max3A_1568 : vector<16xf32> to vector<1x16xf32>
      tpu.vector_store %arg7[%swap3A_1570, %swap3A_1571], %swap3A_1574 {strides = array<i32>} : memref<8x128xf32, #tpu.memory_space<vmem>>, vector<1x16xf32>,
      %get3A_1575 = arith.constant 5 : i32
      %get3A_1576 = arith.index_cast %get3A_1575 : i32 to index
      %get3A_1577 = arith.constant 16 : index
      %get3A_1578 = tpu.vector_load %arg6[%get3A_1576, %get3A_1577] {strides = array<i32>} : memref<16x128xf32, #tpu.memory_space<vmem>>, vector<1x16xf32>,
      %get3A_1579 = vector.shape_cast %get3A_1578 : vector<1x16xf32> to vector<16xf32>
      %get3A_1580 = arith.constant 13 : i32
      %get3A_1581 = arith.index_cast %get3A_1580 : i32 to index
      %get3A_1582 = arith.constant 16 : index
      %get3A_1583 = tpu.vector_load %arg6[%get3A_1581, %get3A_1582] {strides = array<i32>} : memref<16x128xf32, #tpu.memory_space<vmem>>, vector<1x16xf32>,
      %get3A_1584 = vector.shape_cast %get3A_1583 : vector<1x16xf32> to vector<16xf32>
      %max3A_1585 = arith.maximumf %get3A_1579, %get3A_1584 : vector<16xf32>
      %get3A_1586 = arith.constant 5 : i32
      %get3A_1587 = arith.index_cast %get3A_1586 : i32 to index
      %get3A_1588 = arith.constant 16 : index
      %get3A_1589 = tpu.vector_load %arg7[%get3A_1587, %get3A_1588] {strides = array<i32>} : memref<8x128xf32, #tpu.memory_space<vmem>>, vector<1x16xf32>,
      %get3A_1590 = vector.shape_cast %get3A_1589 : vector<1x16xf32> to vector<16xf32>
      %max3A_1591 = arith.maximumf %get3A_1590, %max3A_1585 : vector<16xf32>
      %swap3A_1592 = arith.constant 5 : i32
      %swap3A_1593 = arith.index_cast %swap3A_1592 : i32 to index
      %swap3A_1594 = arith.constant 16 : index
      %swap3A_1595 = tpu.vector_load %arg7[%swap3A_1593, %swap3A_1594] {strides = array<i32>} : memref<8x128xf32, #tpu.memory_space<vmem>>, vector<1x16xf32>,
      %swap3A_1596 = vector.shape_cast %swap3A_1595 : vector<1x16xf32> to vector<16xf32>
      %swap3A_1597 = vector.shape_cast %max3A_1591 : vector<16xf32> to vector<1x16xf32>
      tpu.vector_store %arg7[%swap3A_1593, %swap3A_1594], %swap3A_1597 {strides = array<i32>} : memref<8x128xf32, #tpu.memory_space<vmem>>, vector<1x16xf32>,
      %get3A_1598 = arith.constant 5 : i32
      %get3A_1599 = arith.index_cast %get3A_1598 : i32 to index
      %get3A_1600 = arith.constant 32 : index
      %get3A_1601 = tpu.vector_load %arg6[%get3A_1599, %get3A_1600] {strides = array<i32>} : memref<16x128xf32, #tpu.memory_space<vmem>>, vector<1x16xf32>,
      %get3A_1602 = vector.shape_cast %get3A_1601 : vector<1x16xf32> to vector<16xf32>
      %get3A_1603 = arith.constant 13 : i32
      %get3A_1604 = arith.index_cast %get3A_1603 : i32 to index
      %get3A_1605 = arith.constant 32 : index
      %get3A_1606 = tpu.vector_load %arg6[%get3A_1604, %get3A_1605] {strides = array<i32>} : memref<16x128xf32, #tpu.memory_space<vmem>>, vector<1x16xf32>,
      %get3A_1607 = vector.shape_cast %get3A_1606 : vector<1x16xf32> to vector<16xf32>
      %max3A_1608 = arith.maximumf %get3A_1602, %get3A_1607 : vector<16xf32>
      %get3A_1609 = arith.constant 5 : i32
      %get3A_1610 = arith.index_cast %get3A_1609 : i32 to index
      %get3A_1611 = arith.constant 32 : index
      %get3A_1612 = tpu.vector_load %arg7[%get3A_1610, %get3A_1611] {strides = array<i32>} : memref<8x128xf32, #tpu.memory_space<vmem>>, vector<1x16xf32>,
      %get3A_1613 = vector.shape_cast %get3A_1612 : vector<1x16xf32> to vector<16xf32>
      %max3A_1614 = arith.maximumf %get3A_1613, %max3A_1608 : vector<16xf32>
      %swap3A_1615 = arith.constant 5 : i32
      %swap3A_1616 = arith.index_cast %swap3A_1615 : i32 to index
      %swap3A_1617 = arith.constant 32 : index
      %swap3A_1618 = tpu.vector_load %arg7[%swap3A_1616, %swap3A_1617] {strides = array<i32>} : memref<8x128xf32, #tpu.memory_space<vmem>>, vector<1x16xf32>,
      %swap3A_1619 = vector.shape_cast %swap3A_1618 : vector<1x16xf32> to vector<16xf32>
      %swap3A_1620 = vector.shape_cast %max3A_1614 : vector<16xf32> to vector<1x16xf32>
      tpu.vector_store %arg7[%swap3A_1616, %swap3A_1617], %swap3A_1620 {strides = array<i32>} : memref<8x128xf32, #tpu.memory_space<vmem>>, vector<1x16xf32>,
      %get3A_1621 = arith.constant 5 : i32
      %get3A_1622 = arith.index_cast %get3A_1621 : i32 to index
      %get3A_1623 = arith.constant 48 : index
      %get3A_1624 = tpu.vector_load %arg6[%get3A_1622, %get3A_1623] {strides = array<i32>} : memref<16x128xf32, #tpu.memory_space<vmem>>, vector<1x16xf32>,
      %get3A_1625 = vector.shape_cast %get3A_1624 : vector<1x16xf32> to vector<16xf32>
      %get3A_1626 = arith.constant 13 : i32
      %get3A_1627 = arith.index_cast %get3A_1626 : i32 to index
      %get3A_1628 = arith.constant 48 : index
      %get3A_1629 = tpu.vector_load %arg6[%get3A_1627, %get3A_1628] {strides = array<i32>} : memref<16x128xf32, #tpu.memory_space<vmem>>, vector<1x16xf32>,
      %get3A_1630 = vector.shape_cast %get3A_1629 : vector<1x16xf32> to vector<16xf32>
      %max3A_1631 = arith.maximumf %get3A_1625, %get3A_1630 : vector<16xf32>
      %get3A_1632 = arith.constant 5 : i32
      %get3A_1633 = arith.index_cast %get3A_1632 : i32 to index
      %get3A_1634 = arith.constant 48 : index
      %get3A_1635 = tpu.vector_load %arg7[%get3A_1633, %get3A_1634] {strides = array<i32>} : memref<8x128xf32, #tpu.memory_space<vmem>>, vector<1x16xf32>,
      %get3A_1636 = vector.shape_cast %get3A_1635 : vector<1x16xf32> to vector<16xf32>
      %max3A_1637 = arith.maximumf %get3A_1636, %max3A_1631 : vector<16xf32>
      %swap3A_1638 = arith.constant 5 : i32
      %swap3A_1639 = arith.index_cast %swap3A_1638 : i32 to index
      %swap3A_1640 = arith.constant 48 : index
      %swap3A_1641 = tpu.vector_load %arg7[%swap3A_1639, %swap3A_1640] {strides = array<i32>} : memref<8x128xf32, #tpu.memory_space<vmem>>, vector<1x16xf32>,
      %swap3A_1642 = vector.shape_cast %swap3A_1641 : vector<1x16xf32> to vector<16xf32>
      %swap3A_1643 = vector.shape_cast %max3A_1637 : vector<16xf32> to vector<1x16xf32>
      tpu.vector_store %arg7[%swap3A_1639, %swap3A_1640], %swap3A_1643 {strides = array<i32>} : memref<8x128xf32, #tpu.memory_space<vmem>>, vector<1x16xf32>,
      %get3A_1644 = arith.constant 5 : i32
      %get3A_1645 = arith.index_cast %get3A_1644 : i32 to index
      %get3A_1646 = arith.constant 64 : index
      %get3A_1647 = tpu.vector_load %arg6[%get3A_1645, %get3A_1646] {strides = array<i32>} : memref<16x128xf32, #tpu.memory_space<vmem>>, vector<1x16xf32>,
      %get3A_1648 = vector.shape_cast %get3A_1647 : vector<1x16xf32> to vector<16xf32>
      %get3A_1649 = arith.constant 13 : i32
      %get3A_1650 = arith.index_cast %get3A_1649 : i32 to index
      %get3A_1651 = arith.constant 64 : index
      %get3A_1652 = tpu.vector_load %arg6[%get3A_1650, %get3A_1651] {strides = array<i32>} : memref<16x128xf32, #tpu.memory_space<vmem>>, vector<1x16xf32>,
      %get3A_1653 = vector.shape_cast %get3A_1652 : vector<1x16xf32> to vector<16xf32>
      %max3A_1654 = arith.maximumf %get3A_1648, %get3A_1653 : vector<16xf32>
      %get3A_1655 = arith.constant 5 : i32
      %get3A_1656 = arith.index_cast %get3A_1655 : i32 to index
      %get3A_1657 = arith.constant 64 : index
      %get3A_1658 = tpu.vector_load %arg7[%get3A_1656, %get3A_1657] {strides = array<i32>} : memref<8x128xf32, #tpu.memory_space<vmem>>, vector<1x16xf32>,
      %get3A_1659 = vector.shape_cast %get3A_1658 : vector<1x16xf32> to vector<16xf32>
      %max3A_1660 = arith.maximumf %get3A_1659, %max3A_1654 : vector<16xf32>
      %swap3A_1661 = arith.constant 5 : i32
      %swap3A_1662 = arith.index_cast %swap3A_1661 : i32 to index
      %swap3A_1663 = arith.constant 64 : index
      %swap3A_1664 = tpu.vector_load %arg7[%swap3A_1662, %swap3A_1663] {strides = array<i32>} : memref<8x128xf32, #tpu.memory_space<vmem>>, vector<1x16xf32>,
      %swap3A_1665 = vector.shape_cast %swap3A_1664 : vector<1x16xf32> to vector<16xf32>
      %swap3A_1666 = vector.shape_cast %max3A_1660 : vector<16xf32> to vector<1x16xf32>
      tpu.vector_store %arg7[%swap3A_1662, %swap3A_1663], %swap3A_1666 {strides = array<i32>} : memref<8x128xf32, #tpu.memory_space<vmem>>, vector<1x16xf32>,
      %get3A_1667 = arith.constant 5 : i32
      %get3A_1668 = arith.index_cast %get3A_1667 : i32 to index
      %get3A_1669 = arith.constant 80 : index
      %get3A_1670 = tpu.vector_load %arg6[%get3A_1668, %get3A_1669] {strides = array<i32>} : memref<16x128xf32, #tpu.memory_space<vmem>>, vector<1x16xf32>,
      %get3A_1671 = vector.shape_cast %get3A_1670 : vector<1x16xf32> to vector<16xf32>
      %get3A_1672 = arith.constant 13 : i32
      %get3A_1673 = arith.index_cast %get3A_1672 : i32 to index
      %get3A_1674 = arith.constant 80 : index
      %get3A_1675 = tpu.vector_load %arg6[%get3A_1673, %get3A_1674] {strides = array<i32>} : memref<16x128xf32, #tpu.memory_space<vmem>>, vector<1x16xf32>,
      %get3A_1676 = vector.shape_cast %get3A_1675 : vector<1x16xf32> to vector<16xf32>
      %max3A_1677 = arith.maximumf %get3A_1671, %get3A_1676 : vector<16xf32>
      %get3A_1678 = arith.constant 5 : i32
      %get3A_1679 = arith.index_cast %get3A_1678 : i32 to index
      %get3A_1680 = arith.constant 80 : index
      %get3A_1681 = tpu.vector_load %arg7[%get3A_1679, %get3A_1680] {strides = array<i32>} : memref<8x128xf32, #tpu.memory_space<vmem>>, vector<1x16xf32>,
      %get3A_1682 = vector.shape_cast %get3A_1681 : vector<1x16xf32> to vector<16xf32>
      %max3A_1683 = arith.maximumf %get3A_1682, %max3A_1677 : vector<16xf32>
      %swap3A_1684 = arith.constant 5 : i32
      %swap3A_1685 = arith.index_cast %swap3A_1684 : i32 to index
      %swap3A_1686 = arith.constant 80 : index
      %swap3A_1687 = tpu.vector_load %arg7[%swap3A_1685, %swap3A_1686] {strides = array<i32>} : memref<8x128xf32, #tpu.memory_space<vmem>>, vector<1x16xf32>,
      %swap3A_1688 = vector.shape_cast %swap3A_1687 : vector<1x16xf32> to vector<16xf32>
      %swap3A_1689 = vector.shape_cast %max3A_1683 : vector<16xf32> to vector<1x16xf32>
      tpu.vector_store %arg7[%swap3A_1685, %swap3A_1686], %swap3A_1689 {strides = array<i32>} : memref<8x128xf32, #tpu.memory_space<vmem>>, vector<1x16xf32>,
      %get3A_1690 = arith.constant 5 : i32
      %get3A_1691 = arith.index_cast %get3A_1690 : i32 to index
      %get3A_1692 = arith.constant 96 : index
      %get3A_1693 = tpu.vector_load %arg6[%get3A_1691, %get3A_1692] {strides = array<i32>} : memref<16x128xf32, #tpu.memory_space<vmem>>, vector<1x16xf32>,
      %get3A_1694 = vector.shape_cast %get3A_1693 : vector<1x16xf32> to vector<16xf32>
      %get3A_1695 = arith.constant 13 : i32
      %get3A_1696 = arith.index_cast %get3A_1695 : i32 to index
      %get3A_1697 = arith.constant 96 : index
      %get3A_1698 = tpu.vector_load %arg6[%get3A_1696, %get3A_1697] {strides = array<i32>} : memref<16x128xf32, #tpu.memory_space<vmem>>, vector<1x16xf32>,
      %get3A_1699 = vector.shape_cast %get3A_1698 : vector<1x16xf32> to vector<16xf32>
      %max3A_1700 = arith.maximumf %get3A_1694, %get3A_1699 : vector<16xf32>
      %get3A_1701 = arith.constant 5 : i32
      %get3A_1702 = arith.index_cast %get3A_1701 : i32 to index
      %get3A_1703 = arith.constant 96 : index
      %get3A_1704 = tpu.vector_load %arg7[%get3A_1702, %get3A_1703] {strides = array<i32>} : memref<8x128xf32, #tpu.memory_space<vmem>>, vector<1x16xf32>,
      %get3A_1705 = vector.shape_cast %get3A_1704 : vector<1x16xf32> to vector<16xf32>
      %max3A_1706 = arith.maximumf %get3A_1705, %max3A_1700 : vector<16xf32>
      %swap3A_1707 = arith.constant 5 : i32
      %swap3A_1708 = arith.index_cast %swap3A_1707 : i32 to index
      %swap3A_1709 = arith.constant 96 : index
      %swap3A_1710 = tpu.vector_load %arg7[%swap3A_1708, %swap3A_1709] {strides = array<i32>} : memref<8x128xf32, #tpu.memory_space<vmem>>, vector<1x16xf32>,
      %swap3A_1711 = vector.shape_cast %swap3A_1710 : vector<1x16xf32> to vector<16xf32>
      %swap3A_1712 = vector.shape_cast %max3A_1706 : vector<16xf32> to vector<1x16xf32>
      tpu.vector_store %arg7[%swap3A_1708, %swap3A_1709], %swap3A_1712 {strides = array<i32>} : memref<8x128xf32, #tpu.memory_space<vmem>>, vector<1x16xf32>,
      %get3A_1713 = arith.constant 5 : i32
      %get3A_1714 = arith.index_cast %get3A_1713 : i32 to index
      %get3A_1715 = arith.constant 112 : index
      %get3A_1716 = tpu.vector_load %arg6[%get3A_1714, %get3A_1715] {strides = array<i32>} : memref<16x128xf32, #tpu.memory_space<vmem>>, vector<1x16xf32>,
      %get3A_1717 = vector.shape_cast %get3A_1716 : vector<1x16xf32> to vector<16xf32>
      %get3A_1718 = arith.constant 13 : i32
      %get3A_1719 = arith.index_cast %get3A_1718 : i32 to index
      %get3A_1720 = arith.constant 112 : index
      %get3A_1721 = tpu.vector_load %arg6[%get3A_1719, %get3A_1720] {strides = array<i32>} : memref<16x128xf32, #tpu.memory_space<vmem>>, vector<1x16xf32>,
      %get3A_1722 = vector.shape_cast %get3A_1721 : vector<1x16xf32> to vector<16xf32>
      %max3A_1723 = arith.maximumf %get3A_1717, %get3A_1722 : vector<16xf32>
      %get3A_1724 = arith.constant 5 : i32
      %get3A_1725 = arith.index_cast %get3A_1724 : i32 to index
      %get3A_1726 = arith.constant 112 : index
      %get3A_1727 = tpu.vector_load %arg7[%get3A_1725, %get3A_1726] {strides = array<i32>} : memref<8x128xf32, #tpu.memory_space<vmem>>, vector<1x16xf32>,
      %get3A_1728 = vector.shape_cast %get3A_1727 : vector<1x16xf32> to vector<16xf32>
      %max3A_1729 = arith.maximumf %get3A_1728, %max3A_1723 : vector<16xf32>
      %swap3A_1730 = arith.constant 5 : i32
      %swap3A_1731 = arith.index_cast %swap3A_1730 : i32 to index
      %swap3A_1732 = arith.constant 112 : index
      %swap3A_1733 = tpu.vector_load %arg7[%swap3A_1731, %swap3A_1732] {strides = array<i32>} : memref<8x128xf32, #tpu.memory_space<vmem>>, vector<1x16xf32>,
      %swap3A_1734 = vector.shape_cast %swap3A_1733 : vector<1x16xf32> to vector<16xf32>
      %swap3A_1735 = vector.shape_cast %max3A_1729 : vector<16xf32> to vector<1x16xf32>
      tpu.vector_store %arg7[%swap3A_1731, %swap3A_1732], %swap3A_1735 {strides = array<i32>} : memref<8x128xf32, #tpu.memory_space<vmem>>, vector<1x16xf32>,
      %get3A_1736 = arith.constant 6 : i32
      %get3A_1737 = arith.index_cast %get3A_1736 : i32 to index
      %get3A_1738 = arith.constant 0 : index
      %get3A_1739 = tpu.vector_load %arg6[%get3A_1737, %get3A_1738] {strides = array<i32>} : memref<16x128xf32, #tpu.memory_space<vmem>>, vector<1x16xf32>,
      %get3A_1740 = vector.shape_cast %get3A_1739 : vector<1x16xf32> to vector<16xf32>
      %get3A_1741 = arith.constant 14 : i32
      %get3A_1742 = arith.index_cast %get3A_1741 : i32 to index
      %get3A_1743 = arith.constant 0 : index
      %get3A_1744 = tpu.vector_load %arg6[%get3A_1742, %get3A_1743] {strides = array<i32>} : memref<16x128xf32, #tpu.memory_space<vmem>>, vector<1x16xf32>,
      %get3A_1745 = vector.shape_cast %get3A_1744 : vector<1x16xf32> to vector<16xf32>
      %max3A_1746 = arith.maximumf %get3A_1740, %get3A_1745 : vector<16xf32>
      %get3A_1747 = arith.constant 6 : i32
      %get3A_1748 = arith.index_cast %get3A_1747 : i32 to index
      %get3A_1749 = arith.constant 0 : index
      %get3A_1750 = tpu.vector_load %arg7[%get3A_1748, %get3A_1749] {strides = array<i32>} : memref<8x128xf32, #tpu.memory_space<vmem>>, vector<1x16xf32>,
      %get3A_1751 = vector.shape_cast %get3A_1750 : vector<1x16xf32> to vector<16xf32>
      %max3A_1752 = arith.maximumf %get3A_1751, %max3A_1746 : vector<16xf32>
      %swap3A_1753 = arith.constant 6 : i32
      %swap3A_1754 = arith.index_cast %swap3A_1753 : i32 to index
      %swap3A_1755 = arith.constant 0 : index
      %swap3A_1756 = tpu.vector_load %arg7[%swap3A_1754, %swap3A_1755] {strides = array<i32>} : memref<8x128xf32, #tpu.memory_space<vmem>>, vector<1x16xf32>,
      %swap3A_1757 = vector.shape_cast %swap3A_1756 : vector<1x16xf32> to vector<16xf32>
      %swap3A_1758 = vector.shape_cast %max3A_1752 : vector<16xf32> to vector<1x16xf32>
      tpu.vector_store %arg7[%swap3A_1754, %swap3A_1755], %swap3A_1758 {strides = array<i32>} : memref<8x128xf32, #tpu.memory_space<vmem>>, vector<1x16xf32>,
      %get3A_1759 = arith.constant 6 : i32
      %get3A_1760 = arith.index_cast %get3A_1759 : i32 to index
      %get3A_1761 = arith.constant 16 : index
      %get3A_1762 = tpu.vector_load %arg6[%get3A_1760, %get3A_1761] {strides = array<i32>} : memref<16x128xf32, #tpu.memory_space<vmem>>, vector<1x16xf32>,
      %get3A_1763 = vector.shape_cast %get3A_1762 : vector<1x16xf32> to vector<16xf32>
      %get3A_1764 = arith.constant 14 : i32
      %get3A_1765 = arith.index_cast %get3A_1764 : i32 to index
      %get3A_1766 = arith.constant 16 : index
      %get3A_1767 = tpu.vector_load %arg6[%get3A_1765, %get3A_1766] {strides = array<i32>} : memref<16x128xf32, #tpu.memory_space<vmem>>, vector<1x16xf32>,
      %get3A_1768 = vector.shape_cast %get3A_1767 : vector<1x16xf32> to vector<16xf32>
      %max3A_1769 = arith.maximumf %get3A_1763, %get3A_1768 : vector<16xf32>
      %get3A_1770 = arith.constant 6 : i32
      %get3A_1771 = arith.index_cast %get3A_1770 : i32 to index
      %get3A_1772 = arith.constant 16 : index
      %get3A_1773 = tpu.vector_load %arg7[%get3A_1771, %get3A_1772] {strides = array<i32>} : memref<8x128xf32, #tpu.memory_space<vmem>>, vector<1x16xf32>,
      %get3A_1774 = vector.shape_cast %get3A_1773 : vector<1x16xf32> to vector<16xf32>
      %max3A_1775 = arith.maximumf %get3A_1774, %max3A_1769 : vector<16xf32>
      %swap3A_1776 = arith.constant 6 : i32
      %swap3A_1777 = arith.index_cast %swap3A_1776 : i32 to index
      %swap3A_1778 = arith.constant 16 : index
      %swap3A_1779 = tpu.vector_load %arg7[%swap3A_1777, %swap3A_1778] {strides = array<i32>} : memref<8x128xf32, #tpu.memory_space<vmem>>, vector<1x16xf32>,
      %swap3A_1780 = vector.shape_cast %swap3A_1779 : vector<1x16xf32> to vector<16xf32>
      %swap3A_1781 = vector.shape_cast %max3A_1775 : vector<16xf32> to vector<1x16xf32>
      tpu.vector_store %arg7[%swap3A_1777, %swap3A_1778], %swap3A_1781 {strides = array<i32>} : memref<8x128xf32, #tpu.memory_space<vmem>>, vector<1x16xf32>,
      %get3A_1782 = arith.constant 6 : i32
      %get3A_1783 = arith.index_cast %get3A_1782 : i32 to index
      %get3A_1784 = arith.constant 32 : index
      %get3A_1785 = tpu.vector_load %arg6[%get3A_1783, %get3A_1784] {strides = array<i32>} : memref<16x128xf32, #tpu.memory_space<vmem>>, vector<1x16xf32>,
      %get3A_1786 = vector.shape_cast %get3A_1785 : vector<1x16xf32> to vector<16xf32>
      %get3A_1787 = arith.constant 14 : i32
      %get3A_1788 = arith.index_cast %get3A_1787 : i32 to index
      %get3A_1789 = arith.constant 32 : index
      %get3A_1790 = tpu.vector_load %arg6[%get3A_1788, %get3A_1789] {strides = array<i32>} : memref<16x128xf32, #tpu.memory_space<vmem>>, vector<1x16xf32>,
      %get3A_1791 = vector.shape_cast %get3A_1790 : vector<1x16xf32> to vector<16xf32>
      %max3A_1792 = arith.maximumf %get3A_1786, %get3A_1791 : vector<16xf32>
      %get3A_1793 = arith.constant 6 : i32
      %get3A_1794 = arith.index_cast %get3A_1793 : i32 to index
      %get3A_1795 = arith.constant 32 : index
      %get3A_1796 = tpu.vector_load %arg7[%get3A_1794, %get3A_1795] {strides = array<i32>} : memref<8x128xf32, #tpu.memory_space<vmem>>, vector<1x16xf32>,
      %get3A_1797 = vector.shape_cast %get3A_1796 : vector<1x16xf32> to vector<16xf32>
      %max3A_1798 = arith.maximumf %get3A_1797, %max3A_1792 : vector<16xf32>
      %swap3A_1799 = arith.constant 6 : i32
      %swap3A_1800 = arith.index_cast %swap3A_1799 : i32 to index
      %swap3A_1801 = arith.constant 32 : index
      %swap3A_1802 = tpu.vector_load %arg7[%swap3A_1800, %swap3A_1801] {strides = array<i32>} : memref<8x128xf32, #tpu.memory_space<vmem>>, vector<1x16xf32>,
      %swap3A_1803 = vector.shape_cast %swap3A_1802 : vector<1x16xf32> to vector<16xf32>
      %swap3A_1804 = vector.shape_cast %max3A_1798 : vector<16xf32> to vector<1x16xf32>
      tpu.vector_store %arg7[%swap3A_1800, %swap3A_1801], %swap3A_1804 {strides = array<i32>} : memref<8x128xf32, #tpu.memory_space<vmem>>, vector<1x16xf32>,
      %get3A_1805 = arith.constant 6 : i32
      %get3A_1806 = arith.index_cast %get3A_1805 : i32 to index
      %get3A_1807 = arith.constant 48 : index
      %get3A_1808 = tpu.vector_load %arg6[%get3A_1806, %get3A_1807] {strides = array<i32>} : memref<16x128xf32, #tpu.memory_space<vmem>>, vector<1x16xf32>,
      %get3A_1809 = vector.shape_cast %get3A_1808 : vector<1x16xf32> to vector<16xf32>
      %get3A_1810 = arith.constant 14 : i32
      %get3A_1811 = arith.index_cast %get3A_1810 : i32 to index
      %get3A_1812 = arith.constant 48 : index
      %get3A_1813 = tpu.vector_load %arg6[%get3A_1811, %get3A_1812] {strides = array<i32>} : memref<16x128xf32, #tpu.memory_space<vmem>>, vector<1x16xf32>,
      %get3A_1814 = vector.shape_cast %get3A_1813 : vector<1x16xf32> to vector<16xf32>
      %max3A_1815 = arith.maximumf %get3A_1809, %get3A_1814 : vector<16xf32>
      %get3A_1816 = arith.constant 6 : i32
      %get3A_1817 = arith.index_cast %get3A_1816 : i32 to index
      %get3A_1818 = arith.constant 48 : index
      %get3A_1819 = tpu.vector_load %arg7[%get3A_1817, %get3A_1818] {strides = array<i32>} : memref<8x128xf32, #tpu.memory_space<vmem>>, vector<1x16xf32>,
      %get3A_1820 = vector.shape_cast %get3A_1819 : vector<1x16xf32> to vector<16xf32>
      %max3A_1821 = arith.maximumf %get3A_1820, %max3A_1815 : vector<16xf32>
      %swap3A_1822 = arith.constant 6 : i32
      %swap3A_1823 = arith.index_cast %swap3A_1822 : i32 to index
      %swap3A_1824 = arith.constant 48 : index
      %swap3A_1825 = tpu.vector_load %arg7[%swap3A_1823, %swap3A_1824] {strides = array<i32>} : memref<8x128xf32, #tpu.memory_space<vmem>>, vector<1x16xf32>,
      %swap3A_1826 = vector.shape_cast %swap3A_1825 : vector<1x16xf32> to vector<16xf32>
      %swap3A_1827 = vector.shape_cast %max3A_1821 : vector<16xf32> to vector<1x16xf32>
      tpu.vector_store %arg7[%swap3A_1823, %swap3A_1824], %swap3A_1827 {strides = array<i32>} : memref<8x128xf32, #tpu.memory_space<vmem>>, vector<1x16xf32>,
      %get3A_1828 = arith.constant 6 : i32
      %get3A_1829 = arith.index_cast %get3A_1828 : i32 to index
      %get3A_1830 = arith.constant 64 : index
      %get3A_1831 = tpu.vector_load %arg6[%get3A_1829, %get3A_1830] {strides = array<i32>} : memref<16x128xf32, #tpu.memory_space<vmem>>, vector<1x16xf32>,
      %get3A_1832 = vector.shape_cast %get3A_1831 : vector<1x16xf32> to vector<16xf32>
      %get3A_1833 = arith.constant 14 : i32
      %get3A_1834 = arith.index_cast %get3A_1833 : i32 to index
      %get3A_1835 = arith.constant 64 : index
      %get3A_1836 = tpu.vector_load %arg6[%get3A_1834, %get3A_1835] {strides = array<i32>} : memref<16x128xf32, #tpu.memory_space<vmem>>, vector<1x16xf32>,
      %get3A_1837 = vector.shape_cast %get3A_1836 : vector<1x16xf32> to vector<16xf32>
      %max3A_1838 = arith.maximumf %get3A_1832, %get3A_1837 : vector<16xf32>
      %get3A_1839 = arith.constant 6 : i32
      %get3A_1840 = arith.index_cast %get3A_1839 : i32 to index
      %get3A_1841 = arith.constant 64 : index
      %get3A_1842 = tpu.vector_load %arg7[%get3A_1840, %get3A_1841] {strides = array<i32>} : memref<8x128xf32, #tpu.memory_space<vmem>>, vector<1x16xf32>,
      %get3A_1843 = vector.shape_cast %get3A_1842 : vector<1x16xf32> to vector<16xf32>
      %max3A_1844 = arith.maximumf %get3A_1843, %max3A_1838 : vector<16xf32>
      %swap3A_1845 = arith.constant 6 : i32
      %swap3A_1846 = arith.index_cast %swap3A_1845 : i32 to index
      %swap3A_1847 = arith.constant 64 : index
      %swap3A_1848 = tpu.vector_load %arg7[%swap3A_1846, %swap3A_1847] {strides = array<i32>} : memref<8x128xf32, #tpu.memory_space<vmem>>, vector<1x16xf32>,
      %swap3A_1849 = vector.shape_cast %swap3A_1848 : vector<1x16xf32> to vector<16xf32>
      %swap3A_1850 = vector.shape_cast %max3A_1844 : vector<16xf32> to vector<1x16xf32>
      tpu.vector_store %arg7[%swap3A_1846, %swap3A_1847], %swap3A_1850 {strides = array<i32>} : memref<8x128xf32, #tpu.memory_space<vmem>>, vector<1x16xf32>,
      %get3A_1851 = arith.constant 6 : i32
      %get3A_1852 = arith.index_cast %get3A_1851 : i32 to index
      %get3A_1853 = arith.constant 80 : index
      %get3A_1854 = tpu.vector_load %arg6[%get3A_1852, %get3A_1853] {strides = array<i32>} : memref<16x128xf32, #tpu.memory_space<vmem>>, vector<1x16xf32>,
      %get3A_1855 = vector.shape_cast %get3A_1854 : vector<1x16xf32> to vector<16xf32>
      %get3A_1856 = arith.constant 14 : i32
      %get3A_1857 = arith.index_cast %get3A_1856 : i32 to index
      %get3A_1858 = arith.constant 80 : index
      %get3A_1859 = tpu.vector_load %arg6[%get3A_1857, %get3A_1858] {strides = array<i32>} : memref<16x128xf32, #tpu.memory_space<vmem>>, vector<1x16xf32>,
      %get3A_1860 = vector.shape_cast %get3A_1859 : vector<1x16xf32> to vector<16xf32>
      %max3A_1861 = arith.maximumf %get3A_1855, %get3A_1860 : vector<16xf32>
      %get3A_1862 = arith.constant 6 : i32
      %get3A_1863 = arith.index_cast %get3A_1862 : i32 to index
      %get3A_1864 = arith.constant 80 : index
      %get3A_1865 = tpu.vector_load %arg7[%get3A_1863, %get3A_1864] {strides = array<i32>} : memref<8x128xf32, #tpu.memory_space<vmem>>, vector<1x16xf32>,
      %get3A_1866 = vector.shape_cast %get3A_1865 : vector<1x16xf32> to vector<16xf32>
      %max3A_1867 = arith.maximumf %get3A_1866, %max3A_1861 : vector<16xf32>
      %swap3A_1868 = arith.constant 6 : i32
      %swap3A_1869 = arith.index_cast %swap3A_1868 : i32 to index
      %swap3A_1870 = arith.constant 80 : index
      %swap3A_1871 = tpu.vector_load %arg7[%swap3A_1869, %swap3A_1870] {strides = array<i32>} : memref<8x128xf32, #tpu.memory_space<vmem>>, vector<1x16xf32>,
      %swap3A_1872 = vector.shape_cast %swap3A_1871 : vector<1x16xf32> to vector<16xf32>
      %swap3A_1873 = vector.shape_cast %max3A_1867 : vector<16xf32> to vector<1x16xf32>
      tpu.vector_store %arg7[%swap3A_1869, %swap3A_1870], %swap3A_1873 {strides = array<i32>} : memref<8x128xf32, #tpu.memory_space<vmem>>, vector<1x16xf32>,
      %get3A_1874 = arith.constant 6 : i32
      %get3A_1875 = arith.index_cast %get3A_1874 : i32 to index
      %get3A_1876 = arith.constant 96 : index
      %get3A_1877 = tpu.vector_load %arg6[%get3A_1875, %get3A_1876] {strides = array<i32>} : memref<16x128xf32, #tpu.memory_space<vmem>>, vector<1x16xf32>,
      %get3A_1878 = vector.shape_cast %get3A_1877 : vector<1x16xf32> to vector<16xf32>
      %get3A_1879 = arith.constant 14 : i32
      %get3A_1880 = arith.index_cast %get3A_1879 : i32 to index
      %get3A_1881 = arith.constant 96 : index
      %get3A_1882 = tpu.vector_load %arg6[%get3A_1880, %get3A_1881] {strides = array<i32>} : memref<16x128xf32, #tpu.memory_space<vmem>>, vector<1x16xf32>,
      %get3A_1883 = vector.shape_cast %get3A_1882 : vector<1x16xf32> to vector<16xf32>
      %max3A_1884 = arith.maximumf %get3A_1878, %get3A_1883 : vector<16xf32>
      %get3A_1885 = arith.constant 6 : i32
      %get3A_1886 = arith.index_cast %get3A_1885 : i32 to index
      %get3A_1887 = arith.constant 96 : index
      %get3A_1888 = tpu.vector_load %arg7[%get3A_1886, %get3A_1887] {strides = array<i32>} : memref<8x128xf32, #tpu.memory_space<vmem>>, vector<1x16xf32>,
      %get3A_1889 = vector.shape_cast %get3A_1888 : vector<1x16xf32> to vector<16xf32>
      %max3A_1890 = arith.maximumf %get3A_1889, %max3A_1884 : vector<16xf32>
      %swap3A_1891 = arith.constant 6 : i32
      %swap3A_1892 = arith.index_cast %swap3A_1891 : i32 to index
      %swap3A_1893 = arith.constant 96 : index
      %swap3A_1894 = tpu.vector_load %arg7[%swap3A_1892, %swap3A_1893] {strides = array<i32>} : memref<8x128xf32, #tpu.memory_space<vmem>>, vector<1x16xf32>,
      %swap3A_1895 = vector.shape_cast %swap3A_1894 : vector<1x16xf32> to vector<16xf32>
      %swap3A_1896 = vector.shape_cast %max3A_1890 : vector<16xf32> to vector<1x16xf32>
      tpu.vector_store %arg7[%swap3A_1892, %swap3A_1893], %swap3A_1896 {strides = array<i32>} : memref<8x128xf32, #tpu.memory_space<vmem>>, vector<1x16xf32>,
      %get3A_1897 = arith.constant 6 : i32
      %get3A_1898 = arith.index_cast %get3A_1897 : i32 to index
      %get3A_1899 = arith.constant 112 : index
      %get3A_1900 = tpu.vector_load %arg6[%get3A_1898, %get3A_1899] {strides = array<i32>} : memref<16x128xf32, #tpu.memory_space<vmem>>, vector<1x16xf32>,
      %get3A_1901 = vector.shape_cast %get3A_1900 : vector<1x16xf32> to vector<16xf32>
      %get3A_1902 = arith.constant 14 : i32
      %get3A_1903 = arith.index_cast %get3A_1902 : i32 to index
      %get3A_1904 = arith.constant 112 : index
      %get3A_1905 = tpu.vector_load %arg6[%get3A_1903, %get3A_1904] {strides = array<i32>} : memref<16x128xf32, #tpu.memory_space<vmem>>, vector<1x16xf32>,
      %get3A_1906 = vector.shape_cast %get3A_1905 : vector<1x16xf32> to vector<16xf32>
      %max3A_1907 = arith.maximumf %get3A_1901, %get3A_1906 : vector<16xf32>
      %get3A_1908 = arith.constant 6 : i32
      %get3A_1909 = arith.index_cast %get3A_1908 : i32 to index
      %get3A_1910 = arith.constant 112 : index
      %get3A_1911 = tpu.vector_load %arg7[%get3A_1909, %get3A_1910] {strides = array<i32>} : memref<8x128xf32, #tpu.memory_space<vmem>>, vector<1x16xf32>,
      %get3A_1912 = vector.shape_cast %get3A_1911 : vector<1x16xf32> to vector<16xf32>
      %max3A_1913 = arith.maximumf %get3A_1912, %max3A_1907 : vector<16xf32>
      %swap3A_1914 = arith.constant 6 : i32
      %swap3A_1915 = arith.index_cast %swap3A_1914 : i32 to index
      %swap3A_1916 = arith.constant 112 : index
      %swap3A_1917 = tpu.vector_load %arg7[%swap3A_1915, %swap3A_1916] {strides = array<i32>} : memref<8x128xf32, #tpu.memory_space<vmem>>, vector<1x16xf32>,
      %swap3A_1918 = vector.shape_cast %swap3A_1917 : vector<1x16xf32> to vector<16xf32>
      %swap3A_1919 = vector.shape_cast %max3A_1913 : vector<16xf32> to vector<1x16xf32>
      tpu.vector_store %arg7[%swap3A_1915, %swap3A_1916], %swap3A_1919 {strides = array<i32>} : memref<8x128xf32, #tpu.memory_space<vmem>>, vector<1x16xf32>,
      %get3A_1920 = arith.constant 7 : i32
      %get3A_1921 = arith.index_cast %get3A_1920 : i32 to index
      %get3A_1922 = arith.constant 0 : index
      %get3A_1923 = tpu.vector_load %arg6[%get3A_1921, %get3A_1922] {strides = array<i32>} : memref<16x128xf32, #tpu.memory_space<vmem>>, vector<1x16xf32>,
      %get3A_1924 = vector.shape_cast %get3A_1923 : vector<1x16xf32> to vector<16xf32>
      %get3A_1925 = arith.constant 15 : i32
      %get3A_1926 = arith.index_cast %get3A_1925 : i32 to index
      %get3A_1927 = arith.constant 0 : index
      %get3A_1928 = tpu.vector_load %arg6[%get3A_1926, %get3A_1927] {strides = array<i32>} : memref<16x128xf32, #tpu.memory_space<vmem>>, vector<1x16xf32>,
      %get3A_1929 = vector.shape_cast %get3A_1928 : vector<1x16xf32> to vector<16xf32>
      %max3A_1930 = arith.maximumf %get3A_1924, %get3A_1929 : vector<16xf32>
      %get3A_1931 = arith.constant 7 : i32
      %get3A_1932 = arith.index_cast %get3A_1931 : i32 to index
      %get3A_1933 = arith.constant 0 : index
      %get3A_1934 = tpu.vector_load %arg7[%get3A_1932, %get3A_1933] {strides = array<i32>} : memref<8x128xf32, #tpu.memory_space<vmem>>, vector<1x16xf32>,
      %get3A_1935 = vector.shape_cast %get3A_1934 : vector<1x16xf32> to vector<16xf32>
      %max3A_1936 = arith.maximumf %get3A_1935, %max3A_1930 : vector<16xf32>
      %swap3A_1937 = arith.constant 7 : i32
      %swap3A_1938 = arith.index_cast %swap3A_1937 : i32 to index
      %swap3A_1939 = arith.constant 0 : index
      %swap3A_1940 = tpu.vector_load %arg7[%swap3A_1938, %swap3A_1939] {strides = array<i32>} : memref<8x128xf32, #tpu.memory_space<vmem>>, vector<1x16xf32>,
      %swap3A_1941 = vector.shape_cast %swap3A_1940 : vector<1x16xf32> to vector<16xf32>
      %swap3A_1942 = vector.shape_cast %max3A_1936 : vector<16xf32> to vector<1x16xf32>
      tpu.vector_store %arg7[%swap3A_1938, %swap3A_1939], %swap3A_1942 {strides = array<i32>} : memref<8x128xf32, #tpu.memory_space<vmem>>, vector<1x16xf32>,
      %get3A_1943 = arith.constant 7 : i32
      %get3A_1944 = arith.index_cast %get3A_1943 : i32 to index
      %get3A_1945 = arith.constant 16 : index
      %get3A_1946 = tpu.vector_load %arg6[%get3A_1944, %get3A_1945] {strides = array<i32>} : memref<16x128xf32, #tpu.memory_space<vmem>>, vector<1x16xf32>,
      %get3A_1947 = vector.shape_cast %get3A_1946 : vector<1x16xf32> to vector<16xf32>
      %get3A_1948 = arith.constant 15 : i32
      %get3A_1949 = arith.index_cast %get3A_1948 : i32 to index
      %get3A_1950 = arith.constant 16 : index
      %get3A_1951 = tpu.vector_load %arg6[%get3A_1949, %get3A_1950] {strides = array<i32>} : memref<16x128xf32, #tpu.memory_space<vmem>>, vector<1x16xf32>,
      %get3A_1952 = vector.shape_cast %get3A_1951 : vector<1x16xf32> to vector<16xf32>
      %max3A_1953 = arith.maximumf %get3A_1947, %get3A_1952 : vector<16xf32>
      %get3A_1954 = arith.constant 7 : i32
      %get3A_1955 = arith.index_cast %get3A_1954 : i32 to index
      %get3A_1956 = arith.constant 16 : index
      %get3A_1957 = tpu.vector_load %arg7[%get3A_1955, %get3A_1956] {strides = array<i32>} : memref<8x128xf32, #tpu.memory_space<vmem>>, vector<1x16xf32>,
      %get3A_1958 = vector.shape_cast %get3A_1957 : vector<1x16xf32> to vector<16xf32>
      %max3A_1959 = arith.maximumf %get3A_1958, %max3A_1953 : vector<16xf32>
      %swap3A_1960 = arith.constant 7 : i32
      %swap3A_1961 = arith.index_cast %swap3A_1960 : i32 to index
      %swap3A_1962 = arith.constant 16 : index
      %swap3A_1963 = tpu.vector_load %arg7[%swap3A_1961, %swap3A_1962] {strides = array<i32>} : memref<8x128xf32, #tpu.memory_space<vmem>>, vector<1x16xf32>,
      %swap3A_1964 = vector.shape_cast %swap3A_1963 : vector<1x16xf32> to vector<16xf32>
      %swap3A_1965 = vector.shape_cast %max3A_1959 : vector<16xf32> to vector<1x16xf32>
      tpu.vector_store %arg7[%swap3A_1961, %swap3A_1962], %swap3A_1965 {strides = array<i32>} : memref<8x128xf32, #tpu.memory_space<vmem>>, vector<1x16xf32>,
      %get3A_1966 = arith.constant 7 : i32
      %get3A_1967 = arith.index_cast %get3A_1966 : i32 to index
      %get3A_1968 = arith.constant 32 : index
      %get3A_1969 = tpu.vector_load %arg6[%get3A_1967, %get3A_1968] {strides = array<i32>} : memref<16x128xf32, #tpu.memory_space<vmem>>, vector<1x16xf32>,
      %get3A_1970 = vector.shape_cast %get3A_1969 : vector<1x16xf32> to vector<16xf32>
      %get3A_1971 = arith.constant 15 : i32
      %get3A_1972 = arith.index_cast %get3A_1971 : i32 to index
      %get3A_1973 = arith.constant 32 : index
      %get3A_1974 = tpu.vector_load %arg6[%get3A_1972, %get3A_1973] {strides = array<i32>} : memref<16x128xf32, #tpu.memory_space<vmem>>, vector<1x16xf32>,
      %get3A_1975 = vector.shape_cast %get3A_1974 : vector<1x16xf32> to vector<16xf32>
      %max3A_1976 = arith.maximumf %get3A_1970, %get3A_1975 : vector<16xf32>
      %get3A_1977 = arith.constant 7 : i32
      %get3A_1978 = arith.index_cast %get3A_1977 : i32 to index
      %get3A_1979 = arith.constant 32 : index
      %get3A_1980 = tpu.vector_load %arg7[%get3A_1978, %get3A_1979] {strides = array<i32>} : memref<8x128xf32, #tpu.memory_space<vmem>>, vector<1x16xf32>,
      %get3A_1981 = vector.shape_cast %get3A_1980 : vector<1x16xf32> to vector<16xf32>
      %max3A_1982 = arith.maximumf %get3A_1981, %max3A_1976 : vector<16xf32>
      %swap3A_1983 = arith.constant 7 : i32
      %swap3A_1984 = arith.index_cast %swap3A_1983 : i32 to index
      %swap3A_1985 = arith.constant 32 : index
      %swap3A_1986 = tpu.vector_load %arg7[%swap3A_1984, %swap3A_1985] {strides = array<i32>} : memref<8x128xf32, #tpu.memory_space<vmem>>, vector<1x16xf32>,
      %swap3A_1987 = vector.shape_cast %swap3A_1986 : vector<1x16xf32> to vector<16xf32>
      %swap3A_1988 = vector.shape_cast %max3A_1982 : vector<16xf32> to vector<1x16xf32>
      tpu.vector_store %arg7[%swap3A_1984, %swap3A_1985], %swap3A_1988 {strides = array<i32>} : memref<8x128xf32, #tpu.memory_space<vmem>>, vector<1x16xf32>,
      %get3A_1989 = arith.constant 7 : i32
      %get3A_1990 = arith.index_cast %get3A_1989 : i32 to index
      %get3A_1991 = arith.constant 48 : index
      %get3A_1992 = tpu.vector_load %arg6[%get3A_1990, %get3A_1991] {strides = array<i32>} : memref<16x128xf32, #tpu.memory_space<vmem>>, vector<1x16xf32>,
      %get3A_1993 = vector.shape_cast %get3A_1992 : vector<1x16xf32> to vector<16xf32>
      %get3A_1994 = arith.constant 15 : i32
      %get3A_1995 = arith.index_cast %get3A_1994 : i32 to index
      %get3A_1996 = arith.constant 48 : index
      %get3A_1997 = tpu.vector_load %arg6[%get3A_1995, %get3A_1996] {strides = array<i32>} : memref<16x128xf32, #tpu.memory_space<vmem>>, vector<1x16xf32>,
      %get3A_1998 = vector.shape_cast %get3A_1997 : vector<1x16xf32> to vector<16xf32>
      %max3A_1999 = arith.maximumf %get3A_1993, %get3A_1998 : vector<16xf32>
      %get3A_2000 = arith.constant 7 : i32
      %get3A_2001 = arith.index_cast %get3A_2000 : i32 to index
      %get3A_2002 = arith.constant 48 : index
      %get3A_2003 = tpu.vector_load %arg7[%get3A_2001, %get3A_2002] {strides = array<i32>} : memref<8x128xf32, #tpu.memory_space<vmem>>, vector<1x16xf32>,
      %get3A_2004 = vector.shape_cast %get3A_2003 : vector<1x16xf32> to vector<16xf32>
      %max3A_2005 = arith.maximumf %get3A_2004, %max3A_1999 : vector<16xf32>
      %swap3A_2006 = arith.constant 7 : i32
      %swap3A_2007 = arith.index_cast %swap3A_2006 : i32 to index
      %swap3A_2008 = arith.constant 48 : index
      %swap3A_2009 = tpu.vector_load %arg7[%swap3A_2007, %swap3A_2008] {strides = array<i32>} : memref<8x128xf32, #tpu.memory_space<vmem>>, vector<1x16xf32>,
      %swap3A_2010 = vector.shape_cast %swap3A_2009 : vector<1x16xf32> to vector<16xf32>
      %swap3A_2011 = vector.shape_cast %max3A_2005 : vector<16xf32> to vector<1x16xf32>
      tpu.vector_store %arg7[%swap3A_2007, %swap3A_2008], %swap3A_2011 {strides = array<i32>} : memref<8x128xf32, #tpu.memory_space<vmem>>, vector<1x16xf32>,
      %get3A_2012 = arith.constant 7 : i32
      %get3A_2013 = arith.index_cast %get3A_2012 : i32 to index
      %get3A_2014 = arith.constant 64 : index
      %get3A_2015 = tpu.vector_load %arg6[%get3A_2013, %get3A_2014] {strides = array<i32>} : memref<16x128xf32, #tpu.memory_space<vmem>>, vector<1x16xf32>,
      %get3A_2016 = vector.shape_cast %get3A_2015 : vector<1x16xf32> to vector<16xf32>
      %get3A_2017 = arith.constant 15 : i32
      %get3A_2018 = arith.index_cast %get3A_2017 : i32 to index
      %get3A_2019 = arith.constant 64 : index
      %get3A_2020 = tpu.vector_load %arg6[%get3A_2018, %get3A_2019] {strides = array<i32>} : memref<16x128xf32, #tpu.memory_space<vmem>>, vector<1x16xf32>,
      %get3A_2021 = vector.shape_cast %get3A_2020 : vector<1x16xf32> to vector<16xf32>
      %max3A_2022 = arith.maximumf %get3A_2016, %get3A_2021 : vector<16xf32>
      %get3A_2023 = arith.constant 7 : i32
      %get3A_2024 = arith.index_cast %get3A_2023 : i32 to index
      %get3A_2025 = arith.constant 64 : index
      %get3A_2026 = tpu.vector_load %arg7[%get3A_2024, %get3A_2025] {strides = array<i32>} : memref<8x128xf32, #tpu.memory_space<vmem>>, vector<1x16xf32>,
      %get3A_2027 = vector.shape_cast %get3A_2026 : vector<1x16xf32> to vector<16xf32>
      %max3A_2028 = arith.maximumf %get3A_2027, %max3A_2022 : vector<16xf32>
      %swap3A_2029 = arith.constant 7 : i32
      %swap3A_2030 = arith.index_cast %swap3A_2029 : i32 to index
      %swap3A_2031 = arith.constant 64 : index
      %swap3A_2032 = tpu.vector_load %arg7[%swap3A_2030, %swap3A_2031] {strides = array<i32>} : memref<8x128xf32, #tpu.memory_space<vmem>>, vector<1x16xf32>,
      %swap3A_2033 = vector.shape_cast %swap3A_2032 : vector<1x16xf32> to vector<16xf32>
      %swap3A_2034 = vector.shape_cast %max3A_2028 : vector<16xf32> to vector<1x16xf32>
      tpu.vector_store %arg7[%swap3A_2030, %swap3A_2031], %swap3A_2034 {strides = array<i32>} : memref<8x128xf32, #tpu.memory_space<vmem>>, vector<1x16xf32>,
      %get3A_2035 = arith.constant 7 : i32
      %get3A_2036 = arith.index_cast %get3A_2035 : i32 to index
      %get3A_2037 = arith.constant 80 : index
      %get3A_2038 = tpu.vector_load %arg6[%get3A_2036, %get3A_2037] {strides = array<i32>} : memref<16x128xf32, #tpu.memory_space<vmem>>, vector<1x16xf32>,
      %get3A_2039 = vector.shape_cast %get3A_2038 : vector<1x16xf32> to vector<16xf32>
      %get3A_2040 = arith.constant 15 : i32
      %get3A_2041 = arith.index_cast %get3A_2040 : i32 to index
      %get3A_2042 = arith.constant 80 : index
      %get3A_2043 = tpu.vector_load %arg6[%get3A_2041, %get3A_2042] {strides = array<i32>} : memref<16x128xf32, #tpu.memory_space<vmem>>, vector<1x16xf32>,
      %get3A_2044 = vector.shape_cast %get3A_2043 : vector<1x16xf32> to vector<16xf32>
      %max3A_2045 = arith.maximumf %get3A_2039, %get3A_2044 : vector<16xf32>
      %get3A_2046 = arith.constant 7 : i32
      %get3A_2047 = arith.index_cast %get3A_2046 : i32 to index
      %get3A_2048 = arith.constant 80 : index
      %get3A_2049 = tpu.vector_load %arg7[%get3A_2047, %get3A_2048] {strides = array<i32>} : memref<8x128xf32, #tpu.memory_space<vmem>>, vector<1x16xf32>,
      %get3A_2050 = vector.shape_cast %get3A_2049 : vector<1x16xf32> to vector<16xf32>
      %max3A_2051 = arith.maximumf %get3A_2050, %max3A_2045 : vector<16xf32>
      %swap3A_2052 = arith.constant 7 : i32
      %swap3A_2053 = arith.index_cast %swap3A_2052 : i32 to index
      %swap3A_2054 = arith.constant 80 : index
      %swap3A_2055 = tpu.vector_load %arg7[%swap3A_2053, %swap3A_2054] {strides = array<i32>} : memref<8x128xf32, #tpu.memory_space<vmem>>, vector<1x16xf32>,
      %swap3A_2056 = vector.shape_cast %swap3A_2055 : vector<1x16xf32> to vector<16xf32>
      %swap3A_2057 = vector.shape_cast %max3A_2051 : vector<16xf32> to vector<1x16xf32>
      tpu.vector_store %arg7[%swap3A_2053, %swap3A_2054], %swap3A_2057 {strides = array<i32>} : memref<8x128xf32, #tpu.memory_space<vmem>>, vector<1x16xf32>,
      %get3A_2058 = arith.constant 7 : i32
      %get3A_2059 = arith.index_cast %get3A_2058 : i32 to index
      %get3A_2060 = arith.constant 96 : index
      %get3A_2061 = tpu.vector_load %arg6[%get3A_2059, %get3A_2060] {strides = array<i32>} : memref<16x128xf32, #tpu.memory_space<vmem>>, vector<1x16xf32>,
      %get3A_2062 = vector.shape_cast %get3A_2061 : vector<1x16xf32> to vector<16xf32>
      %get3A_2063 = arith.constant 15 : i32
      %get3A_2064 = arith.index_cast %get3A_2063 : i32 to index
      %get3A_2065 = arith.constant 96 : index
      %get3A_2066 = tpu.vector_load %arg6[%get3A_2064, %get3A_2065] {strides = array<i32>} : memref<16x128xf32, #tpu.memory_space<vmem>>, vector<1x16xf32>,
      %get3A_2067 = vector.shape_cast %get3A_2066 : vector<1x16xf32> to vector<16xf32>
      %max3A_2068 = arith.maximumf %get3A_2062, %get3A_2067 : vector<16xf32>
      %get3A_2069 = arith.constant 7 : i32
      %get3A_2070 = arith.index_cast %get3A_2069 : i32 to index
      %get3A_2071 = arith.constant 96 : index
      %get3A_2072 = tpu.vector_load %arg7[%get3A_2070, %get3A_2071] {strides = array<i32>} : memref<8x128xf32, #tpu.memory_space<vmem>>, vector<1x16xf32>,
      %get3A_2073 = vector.shape_cast %get3A_2072 : vector<1x16xf32> to vector<16xf32>
      %max3A_2074 = arith.maximumf %get3A_2073, %max3A_2068 : vector<16xf32>
      %swap3A_2075 = arith.constant 7 : i32
      %swap3A_2076 = arith.index_cast %swap3A_2075 : i32 to index
      %swap3A_2077 = arith.constant 96 : index
      %swap3A_2078 = tpu.vector_load %arg7[%swap3A_2076, %swap3A_2077] {strides = array<i32>} : memref<8x128xf32, #tpu.memory_space<vmem>>, vector<1x16xf32>,
      %swap3A_2079 = vector.shape_cast %swap3A_2078 : vector<1x16xf32> to vector<16xf32>
      %swap3A_2080 = vector.shape_cast %max3A_2074 : vector<16xf32> to vector<1x16xf32>
      tpu.vector_store %arg7[%swap3A_2076, %swap3A_2077], %swap3A_2080 {strides = array<i32>} : memref<8x128xf32, #tpu.memory_space<vmem>>, vector<1x16xf32>,
      %get3A_2081 = arith.constant 7 : i32
      %get3A_2082 = arith.index_cast %get3A_2081 : i32 to index
      %get3A_2083 = arith.constant 112 : index
      %get3A_2084 = tpu.vector_load %arg6[%get3A_2082, %get3A_2083] {strides = array<i32>} : memref<16x128xf32, #tpu.memory_space<vmem>>, vector<1x16xf32>,
      %get3A_2085 = vector.shape_cast %get3A_2084 : vector<1x16xf32> to vector<16xf32>
      %get3A_2086 = arith.constant 15 : i32
      %get3A_2087 = arith.index_cast %get3A_2086 : i32 to index
      %get3A_2088 = arith.constant 112 : index
      %get3A_2089 = tpu.vector_load %arg6[%get3A_2087, %get3A_2088] {strides = array<i32>} : memref<16x128xf32, #tpu.memory_space<vmem>>, vector<1x16xf32>,
      %get3A_2090 = vector.shape_cast %get3A_2089 : vector<1x16xf32> to vector<16xf32>
      %max3A_2091 = arith.maximumf %get3A_2085, %get3A_2090 : vector<16xf32>
      %get3A_2092 = arith.constant 7 : i32
      %get3A_2093 = arith.index_cast %get3A_2092 : i32 to index
      %get3A_2094 = arith.constant 112 : index
      %get3A_2095 = tpu.vector_load %arg7[%get3A_2093, %get3A_2094] {strides = array<i32>} : memref<8x128xf32, #tpu.memory_space<vmem>>, vector<1x16xf32>,
      %get3A_2096 = vector.shape_cast %get3A_2095 : vector<1x16xf32> to vector<16xf32>
      %max3A_2097 = arith.maximumf %get3A_2096, %max3A_2091 : vector<16xf32>
      %swap3A_2098 = arith.constant 7 : i32
      %swap3A_2099 = arith.index_cast %swap3A_2098 : i32 to index
      %swap3A_2100 = arith.constant 112 : index
      %swap3A_2101 = tpu.vector_load %arg7[%swap3A_2099, %swap3A_2100] {strides = array<i32>} : memref<8x128xf32, #tpu.memory_space<vmem>>, vector<1x16xf32>,
      %swap3A_2102 = vector.shape_cast %swap3A_2101 : vector<1x16xf32> to vector<16xf32>
      %swap3A_2103 = vector.shape_cast %max3A_2097 : vector<16xf32> to vector<1x16xf32>
      tpu.vector_store %arg7[%swap3A_2099, %swap3A_2100], %swap3A_2103 {strides = array<i32>} : memref<8x128xf32, #tpu.memory_space<vmem>>, vector<1x16xf32>,
    }
    %while3A_605 = arith.constant 1 : i32
    scf.for %while3A_608 = %while3A_603 to %while3A_599 step %while3A_605  : i32 {
      %iota3A = tpu.iota {dimensions = array<i32: 0>} : vector<16xi32>
      %and3A_609 = arith.constant 7 : i32
      %and3A_610 = vector.broadcast %and3A_609 : i32 to vector<16xi32>
      %and3A_611 = arith.andi %iota3A, %and3A_610 : vector<16xi32>
      %shift_right_arithmetic3A = arith.constant 3 : i32
      %shift_right_arithmetic3A_612 = vector.broadcast %shift_right_arithmetic3A : i32 to vector<16xi32>
      %shift_right_arithmetic3A_613 = arith.shrsi %iota3A, %shift_right_arithmetic3A_612 : vector<16xi32>
      %mul3A_614 = arith.constant 2 : i32
      %mul3A_615 = arith.muli %while3A_608, %mul3A_614 : i32
      %add3A_616 = vector.broadcast %mul3A_615 : i32 to vector<16xi32>
      %add3A_617 = arith.addi %add3A_616, %shift_right_arithmetic3A_613 : vector<16xi32>
      %sub3A_618 = arith.constant 1 : i32
      %sub3A_619 = arith.subi %sub3A_52, %sub3A_618 : i32
      %min3A_620 = vector.broadcast %sub3A_619 : i32 to vector<16xi32>
      %min3A_621 = arith.minsi %add3A_617, %min3A_620 : vector<16xi32>
      %mul3A_622 = arith.constant 8 : i32
      %mul3A_623 = vector.broadcast %mul3A_622 : i32 to vector<16xi32>
      %mul3A_624 = arith.muli %min3A_621, %mul3A_623 : vector<16xi32>
      %add3A_625 = vector.broadcast %mul3A_57 : i32 to vector<16xi32>
      %add3A_626 = arith.addi %add3A_625, %mul3A_624 : vector<16xi32>
      %add3A_627 = arith.addi %add3A_626, %and3A_611 : vector<16xi32>
      %dma_start3A = arith.constant 0 : i32
      %dma_start3A_628 = arith.constant 0 : i32
      %dma_start3A_629 = tpu.memref_slice %arg2[%dma_start3A, %dma_start3A_628] : memref<262144x128xf32, #tpu.memory_space<hbm>> -> memref<262144x128xf32, #tpu.memory_space<hbm>>
      tpu.enqueue_indirect_dma source(%dma_start3A_629 : memref<262144x128xf32, #tpu.memory_space<hbm>>) target(%arg6 : memref<16x128xf32, #tpu.memory_space<vmem>>) offsets(%add3A_627 : vector<16xi32>) semaphore(%arg9 : memref<!tpu.dma_semaphore, #tpu.memory_space<semaphore_mem>>)
      %dma_wait3A = arith.constant 0 : i32
      %dma_wait3A_630 = arith.constant 0 : i32
      %dma_wait3A_631 = tpu.memref_slice %arg2[%dma_wait3A, %dma_wait3A_630] : memref<262144x128xf32, #tpu.memory_space<hbm>> -> memref<262144x128xf32, #tpu.memory_space<hbm>>
      tpu.wait_indirect_dma semaphore(%arg9 : memref<!tpu.dma_semaphore, #tpu.memory_space<semaphore_mem>>) src(%dma_wait3A_631 : memref<262144x128xf32, #tpu.memory_space<hbm>>) dst(%arg6 : memref<16x128xf32, #tpu.memory_space<vmem>>)
      %get3A_632 = arith.constant 0 : i32
      %get3A_633 = arith.index_cast %get3A_632 : i32 to index
      %get3A_634 = arith.constant 0 : index
      %get3A_635 = tpu.vector_load %arg6[%get3A_633, %get3A_634] {strides = array<i32>} : memref<16x128xf32, #tpu.memory_space<vmem>>, vector<1x16xf32>,
      %get3A_636 = vector.shape_cast %get3A_635 : vector<1x16xf32> to vector<16xf32>
      %get3A_637 = arith.constant 8 : i32
      %get3A_638 = arith.index_cast %get3A_637 : i32 to index
      %get3A_639 = arith.constant 0 : index
      %get3A_640 = tpu.vector_load %arg6[%get3A_638, %get3A_639] {strides = array<i32>} : memref<16x128xf32, #tpu.memory_space<vmem>>, vector<1x16xf32>,
      %get3A_641 = vector.shape_cast %get3A_640 : vector<1x16xf32> to vector<16xf32>
      %max3A_642 = arith.maximumf %get3A_636, %get3A_641 : vector<16xf32>
      %get3A_643 = arith.constant 0 : i32
      %get3A_644 = arith.index_cast %get3A_643 : i32 to index
      %get3A_645 = arith.constant 0 : index
      %get3A_646 = tpu.vector_load %arg7[%get3A_644, %get3A_645] {strides = array<i32>} : memref<8x128xf32, #tpu.memory_space<vmem>>, vector<1x16xf32>,
      %get3A_647 = vector.shape_cast %get3A_646 : vector<1x16xf32> to vector<16xf32>
      %max3A_648 = arith.maximumf %get3A_647, %max3A_642 : vector<16xf32>
      %swap3A_649 = arith.constant 0 : i32
      %swap3A_650 = arith.index_cast %swap3A_649 : i32 to index
      %swap3A_651 = arith.constant 0 : index
      %swap3A_652 = tpu.vector_load %arg7[%swap3A_650, %swap3A_651] {strides = array<i32>} : memref<8x128xf32, #tpu.memory_space<vmem>>, vector<1x16xf32>,
      %swap3A_653 = vector.shape_cast %swap3A_652 : vector<1x16xf32> to vector<16xf32>
      %swap3A_654 = vector.shape_cast %max3A_648 : vector<16xf32> to vector<1x16xf32>
      tpu.vector_store %arg7[%swap3A_650, %swap3A_651], %swap3A_654 {strides = array<i32>} : memref<8x128xf32, #tpu.memory_space<vmem>>, vector<1x16xf32>,
      %get3A_655 = arith.constant 0 : i32
      %get3A_656 = arith.index_cast %get3A_655 : i32 to index
      %get3A_657 = arith.constant 16 : index
      %get3A_658 = tpu.vector_load %arg6[%get3A_656, %get3A_657] {strides = array<i32>} : memref<16x128xf32, #tpu.memory_space<vmem>>, vector<1x16xf32>,
      %get3A_659 = vector.shape_cast %get3A_658 : vector<1x16xf32> to vector<16xf32>
      %get3A_660 = arith.constant 8 : i32
      %get3A_661 = arith.index_cast %get3A_660 : i32 to index
      %get3A_662 = arith.constant 16 : index
      %get3A_663 = tpu.vector_load %arg6[%get3A_661, %get3A_662] {strides = array<i32>} : memref<16x128xf32, #tpu.memory_space<vmem>>, vector<1x16xf32>,
      %get3A_664 = vector.shape_cast %get3A_663 : vector<1x16xf32> to vector<16xf32>
      %max3A_665 = arith.maximumf %get3A_659, %get3A_664 : vector<16xf32>
      %get3A_666 = arith.constant 0 : i32
      %get3A_667 = arith.index_cast %get3A_666 : i32 to index
      %get3A_668 = arith.constant 16 : index
      %get3A_669 = tpu.vector_load %arg7[%get3A_667, %get3A_668] {strides = array<i32>} : memref<8x128xf32, #tpu.memory_space<vmem>>, vector<1x16xf32>,
      %get3A_670 = vector.shape_cast %get3A_669 : vector<1x16xf32> to vector<16xf32>
      %max3A_671 = arith.maximumf %get3A_670, %max3A_665 : vector<16xf32>
      %swap3A_672 = arith.constant 0 : i32
      %swap3A_673 = arith.index_cast %swap3A_672 : i32 to index
      %swap3A_674 = arith.constant 16 : index
      %swap3A_675 = tpu.vector_load %arg7[%swap3A_673, %swap3A_674] {strides = array<i32>} : memref<8x128xf32, #tpu.memory_space<vmem>>, vector<1x16xf32>,
      %swap3A_676 = vector.shape_cast %swap3A_675 : vector<1x16xf32> to vector<16xf32>
      %swap3A_677 = vector.shape_cast %max3A_671 : vector<16xf32> to vector<1x16xf32>
      tpu.vector_store %arg7[%swap3A_673, %swap3A_674], %swap3A_677 {strides = array<i32>} : memref<8x128xf32, #tpu.memory_space<vmem>>, vector<1x16xf32>,
      %get3A_678 = arith.constant 0 : i32
      %get3A_679 = arith.index_cast %get3A_678 : i32 to index
      %get3A_680 = arith.constant 32 : index
      %get3A_681 = tpu.vector_load %arg6[%get3A_679, %get3A_680] {strides = array<i32>} : memref<16x128xf32, #tpu.memory_space<vmem>>, vector<1x16xf32>,
      %get3A_682 = vector.shape_cast %get3A_681 : vector<1x16xf32> to vector<16xf32>
      %get3A_683 = arith.constant 8 : i32
      %get3A_684 = arith.index_cast %get3A_683 : i32 to index
      %get3A_685 = arith.constant 32 : index
      %get3A_686 = tpu.vector_load %arg6[%get3A_684, %get3A_685] {strides = array<i32>} : memref<16x128xf32, #tpu.memory_space<vmem>>, vector<1x16xf32>,
      %get3A_687 = vector.shape_cast %get3A_686 : vector<1x16xf32> to vector<16xf32>
      %max3A_688 = arith.maximumf %get3A_682, %get3A_687 : vector<16xf32>
      %get3A_689 = arith.constant 0 : i32
      %get3A_690 = arith.index_cast %get3A_689 : i32 to index
      %get3A_691 = arith.constant 32 : index
      %get3A_692 = tpu.vector_load %arg7[%get3A_690, %get3A_691] {strides = array<i32>} : memref<8x128xf32, #tpu.memory_space<vmem>>, vector<1x16xf32>,
      %get3A_693 = vector.shape_cast %get3A_692 : vector<1x16xf32> to vector<16xf32>
      %max3A_694 = arith.maximumf %get3A_693, %max3A_688 : vector<16xf32>
      %swap3A_695 = arith.constant 0 : i32
      %swap3A_696 = arith.index_cast %swap3A_695 : i32 to index
      %swap3A_697 = arith.constant 32 : index
      %swap3A_698 = tpu.vector_load %arg7[%swap3A_696, %swap3A_697] {strides = array<i32>} : memref<8x128xf32, #tpu.memory_space<vmem>>, vector<1x16xf32>,
      %swap3A_699 = vector.shape_cast %swap3A_698 : vector<1x16xf32> to vector<16xf32>
      %swap3A_700 = vector.shape_cast %max3A_694 : vector<16xf32> to vector<1x16xf32>
      tpu.vector_store %arg7[%swap3A_696, %swap3A_697], %swap3A_700 {strides = array<i32>} : memref<8x128xf32, #tpu.memory_space<vmem>>, vector<1x16xf32>,
      %get3A_701 = arith.constant 0 : i32
      %get3A_702 = arith.index_cast %get3A_701 : i32 to index
      %get3A_703 = arith.constant 48 : index
      %get3A_704 = tpu.vector_load %arg6[%get3A_702, %get3A_703] {strides = array<i32>} : memref<16x128xf32, #tpu.memory_space<vmem>>, vector<1x16xf32>,
      %get3A_705 = vector.shape_cast %get3A_704 : vector<1x16xf32> to vector<16xf32>
      %get3A_706 = arith.constant 8 : i32
      %get3A_707 = arith.index_cast %get3A_706 : i32 to index
      %get3A_708 = arith.constant 48 : index
      %get3A_709 = tpu.vector_load %arg6[%get3A_707, %get3A_708] {strides = array<i32>} : memref<16x128xf32, #tpu.memory_space<vmem>>, vector<1x16xf32>,
      %get3A_710 = vector.shape_cast %get3A_709 : vector<1x16xf32> to vector<16xf32>
      %max3A_711 = arith.maximumf %get3A_705, %get3A_710 : vector<16xf32>
      %get3A_712 = arith.constant 0 : i32
      %get3A_713 = arith.index_cast %get3A_712 : i32 to index
      %get3A_714 = arith.constant 48 : index
      %get3A_715 = tpu.vector_load %arg7[%get3A_713, %get3A_714] {strides = array<i32>} : memref<8x128xf32, #tpu.memory_space<vmem>>, vector<1x16xf32>,
      %get3A_716 = vector.shape_cast %get3A_715 : vector<1x16xf32> to vector<16xf32>
      %max3A_717 = arith.maximumf %get3A_716, %max3A_711 : vector<16xf32>
      %swap3A_718 = arith.constant 0 : i32
      %swap3A_719 = arith.index_cast %swap3A_718 : i32 to index
      %swap3A_720 = arith.constant 48 : index
      %swap3A_721 = tpu.vector_load %arg7[%swap3A_719, %swap3A_720] {strides = array<i32>} : memref<8x128xf32, #tpu.memory_space<vmem>>, vector<1x16xf32>,
      %swap3A_722 = vector.shape_cast %swap3A_721 : vector<1x16xf32> to vector<16xf32>
      %swap3A_723 = vector.shape_cast %max3A_717 : vector<16xf32> to vector<1x16xf32>
      tpu.vector_store %arg7[%swap3A_719, %swap3A_720], %swap3A_723 {strides = array<i32>} : memref<8x128xf32, #tpu.memory_space<vmem>>, vector<1x16xf32>,
      %get3A_724 = arith.constant 0 : i32
      %get3A_725 = arith.index_cast %get3A_724 : i32 to index
      %get3A_726 = arith.constant 64 : index
      %get3A_727 = tpu.vector_load %arg6[%get3A_725, %get3A_726] {strides = array<i32>} : memref<16x128xf32, #tpu.memory_space<vmem>>, vector<1x16xf32>,
      %get3A_728 = vector.shape_cast %get3A_727 : vector<1x16xf32> to vector<16xf32>
      %get3A_729 = arith.constant 8 : i32
      %get3A_730 = arith.index_cast %get3A_729 : i32 to index
      %get3A_731 = arith.constant 64 : index
      %get3A_732 = tpu.vector_load %arg6[%get3A_730, %get3A_731] {strides = array<i32>} : memref<16x128xf32, #tpu.memory_space<vmem>>, vector<1x16xf32>,
      %get3A_733 = vector.shape_cast %get3A_732 : vector<1x16xf32> to vector<16xf32>
      %max3A_734 = arith.maximumf %get3A_728, %get3A_733 : vector<16xf32>
      %get3A_735 = arith.constant 0 : i32
      %get3A_736 = arith.index_cast %get3A_735 : i32 to index
      %get3A_737 = arith.constant 64 : index
      %get3A_738 = tpu.vector_load %arg7[%get3A_736, %get3A_737] {strides = array<i32>} : memref<8x128xf32, #tpu.memory_space<vmem>>, vector<1x16xf32>,
      %get3A_739 = vector.shape_cast %get3A_738 : vector<1x16xf32> to vector<16xf32>
      %max3A_740 = arith.maximumf %get3A_739, %max3A_734 : vector<16xf32>
      %swap3A_741 = arith.constant 0 : i32
      %swap3A_742 = arith.index_cast %swap3A_741 : i32 to index
      %swap3A_743 = arith.constant 64 : index
      %swap3A_744 = tpu.vector_load %arg7[%swap3A_742, %swap3A_743] {strides = array<i32>} : memref<8x128xf32, #tpu.memory_space<vmem>>, vector<1x16xf32>,
      %swap3A_745 = vector.shape_cast %swap3A_744 : vector<1x16xf32> to vector<16xf32>
      %swap3A_746 = vector.shape_cast %max3A_740 : vector<16xf32> to vector<1x16xf32>
      tpu.vector_store %arg7[%swap3A_742, %swap3A_743], %swap3A_746 {strides = array<i32>} : memref<8x128xf32, #tpu.memory_space<vmem>>, vector<1x16xf32>,
      %get3A_747 = arith.constant 0 : i32
      %get3A_748 = arith.index_cast %get3A_747 : i32 to index
      %get3A_749 = arith.constant 80 : index
      %get3A_750 = tpu.vector_load %arg6[%get3A_748, %get3A_749] {strides = array<i32>} : memref<16x128xf32, #tpu.memory_space<vmem>>, vector<1x16xf32>,
      %get3A_751 = vector.shape_cast %get3A_750 : vector<1x16xf32> to vector<16xf32>
      %get3A_752 = arith.constant 8 : i32
      %get3A_753 = arith.index_cast %get3A_752 : i32 to index
      %get3A_754 = arith.constant 80 : index
      %get3A_755 = tpu.vector_load %arg6[%get3A_753, %get3A_754] {strides = array<i32>} : memref<16x128xf32, #tpu.memory_space<vmem>>, vector<1x16xf32>,
      %get3A_756 = vector.shape_cast %get3A_755 : vector<1x16xf32> to vector<16xf32>
      %max3A_757 = arith.maximumf %get3A_751, %get3A_756 : vector<16xf32>
      %get3A_758 = arith.constant 0 : i32
      %get3A_759 = arith.index_cast %get3A_758 : i32 to index
      %get3A_760 = arith.constant 80 : index
      %get3A_761 = tpu.vector_load %arg7[%get3A_759, %get3A_760] {strides = array<i32>} : memref<8x128xf32, #tpu.memory_space<vmem>>, vector<1x16xf32>,
      %get3A_762 = vector.shape_cast %get3A_761 : vector<1x16xf32> to vector<16xf32>
      %max3A_763 = arith.maximumf %get3A_762, %max3A_757 : vector<16xf32>
      %swap3A_764 = arith.constant 0 : i32
      %swap3A_765 = arith.index_cast %swap3A_764 : i32 to index
      %swap3A_766 = arith.constant 80 : index
      %swap3A_767 = tpu.vector_load %arg7[%swap3A_765, %swap3A_766] {strides = array<i32>} : memref<8x128xf32, #tpu.memory_space<vmem>>, vector<1x16xf32>,
      %swap3A_768 = vector.shape_cast %swap3A_767 : vector<1x16xf32> to vector<16xf32>
      %swap3A_769 = vector.shape_cast %max3A_763 : vector<16xf32> to vector<1x16xf32>
      tpu.vector_store %arg7[%swap3A_765, %swap3A_766], %swap3A_769 {strides = array<i32>} : memref<8x128xf32, #tpu.memory_space<vmem>>, vector<1x16xf32>,
      %get3A_770 = arith.constant 0 : i32
      %get3A_771 = arith.index_cast %get3A_770 : i32 to index
      %get3A_772 = arith.constant 96 : index
      %get3A_773 = tpu.vector_load %arg6[%get3A_771, %get3A_772] {strides = array<i32>} : memref<16x128xf32, #tpu.memory_space<vmem>>, vector<1x16xf32>,
      %get3A_774 = vector.shape_cast %get3A_773 : vector<1x16xf32> to vector<16xf32>
      %get3A_775 = arith.constant 8 : i32
      %get3A_776 = arith.index_cast %get3A_775 : i32 to index
      %get3A_777 = arith.constant 96 : index
      %get3A_778 = tpu.vector_load %arg6[%get3A_776, %get3A_777] {strides = array<i32>} : memref<16x128xf32, #tpu.memory_space<vmem>>, vector<1x16xf32>,
      %get3A_779 = vector.shape_cast %get3A_778 : vector<1x16xf32> to vector<16xf32>
      %max3A_780 = arith.maximumf %get3A_774, %get3A_779 : vector<16xf32>
      %get3A_781 = arith.constant 0 : i32
      %get3A_782 = arith.index_cast %get3A_781 : i32 to index
      %get3A_783 = arith.constant 96 : index
      %get3A_784 = tpu.vector_load %arg7[%get3A_782, %get3A_783] {strides = array<i32>} : memref<8x128xf32, #tpu.memory_space<vmem>>, vector<1x16xf32>,
      %get3A_785 = vector.shape_cast %get3A_784 : vector<1x16xf32> to vector<16xf32>
      %max3A_786 = arith.maximumf %get3A_785, %max3A_780 : vector<16xf32>
      %swap3A_787 = arith.constant 0 : i32
      %swap3A_788 = arith.index_cast %swap3A_787 : i32 to index
      %swap3A_789 = arith.constant 96 : index
      %swap3A_790 = tpu.vector_load %arg7[%swap3A_788, %swap3A_789] {strides = array<i32>} : memref<8x128xf32, #tpu.memory_space<vmem>>, vector<1x16xf32>,
      %swap3A_791 = vector.shape_cast %swap3A_790 : vector<1x16xf32> to vector<16xf32>
      %swap3A_792 = vector.shape_cast %max3A_786 : vector<16xf32> to vector<1x16xf32>
      tpu.vector_store %arg7[%swap3A_788, %swap3A_789], %swap3A_792 {strides = array<i32>} : memref<8x128xf32, #tpu.memory_space<vmem>>, vector<1x16xf32>,
      %get3A_793 = arith.constant 0 : i32
      %get3A_794 = arith.index_cast %get3A_793 : i32 to index
      %get3A_795 = arith.constant 112 : index
      %get3A_796 = tpu.vector_load %arg6[%get3A_794, %get3A_795] {strides = array<i32>} : memref<16x128xf32, #tpu.memory_space<vmem>>, vector<1x16xf32>,
      %get3A_797 = vector.shape_cast %get3A_796 : vector<1x16xf32> to vector<16xf32>
      %get3A_798 = arith.constant 8 : i32
      %get3A_799 = arith.index_cast %get3A_798 : i32 to index
      %get3A_800 = arith.constant 112 : index
      %get3A_801 = tpu.vector_load %arg6[%get3A_799, %get3A_800] {strides = array<i32>} : memref<16x128xf32, #tpu.memory_space<vmem>>, vector<1x16xf32>,
      %get3A_802 = vector.shape_cast %get3A_801 : vector<1x16xf32> to vector<16xf32>
      %max3A_803 = arith.maximumf %get3A_797, %get3A_802 : vector<16xf32>
      %get3A_804 = arith.constant 0 : i32
      %get3A_805 = arith.index_cast %get3A_804 : i32 to index
      %get3A_806 = arith.constant 112 : index
      %get3A_807 = tpu.vector_load %arg7[%get3A_805, %get3A_806] {strides = array<i32>} : memref<8x128xf32, #tpu.memory_space<vmem>>, vector<1x16xf32>,
      %get3A_808 = vector.shape_cast %get3A_807 : vector<1x16xf32> to vector<16xf32>
      %max3A_809 = arith.maximumf %get3A_808, %max3A_803 : vector<16xf32>
      %swap3A_810 = arith.constant 0 : i32
      %swap3A_811 = arith.index_cast %swap3A_810 : i32 to index
      %swap3A_812 = arith.constant 112 : index
      %swap3A_813 = tpu.vector_load %arg7[%swap3A_811, %swap3A_812] {strides = array<i32>} : memref<8x128xf32, #tpu.memory_space<vmem>>, vector<1x16xf32>,
      %swap3A_814 = vector.shape_cast %swap3A_813 : vector<1x16xf32> to vector<16xf32>
      %swap3A_815 = vector.shape_cast %max3A_809 : vector<16xf32> to vector<1x16xf32>
      tpu.vector_store %arg7[%swap3A_811, %swap3A_812], %swap3A_815 {strides = array<i32>} : memref<8x128xf32, #tpu.memory_space<vmem>>, vector<1x16xf32>,
      %get3A_816 = arith.constant 1 : i32
      %get3A_817 = arith.index_cast %get3A_816 : i32 to index
      %get3A_818 = arith.constant 0 : index
      %get3A_819 = tpu.vector_load %arg6[%get3A_817, %get3A_818] {strides = array<i32>} : memref<16x128xf32, #tpu.memory_space<vmem>>, vector<1x16xf32>,
      %get3A_820 = vector.shape_cast %get3A_819 : vector<1x16xf32> to vector<16xf32>
      %get3A_821 = arith.constant 9 : i32
      %get3A_822 = arith.index_cast %get3A_821 : i32 to index
      %get3A_823 = arith.constant 0 : index
      %get3A_824 = tpu.vector_load %arg6[%get3A_822, %get3A_823] {strides = array<i32>} : memref<16x128xf32, #tpu.memory_space<vmem>>, vector<1x16xf32>,
      %get3A_825 = vector.shape_cast %get3A_824 : vector<1x16xf32> to vector<16xf32>
      %max3A_826 = arith.maximumf %get3A_820, %get3A_825 : vector<16xf32>
      %get3A_827 = arith.constant 1 : i32
      %get3A_828 = arith.index_cast %get3A_827 : i32 to index
      %get3A_829 = arith.constant 0 : index
      %get3A_830 = tpu.vector_load %arg7[%get3A_828, %get3A_829] {strides = array<i32>} : memref<8x128xf32, #tpu.memory_space<vmem>>, vector<1x16xf32>,
      %get3A_831 = vector.shape_cast %get3A_830 : vector<1x16xf32> to vector<16xf32>
      %max3A_832 = arith.maximumf %get3A_831, %max3A_826 : vector<16xf32>
      %swap3A_833 = arith.constant 1 : i32
      %swap3A_834 = arith.index_cast %swap3A_833 : i32 to index
      %swap3A_835 = arith.constant 0 : index
      %swap3A_836 = tpu.vector_load %arg7[%swap3A_834, %swap3A_835] {strides = array<i32>} : memref<8x128xf32, #tpu.memory_space<vmem>>, vector<1x16xf32>,
      %swap3A_837 = vector.shape_cast %swap3A_836 : vector<1x16xf32> to vector<16xf32>
      %swap3A_838 = vector.shape_cast %max3A_832 : vector<16xf32> to vector<1x16xf32>
      tpu.vector_store %arg7[%swap3A_834, %swap3A_835], %swap3A_838 {strides = array<i32>} : memref<8x128xf32, #tpu.memory_space<vmem>>, vector<1x16xf32>,
      %get3A_839 = arith.constant 1 : i32
      %get3A_840 = arith.index_cast %get3A_839 : i32 to index
      %get3A_841 = arith.constant 16 : index
      %get3A_842 = tpu.vector_load %arg6[%get3A_840, %get3A_841] {strides = array<i32>} : memref<16x128xf32, #tpu.memory_space<vmem>>, vector<1x16xf32>,
      %get3A_843 = vector.shape_cast %get3A_842 : vector<1x16xf32> to vector<16xf32>
      %get3A_844 = arith.constant 9 : i32
      %get3A_845 = arith.index_cast %get3A_844 : i32 to index
      %get3A_846 = arith.constant 16 : index
      %get3A_847 = tpu.vector_load %arg6[%get3A_845, %get3A_846] {strides = array<i32>} : memref<16x128xf32, #tpu.memory_space<vmem>>, vector<1x16xf32>,
      %get3A_848 = vector.shape_cast %get3A_847 : vector<1x16xf32> to vector<16xf32>
      %max3A_849 = arith.maximumf %get3A_843, %get3A_848 : vector<16xf32>
      %get3A_850 = arith.constant 1 : i32
      %get3A_851 = arith.index_cast %get3A_850 : i32 to index
      %get3A_852 = arith.constant 16 : index
      %get3A_853 = tpu.vector_load %arg7[%get3A_851, %get3A_852] {strides = array<i32>} : memref<8x128xf32, #tpu.memory_space<vmem>>, vector<1x16xf32>,
      %get3A_854 = vector.shape_cast %get3A_853 : vector<1x16xf32> to vector<16xf32>
      %max3A_855 = arith.maximumf %get3A_854, %max3A_849 : vector<16xf32>
      %swap3A_856 = arith.constant 1 : i32
      %swap3A_857 = arith.index_cast %swap3A_856 : i32 to index
      %swap3A_858 = arith.constant 16 : index
      %swap3A_859 = tpu.vector_load %arg7[%swap3A_857, %swap3A_858] {strides = array<i32>} : memref<8x128xf32, #tpu.memory_space<vmem>>, vector<1x16xf32>,
      %swap3A_860 = vector.shape_cast %swap3A_859 : vector<1x16xf32> to vector<16xf32>
      %swap3A_861 = vector.shape_cast %max3A_855 : vector<16xf32> to vector<1x16xf32>
      tpu.vector_store %arg7[%swap3A_857, %swap3A_858], %swap3A_861 {strides = array<i32>} : memref<8x128xf32, #tpu.memory_space<vmem>>, vector<1x16xf32>,
      %get3A_862 = arith.constant 1 : i32
      %get3A_863 = arith.index_cast %get3A_862 : i32 to index
      %get3A_864 = arith.constant 32 : index
      %get3A_865 = tpu.vector_load %arg6[%get3A_863, %get3A_864] {strides = array<i32>} : memref<16x128xf32, #tpu.memory_space<vmem>>, vector<1x16xf32>,
      %get3A_866 = vector.shape_cast %get3A_865 : vector<1x16xf32> to vector<16xf32>
      %get3A_867 = arith.constant 9 : i32
      %get3A_868 = arith.index_cast %get3A_867 : i32 to index
      %get3A_869 = arith.constant 32 : index
      %get3A_870 = tpu.vector_load %arg6[%get3A_868, %get3A_869] {strides = array<i32>} : memref<16x128xf32, #tpu.memory_space<vmem>>, vector<1x16xf32>,
      %get3A_871 = vector.shape_cast %get3A_870 : vector<1x16xf32> to vector<16xf32>
      %max3A_872 = arith.maximumf %get3A_866, %get3A_871 : vector<16xf32>
      %get3A_873 = arith.constant 1 : i32
      %get3A_874 = arith.index_cast %get3A_873 : i32 to index
      %get3A_875 = arith.constant 32 : index
      %get3A_876 = tpu.vector_load %arg7[%get3A_874, %get3A_875] {strides = array<i32>} : memref<8x128xf32, #tpu.memory_space<vmem>>, vector<1x16xf32>,
      %get3A_877 = vector.shape_cast %get3A_876 : vector<1x16xf32> to vector<16xf32>
      %max3A_878 = arith.maximumf %get3A_877, %max3A_872 : vector<16xf32>
      %swap3A_879 = arith.constant 1 : i32
      %swap3A_880 = arith.index_cast %swap3A_879 : i32 to index
      %swap3A_881 = arith.constant 32 : index
      %swap3A_882 = tpu.vector_load %arg7[%swap3A_880, %swap3A_881] {strides = array<i32>} : memref<8x128xf32, #tpu.memory_space<vmem>>, vector<1x16xf32>,
      %swap3A_883 = vector.shape_cast %swap3A_882 : vector<1x16xf32> to vector<16xf32>
      %swap3A_884 = vector.shape_cast %max3A_878 : vector<16xf32> to vector<1x16xf32>
      tpu.vector_store %arg7[%swap3A_880, %swap3A_881], %swap3A_884 {strides = array<i32>} : memref<8x128xf32, #tpu.memory_space<vmem>>, vector<1x16xf32>,
      %get3A_885 = arith.constant 1 : i32
      %get3A_886 = arith.index_cast %get3A_885 : i32 to index
      %get3A_887 = arith.constant 48 : index
      %get3A_888 = tpu.vector_load %arg6[%get3A_886, %get3A_887] {strides = array<i32>} : memref<16x128xf32, #tpu.memory_space<vmem>>, vector<1x16xf32>,
      %get3A_889 = vector.shape_cast %get3A_888 : vector<1x16xf32> to vector<16xf32>
      %get3A_890 = arith.constant 9 : i32
      %get3A_891 = arith.index_cast %get3A_890 : i32 to index
      %get3A_892 = arith.constant 48 : index
      %get3A_893 = tpu.vector_load %arg6[%get3A_891, %get3A_892] {strides = array<i32>} : memref<16x128xf32, #tpu.memory_space<vmem>>, vector<1x16xf32>,
      %get3A_894 = vector.shape_cast %get3A_893 : vector<1x16xf32> to vector<16xf32>
      %max3A_895 = arith.maximumf %get3A_889, %get3A_894 : vector<16xf32>
      %get3A_896 = arith.constant 1 : i32
      %get3A_897 = arith.index_cast %get3A_896 : i32 to index
      %get3A_898 = arith.constant 48 : index
      %get3A_899 = tpu.vector_load %arg7[%get3A_897, %get3A_898] {strides = array<i32>} : memref<8x128xf32, #tpu.memory_space<vmem>>, vector<1x16xf32>,
      %get3A_900 = vector.shape_cast %get3A_899 : vector<1x16xf32> to vector<16xf32>
      %max3A_901 = arith.maximumf %get3A_900, %max3A_895 : vector<16xf32>
      %swap3A_902 = arith.constant 1 : i32
      %swap3A_903 = arith.index_cast %swap3A_902 : i32 to index
      %swap3A_904 = arith.constant 48 : index
      %swap3A_905 = tpu.vector_load %arg7[%swap3A_903, %swap3A_904] {strides = array<i32>} : memref<8x128xf32, #tpu.memory_space<vmem>>, vector<1x16xf32>,
      %swap3A_906 = vector.shape_cast %swap3A_905 : vector<1x16xf32> to vector<16xf32>
      %swap3A_907 = vector.shape_cast %max3A_901 : vector<16xf32> to vector<1x16xf32>
      tpu.vector_store %arg7[%swap3A_903, %swap3A_904], %swap3A_907 {strides = array<i32>} : memref<8x128xf32, #tpu.memory_space<vmem>>, vector<1x16xf32>,
      %get3A_908 = arith.constant 1 : i32
      %get3A_909 = arith.index_cast %get3A_908 : i32 to index
      %get3A_910 = arith.constant 64 : index
      %get3A_911 = tpu.vector_load %arg6[%get3A_909, %get3A_910] {strides = array<i32>} : memref<16x128xf32, #tpu.memory_space<vmem>>, vector<1x16xf32>,
      %get3A_912 = vector.shape_cast %get3A_911 : vector<1x16xf32> to vector<16xf32>
      %get3A_913 = arith.constant 9 : i32
      %get3A_914 = arith.index_cast %get3A_913 : i32 to index
      %get3A_915 = arith.constant 64 : index
      %get3A_916 = tpu.vector_load %arg6[%get3A_914, %get3A_915] {strides = array<i32>} : memref<16x128xf32, #tpu.memory_space<vmem>>, vector<1x16xf32>,
      %get3A_917 = vector.shape_cast %get3A_916 : vector<1x16xf32> to vector<16xf32>
      %max3A_918 = arith.maximumf %get3A_912, %get3A_917 : vector<16xf32>
      %get3A_919 = arith.constant 1 : i32
      %get3A_920 = arith.index_cast %get3A_919 : i32 to index
      %get3A_921 = arith.constant 64 : index
      %get3A_922 = tpu.vector_load %arg7[%get3A_920, %get3A_921] {strides = array<i32>} : memref<8x128xf32, #tpu.memory_space<vmem>>, vector<1x16xf32>,
      %get3A_923 = vector.shape_cast %get3A_922 : vector<1x16xf32> to vector<16xf32>
      %max3A_924 = arith.maximumf %get3A_923, %max3A_918 : vector<16xf32>
      %swap3A_925 = arith.constant 1 : i32
      %swap3A_926 = arith.index_cast %swap3A_925 : i32 to index
      %swap3A_927 = arith.constant 64 : index
      %swap3A_928 = tpu.vector_load %arg7[%swap3A_926, %swap3A_927] {strides = array<i32>} : memref<8x128xf32, #tpu.memory_space<vmem>>, vector<1x16xf32>,
      %swap3A_929 = vector.shape_cast %swap3A_928 : vector<1x16xf32> to vector<16xf32>
      %swap3A_930 = vector.shape_cast %max3A_924 : vector<16xf32> to vector<1x16xf32>
      tpu.vector_store %arg7[%swap3A_926, %swap3A_927], %swap3A_930 {strides = array<i32>} : memref<8x128xf32, #tpu.memory_space<vmem>>, vector<1x16xf32>,
      %get3A_931 = arith.constant 1 : i32
      %get3A_932 = arith.index_cast %get3A_931 : i32 to index
      %get3A_933 = arith.constant 80 : index
      %get3A_934 = tpu.vector_load %arg6[%get3A_932, %get3A_933] {strides = array<i32>} : memref<16x128xf32, #tpu.memory_space<vmem>>, vector<1x16xf32>,
      %get3A_935 = vector.shape_cast %get3A_934 : vector<1x16xf32> to vector<16xf32>
      %get3A_936 = arith.constant 9 : i32
      %get3A_937 = arith.index_cast %get3A_936 : i32 to index
      %get3A_938 = arith.constant 80 : index
      %get3A_939 = tpu.vector_load %arg6[%get3A_937, %get3A_938] {strides = array<i32>} : memref<16x128xf32, #tpu.memory_space<vmem>>, vector<1x16xf32>,
      %get3A_940 = vector.shape_cast %get3A_939 : vector<1x16xf32> to vector<16xf32>
      %max3A_941 = arith.maximumf %get3A_935, %get3A_940 : vector<16xf32>
      %get3A_942 = arith.constant 1 : i32
      %get3A_943 = arith.index_cast %get3A_942 : i32 to index
      %get3A_944 = arith.constant 80 : index
      %get3A_945 = tpu.vector_load %arg7[%get3A_943, %get3A_944] {strides = array<i32>} : memref<8x128xf32, #tpu.memory_space<vmem>>, vector<1x16xf32>,
      %get3A_946 = vector.shape_cast %get3A_945 : vector<1x16xf32> to vector<16xf32>
      %max3A_947 = arith.maximumf %get3A_946, %max3A_941 : vector<16xf32>
      %swap3A_948 = arith.constant 1 : i32
      %swap3A_949 = arith.index_cast %swap3A_948 : i32 to index
      %swap3A_950 = arith.constant 80 : index
      %swap3A_951 = tpu.vector_load %arg7[%swap3A_949, %swap3A_950] {strides = array<i32>} : memref<8x128xf32, #tpu.memory_space<vmem>>, vector<1x16xf32>,
      %swap3A_952 = vector.shape_cast %swap3A_951 : vector<1x16xf32> to vector<16xf32>
      %swap3A_953 = vector.shape_cast %max3A_947 : vector<16xf32> to vector<1x16xf32>
      tpu.vector_store %arg7[%swap3A_949, %swap3A_950], %swap3A_953 {strides = array<i32>} : memref<8x128xf32, #tpu.memory_space<vmem>>, vector<1x16xf32>,
      %get3A_954 = arith.constant 1 : i32
      %get3A_955 = arith.index_cast %get3A_954 : i32 to index
      %get3A_956 = arith.constant 96 : index
      %get3A_957 = tpu.vector_load %arg6[%get3A_955, %get3A_956] {strides = array<i32>} : memref<16x128xf32, #tpu.memory_space<vmem>>, vector<1x16xf32>,
      %get3A_958 = vector.shape_cast %get3A_957 : vector<1x16xf32> to vector<16xf32>
      %get3A_959 = arith.constant 9 : i32
      %get3A_960 = arith.index_cast %get3A_959 : i32 to index
      %get3A_961 = arith.constant 96 : index
      %get3A_962 = tpu.vector_load %arg6[%get3A_960, %get3A_961] {strides = array<i32>} : memref<16x128xf32, #tpu.memory_space<vmem>>, vector<1x16xf32>,
      %get3A_963 = vector.shape_cast %get3A_962 : vector<1x16xf32> to vector<16xf32>
      %max3A_964 = arith.maximumf %get3A_958, %get3A_963 : vector<16xf32>
      %get3A_965 = arith.constant 1 : i32
      %get3A_966 = arith.index_cast %get3A_965 : i32 to index
      %get3A_967 = arith.constant 96 : index
      %get3A_968 = tpu.vector_load %arg7[%get3A_966, %get3A_967] {strides = array<i32>} : memref<8x128xf32, #tpu.memory_space<vmem>>, vector<1x16xf32>,
      %get3A_969 = vector.shape_cast %get3A_968 : vector<1x16xf32> to vector<16xf32>
      %max3A_970 = arith.maximumf %get3A_969, %max3A_964 : vector<16xf32>
      %swap3A_971 = arith.constant 1 : i32
      %swap3A_972 = arith.index_cast %swap3A_971 : i32 to index
      %swap3A_973 = arith.constant 96 : index
      %swap3A_974 = tpu.vector_load %arg7[%swap3A_972, %swap3A_973] {strides = array<i32>} : memref<8x128xf32, #tpu.memory_space<vmem>>, vector<1x16xf32>,
      %swap3A_975 = vector.shape_cast %swap3A_974 : vector<1x16xf32> to vector<16xf32>
      %swap3A_976 = vector.shape_cast %max3A_970 : vector<16xf32> to vector<1x16xf32>
      tpu.vector_store %arg7[%swap3A_972, %swap3A_973], %swap3A_976 {strides = array<i32>} : memref<8x128xf32, #tpu.memory_space<vmem>>, vector<1x16xf32>,
      %get3A_977 = arith.constant 1 : i32
      %get3A_978 = arith.index_cast %get3A_977 : i32 to index
      %get3A_979 = arith.constant 112 : index
      %get3A_980 = tpu.vector_load %arg6[%get3A_978, %get3A_979] {strides = array<i32>} : memref<16x128xf32, #tpu.memory_space<vmem>>, vector<1x16xf32>,
      %get3A_981 = vector.shape_cast %get3A_980 : vector<1x16xf32> to vector<16xf32>
      %get3A_982 = arith.constant 9 : i32
      %get3A_983 = arith.index_cast %get3A_982 : i32 to index
      %get3A_984 = arith.constant 112 : index
      %get3A_985 = tpu.vector_load %arg6[%get3A_983, %get3A_984] {strides = array<i32>} : memref<16x128xf32, #tpu.memory_space<vmem>>, vector<1x16xf32>,
      %get3A_986 = vector.shape_cast %get3A_985 : vector<1x16xf32> to vector<16xf32>
      %max3A_987 = arith.maximumf %get3A_981, %get3A_986 : vector<16xf32>
      %get3A_988 = arith.constant 1 : i32
      %get3A_989 = arith.index_cast %get3A_988 : i32 to index
      %get3A_990 = arith.constant 112 : index
      %get3A_991 = tpu.vector_load %arg7[%get3A_989, %get3A_990] {strides = array<i32>} : memref<8x128xf32, #tpu.memory_space<vmem>>, vector<1x16xf32>,
      %get3A_992 = vector.shape_cast %get3A_991 : vector<1x16xf32> to vector<16xf32>
      %max3A_993 = arith.maximumf %get3A_992, %max3A_987 : vector<16xf32>
      %swap3A_994 = arith.constant 1 : i32
      %swap3A_995 = arith.index_cast %swap3A_994 : i32 to index
      %swap3A_996 = arith.constant 112 : index
      %swap3A_997 = tpu.vector_load %arg7[%swap3A_995, %swap3A_996] {strides = array<i32>} : memref<8x128xf32, #tpu.memory_space<vmem>>, vector<1x16xf32>,
      %swap3A_998 = vector.shape_cast %swap3A_997 : vector<1x16xf32> to vector<16xf32>
      %swap3A_999 = vector.shape_cast %max3A_993 : vector<16xf32> to vector<1x16xf32>
      tpu.vector_store %arg7[%swap3A_995, %swap3A_996], %swap3A_999 {strides = array<i32>} : memref<8x128xf32, #tpu.memory_space<vmem>>, vector<1x16xf32>,
      %get3A_1000 = arith.constant 2 : i32
      %get3A_1001 = arith.index_cast %get3A_1000 : i32 to index
      %get3A_1002 = arith.constant 0 : index
      %get3A_1003 = tpu.vector_load %arg6[%get3A_1001, %get3A_1002] {strides = array<i32>} : memref<16x128xf32, #tpu.memory_space<vmem>>, vector<1x16xf32>,
      %get3A_1004 = vector.shape_cast %get3A_1003 : vector<1x16xf32> to vector<16xf32>
      %get3A_1005 = arith.constant 10 : i32
      %get3A_1006 = arith.index_cast %get3A_1005 : i32 to index
      %get3A_1007 = arith.constant 0 : index
      %get3A_1008 = tpu.vector_load %arg6[%get3A_1006, %get3A_1007] {strides = array<i32>} : memref<16x128xf32, #tpu.memory_space<vmem>>, vector<1x16xf32>,
      %get3A_1009 = vector.shape_cast %get3A_1008 : vector<1x16xf32> to vector<16xf32>
      %max3A_1010 = arith.maximumf %get3A_1004, %get3A_1009 : vector<16xf32>
      %get3A_1011 = arith.constant 2 : i32
      %get3A_1012 = arith.index_cast %get3A_1011 : i32 to index
      %get3A_1013 = arith.constant 0 : index
      %get3A_1014 = tpu.vector_load %arg7[%get3A_1012, %get3A_1013] {strides = array<i32>} : memref<8x128xf32, #tpu.memory_space<vmem>>, vector<1x16xf32>,
      %get3A_1015 = vector.shape_cast %get3A_1014 : vector<1x16xf32> to vector<16xf32>
      %max3A_1016 = arith.maximumf %get3A_1015, %max3A_1010 : vector<16xf32>
      %swap3A_1017 = arith.constant 2 : i32
      %swap3A_1018 = arith.index_cast %swap3A_1017 : i32 to index
      %swap3A_1019 = arith.constant 0 : index
      %swap3A_1020 = tpu.vector_load %arg7[%swap3A_1018, %swap3A_1019] {strides = array<i32>} : memref<8x128xf32, #tpu.memory_space<vmem>>, vector<1x16xf32>,
      %swap3A_1021 = vector.shape_cast %swap3A_1020 : vector<1x16xf32> to vector<16xf32>
      %swap3A_1022 = vector.shape_cast %max3A_1016 : vector<16xf32> to vector<1x16xf32>
      tpu.vector_store %arg7[%swap3A_1018, %swap3A_1019], %swap3A_1022 {strides = array<i32>} : memref<8x128xf32, #tpu.memory_space<vmem>>, vector<1x16xf32>,
      %get3A_1023 = arith.constant 2 : i32
      %get3A_1024 = arith.index_cast %get3A_1023 : i32 to index
      %get3A_1025 = arith.constant 16 : index
      %get3A_1026 = tpu.vector_load %arg6[%get3A_1024, %get3A_1025] {strides = array<i32>} : memref<16x128xf32, #tpu.memory_space<vmem>>, vector<1x16xf32>,
      %get3A_1027 = vector.shape_cast %get3A_1026 : vector<1x16xf32> to vector<16xf32>
      %get3A_1028 = arith.constant 10 : i32
      %get3A_1029 = arith.index_cast %get3A_1028 : i32 to index
      %get3A_1030 = arith.constant 16 : index
      %get3A_1031 = tpu.vector_load %arg6[%get3A_1029, %get3A_1030] {strides = array<i32>} : memref<16x128xf32, #tpu.memory_space<vmem>>, vector<1x16xf32>,
      %get3A_1032 = vector.shape_cast %get3A_1031 : vector<1x16xf32> to vector<16xf32>
      %max3A_1033 = arith.maximumf %get3A_1027, %get3A_1032 : vector<16xf32>
      %get3A_1034 = arith.constant 2 : i32
      %get3A_1035 = arith.index_cast %get3A_1034 : i32 to index
      %get3A_1036 = arith.constant 16 : index
      %get3A_1037 = tpu.vector_load %arg7[%get3A_1035, %get3A_1036] {strides = array<i32>} : memref<8x128xf32, #tpu.memory_space<vmem>>, vector<1x16xf32>,
      %get3A_1038 = vector.shape_cast %get3A_1037 : vector<1x16xf32> to vector<16xf32>
      %max3A_1039 = arith.maximumf %get3A_1038, %max3A_1033 : vector<16xf32>
      %swap3A_1040 = arith.constant 2 : i32
      %swap3A_1041 = arith.index_cast %swap3A_1040 : i32 to index
      %swap3A_1042 = arith.constant 16 : index
      %swap3A_1043 = tpu.vector_load %arg7[%swap3A_1041, %swap3A_1042] {strides = array<i32>} : memref<8x128xf32, #tpu.memory_space<vmem>>, vector<1x16xf32>,
      %swap3A_1044 = vector.shape_cast %swap3A_1043 : vector<1x16xf32> to vector<16xf32>
      %swap3A_1045 = vector.shape_cast %max3A_1039 : vector<16xf32> to vector<1x16xf32>
      tpu.vector_store %arg7[%swap3A_1041, %swap3A_1042], %swap3A_1045 {strides = array<i32>} : memref<8x128xf32, #tpu.memory_space<vmem>>, vector<1x16xf32>,
      %get3A_1046 = arith.constant 2 : i32
      %get3A_1047 = arith.index_cast %get3A_1046 : i32 to index
      %get3A_1048 = arith.constant 32 : index
      %get3A_1049 = tpu.vector_load %arg6[%get3A_1047, %get3A_1048] {strides = array<i32>} : memref<16x128xf32, #tpu.memory_space<vmem>>, vector<1x16xf32>,
      %get3A_1050 = vector.shape_cast %get3A_1049 : vector<1x16xf32> to vector<16xf32>
      %get3A_1051 = arith.constant 10 : i32
      %get3A_1052 = arith.index_cast %get3A_1051 : i32 to index
      %get3A_1053 = arith.constant 32 : index
      %get3A_1054 = tpu.vector_load %arg6[%get3A_1052, %get3A_1053] {strides = array<i32>} : memref<16x128xf32, #tpu.memory_space<vmem>>, vector<1x16xf32>,
      %get3A_1055 = vector.shape_cast %get3A_1054 : vector<1x16xf32> to vector<16xf32>
      %max3A_1056 = arith.maximumf %get3A_1050, %get3A_1055 : vector<16xf32>
      %get3A_1057 = arith.constant 2 : i32
      %get3A_1058 = arith.index_cast %get3A_1057 : i32 to index
      %get3A_1059 = arith.constant 32 : index
      %get3A_1060 = tpu.vector_load %arg7[%get3A_1058, %get3A_1059] {strides = array<i32>} : memref<8x128xf32, #tpu.memory_space<vmem>>, vector<1x16xf32>,
      %get3A_1061 = vector.shape_cast %get3A_1060 : vector<1x16xf32> to vector<16xf32>
      %max3A_1062 = arith.maximumf %get3A_1061, %max3A_1056 : vector<16xf32>
      %swap3A_1063 = arith.constant 2 : i32
      %swap3A_1064 = arith.index_cast %swap3A_1063 : i32 to index
      %swap3A_1065 = arith.constant 32 : index
      %swap3A_1066 = tpu.vector_load %arg7[%swap3A_1064, %swap3A_1065] {strides = array<i32>} : memref<8x128xf32, #tpu.memory_space<vmem>>, vector<1x16xf32>,
      %swap3A_1067 = vector.shape_cast %swap3A_1066 : vector<1x16xf32> to vector<16xf32>
      %swap3A_1068 = vector.shape_cast %max3A_1062 : vector<16xf32> to vector<1x16xf32>
      tpu.vector_store %arg7[%swap3A_1064, %swap3A_1065], %swap3A_1068 {strides = array<i32>} : memref<8x128xf32, #tpu.memory_space<vmem>>, vector<1x16xf32>,
      %get3A_1069 = arith.constant 2 : i32
      %get3A_1070 = arith.index_cast %get3A_1069 : i32 to index
      %get3A_1071 = arith.constant 48 : index
      %get3A_1072 = tpu.vector_load %arg6[%get3A_1070, %get3A_1071] {strides = array<i32>} : memref<16x128xf32, #tpu.memory_space<vmem>>, vector<1x16xf32>,
      %get3A_1073 = vector.shape_cast %get3A_1072 : vector<1x16xf32> to vector<16xf32>
      %get3A_1074 = arith.constant 10 : i32
      %get3A_1075 = arith.index_cast %get3A_1074 : i32 to index
      %get3A_1076 = arith.constant 48 : index
      %get3A_1077 = tpu.vector_load %arg6[%get3A_1075, %get3A_1076] {strides = array<i32>} : memref<16x128xf32, #tpu.memory_space<vmem>>, vector<1x16xf32>,
      %get3A_1078 = vector.shape_cast %get3A_1077 : vector<1x16xf32> to vector<16xf32>
      %max3A_1079 = arith.maximumf %get3A_1073, %get3A_1078 : vector<16xf32>
      %get3A_1080 = arith.constant 2 : i32
      %get3A_1081 = arith.index_cast %get3A_1080 : i32 to index
      %get3A_1082 = arith.constant 48 : index
      %get3A_1083 = tpu.vector_load %arg7[%get3A_1081, %get3A_1082] {strides = array<i32>} : memref<8x128xf32, #tpu.memory_space<vmem>>, vector<1x16xf32>,
      %get3A_1084 = vector.shape_cast %get3A_1083 : vector<1x16xf32> to vector<16xf32>
      %max3A_1085 = arith.maximumf %get3A_1084, %max3A_1079 : vector<16xf32>
      %swap3A_1086 = arith.constant 2 : i32
      %swap3A_1087 = arith.index_cast %swap3A_1086 : i32 to index
      %swap3A_1088 = arith.constant 48 : index
      %swap3A_1089 = tpu.vector_load %arg7[%swap3A_1087, %swap3A_1088] {strides = array<i32>} : memref<8x128xf32, #tpu.memory_space<vmem>>, vector<1x16xf32>,
      %swap3A_1090 = vector.shape_cast %swap3A_1089 : vector<1x16xf32> to vector<16xf32>
      %swap3A_1091 = vector.shape_cast %max3A_1085 : vector<16xf32> to vector<1x16xf32>
      tpu.vector_store %arg7[%swap3A_1087, %swap3A_1088], %swap3A_1091 {strides = array<i32>} : memref<8x128xf32, #tpu.memory_space<vmem>>, vector<1x16xf32>,
      %get3A_1092 = arith.constant 2 : i32
      %get3A_1093 = arith.index_cast %get3A_1092 : i32 to index
      %get3A_1094 = arith.constant 64 : index
      %get3A_1095 = tpu.vector_load %arg6[%get3A_1093, %get3A_1094] {strides = array<i32>} : memref<16x128xf32, #tpu.memory_space<vmem>>, vector<1x16xf32>,
      %get3A_1096 = vector.shape_cast %get3A_1095 : vector<1x16xf32> to vector<16xf32>
      %get3A_1097 = arith.constant 10 : i32
      %get3A_1098 = arith.index_cast %get3A_1097 : i32 to index
      %get3A_1099 = arith.constant 64 : index
      %get3A_1100 = tpu.vector_load %arg6[%get3A_1098, %get3A_1099] {strides = array<i32>} : memref<16x128xf32, #tpu.memory_space<vmem>>, vector<1x16xf32>,
      %get3A_1101 = vector.shape_cast %get3A_1100 : vector<1x16xf32> to vector<16xf32>
      %max3A_1102 = arith.maximumf %get3A_1096, %get3A_1101 : vector<16xf32>
      %get3A_1103 = arith.constant 2 : i32
      %get3A_1104 = arith.index_cast %get3A_1103 : i32 to index
      %get3A_1105 = arith.constant 64 : index
      %get3A_1106 = tpu.vector_load %arg7[%get3A_1104, %get3A_1105] {strides = array<i32>} : memref<8x128xf32, #tpu.memory_space<vmem>>, vector<1x16xf32>,
      %get3A_1107 = vector.shape_cast %get3A_1106 : vector<1x16xf32> to vector<16xf32>
      %max3A_1108 = arith.maximumf %get3A_1107, %max3A_1102 : vector<16xf32>
      %swap3A_1109 = arith.constant 2 : i32
      %swap3A_1110 = arith.index_cast %swap3A_1109 : i32 to index
      %swap3A_1111 = arith.constant 64 : index
      %swap3A_1112 = tpu.vector_load %arg7[%swap3A_1110, %swap3A_1111] {strides = array<i32>} : memref<8x128xf32, #tpu.memory_space<vmem>>, vector<1x16xf32>,
      %swap3A_1113 = vector.shape_cast %swap3A_1112 : vector<1x16xf32> to vector<16xf32>
      %swap3A_1114 = vector.shape_cast %max3A_1108 : vector<16xf32> to vector<1x16xf32>
      tpu.vector_store %arg7[%swap3A_1110, %swap3A_1111], %swap3A_1114 {strides = array<i32>} : memref<8x128xf32, #tpu.memory_space<vmem>>, vector<1x16xf32>,
      %get3A_1115 = arith.constant 2 : i32
      %get3A_1116 = arith.index_cast %get3A_1115 : i32 to index
      %get3A_1117 = arith.constant 80 : index
      %get3A_1118 = tpu.vector_load %arg6[%get3A_1116, %get3A_1117] {strides = array<i32>} : memref<16x128xf32, #tpu.memory_space<vmem>>, vector<1x16xf32>,
      %get3A_1119 = vector.shape_cast %get3A_1118 : vector<1x16xf32> to vector<16xf32>
      %get3A_1120 = arith.constant 10 : i32
      %get3A_1121 = arith.index_cast %get3A_1120 : i32 to index
      %get3A_1122 = arith.constant 80 : index
      %get3A_1123 = tpu.vector_load %arg6[%get3A_1121, %get3A_1122] {strides = array<i32>} : memref<16x128xf32, #tpu.memory_space<vmem>>, vector<1x16xf32>,
      %get3A_1124 = vector.shape_cast %get3A_1123 : vector<1x16xf32> to vector<16xf32>
      %max3A_1125 = arith.maximumf %get3A_1119, %get3A_1124 : vector<16xf32>
      %get3A_1126 = arith.constant 2 : i32
      %get3A_1127 = arith.index_cast %get3A_1126 : i32 to index
      %get3A_1128 = arith.constant 80 : index
      %get3A_1129 = tpu.vector_load %arg7[%get3A_1127, %get3A_1128] {strides = array<i32>} : memref<8x128xf32, #tpu.memory_space<vmem>>, vector<1x16xf32>,
      %get3A_1130 = vector.shape_cast %get3A_1129 : vector<1x16xf32> to vector<16xf32>
      %max3A_1131 = arith.maximumf %get3A_1130, %max3A_1125 : vector<16xf32>
      %swap3A_1132 = arith.constant 2 : i32
      %swap3A_1133 = arith.index_cast %swap3A_1132 : i32 to index
      %swap3A_1134 = arith.constant 80 : index
      %swap3A_1135 = tpu.vector_load %arg7[%swap3A_1133, %swap3A_1134] {strides = array<i32>} : memref<8x128xf32, #tpu.memory_space<vmem>>, vector<1x16xf32>,
      %swap3A_1136 = vector.shape_cast %swap3A_1135 : vector<1x16xf32> to vector<16xf32>
      %swap3A_1137 = vector.shape_cast %max3A_1131 : vector<16xf32> to vector<1x16xf32>
      tpu.vector_store %arg7[%swap3A_1133, %swap3A_1134], %swap3A_1137 {strides = array<i32>} : memref<8x128xf32, #tpu.memory_space<vmem>>, vector<1x16xf32>,
      %get3A_1138 = arith.constant 2 : i32
      %get3A_1139 = arith.index_cast %get3A_1138 : i32 to index
      %get3A_1140 = arith.constant 96 : index
      %get3A_1141 = tpu.vector_load %arg6[%get3A_1139, %get3A_1140] {strides = array<i32>} : memref<16x128xf32, #tpu.memory_space<vmem>>, vector<1x16xf32>,
      %get3A_1142 = vector.shape_cast %get3A_1141 : vector<1x16xf32> to vector<16xf32>
      %get3A_1143 = arith.constant 10 : i32
      %get3A_1144 = arith.index_cast %get3A_1143 : i32 to index
      %get3A_1145 = arith.constant 96 : index
      %get3A_1146 = tpu.vector_load %arg6[%get3A_1144, %get3A_1145] {strides = array<i32>} : memref<16x128xf32, #tpu.memory_space<vmem>>, vector<1x16xf32>,
      %get3A_1147 = vector.shape_cast %get3A_1146 : vector<1x16xf32> to vector<16xf32>
      %max3A_1148 = arith.maximumf %get3A_1142, %get3A_1147 : vector<16xf32>
      %get3A_1149 = arith.constant 2 : i32
      %get3A_1150 = arith.index_cast %get3A_1149 : i32 to index
      %get3A_1151 = arith.constant 96 : index
      %get3A_1152 = tpu.vector_load %arg7[%get3A_1150, %get3A_1151] {strides = array<i32>} : memref<8x128xf32, #tpu.memory_space<vmem>>, vector<1x16xf32>,
      %get3A_1153 = vector.shape_cast %get3A_1152 : vector<1x16xf32> to vector<16xf32>
      %max3A_1154 = arith.maximumf %get3A_1153, %max3A_1148 : vector<16xf32>
      %swap3A_1155 = arith.constant 2 : i32
      %swap3A_1156 = arith.index_cast %swap3A_1155 : i32 to index
      %swap3A_1157 = arith.constant 96 : index
      %swap3A_1158 = tpu.vector_load %arg7[%swap3A_1156, %swap3A_1157] {strides = array<i32>} : memref<8x128xf32, #tpu.memory_space<vmem>>, vector<1x16xf32>,
      %swap3A_1159 = vector.shape_cast %swap3A_1158 : vector<1x16xf32> to vector<16xf32>
      %swap3A_1160 = vector.shape_cast %max3A_1154 : vector<16xf32> to vector<1x16xf32>
      tpu.vector_store %arg7[%swap3A_1156, %swap3A_1157], %swap3A_1160 {strides = array<i32>} : memref<8x128xf32, #tpu.memory_space<vmem>>, vector<1x16xf32>,
      %get3A_1161 = arith.constant 2 : i32
      %get3A_1162 = arith.index_cast %get3A_1161 : i32 to index
      %get3A_1163 = arith.constant 112 : index
      %get3A_1164 = tpu.vector_load %arg6[%get3A_1162, %get3A_1163] {strides = array<i32>} : memref<16x128xf32, #tpu.memory_space<vmem>>, vector<1x16xf32>,
      %get3A_1165 = vector.shape_cast %get3A_1164 : vector<1x16xf32> to vector<16xf32>
      %get3A_1166 = arith.constant 10 : i32
      %get3A_1167 = arith.index_cast %get3A_1166 : i32 to index
      %get3A_1168 = arith.constant 112 : index
      %get3A_1169 = tpu.vector_load %arg6[%get3A_1167, %get3A_1168] {strides = array<i32>} : memref<16x128xf32, #tpu.memory_space<vmem>>, vector<1x16xf32>,
      %get3A_1170 = vector.shape_cast %get3A_1169 : vector<1x16xf32> to vector<16xf32>
      %max3A_1171 = arith.maximumf %get3A_1165, %get3A_1170 : vector<16xf32>
      %get3A_1172 = arith.constant 2 : i32
      %get3A_1173 = arith.index_cast %get3A_1172 : i32 to index
      %get3A_1174 = arith.constant 112 : index
      %get3A_1175 = tpu.vector_load %arg7[%get3A_1173, %get3A_1174] {strides = array<i32>} : memref<8x128xf32, #tpu.memory_space<vmem>>, vector<1x16xf32>,
      %get3A_1176 = vector.shape_cast %get3A_1175 : vector<1x16xf32> to vector<16xf32>
      %max3A_1177 = arith.maximumf %get3A_1176, %max3A_1171 : vector<16xf32>
      %swap3A_1178 = arith.constant 2 : i32
      %swap3A_1179 = arith.index_cast %swap3A_1178 : i32 to index
      %swap3A_1180 = arith.constant 112 : index
      %swap3A_1181 = tpu.vector_load %arg7[%swap3A_1179, %swap3A_1180] {strides = array<i32>} : memref<8x128xf32, #tpu.memory_space<vmem>>, vector<1x16xf32>,
      %swap3A_1182 = vector.shape_cast %swap3A_1181 : vector<1x16xf32> to vector<16xf32>
      %swap3A_1183 = vector.shape_cast %max3A_1177 : vector<16xf32> to vector<1x16xf32>
      tpu.vector_store %arg7[%swap3A_1179, %swap3A_1180], %swap3A_1183 {strides = array<i32>} : memref<8x128xf32, #tpu.memory_space<vmem>>, vector<1x16xf32>,
      %get3A_1184 = arith.constant 3 : i32
      %get3A_1185 = arith.index_cast %get3A_1184 : i32 to index
      %get3A_1186 = arith.constant 0 : index
      %get3A_1187 = tpu.vector_load %arg6[%get3A_1185, %get3A_1186] {strides = array<i32>} : memref<16x128xf32, #tpu.memory_space<vmem>>, vector<1x16xf32>,
      %get3A_1188 = vector.shape_cast %get3A_1187 : vector<1x16xf32> to vector<16xf32>
      %get3A_1189 = arith.constant 11 : i32
      %get3A_1190 = arith.index_cast %get3A_1189 : i32 to index
      %get3A_1191 = arith.constant 0 : index
      %get3A_1192 = tpu.vector_load %arg6[%get3A_1190, %get3A_1191] {strides = array<i32>} : memref<16x128xf32, #tpu.memory_space<vmem>>, vector<1x16xf32>,
      %get3A_1193 = vector.shape_cast %get3A_1192 : vector<1x16xf32> to vector<16xf32>
      %max3A_1194 = arith.maximumf %get3A_1188, %get3A_1193 : vector<16xf32>
      %get3A_1195 = arith.constant 3 : i32
      %get3A_1196 = arith.index_cast %get3A_1195 : i32 to index
      %get3A_1197 = arith.constant 0 : index
      %get3A_1198 = tpu.vector_load %arg7[%get3A_1196, %get3A_1197] {strides = array<i32>} : memref<8x128xf32, #tpu.memory_space<vmem>>, vector<1x16xf32>,
      %get3A_1199 = vector.shape_cast %get3A_1198 : vector<1x16xf32> to vector<16xf32>
      %max3A_1200 = arith.maximumf %get3A_1199, %max3A_1194 : vector<16xf32>
      %swap3A_1201 = arith.constant 3 : i32
      %swap3A_1202 = arith.index_cast %swap3A_1201 : i32 to index
      %swap3A_1203 = arith.constant 0 : index
      %swap3A_1204 = tpu.vector_load %arg7[%swap3A_1202, %swap3A_1203] {strides = array<i32>} : memref<8x128xf32, #tpu.memory_space<vmem>>, vector<1x16xf32>,
      %swap3A_1205 = vector.shape_cast %swap3A_1204 : vector<1x16xf32> to vector<16xf32>
      %swap3A_1206 = vector.shape_cast %max3A_1200 : vector<16xf32> to vector<1x16xf32>
      tpu.vector_store %arg7[%swap3A_1202, %swap3A_1203], %swap3A_1206 {strides = array<i32>} : memref<8x128xf32, #tpu.memory_space<vmem>>, vector<1x16xf32>,
      %get3A_1207 = arith.constant 3 : i32
      %get3A_1208 = arith.index_cast %get3A_1207 : i32 to index
      %get3A_1209 = arith.constant 16 : index
      %get3A_1210 = tpu.vector_load %arg6[%get3A_1208, %get3A_1209] {strides = array<i32>} : memref<16x128xf32, #tpu.memory_space<vmem>>, vector<1x16xf32>,
      %get3A_1211 = vector.shape_cast %get3A_1210 : vector<1x16xf32> to vector<16xf32>
      %get3A_1212 = arith.constant 11 : i32
      %get3A_1213 = arith.index_cast %get3A_1212 : i32 to index
      %get3A_1214 = arith.constant 16 : index
      %get3A_1215 = tpu.vector_load %arg6[%get3A_1213, %get3A_1214] {strides = array<i32>} : memref<16x128xf32, #tpu.memory_space<vmem>>, vector<1x16xf32>,
      %get3A_1216 = vector.shape_cast %get3A_1215 : vector<1x16xf32> to vector<16xf32>
      %max3A_1217 = arith.maximumf %get3A_1211, %get3A_1216 : vector<16xf32>
      %get3A_1218 = arith.constant 3 : i32
      %get3A_1219 = arith.index_cast %get3A_1218 : i32 to index
      %get3A_1220 = arith.constant 16 : index
      %get3A_1221 = tpu.vector_load %arg7[%get3A_1219, %get3A_1220] {strides = array<i32>} : memref<8x128xf32, #tpu.memory_space<vmem>>, vector<1x16xf32>,
      %get3A_1222 = vector.shape_cast %get3A_1221 : vector<1x16xf32> to vector<16xf32>
      %max3A_1223 = arith.maximumf %get3A_1222, %max3A_1217 : vector<16xf32>
      %swap3A_1224 = arith.constant 3 : i32
      %swap3A_1225 = arith.index_cast %swap3A_1224 : i32 to index
      %swap3A_1226 = arith.constant 16 : index
      %swap3A_1227 = tpu.vector_load %arg7[%swap3A_1225, %swap3A_1226] {strides = array<i32>} : memref<8x128xf32, #tpu.memory_space<vmem>>, vector<1x16xf32>,
      %swap3A_1228 = vector.shape_cast %swap3A_1227 : vector<1x16xf32> to vector<16xf32>
      %swap3A_1229 = vector.shape_cast %max3A_1223 : vector<16xf32> to vector<1x16xf32>
      tpu.vector_store %arg7[%swap3A_1225, %swap3A_1226], %swap3A_1229 {strides = array<i32>} : memref<8x128xf32, #tpu.memory_space<vmem>>, vector<1x16xf32>,
      %get3A_1230 = arith.constant 3 : i32
      %get3A_1231 = arith.index_cast %get3A_1230 : i32 to index
      %get3A_1232 = arith.constant 32 : index
      %get3A_1233 = tpu.vector_load %arg6[%get3A_1231, %get3A_1232] {strides = array<i32>} : memref<16x128xf32, #tpu.memory_space<vmem>>, vector<1x16xf32>,
      %get3A_1234 = vector.shape_cast %get3A_1233 : vector<1x16xf32> to vector<16xf32>
      %get3A_1235 = arith.constant 11 : i32
      %get3A_1236 = arith.index_cast %get3A_1235 : i32 to index
      %get3A_1237 = arith.constant 32 : index
      %get3A_1238 = tpu.vector_load %arg6[%get3A_1236, %get3A_1237] {strides = array<i32>} : memref<16x128xf32, #tpu.memory_space<vmem>>, vector<1x16xf32>,
      %get3A_1239 = vector.shape_cast %get3A_1238 : vector<1x16xf32> to vector<16xf32>
      %max3A_1240 = arith.maximumf %get3A_1234, %get3A_1239 : vector<16xf32>
      %get3A_1241 = arith.constant 3 : i32
      %get3A_1242 = arith.index_cast %get3A_1241 : i32 to index
      %get3A_1243 = arith.constant 32 : index
      %get3A_1244 = tpu.vector_load %arg7[%get3A_1242, %get3A_1243] {strides = array<i32>} : memref<8x128xf32, #tpu.memory_space<vmem>>, vector<1x16xf32>,
      %get3A_1245 = vector.shape_cast %get3A_1244 : vector<1x16xf32> to vector<16xf32>
      %max3A_1246 = arith.maximumf %get3A_1245, %max3A_1240 : vector<16xf32>
      %swap3A_1247 = arith.constant 3 : i32
      %swap3A_1248 = arith.index_cast %swap3A_1247 : i32 to index
      %swap3A_1249 = arith.constant 32 : index
      %swap3A_1250 = tpu.vector_load %arg7[%swap3A_1248, %swap3A_1249] {strides = array<i32>} : memref<8x128xf32, #tpu.memory_space<vmem>>, vector<1x16xf32>,
      %swap3A_1251 = vector.shape_cast %swap3A_1250 : vector<1x16xf32> to vector<16xf32>
      %swap3A_1252 = vector.shape_cast %max3A_1246 : vector<16xf32> to vector<1x16xf32>
      tpu.vector_store %arg7[%swap3A_1248, %swap3A_1249], %swap3A_1252 {strides = array<i32>} : memref<8x128xf32, #tpu.memory_space<vmem>>, vector<1x16xf32>,
      %get3A_1253 = arith.constant 3 : i32
      %get3A_1254 = arith.index_cast %get3A_1253 : i32 to index
      %get3A_1255 = arith.constant 48 : index
      %get3A_1256 = tpu.vector_load %arg6[%get3A_1254, %get3A_1255] {strides = array<i32>} : memref<16x128xf32, #tpu.memory_space<vmem>>, vector<1x16xf32>,
      %get3A_1257 = vector.shape_cast %get3A_1256 : vector<1x16xf32> to vector<16xf32>
      %get3A_1258 = arith.constant 11 : i32
      %get3A_1259 = arith.index_cast %get3A_1258 : i32 to index
      %get3A_1260 = arith.constant 48 : index
      %get3A_1261 = tpu.vector_load %arg6[%get3A_1259, %get3A_1260] {strides = array<i32>} : memref<16x128xf32, #tpu.memory_space<vmem>>, vector<1x16xf32>,
      %get3A_1262 = vector.shape_cast %get3A_1261 : vector<1x16xf32> to vector<16xf32>
      %max3A_1263 = arith.maximumf %get3A_1257, %get3A_1262 : vector<16xf32>
      %get3A_1264 = arith.constant 3 : i32
      %get3A_1265 = arith.index_cast %get3A_1264 : i32 to index
      %get3A_1266 = arith.constant 48 : index
      %get3A_1267 = tpu.vector_load %arg7[%get3A_1265, %get3A_1266] {strides = array<i32>} : memref<8x128xf32, #tpu.memory_space<vmem>>, vector<1x16xf32>,
      %get3A_1268 = vector.shape_cast %get3A_1267 : vector<1x16xf32> to vector<16xf32>
      %max3A_1269 = arith.maximumf %get3A_1268, %max3A_1263 : vector<16xf32>
      %swap3A_1270 = arith.constant 3 : i32
      %swap3A_1271 = arith.index_cast %swap3A_1270 : i32 to index
      %swap3A_1272 = arith.constant 48 : index
      %swap3A_1273 = tpu.vector_load %arg7[%swap3A_1271, %swap3A_1272] {strides = array<i32>} : memref<8x128xf32, #tpu.memory_space<vmem>>, vector<1x16xf32>,
      %swap3A_1274 = vector.shape_cast %swap3A_1273 : vector<1x16xf32> to vector<16xf32>
      %swap3A_1275 = vector.shape_cast %max3A_1269 : vector<16xf32> to vector<1x16xf32>
      tpu.vector_store %arg7[%swap3A_1271, %swap3A_1272], %swap3A_1275 {strides = array<i32>} : memref<8x128xf32, #tpu.memory_space<vmem>>, vector<1x16xf32>,
      %get3A_1276 = arith.constant 3 : i32
      %get3A_1277 = arith.index_cast %get3A_1276 : i32 to index
      %get3A_1278 = arith.constant 64 : index
      %get3A_1279 = tpu.vector_load %arg6[%get3A_1277, %get3A_1278] {strides = array<i32>} : memref<16x128xf32, #tpu.memory_space<vmem>>, vector<1x16xf32>,
      %get3A_1280 = vector.shape_cast %get3A_1279 : vector<1x16xf32> to vector<16xf32>
      %get3A_1281 = arith.constant 11 : i32
      %get3A_1282 = arith.index_cast %get3A_1281 : i32 to index
      %get3A_1283 = arith.constant 64 : index
      %get3A_1284 = tpu.vector_load %arg6[%get3A_1282, %get3A_1283] {strides = array<i32>} : memref<16x128xf32, #tpu.memory_space<vmem>>, vector<1x16xf32>,
      %get3A_1285 = vector.shape_cast %get3A_1284 : vector<1x16xf32> to vector<16xf32>
      %max3A_1286 = arith.maximumf %get3A_1280, %get3A_1285 : vector<16xf32>
      %get3A_1287 = arith.constant 3 : i32
      %get3A_1288 = arith.index_cast %get3A_1287 : i32 to index
      %get3A_1289 = arith.constant 64 : index
      %get3A_1290 = tpu.vector_load %arg7[%get3A_1288, %get3A_1289] {strides = array<i32>} : memref<8x128xf32, #tpu.memory_space<vmem>>, vector<1x16xf32>,
      %get3A_1291 = vector.shape_cast %get3A_1290 : vector<1x16xf32> to vector<16xf32>
      %max3A_1292 = arith.maximumf %get3A_1291, %max3A_1286 : vector<16xf32>
      %swap3A_1293 = arith.constant 3 : i32
      %swap3A_1294 = arith.index_cast %swap3A_1293 : i32 to index
      %swap3A_1295 = arith.constant 64 : index
      %swap3A_1296 = tpu.vector_load %arg7[%swap3A_1294, %swap3A_1295] {strides = array<i32>} : memref<8x128xf32, #tpu.memory_space<vmem>>, vector<1x16xf32>,
      %swap3A_1297 = vector.shape_cast %swap3A_1296 : vector<1x16xf32> to vector<16xf32>
      %swap3A_1298 = vector.shape_cast %max3A_1292 : vector<16xf32> to vector<1x16xf32>
      tpu.vector_store %arg7[%swap3A_1294, %swap3A_1295], %swap3A_1298 {strides = array<i32>} : memref<8x128xf32, #tpu.memory_space<vmem>>, vector<1x16xf32>,
      %get3A_1299 = arith.constant 3 : i32
      %get3A_1300 = arith.index_cast %get3A_1299 : i32 to index
      %get3A_1301 = arith.constant 80 : index
      %get3A_1302 = tpu.vector_load %arg6[%get3A_1300, %get3A_1301] {strides = array<i32>} : memref<16x128xf32, #tpu.memory_space<vmem>>, vector<1x16xf32>,
      %get3A_1303 = vector.shape_cast %get3A_1302 : vector<1x16xf32> to vector<16xf32>
      %get3A_1304 = arith.constant 11 : i32
      %get3A_1305 = arith.index_cast %get3A_1304 : i32 to index
      %get3A_1306 = arith.constant 80 : index
      %get3A_1307 = tpu.vector_load %arg6[%get3A_1305, %get3A_1306] {strides = array<i32>} : memref<16x128xf32, #tpu.memory_space<vmem>>, vector<1x16xf32>,
      %get3A_1308 = vector.shape_cast %get3A_1307 : vector<1x16xf32> to vector<16xf32>
      %max3A_1309 = arith.maximumf %get3A_1303, %get3A_1308 : vector<16xf32>
      %get3A_1310 = arith.constant 3 : i32
      %get3A_1311 = arith.index_cast %get3A_1310 : i32 to index
      %get3A_1312 = arith.constant 80 : index
      %get3A_1313 = tpu.vector_load %arg7[%get3A_1311, %get3A_1312] {strides = array<i32>} : memref<8x128xf32, #tpu.memory_space<vmem>>, vector<1x16xf32>,
      %get3A_1314 = vector.shape_cast %get3A_1313 : vector<1x16xf32> to vector<16xf32>
      %max3A_1315 = arith.maximumf %get3A_1314, %max3A_1309 : vector<16xf32>
      %swap3A_1316 = arith.constant 3 : i32
      %swap3A_1317 = arith.index_cast %swap3A_1316 : i32 to index
      %swap3A_1318 = arith.constant 80 : index
      %swap3A_1319 = tpu.vector_load %arg7[%swap3A_1317, %swap3A_1318] {strides = array<i32>} : memref<8x128xf32, #tpu.memory_space<vmem>>, vector<1x16xf32>,
      %swap3A_1320 = vector.shape_cast %swap3A_1319 : vector<1x16xf32> to vector<16xf32>
      %swap3A_1321 = vector.shape_cast %max3A_1315 : vector<16xf32> to vector<1x16xf32>
      tpu.vector_store %arg7[%swap3A_1317, %swap3A_1318], %swap3A_1321 {strides = array<i32>} : memref<8x128xf32, #tpu.memory_space<vmem>>, vector<1x16xf32>,
      %get3A_1322 = arith.constant 3 : i32
      %get3A_1323 = arith.index_cast %get3A_1322 : i32 to index
      %get3A_1324 = arith.constant 96 : index
      %get3A_1325 = tpu.vector_load %arg6[%get3A_1323, %get3A_1324] {strides = array<i32>} : memref<16x128xf32, #tpu.memory_space<vmem>>, vector<1x16xf32>,
      %get3A_1326 = vector.shape_cast %get3A_1325 : vector<1x16xf32> to vector<16xf32>
      %get3A_1327 = arith.constant 11 : i32
      %get3A_1328 = arith.index_cast %get3A_1327 : i32 to index
      %get3A_1329 = arith.constant 96 : index
      %get3A_1330 = tpu.vector_load %arg6[%get3A_1328, %get3A_1329] {strides = array<i32>} : memref<16x128xf32, #tpu.memory_space<vmem>>, vector<1x16xf32>,
      %get3A_1331 = vector.shape_cast %get3A_1330 : vector<1x16xf32> to vector<16xf32>
      %max3A_1332 = arith.maximumf %get3A_1326, %get3A_1331 : vector<16xf32>
      %get3A_1333 = arith.constant 3 : i32
      %get3A_1334 = arith.index_cast %get3A_1333 : i32 to index
      %get3A_1335 = arith.constant 96 : index
      %get3A_1336 = tpu.vector_load %arg7[%get3A_1334, %get3A_1335] {strides = array<i32>} : memref<8x128xf32, #tpu.memory_space<vmem>>, vector<1x16xf32>,
      %get3A_1337 = vector.shape_cast %get3A_1336 : vector<1x16xf32> to vector<16xf32>
      %max3A_1338 = arith.maximumf %get3A_1337, %max3A_1332 : vector<16xf32>
      %swap3A_1339 = arith.constant 3 : i32
      %swap3A_1340 = arith.index_cast %swap3A_1339 : i32 to index
      %swap3A_1341 = arith.constant 96 : index
      %swap3A_1342 = tpu.vector_load %arg7[%swap3A_1340, %swap3A_1341] {strides = array<i32>} : memref<8x128xf32, #tpu.memory_space<vmem>>, vector<1x16xf32>,
      %swap3A_1343 = vector.shape_cast %swap3A_1342 : vector<1x16xf32> to vector<16xf32>
      %swap3A_1344 = vector.shape_cast %max3A_1338 : vector<16xf32> to vector<1x16xf32>
      tpu.vector_store %arg7[%swap3A_1340, %swap3A_1341], %swap3A_1344 {strides = array<i32>} : memref<8x128xf32, #tpu.memory_space<vmem>>, vector<1x16xf32>,
      %get3A_1345 = arith.constant 3 : i32
      %get3A_1346 = arith.index_cast %get3A_1345 : i32 to index
      %get3A_1347 = arith.constant 112 : index
      %get3A_1348 = tpu.vector_load %arg6[%get3A_1346, %get3A_1347] {strides = array<i32>} : memref<16x128xf32, #tpu.memory_space<vmem>>, vector<1x16xf32>,
      %get3A_1349 = vector.shape_cast %get3A_1348 : vector<1x16xf32> to vector<16xf32>
      %get3A_1350 = arith.constant 11 : i32
      %get3A_1351 = arith.index_cast %get3A_1350 : i32 to index
      %get3A_1352 = arith.constant 112 : index
      %get3A_1353 = tpu.vector_load %arg6[%get3A_1351, %get3A_1352] {strides = array<i32>} : memref<16x128xf32, #tpu.memory_space<vmem>>, vector<1x16xf32>,
      %get3A_1354 = vector.shape_cast %get3A_1353 : vector<1x16xf32> to vector<16xf32>
      %max3A_1355 = arith.maximumf %get3A_1349, %get3A_1354 : vector<16xf32>
      %get3A_1356 = arith.constant 3 : i32
      %get3A_1357 = arith.index_cast %get3A_1356 : i32 to index
      %get3A_1358 = arith.constant 112 : index
      %get3A_1359 = tpu.vector_load %arg7[%get3A_1357, %get3A_1358] {strides = array<i32>} : memref<8x128xf32, #tpu.memory_space<vmem>>, vector<1x16xf32>,
      %get3A_1360 = vector.shape_cast %get3A_1359 : vector<1x16xf32> to vector<16xf32>
      %max3A_1361 = arith.maximumf %get3A_1360, %max3A_1355 : vector<16xf32>
      %swap3A_1362 = arith.constant 3 : i32
      %swap3A_1363 = arith.index_cast %swap3A_1362 : i32 to index
      %swap3A_1364 = arith.constant 112 : index
      %swap3A_1365 = tpu.vector_load %arg7[%swap3A_1363, %swap3A_1364] {strides = array<i32>} : memref<8x128xf32, #tpu.memory_space<vmem>>, vector<1x16xf32>,
      %swap3A_1366 = vector.shape_cast %swap3A_1365 : vector<1x16xf32> to vector<16xf32>
      %swap3A_1367 = vector.shape_cast %max3A_1361 : vector<16xf32> to vector<1x16xf32>
      tpu.vector_store %arg7[%swap3A_1363, %swap3A_1364], %swap3A_1367 {strides = array<i32>} : memref<8x128xf32, #tpu.memory_space<vmem>>, vector<1x16xf32>,
      %get3A_1368 = arith.constant 4 : i32
      %get3A_1369 = arith.index_cast %get3A_1368 : i32 to index
      %get3A_1370 = arith.constant 0 : index
      %get3A_1371 = tpu.vector_load %arg6[%get3A_1369, %get3A_1370] {strides = array<i32>} : memref<16x128xf32, #tpu.memory_space<vmem>>, vector<1x16xf32>,
      %get3A_1372 = vector.shape_cast %get3A_1371 : vector<1x16xf32> to vector<16xf32>
      %get3A_1373 = arith.constant 12 : i32
      %get3A_1374 = arith.index_cast %get3A_1373 : i32 to index
      %get3A_1375 = arith.constant 0 : index
      %get3A_1376 = tpu.vector_load %arg6[%get3A_1374, %get3A_1375] {strides = array<i32>} : memref<16x128xf32, #tpu.memory_space<vmem>>, vector<1x16xf32>,
      %get3A_1377 = vector.shape_cast %get3A_1376 : vector<1x16xf32> to vector<16xf32>
      %max3A_1378 = arith.maximumf %get3A_1372, %get3A_1377 : vector<16xf32>
      %get3A_1379 = arith.constant 4 : i32
      %get3A_1380 = arith.index_cast %get3A_1379 : i32 to index
      %get3A_1381 = arith.constant 0 : index
      %get3A_1382 = tpu.vector_load %arg7[%get3A_1380, %get3A_1381] {strides = array<i32>} : memref<8x128xf32, #tpu.memory_space<vmem>>, vector<1x16xf32>,
      %get3A_1383 = vector.shape_cast %get3A_1382 : vector<1x16xf32> to vector<16xf32>
      %max3A_1384 = arith.maximumf %get3A_1383, %max3A_1378 : vector<16xf32>
      %swap3A_1385 = arith.constant 4 : i32
      %swap3A_1386 = arith.index_cast %swap3A_1385 : i32 to index
      %swap3A_1387 = arith.constant 0 : index
      %swap3A_1388 = tpu.vector_load %arg7[%swap3A_1386, %swap3A_1387] {strides = array<i32>} : memref<8x128xf32, #tpu.memory_space<vmem>>, vector<1x16xf32>,
      %swap3A_1389 = vector.shape_cast %swap3A_1388 : vector<1x16xf32> to vector<16xf32>
      %swap3A_1390 = vector.shape_cast %max3A_1384 : vector<16xf32> to vector<1x16xf32>
      tpu.vector_store %arg7[%swap3A_1386, %swap3A_1387], %swap3A_1390 {strides = array<i32>} : memref<8x128xf32, #tpu.memory_space<vmem>>, vector<1x16xf32>,
      %get3A_1391 = arith.constant 4 : i32
      %get3A_1392 = arith.index_cast %get3A_1391 : i32 to index
      %get3A_1393 = arith.constant 16 : index
      %get3A_1394 = tpu.vector_load %arg6[%get3A_1392, %get3A_1393] {strides = array<i32>} : memref<16x128xf32, #tpu.memory_space<vmem>>, vector<1x16xf32>,
      %get3A_1395 = vector.shape_cast %get3A_1394 : vector<1x16xf32> to vector<16xf32>
      %get3A_1396 = arith.constant 12 : i32
      %get3A_1397 = arith.index_cast %get3A_1396 : i32 to index
      %get3A_1398 = arith.constant 16 : index
      %get3A_1399 = tpu.vector_load %arg6[%get3A_1397, %get3A_1398] {strides = array<i32>} : memref<16x128xf32, #tpu.memory_space<vmem>>, vector<1x16xf32>,
      %get3A_1400 = vector.shape_cast %get3A_1399 : vector<1x16xf32> to vector<16xf32>
      %max3A_1401 = arith.maximumf %get3A_1395, %get3A_1400 : vector<16xf32>
      %get3A_1402 = arith.constant 4 : i32
      %get3A_1403 = arith.index_cast %get3A_1402 : i32 to index
      %get3A_1404 = arith.constant 16 : index
      %get3A_1405 = tpu.vector_load %arg7[%get3A_1403, %get3A_1404] {strides = array<i32>} : memref<8x128xf32, #tpu.memory_space<vmem>>, vector<1x16xf32>,
      %get3A_1406 = vector.shape_cast %get3A_1405 : vector<1x16xf32> to vector<16xf32>
      %max3A_1407 = arith.maximumf %get3A_1406, %max3A_1401 : vector<16xf32>
      %swap3A_1408 = arith.constant 4 : i32
      %swap3A_1409 = arith.index_cast %swap3A_1408 : i32 to index
      %swap3A_1410 = arith.constant 16 : index
      %swap3A_1411 = tpu.vector_load %arg7[%swap3A_1409, %swap3A_1410] {strides = array<i32>} : memref<8x128xf32, #tpu.memory_space<vmem>>, vector<1x16xf32>,
      %swap3A_1412 = vector.shape_cast %swap3A_1411 : vector<1x16xf32> to vector<16xf32>
      %swap3A_1413 = vector.shape_cast %max3A_1407 : vector<16xf32> to vector<1x16xf32>
      tpu.vector_store %arg7[%swap3A_1409, %swap3A_1410], %swap3A_1413 {strides = array<i32>} : memref<8x128xf32, #tpu.memory_space<vmem>>, vector<1x16xf32>,
      %get3A_1414 = arith.constant 4 : i32
      %get3A_1415 = arith.index_cast %get3A_1414 : i32 to index
      %get3A_1416 = arith.constant 32 : index
      %get3A_1417 = tpu.vector_load %arg6[%get3A_1415, %get3A_1416] {strides = array<i32>} : memref<16x128xf32, #tpu.memory_space<vmem>>, vector<1x16xf32>,
      %get3A_1418 = vector.shape_cast %get3A_1417 : vector<1x16xf32> to vector<16xf32>
      %get3A_1419 = arith.constant 12 : i32
      %get3A_1420 = arith.index_cast %get3A_1419 : i32 to index
      %get3A_1421 = arith.constant 32 : index
      %get3A_1422 = tpu.vector_load %arg6[%get3A_1420, %get3A_1421] {strides = array<i32>} : memref<16x128xf32, #tpu.memory_space<vmem>>, vector<1x16xf32>,
      %get3A_1423 = vector.shape_cast %get3A_1422 : vector<1x16xf32> to vector<16xf32>
      %max3A_1424 = arith.maximumf %get3A_1418, %get3A_1423 : vector<16xf32>
      %get3A_1425 = arith.constant 4 : i32
      %get3A_1426 = arith.index_cast %get3A_1425 : i32 to index
      %get3A_1427 = arith.constant 32 : index
      %get3A_1428 = tpu.vector_load %arg7[%get3A_1426, %get3A_1427] {strides = array<i32>} : memref<8x128xf32, #tpu.memory_space<vmem>>, vector<1x16xf32>,
      %get3A_1429 = vector.shape_cast %get3A_1428 : vector<1x16xf32> to vector<16xf32>
      %max3A_1430 = arith.maximumf %get3A_1429, %max3A_1424 : vector<16xf32>
      %swap3A_1431 = arith.constant 4 : i32
      %swap3A_1432 = arith.index_cast %swap3A_1431 : i32 to index
      %swap3A_1433 = arith.constant 32 : index
      %swap3A_1434 = tpu.vector_load %arg7[%swap3A_1432, %swap3A_1433] {strides = array<i32>} : memref<8x128xf32, #tpu.memory_space<vmem>>, vector<1x16xf32>,
      %swap3A_1435 = vector.shape_cast %swap3A_1434 : vector<1x16xf32> to vector<16xf32>
      %swap3A_1436 = vector.shape_cast %max3A_1430 : vector<16xf32> to vector<1x16xf32>
      tpu.vector_store %arg7[%swap3A_1432, %swap3A_1433], %swap3A_1436 {strides = array<i32>} : memref<8x128xf32, #tpu.memory_space<vmem>>, vector<1x16xf32>,
      %get3A_1437 = arith.constant 4 : i32
      %get3A_1438 = arith.index_cast %get3A_1437 : i32 to index
      %get3A_1439 = arith.constant 48 : index
      %get3A_1440 = tpu.vector_load %arg6[%get3A_1438, %get3A_1439] {strides = array<i32>} : memref<16x128xf32, #tpu.memory_space<vmem>>, vector<1x16xf32>,
      %get3A_1441 = vector.shape_cast %get3A_1440 : vector<1x16xf32> to vector<16xf32>
      %get3A_1442 = arith.constant 12 : i32
      %get3A_1443 = arith.index_cast %get3A_1442 : i32 to index
      %get3A_1444 = arith.constant 48 : index
      %get3A_1445 = tpu.vector_load %arg6[%get3A_1443, %get3A_1444] {strides = array<i32>} : memref<16x128xf32, #tpu.memory_space<vmem>>, vector<1x16xf32>,
      %get3A_1446 = vector.shape_cast %get3A_1445 : vector<1x16xf32> to vector<16xf32>
      %max3A_1447 = arith.maximumf %get3A_1441, %get3A_1446 : vector<16xf32>
      %get3A_1448 = arith.constant 4 : i32
      %get3A_1449 = arith.index_cast %get3A_1448 : i32 to index
      %get3A_1450 = arith.constant 48 : index
      %get3A_1451 = tpu.vector_load %arg7[%get3A_1449, %get3A_1450] {strides = array<i32>} : memref<8x128xf32, #tpu.memory_space<vmem>>, vector<1x16xf32>,
      %get3A_1452 = vector.shape_cast %get3A_1451 : vector<1x16xf32> to vector<16xf32>
      %max3A_1453 = arith.maximumf %get3A_1452, %max3A_1447 : vector<16xf32>
      %swap3A_1454 = arith.constant 4 : i32
      %swap3A_1455 = arith.index_cast %swap3A_1454 : i32 to index
      %swap3A_1456 = arith.constant 48 : index
      %swap3A_1457 = tpu.vector_load %arg7[%swap3A_1455, %swap3A_1456] {strides = array<i32>} : memref<8x128xf32, #tpu.memory_space<vmem>>, vector<1x16xf32>,
      %swap3A_1458 = vector.shape_cast %swap3A_1457 : vector<1x16xf32> to vector<16xf32>
      %swap3A_1459 = vector.shape_cast %max3A_1453 : vector<16xf32> to vector<1x16xf32>
      tpu.vector_store %arg7[%swap3A_1455, %swap3A_1456], %swap3A_1459 {strides = array<i32>} : memref<8x128xf32, #tpu.memory_space<vmem>>, vector<1x16xf32>,
      %get3A_1460 = arith.constant 4 : i32
      %get3A_1461 = arith.index_cast %get3A_1460 : i32 to index
      %get3A_1462 = arith.constant 64 : index
      %get3A_1463 = tpu.vector_load %arg6[%get3A_1461, %get3A_1462] {strides = array<i32>} : memref<16x128xf32, #tpu.memory_space<vmem>>, vector<1x16xf32>,
      %get3A_1464 = vector.shape_cast %get3A_1463 : vector<1x16xf32> to vector<16xf32>
      %get3A_1465 = arith.constant 12 : i32
      %get3A_1466 = arith.index_cast %get3A_1465 : i32 to index
      %get3A_1467 = arith.constant 64 : index
      %get3A_1468 = tpu.vector_load %arg6[%get3A_1466, %get3A_1467] {strides = array<i32>} : memref<16x128xf32, #tpu.memory_space<vmem>>, vector<1x16xf32>,
      %get3A_1469 = vector.shape_cast %get3A_1468 : vector<1x16xf32> to vector<16xf32>
      %max3A_1470 = arith.maximumf %get3A_1464, %get3A_1469 : vector<16xf32>
      %get3A_1471 = arith.constant 4 : i32
      %get3A_1472 = arith.index_cast %get3A_1471 : i32 to index
      %get3A_1473 = arith.constant 64 : index
      %get3A_1474 = tpu.vector_load %arg7[%get3A_1472, %get3A_1473] {strides = array<i32>} : memref<8x128xf32, #tpu.memory_space<vmem>>, vector<1x16xf32>,
      %get3A_1475 = vector.shape_cast %get3A_1474 : vector<1x16xf32> to vector<16xf32>
      %max3A_1476 = arith.maximumf %get3A_1475, %max3A_1470 : vector<16xf32>
      %swap3A_1477 = arith.constant 4 : i32
      %swap3A_1478 = arith.index_cast %swap3A_1477 : i32 to index
      %swap3A_1479 = arith.constant 64 : index
      %swap3A_1480 = tpu.vector_load %arg7[%swap3A_1478, %swap3A_1479] {strides = array<i32>} : memref<8x128xf32, #tpu.memory_space<vmem>>, vector<1x16xf32>,
      %swap3A_1481 = vector.shape_cast %swap3A_1480 : vector<1x16xf32> to vector<16xf32>
      %swap3A_1482 = vector.shape_cast %max3A_1476 : vector<16xf32> to vector<1x16xf32>
      tpu.vector_store %arg7[%swap3A_1478, %swap3A_1479], %swap3A_1482 {strides = array<i32>} : memref<8x128xf32, #tpu.memory_space<vmem>>, vector<1x16xf32>,
      %get3A_1483 = arith.constant 4 : i32
      %get3A_1484 = arith.index_cast %get3A_1483 : i32 to index
      %get3A_1485 = arith.constant 80 : index
      %get3A_1486 = tpu.vector_load %arg6[%get3A_1484, %get3A_1485] {strides = array<i32>} : memref<16x128xf32, #tpu.memory_space<vmem>>, vector<1x16xf32>,
      %get3A_1487 = vector.shape_cast %get3A_1486 : vector<1x16xf32> to vector<16xf32>
      %get3A_1488 = arith.constant 12 : i32
      %get3A_1489 = arith.index_cast %get3A_1488 : i32 to index
      %get3A_1490 = arith.constant 80 : index
      %get3A_1491 = tpu.vector_load %arg6[%get3A_1489, %get3A_1490] {strides = array<i32>} : memref<16x128xf32, #tpu.memory_space<vmem>>, vector<1x16xf32>,
      %get3A_1492 = vector.shape_cast %get3A_1491 : vector<1x16xf32> to vector<16xf32>
      %max3A_1493 = arith.maximumf %get3A_1487, %get3A_1492 : vector<16xf32>
      %get3A_1494 = arith.constant 4 : i32
      %get3A_1495 = arith.index_cast %get3A_1494 : i32 to index
      %get3A_1496 = arith.constant 80 : index
      %get3A_1497 = tpu.vector_load %arg7[%get3A_1495, %get3A_1496] {strides = array<i32>} : memref<8x128xf32, #tpu.memory_space<vmem>>, vector<1x16xf32>,
      %get3A_1498 = vector.shape_cast %get3A_1497 : vector<1x16xf32> to vector<16xf32>
      %max3A_1499 = arith.maximumf %get3A_1498, %max3A_1493 : vector<16xf32>
      %swap3A_1500 = arith.constant 4 : i32
      %swap3A_1501 = arith.index_cast %swap3A_1500 : i32 to index
      %swap3A_1502 = arith.constant 80 : index
      %swap3A_1503 = tpu.vector_load %arg7[%swap3A_1501, %swap3A_1502] {strides = array<i32>} : memref<8x128xf32, #tpu.memory_space<vmem>>, vector<1x16xf32>,
      %swap3A_1504 = vector.shape_cast %swap3A_1503 : vector<1x16xf32> to vector<16xf32>
      %swap3A_1505 = vector.shape_cast %max3A_1499 : vector<16xf32> to vector<1x16xf32>
      tpu.vector_store %arg7[%swap3A_1501, %swap3A_1502], %swap3A_1505 {strides = array<i32>} : memref<8x128xf32, #tpu.memory_space<vmem>>, vector<1x16xf32>,
      %get3A_1506 = arith.constant 4 : i32
      %get3A_1507 = arith.index_cast %get3A_1506 : i32 to index
      %get3A_1508 = arith.constant 96 : index
      %get3A_1509 = tpu.vector_load %arg6[%get3A_1507, %get3A_1508] {strides = array<i32>} : memref<16x128xf32, #tpu.memory_space<vmem>>, vector<1x16xf32>,
      %get3A_1510 = vector.shape_cast %get3A_1509 : vector<1x16xf32> to vector<16xf32>
      %get3A_1511 = arith.constant 12 : i32
      %get3A_1512 = arith.index_cast %get3A_1511 : i32 to index
      %get3A_1513 = arith.constant 96 : index
      %get3A_1514 = tpu.vector_load %arg6[%get3A_1512, %get3A_1513] {strides = array<i32>} : memref<16x128xf32, #tpu.memory_space<vmem>>, vector<1x16xf32>,
      %get3A_1515 = vector.shape_cast %get3A_1514 : vector<1x16xf32> to vector<16xf32>
      %max3A_1516 = arith.maximumf %get3A_1510, %get3A_1515 : vector<16xf32>
      %get3A_1517 = arith.constant 4 : i32
      %get3A_1518 = arith.index_cast %get3A_1517 : i32 to index
      %get3A_1519 = arith.constant 96 : index
      %get3A_1520 = tpu.vector_load %arg7[%get3A_1518, %get3A_1519] {strides = array<i32>} : memref<8x128xf32, #tpu.memory_space<vmem>>, vector<1x16xf32>,
      %get3A_1521 = vector.shape_cast %get3A_1520 : vector<1x16xf32> to vector<16xf32>
      %max3A_1522 = arith.maximumf %get3A_1521, %max3A_1516 : vector<16xf32>
      %swap3A_1523 = arith.constant 4 : i32
      %swap3A_1524 = arith.index_cast %swap3A_1523 : i32 to index
      %swap3A_1525 = arith.constant 96 : index
      %swap3A_1526 = tpu.vector_load %arg7[%swap3A_1524, %swap3A_1525] {strides = array<i32>} : memref<8x128xf32, #tpu.memory_space<vmem>>, vector<1x16xf32>,
      %swap3A_1527 = vector.shape_cast %swap3A_1526 : vector<1x16xf32> to vector<16xf32>
      %swap3A_1528 = vector.shape_cast %max3A_1522 : vector<16xf32> to vector<1x16xf32>
      tpu.vector_store %arg7[%swap3A_1524, %swap3A_1525], %swap3A_1528 {strides = array<i32>} : memref<8x128xf32, #tpu.memory_space<vmem>>, vector<1x16xf32>,
      %get3A_1529 = arith.constant 4 : i32
      %get3A_1530 = arith.index_cast %get3A_1529 : i32 to index
      %get3A_1531 = arith.constant 112 : index
      %get3A_1532 = tpu.vector_load %arg6[%get3A_1530, %get3A_1531] {strides = array<i32>} : memref<16x128xf32, #tpu.memory_space<vmem>>, vector<1x16xf32>,
      %get3A_1533 = vector.shape_cast %get3A_1532 : vector<1x16xf32> to vector<16xf32>
      %get3A_1534 = arith.constant 12 : i32
      %get3A_1535 = arith.index_cast %get3A_1534 : i32 to index
      %get3A_1536 = arith.constant 112 : index
      %get3A_1537 = tpu.vector_load %arg6[%get3A_1535, %get3A_1536] {strides = array<i32>} : memref<16x128xf32, #tpu.memory_space<vmem>>, vector<1x16xf32>,
      %get3A_1538 = vector.shape_cast %get3A_1537 : vector<1x16xf32> to vector<16xf32>
      %max3A_1539 = arith.maximumf %get3A_1533, %get3A_1538 : vector<16xf32>
      %get3A_1540 = arith.constant 4 : i32
      %get3A_1541 = arith.index_cast %get3A_1540 : i32 to index
      %get3A_1542 = arith.constant 112 : index
      %get3A_1543 = tpu.vector_load %arg7[%get3A_1541, %get3A_1542] {strides = array<i32>} : memref<8x128xf32, #tpu.memory_space<vmem>>, vector<1x16xf32>,
      %get3A_1544 = vector.shape_cast %get3A_1543 : vector<1x16xf32> to vector<16xf32>
      %max3A_1545 = arith.maximumf %get3A_1544, %max3A_1539 : vector<16xf32>
      %swap3A_1546 = arith.constant 4 : i32
      %swap3A_1547 = arith.index_cast %swap3A_1546 : i32 to index
      %swap3A_1548 = arith.constant 112 : index
      %swap3A_1549 = tpu.vector_load %arg7[%swap3A_1547, %swap3A_1548] {strides = array<i32>} : memref<8x128xf32, #tpu.memory_space<vmem>>, vector<1x16xf32>,
      %swap3A_1550 = vector.shape_cast %swap3A_1549 : vector<1x16xf32> to vector<16xf32>
      %swap3A_1551 = vector.shape_cast %max3A_1545 : vector<16xf32> to vector<1x16xf32>
      tpu.vector_store %arg7[%swap3A_1547, %swap3A_1548], %swap3A_1551 {strides = array<i32>} : memref<8x128xf32, #tpu.memory_space<vmem>>, vector<1x16xf32>,
      %get3A_1552 = arith.constant 5 : i32
      %get3A_1553 = arith.index_cast %get3A_1552 : i32 to index
      %get3A_1554 = arith.constant 0 : index
      %get3A_1555 = tpu.vector_load %arg6[%get3A_1553, %get3A_1554] {strides = array<i32>} : memref<16x128xf32, #tpu.memory_space<vmem>>, vector<1x16xf32>,
      %get3A_1556 = vector.shape_cast %get3A_1555 : vector<1x16xf32> to vector<16xf32>
      %get3A_1557 = arith.constant 13 : i32
      %get3A_1558 = arith.index_cast %get3A_1557 : i32 to index
      %get3A_1559 = arith.constant 0 : index
      %get3A_1560 = tpu.vector_load %arg6[%get3A_1558, %get3A_1559] {strides = array<i32>} : memref<16x128xf32, #tpu.memory_space<vmem>>, vector<1x16xf32>,
      %get3A_1561 = vector.shape_cast %get3A_1560 : vector<1x16xf32> to vector<16xf32>
      %max3A_1562 = arith.maximumf %get3A_1556, %get3A_1561 : vector<16xf32>
      %get3A_1563 = arith.constant 5 : i32
      %get3A_1564 = arith.index_cast %get3A_1563 : i32 to index
      %get3A_1565 = arith.constant 0 : index
      %get3A_1566 = tpu.vector_load %arg7[%get3A_1564, %get3A_1565] {strides = array<i32>} : memref<8x128xf32, #tpu.memory_space<vmem>>, vector<1x16xf32>,
      %get3A_1567 = vector.shape_cast %get3A_1566 : vector<1x16xf32> to vector<16xf32>
      %max3A_1568 = arith.maximumf %get3A_1567, %max3A_1562 : vector<16xf32>
      %swap3A_1569 = arith.constant 5 : i32
      %swap3A_1570 = arith.index_cast %swap3A_1569 : i32 to index
      %swap3A_1571 = arith.constant 0 : index
      %swap3A_1572 = tpu.vector_load %arg7[%swap3A_1570, %swap3A_1571] {strides = array<i32>} : memref<8x128xf32, #tpu.memory_space<vmem>>, vector<1x16xf32>,
      %swap3A_1573 = vector.shape_cast %swap3A_1572 : vector<1x16xf32> to vector<16xf32>
      %swap3A_1574 = vector.shape_cast %max3A_1568 : vector<16xf32> to vector<1x16xf32>
      tpu.vector_store %arg7[%swap3A_1570, %swap3A_1571], %swap3A_1574 {strides = array<i32>} : memref<8x128xf32, #tpu.memory_space<vmem>>, vector<1x16xf32>,
      %get3A_1575 = arith.constant 5 : i32
      %get3A_1576 = arith.index_cast %get3A_1575 : i32 to index
      %get3A_1577 = arith.constant 16 : index
      %get3A_1578 = tpu.vector_load %arg6[%get3A_1576, %get3A_1577] {strides = array<i32>} : memref<16x128xf32, #tpu.memory_space<vmem>>, vector<1x16xf32>,
      %get3A_1579 = vector.shape_cast %get3A_1578 : vector<1x16xf32> to vector<16xf32>
      %get3A_1580 = arith.constant 13 : i32
      %get3A_1581 = arith.index_cast %get3A_1580 : i32 to index
      %get3A_1582 = arith.constant 16 : index
      %get3A_1583 = tpu.vector_load %arg6[%get3A_1581, %get3A_1582] {strides = array<i32>} : memref<16x128xf32, #tpu.memory_space<vmem>>, vector<1x16xf32>,
      %get3A_1584 = vector.shape_cast %get3A_1583 : vector<1x16xf32> to vector<16xf32>
      %max3A_1585 = arith.maximumf %get3A_1579, %get3A_1584 : vector<16xf32>
      %get3A_1586 = arith.constant 5 : i32
      %get3A_1587 = arith.index_cast %get3A_1586 : i32 to index
      %get3A_1588 = arith.constant 16 : index
      %get3A_1589 = tpu.vector_load %arg7[%get3A_1587, %get3A_1588] {strides = array<i32>} : memref<8x128xf32, #tpu.memory_space<vmem>>, vector<1x16xf32>,
      %get3A_1590 = vector.shape_cast %get3A_1589 : vector<1x16xf32> to vector<16xf32>
      %max3A_1591 = arith.maximumf %get3A_1590, %max3A_1585 : vector<16xf32>
      %swap3A_1592 = arith.constant 5 : i32
      %swap3A_1593 = arith.index_cast %swap3A_1592 : i32 to index
      %swap3A_1594 = arith.constant 16 : index
      %swap3A_1595 = tpu.vector_load %arg7[%swap3A_1593, %swap3A_1594] {strides = array<i32>} : memref<8x128xf32, #tpu.memory_space<vmem>>, vector<1x16xf32>,
      %swap3A_1596 = vector.shape_cast %swap3A_1595 : vector<1x16xf32> to vector<16xf32>
      %swap3A_1597 = vector.shape_cast %max3A_1591 : vector<16xf32> to vector<1x16xf32>
      tpu.vector_store %arg7[%swap3A_1593, %swap3A_1594], %swap3A_1597 {strides = array<i32>} : memref<8x128xf32, #tpu.memory_space<vmem>>, vector<1x16xf32>,
      %get3A_1598 = arith.constant 5 : i32
      %get3A_1599 = arith.index_cast %get3A_1598 : i32 to index
      %get3A_1600 = arith.constant 32 : index
      %get3A_1601 = tpu.vector_load %arg6[%get3A_1599, %get3A_1600] {strides = array<i32>} : memref<16x128xf32, #tpu.memory_space<vmem>>, vector<1x16xf32>,
      %get3A_1602 = vector.shape_cast %get3A_1601 : vector<1x16xf32> to vector<16xf32>
      %get3A_1603 = arith.constant 13 : i32
      %get3A_1604 = arith.index_cast %get3A_1603 : i32 to index
      %get3A_1605 = arith.constant 32 : index
      %get3A_1606 = tpu.vector_load %arg6[%get3A_1604, %get3A_1605] {strides = array<i32>} : memref<16x128xf32, #tpu.memory_space<vmem>>, vector<1x16xf32>,
      %get3A_1607 = vector.shape_cast %get3A_1606 : vector<1x16xf32> to vector<16xf32>
      %max3A_1608 = arith.maximumf %get3A_1602, %get3A_1607 : vector<16xf32>
      %get3A_1609 = arith.constant 5 : i32
      %get3A_1610 = arith.index_cast %get3A_1609 : i32 to index
      %get3A_1611 = arith.constant 32 : index
      %get3A_1612 = tpu.vector_load %arg7[%get3A_1610, %get3A_1611] {strides = array<i32>} : memref<8x128xf32, #tpu.memory_space<vmem>>, vector<1x16xf32>,
      %get3A_1613 = vector.shape_cast %get3A_1612 : vector<1x16xf32> to vector<16xf32>
      %max3A_1614 = arith.maximumf %get3A_1613, %max3A_1608 : vector<16xf32>
      %swap3A_1615 = arith.constant 5 : i32
      %swap3A_1616 = arith.index_cast %swap3A_1615 : i32 to index
      %swap3A_1617 = arith.constant 32 : index
      %swap3A_1618 = tpu.vector_load %arg7[%swap3A_1616, %swap3A_1617] {strides = array<i32>} : memref<8x128xf32, #tpu.memory_space<vmem>>, vector<1x16xf32>,
      %swap3A_1619 = vector.shape_cast %swap3A_1618 : vector<1x16xf32> to vector<16xf32>
      %swap3A_1620 = vector.shape_cast %max3A_1614 : vector<16xf32> to vector<1x16xf32>
      tpu.vector_store %arg7[%swap3A_1616, %swap3A_1617], %swap3A_1620 {strides = array<i32>} : memref<8x128xf32, #tpu.memory_space<vmem>>, vector<1x16xf32>,
      %get3A_1621 = arith.constant 5 : i32
      %get3A_1622 = arith.index_cast %get3A_1621 : i32 to index
      %get3A_1623 = arith.constant 48 : index
      %get3A_1624 = tpu.vector_load %arg6[%get3A_1622, %get3A_1623] {strides = array<i32>} : memref<16x128xf32, #tpu.memory_space<vmem>>, vector<1x16xf32>,
      %get3A_1625 = vector.shape_cast %get3A_1624 : vector<1x16xf32> to vector<16xf32>
      %get3A_1626 = arith.constant 13 : i32
      %get3A_1627 = arith.index_cast %get3A_1626 : i32 to index
      %get3A_1628 = arith.constant 48 : index
      %get3A_1629 = tpu.vector_load %arg6[%get3A_1627, %get3A_1628] {strides = array<i32>} : memref<16x128xf32, #tpu.memory_space<vmem>>, vector<1x16xf32>,
      %get3A_1630 = vector.shape_cast %get3A_1629 : vector<1x16xf32> to vector<16xf32>
      %max3A_1631 = arith.maximumf %get3A_1625, %get3A_1630 : vector<16xf32>
      %get3A_1632 = arith.constant 5 : i32
      %get3A_1633 = arith.index_cast %get3A_1632 : i32 to index
      %get3A_1634 = arith.constant 48 : index
      %get3A_1635 = tpu.vector_load %arg7[%get3A_1633, %get3A_1634] {strides = array<i32>} : memref<8x128xf32, #tpu.memory_space<vmem>>, vector<1x16xf32>,
      %get3A_1636 = vector.shape_cast %get3A_1635 : vector<1x16xf32> to vector<16xf32>
      %max3A_1637 = arith.maximumf %get3A_1636, %max3A_1631 : vector<16xf32>
      %swap3A_1638 = arith.constant 5 : i32
      %swap3A_1639 = arith.index_cast %swap3A_1638 : i32 to index
      %swap3A_1640 = arith.constant 48 : index
      %swap3A_1641 = tpu.vector_load %arg7[%swap3A_1639, %swap3A_1640] {strides = array<i32>} : memref<8x128xf32, #tpu.memory_space<vmem>>, vector<1x16xf32>,
      %swap3A_1642 = vector.shape_cast %swap3A_1641 : vector<1x16xf32> to vector<16xf32>
      %swap3A_1643 = vector.shape_cast %max3A_1637 : vector<16xf32> to vector<1x16xf32>
      tpu.vector_store %arg7[%swap3A_1639, %swap3A_1640], %swap3A_1643 {strides = array<i32>} : memref<8x128xf32, #tpu.memory_space<vmem>>, vector<1x16xf32>,
      %get3A_1644 = arith.constant 5 : i32
      %get3A_1645 = arith.index_cast %get3A_1644 : i32 to index
      %get3A_1646 = arith.constant 64 : index
      %get3A_1647 = tpu.vector_load %arg6[%get3A_1645, %get3A_1646] {strides = array<i32>} : memref<16x128xf32, #tpu.memory_space<vmem>>, vector<1x16xf32>,
      %get3A_1648 = vector.shape_cast %get3A_1647 : vector<1x16xf32> to vector<16xf32>
      %get3A_1649 = arith.constant 13 : i32
      %get3A_1650 = arith.index_cast %get3A_1649 : i32 to index
      %get3A_1651 = arith.constant 64 : index
      %get3A_1652 = tpu.vector_load %arg6[%get3A_1650, %get3A_1651] {strides = array<i32>} : memref<16x128xf32, #tpu.memory_space<vmem>>, vector<1x16xf32>,
      %get3A_1653 = vector.shape_cast %get3A_1652 : vector<1x16xf32> to vector<16xf32>
      %max3A_1654 = arith.maximumf %get3A_1648, %get3A_1653 : vector<16xf32>
      %get3A_1655 = arith.constant 5 : i32
      %get3A_1656 = arith.index_cast %get3A_1655 : i32 to index
      %get3A_1657 = arith.constant 64 : index
      %get3A_1658 = tpu.vector_load %arg7[%get3A_1656, %get3A_1657] {strides = array<i32>} : memref<8x128xf32, #tpu.memory_space<vmem>>, vector<1x16xf32>,
      %get3A_1659 = vector.shape_cast %get3A_1658 : vector<1x16xf32> to vector<16xf32>
      %max3A_1660 = arith.maximumf %get3A_1659, %max3A_1654 : vector<16xf32>
      %swap3A_1661 = arith.constant 5 : i32
      %swap3A_1662 = arith.index_cast %swap3A_1661 : i32 to index
      %swap3A_1663 = arith.constant 64 : index
      %swap3A_1664 = tpu.vector_load %arg7[%swap3A_1662, %swap3A_1663] {strides = array<i32>} : memref<8x128xf32, #tpu.memory_space<vmem>>, vector<1x16xf32>,
      %swap3A_1665 = vector.shape_cast %swap3A_1664 : vector<1x16xf32> to vector<16xf32>
      %swap3A_1666 = vector.shape_cast %max3A_1660 : vector<16xf32> to vector<1x16xf32>
      tpu.vector_store %arg7[%swap3A_1662, %swap3A_1663], %swap3A_1666 {strides = array<i32>} : memref<8x128xf32, #tpu.memory_space<vmem>>, vector<1x16xf32>,
      %get3A_1667 = arith.constant 5 : i32
      %get3A_1668 = arith.index_cast %get3A_1667 : i32 to index
      %get3A_1669 = arith.constant 80 : index
      %get3A_1670 = tpu.vector_load %arg6[%get3A_1668, %get3A_1669] {strides = array<i32>} : memref<16x128xf32, #tpu.memory_space<vmem>>, vector<1x16xf32>,
      %get3A_1671 = vector.shape_cast %get3A_1670 : vector<1x16xf32> to vector<16xf32>
      %get3A_1672 = arith.constant 13 : i32
      %get3A_1673 = arith.index_cast %get3A_1672 : i32 to index
      %get3A_1674 = arith.constant 80 : index
      %get3A_1675 = tpu.vector_load %arg6[%get3A_1673, %get3A_1674] {strides = array<i32>} : memref<16x128xf32, #tpu.memory_space<vmem>>, vector<1x16xf32>,
      %get3A_1676 = vector.shape_cast %get3A_1675 : vector<1x16xf32> to vector<16xf32>
      %max3A_1677 = arith.maximumf %get3A_1671, %get3A_1676 : vector<16xf32>
      %get3A_1678 = arith.constant 5 : i32
      %get3A_1679 = arith.index_cast %get3A_1678 : i32 to index
      %get3A_1680 = arith.constant 80 : index
      %get3A_1681 = tpu.vector_load %arg7[%get3A_1679, %get3A_1680] {strides = array<i32>} : memref<8x128xf32, #tpu.memory_space<vmem>>, vector<1x16xf32>,
      %get3A_1682 = vector.shape_cast %get3A_1681 : vector<1x16xf32> to vector<16xf32>
      %max3A_1683 = arith.maximumf %get3A_1682, %max3A_1677 : vector<16xf32>
      %swap3A_1684 = arith.constant 5 : i32
      %swap3A_1685 = arith.index_cast %swap3A_1684 : i32 to index
      %swap3A_1686 = arith.constant 80 : index
      %swap3A_1687 = tpu.vector_load %arg7[%swap3A_1685, %swap3A_1686] {strides = array<i32>} : memref<8x128xf32, #tpu.memory_space<vmem>>, vector<1x16xf32>,
      %swap3A_1688 = vector.shape_cast %swap3A_1687 : vector<1x16xf32> to vector<16xf32>
      %swap3A_1689 = vector.shape_cast %max3A_1683 : vector<16xf32> to vector<1x16xf32>
      tpu.vector_store %arg7[%swap3A_1685, %swap3A_1686], %swap3A_1689 {strides = array<i32>} : memref<8x128xf32, #tpu.memory_space<vmem>>, vector<1x16xf32>,
      %get3A_1690 = arith.constant 5 : i32
      %get3A_1691 = arith.index_cast %get3A_1690 : i32 to index
      %get3A_1692 = arith.constant 96 : index
      %get3A_1693 = tpu.vector_load %arg6[%get3A_1691, %get3A_1692] {strides = array<i32>} : memref<16x128xf32, #tpu.memory_space<vmem>>, vector<1x16xf32>,
      %get3A_1694 = vector.shape_cast %get3A_1693 : vector<1x16xf32> to vector<16xf32>
      %get3A_1695 = arith.constant 13 : i32
      %get3A_1696 = arith.index_cast %get3A_1695 : i32 to index
      %get3A_1697 = arith.constant 96 : index
      %get3A_1698 = tpu.vector_load %arg6[%get3A_1696, %get3A_1697] {strides = array<i32>} : memref<16x128xf32, #tpu.memory_space<vmem>>, vector<1x16xf32>,
      %get3A_1699 = vector.shape_cast %get3A_1698 : vector<1x16xf32> to vector<16xf32>
      %max3A_1700 = arith.maximumf %get3A_1694, %get3A_1699 : vector<16xf32>
      %get3A_1701 = arith.constant 5 : i32
      %get3A_1702 = arith.index_cast %get3A_1701 : i32 to index
      %get3A_1703 = arith.constant 96 : index
      %get3A_1704 = tpu.vector_load %arg7[%get3A_1702, %get3A_1703] {strides = array<i32>} : memref<8x128xf32, #tpu.memory_space<vmem>>, vector<1x16xf32>,
      %get3A_1705 = vector.shape_cast %get3A_1704 : vector<1x16xf32> to vector<16xf32>
      %max3A_1706 = arith.maximumf %get3A_1705, %max3A_1700 : vector<16xf32>
      %swap3A_1707 = arith.constant 5 : i32
      %swap3A_1708 = arith.index_cast %swap3A_1707 : i32 to index
      %swap3A_1709 = arith.constant 96 : index
      %swap3A_1710 = tpu.vector_load %arg7[%swap3A_1708, %swap3A_1709] {strides = array<i32>} : memref<8x128xf32, #tpu.memory_space<vmem>>, vector<1x16xf32>,
      %swap3A_1711 = vector.shape_cast %swap3A_1710 : vector<1x16xf32> to vector<16xf32>
      %swap3A_1712 = vector.shape_cast %max3A_1706 : vector<16xf32> to vector<1x16xf32>
      tpu.vector_store %arg7[%swap3A_1708, %swap3A_1709], %swap3A_1712 {strides = array<i32>} : memref<8x128xf32, #tpu.memory_space<vmem>>, vector<1x16xf32>,
      %get3A_1713 = arith.constant 5 : i32
      %get3A_1714 = arith.index_cast %get3A_1713 : i32 to index
      %get3A_1715 = arith.constant 112 : index
      %get3A_1716 = tpu.vector_load %arg6[%get3A_1714, %get3A_1715] {strides = array<i32>} : memref<16x128xf32, #tpu.memory_space<vmem>>, vector<1x16xf32>,
      %get3A_1717 = vector.shape_cast %get3A_1716 : vector<1x16xf32> to vector<16xf32>
      %get3A_1718 = arith.constant 13 : i32
      %get3A_1719 = arith.index_cast %get3A_1718 : i32 to index
      %get3A_1720 = arith.constant 112 : index
      %get3A_1721 = tpu.vector_load %arg6[%get3A_1719, %get3A_1720] {strides = array<i32>} : memref<16x128xf32, #tpu.memory_space<vmem>>, vector<1x16xf32>,
      %get3A_1722 = vector.shape_cast %get3A_1721 : vector<1x16xf32> to vector<16xf32>
      %max3A_1723 = arith.maximumf %get3A_1717, %get3A_1722 : vector<16xf32>
      %get3A_1724 = arith.constant 5 : i32
      %get3A_1725 = arith.index_cast %get3A_1724 : i32 to index
      %get3A_1726 = arith.constant 112 : index
      %get3A_1727 = tpu.vector_load %arg7[%get3A_1725, %get3A_1726] {strides = array<i32>} : memref<8x128xf32, #tpu.memory_space<vmem>>, vector<1x16xf32>,
      %get3A_1728 = vector.shape_cast %get3A_1727 : vector<1x16xf32> to vector<16xf32>
      %max3A_1729 = arith.maximumf %get3A_1728, %max3A_1723 : vector<16xf32>
      %swap3A_1730 = arith.constant 5 : i32
      %swap3A_1731 = arith.index_cast %swap3A_1730 : i32 to index
      %swap3A_1732 = arith.constant 112 : index
      %swap3A_1733 = tpu.vector_load %arg7[%swap3A_1731, %swap3A_1732] {strides = array<i32>} : memref<8x128xf32, #tpu.memory_space<vmem>>, vector<1x16xf32>,
      %swap3A_1734 = vector.shape_cast %swap3A_1733 : vector<1x16xf32> to vector<16xf32>
      %swap3A_1735 = vector.shape_cast %max3A_1729 : vector<16xf32> to vector<1x16xf32>
      tpu.vector_store %arg7[%swap3A_1731, %swap3A_1732], %swap3A_1735 {strides = array<i32>} : memref<8x128xf32, #tpu.memory_space<vmem>>, vector<1x16xf32>,
      %get3A_1736 = arith.constant 6 : i32
      %get3A_1737 = arith.index_cast %get3A_1736 : i32 to index
      %get3A_1738 = arith.constant 0 : index
      %get3A_1739 = tpu.vector_load %arg6[%get3A_1737, %get3A_1738] {strides = array<i32>} : memref<16x128xf32, #tpu.memory_space<vmem>>, vector<1x16xf32>,
      %get3A_1740 = vector.shape_cast %get3A_1739 : vector<1x16xf32> to vector<16xf32>
      %get3A_1741 = arith.constant 14 : i32
      %get3A_1742 = arith.index_cast %get3A_1741 : i32 to index
      %get3A_1743 = arith.constant 0 : index
      %get3A_1744 = tpu.vector_load %arg6[%get3A_1742, %get3A_1743] {strides = array<i32>} : memref<16x128xf32, #tpu.memory_space<vmem>>, vector<1x16xf32>,
      %get3A_1745 = vector.shape_cast %get3A_1744 : vector<1x16xf32> to vector<16xf32>
      %max3A_1746 = arith.maximumf %get3A_1740, %get3A_1745 : vector<16xf32>
      %get3A_1747 = arith.constant 6 : i32
      %get3A_1748 = arith.index_cast %get3A_1747 : i32 to index
      %get3A_1749 = arith.constant 0 : index
      %get3A_1750 = tpu.vector_load %arg7[%get3A_1748, %get3A_1749] {strides = array<i32>} : memref<8x128xf32, #tpu.memory_space<vmem>>, vector<1x16xf32>,
      %get3A_1751 = vector.shape_cast %get3A_1750 : vector<1x16xf32> to vector<16xf32>
      %max3A_1752 = arith.maximumf %get3A_1751, %max3A_1746 : vector<16xf32>
      %swap3A_1753 = arith.constant 6 : i32
      %swap3A_1754 = arith.index_cast %swap3A_1753 : i32 to index
      %swap3A_1755 = arith.constant 0 : index
      %swap3A_1756 = tpu.vector_load %arg7[%swap3A_1754, %swap3A_1755] {strides = array<i32>} : memref<8x128xf32, #tpu.memory_space<vmem>>, vector<1x16xf32>,
      %swap3A_1757 = vector.shape_cast %swap3A_1756 : vector<1x16xf32> to vector<16xf32>
      %swap3A_1758 = vector.shape_cast %max3A_1752 : vector<16xf32> to vector<1x16xf32>
      tpu.vector_store %arg7[%swap3A_1754, %swap3A_1755], %swap3A_1758 {strides = array<i32>} : memref<8x128xf32, #tpu.memory_space<vmem>>, vector<1x16xf32>,
      %get3A_1759 = arith.constant 6 : i32
      %get3A_1760 = arith.index_cast %get3A_1759 : i32 to index
      %get3A_1761 = arith.constant 16 : index
      %get3A_1762 = tpu.vector_load %arg6[%get3A_1760, %get3A_1761] {strides = array<i32>} : memref<16x128xf32, #tpu.memory_space<vmem>>, vector<1x16xf32>,
      %get3A_1763 = vector.shape_cast %get3A_1762 : vector<1x16xf32> to vector<16xf32>
      %get3A_1764 = arith.constant 14 : i32
      %get3A_1765 = arith.index_cast %get3A_1764 : i32 to index
      %get3A_1766 = arith.constant 16 : index
      %get3A_1767 = tpu.vector_load %arg6[%get3A_1765, %get3A_1766] {strides = array<i32>} : memref<16x128xf32, #tpu.memory_space<vmem>>, vector<1x16xf32>,
      %get3A_1768 = vector.shape_cast %get3A_1767 : vector<1x16xf32> to vector<16xf32>
      %max3A_1769 = arith.maximumf %get3A_1763, %get3A_1768 : vector<16xf32>
      %get3A_1770 = arith.constant 6 : i32
      %get3A_1771 = arith.index_cast %get3A_1770 : i32 to index
      %get3A_1772 = arith.constant 16 : index
      %get3A_1773 = tpu.vector_load %arg7[%get3A_1771, %get3A_1772] {strides = array<i32>} : memref<8x128xf32, #tpu.memory_space<vmem>>, vector<1x16xf32>,
      %get3A_1774 = vector.shape_cast %get3A_1773 : vector<1x16xf32> to vector<16xf32>
      %max3A_1775 = arith.maximumf %get3A_1774, %max3A_1769 : vector<16xf32>
      %swap3A_1776 = arith.constant 6 : i32
      %swap3A_1777 = arith.index_cast %swap3A_1776 : i32 to index
      %swap3A_1778 = arith.constant 16 : index
      %swap3A_1779 = tpu.vector_load %arg7[%swap3A_1777, %swap3A_1778] {strides = array<i32>} : memref<8x128xf32, #tpu.memory_space<vmem>>, vector<1x16xf32>,
      %swap3A_1780 = vector.shape_cast %swap3A_1779 : vector<1x16xf32> to vector<16xf32>
      %swap3A_1781 = vector.shape_cast %max3A_1775 : vector<16xf32> to vector<1x16xf32>
      tpu.vector_store %arg7[%swap3A_1777, %swap3A_1778], %swap3A_1781 {strides = array<i32>} : memref<8x128xf32, #tpu.memory_space<vmem>>, vector<1x16xf32>,
      %get3A_1782 = arith.constant 6 : i32
      %get3A_1783 = arith.index_cast %get3A_1782 : i32 to index
      %get3A_1784 = arith.constant 32 : index
      %get3A_1785 = tpu.vector_load %arg6[%get3A_1783, %get3A_1784] {strides = array<i32>} : memref<16x128xf32, #tpu.memory_space<vmem>>, vector<1x16xf32>,
      %get3A_1786 = vector.shape_cast %get3A_1785 : vector<1x16xf32> to vector<16xf32>
      %get3A_1787 = arith.constant 14 : i32
      %get3A_1788 = arith.index_cast %get3A_1787 : i32 to index
      %get3A_1789 = arith.constant 32 : index
      %get3A_1790 = tpu.vector_load %arg6[%get3A_1788, %get3A_1789] {strides = array<i32>} : memref<16x128xf32, #tpu.memory_space<vmem>>, vector<1x16xf32>,
      %get3A_1791 = vector.shape_cast %get3A_1790 : vector<1x16xf32> to vector<16xf32>
      %max3A_1792 = arith.maximumf %get3A_1786, %get3A_1791 : vector<16xf32>
      %get3A_1793 = arith.constant 6 : i32
      %get3A_1794 = arith.index_cast %get3A_1793 : i32 to index
      %get3A_1795 = arith.constant 32 : index
      %get3A_1796 = tpu.vector_load %arg7[%get3A_1794, %get3A_1795] {strides = array<i32>} : memref<8x128xf32, #tpu.memory_space<vmem>>, vector<1x16xf32>,
      %get3A_1797 = vector.shape_cast %get3A_1796 : vector<1x16xf32> to vector<16xf32>
      %max3A_1798 = arith.maximumf %get3A_1797, %max3A_1792 : vector<16xf32>
      %swap3A_1799 = arith.constant 6 : i32
      %swap3A_1800 = arith.index_cast %swap3A_1799 : i32 to index
      %swap3A_1801 = arith.constant 32 : index
      %swap3A_1802 = tpu.vector_load %arg7[%swap3A_1800, %swap3A_1801] {strides = array<i32>} : memref<8x128xf32, #tpu.memory_space<vmem>>, vector<1x16xf32>,
      %swap3A_1803 = vector.shape_cast %swap3A_1802 : vector<1x16xf32> to vector<16xf32>
      %swap3A_1804 = vector.shape_cast %max3A_1798 : vector<16xf32> to vector<1x16xf32>
      tpu.vector_store %arg7[%swap3A_1800, %swap3A_1801], %swap3A_1804 {strides = array<i32>} : memref<8x128xf32, #tpu.memory_space<vmem>>, vector<1x16xf32>,
      %get3A_1805 = arith.constant 6 : i32
      %get3A_1806 = arith.index_cast %get3A_1805 : i32 to index
      %get3A_1807 = arith.constant 48 : index
      %get3A_1808 = tpu.vector_load %arg6[%get3A_1806, %get3A_1807] {strides = array<i32>} : memref<16x128xf32, #tpu.memory_space<vmem>>, vector<1x16xf32>,
      %get3A_1809 = vector.shape_cast %get3A_1808 : vector<1x16xf32> to vector<16xf32>
      %get3A_1810 = arith.constant 14 : i32
      %get3A_1811 = arith.index_cast %get3A_1810 : i32 to index
      %get3A_1812 = arith.constant 48 : index
      %get3A_1813 = tpu.vector_load %arg6[%get3A_1811, %get3A_1812] {strides = array<i32>} : memref<16x128xf32, #tpu.memory_space<vmem>>, vector<1x16xf32>,
      %get3A_1814 = vector.shape_cast %get3A_1813 : vector<1x16xf32> to vector<16xf32>
      %max3A_1815 = arith.maximumf %get3A_1809, %get3A_1814 : vector<16xf32>
      %get3A_1816 = arith.constant 6 : i32
      %get3A_1817 = arith.index_cast %get3A_1816 : i32 to index
      %get3A_1818 = arith.constant 48 : index
      %get3A_1819 = tpu.vector_load %arg7[%get3A_1817, %get3A_1818] {strides = array<i32>} : memref<8x128xf32, #tpu.memory_space<vmem>>, vector<1x16xf32>,
      %get3A_1820 = vector.shape_cast %get3A_1819 : vector<1x16xf32> to vector<16xf32>
      %max3A_1821 = arith.maximumf %get3A_1820, %max3A_1815 : vector<16xf32>
      %swap3A_1822 = arith.constant 6 : i32
      %swap3A_1823 = arith.index_cast %swap3A_1822 : i32 to index
      %swap3A_1824 = arith.constant 48 : index
      %swap3A_1825 = tpu.vector_load %arg7[%swap3A_1823, %swap3A_1824] {strides = array<i32>} : memref<8x128xf32, #tpu.memory_space<vmem>>, vector<1x16xf32>,
      %swap3A_1826 = vector.shape_cast %swap3A_1825 : vector<1x16xf32> to vector<16xf32>
      %swap3A_1827 = vector.shape_cast %max3A_1821 : vector<16xf32> to vector<1x16xf32>
      tpu.vector_store %arg7[%swap3A_1823, %swap3A_1824], %swap3A_1827 {strides = array<i32>} : memref<8x128xf32, #tpu.memory_space<vmem>>, vector<1x16xf32>,
      %get3A_1828 = arith.constant 6 : i32
      %get3A_1829 = arith.index_cast %get3A_1828 : i32 to index
      %get3A_1830 = arith.constant 64 : index
      %get3A_1831 = tpu.vector_load %arg6[%get3A_1829, %get3A_1830] {strides = array<i32>} : memref<16x128xf32, #tpu.memory_space<vmem>>, vector<1x16xf32>,
      %get3A_1832 = vector.shape_cast %get3A_1831 : vector<1x16xf32> to vector<16xf32>
      %get3A_1833 = arith.constant 14 : i32
      %get3A_1834 = arith.index_cast %get3A_1833 : i32 to index
      %get3A_1835 = arith.constant 64 : index
      %get3A_1836 = tpu.vector_load %arg6[%get3A_1834, %get3A_1835] {strides = array<i32>} : memref<16x128xf32, #tpu.memory_space<vmem>>, vector<1x16xf32>,
      %get3A_1837 = vector.shape_cast %get3A_1836 : vector<1x16xf32> to vector<16xf32>
      %max3A_1838 = arith.maximumf %get3A_1832, %get3A_1837 : vector<16xf32>
      %get3A_1839 = arith.constant 6 : i32
      %get3A_1840 = arith.index_cast %get3A_1839 : i32 to index
      %get3A_1841 = arith.constant 64 : index
      %get3A_1842 = tpu.vector_load %arg7[%get3A_1840, %get3A_1841] {strides = array<i32>} : memref<8x128xf32, #tpu.memory_space<vmem>>, vector<1x16xf32>,
      %get3A_1843 = vector.shape_cast %get3A_1842 : vector<1x16xf32> to vector<16xf32>
      %max3A_1844 = arith.maximumf %get3A_1843, %max3A_1838 : vector<16xf32>
      %swap3A_1845 = arith.constant 6 : i32
      %swap3A_1846 = arith.index_cast %swap3A_1845 : i32 to index
      %swap3A_1847 = arith.constant 64 : index
      %swap3A_1848 = tpu.vector_load %arg7[%swap3A_1846, %swap3A_1847] {strides = array<i32>} : memref<8x128xf32, #tpu.memory_space<vmem>>, vector<1x16xf32>,
      %swap3A_1849 = vector.shape_cast %swap3A_1848 : vector<1x16xf32> to vector<16xf32>
      %swap3A_1850 = vector.shape_cast %max3A_1844 : vector<16xf32> to vector<1x16xf32>
      tpu.vector_store %arg7[%swap3A_1846, %swap3A_1847], %swap3A_1850 {strides = array<i32>} : memref<8x128xf32, #tpu.memory_space<vmem>>, vector<1x16xf32>,
      %get3A_1851 = arith.constant 6 : i32
      %get3A_1852 = arith.index_cast %get3A_1851 : i32 to index
      %get3A_1853 = arith.constant 80 : index
      %get3A_1854 = tpu.vector_load %arg6[%get3A_1852, %get3A_1853] {strides = array<i32>} : memref<16x128xf32, #tpu.memory_space<vmem>>, vector<1x16xf32>,
      %get3A_1855 = vector.shape_cast %get3A_1854 : vector<1x16xf32> to vector<16xf32>
      %get3A_1856 = arith.constant 14 : i32
      %get3A_1857 = arith.index_cast %get3A_1856 : i32 to index
      %get3A_1858 = arith.constant 80 : index
      %get3A_1859 = tpu.vector_load %arg6[%get3A_1857, %get3A_1858] {strides = array<i32>} : memref<16x128xf32, #tpu.memory_space<vmem>>, vector<1x16xf32>,
      %get3A_1860 = vector.shape_cast %get3A_1859 : vector<1x16xf32> to vector<16xf32>
      %max3A_1861 = arith.maximumf %get3A_1855, %get3A_1860 : vector<16xf32>
      %get3A_1862 = arith.constant 6 : i32
      %get3A_1863 = arith.index_cast %get3A_1862 : i32 to index
      %get3A_1864 = arith.constant 80 : index
      %get3A_1865 = tpu.vector_load %arg7[%get3A_1863, %get3A_1864] {strides = array<i32>} : memref<8x128xf32, #tpu.memory_space<vmem>>, vector<1x16xf32>,
      %get3A_1866 = vector.shape_cast %get3A_1865 : vector<1x16xf32> to vector<16xf32>
      %max3A_1867 = arith.maximumf %get3A_1866, %max3A_1861 : vector<16xf32>
      %swap3A_1868 = arith.constant 6 : i32
      %swap3A_1869 = arith.index_cast %swap3A_1868 : i32 to index
      %swap3A_1870 = arith.constant 80 : index
      %swap3A_1871 = tpu.vector_load %arg7[%swap3A_1869, %swap3A_1870] {strides = array<i32>} : memref<8x128xf32, #tpu.memory_space<vmem>>, vector<1x16xf32>,
      %swap3A_1872 = vector.shape_cast %swap3A_1871 : vector<1x16xf32> to vector<16xf32>
      %swap3A_1873 = vector.shape_cast %max3A_1867 : vector<16xf32> to vector<1x16xf32>
      tpu.vector_store %arg7[%swap3A_1869, %swap3A_1870], %swap3A_1873 {strides = array<i32>} : memref<8x128xf32, #tpu.memory_space<vmem>>, vector<1x16xf32>,
      %get3A_1874 = arith.constant 6 : i32
      %get3A_1875 = arith.index_cast %get3A_1874 : i32 to index
      %get3A_1876 = arith.constant 96 : index
      %get3A_1877 = tpu.vector_load %arg6[%get3A_1875, %get3A_1876] {strides = array<i32>} : memref<16x128xf32, #tpu.memory_space<vmem>>, vector<1x16xf32>,
      %get3A_1878 = vector.shape_cast %get3A_1877 : vector<1x16xf32> to vector<16xf32>
      %get3A_1879 = arith.constant 14 : i32
      %get3A_1880 = arith.index_cast %get3A_1879 : i32 to index
      %get3A_1881 = arith.constant 96 : index
      %get3A_1882 = tpu.vector_load %arg6[%get3A_1880, %get3A_1881] {strides = array<i32>} : memref<16x128xf32, #tpu.memory_space<vmem>>, vector<1x16xf32>,
      %get3A_1883 = vector.shape_cast %get3A_1882 : vector<1x16xf32> to vector<16xf32>
      %max3A_1884 = arith.maximumf %get3A_1878, %get3A_1883 : vector<16xf32>
      %get3A_1885 = arith.constant 6 : i32
      %get3A_1886 = arith.index_cast %get3A_1885 : i32 to index
      %get3A_1887 = arith.constant 96 : index
      %get3A_1888 = tpu.vector_load %arg7[%get3A_1886, %get3A_1887] {strides = array<i32>} : memref<8x128xf32, #tpu.memory_space<vmem>>, vector<1x16xf32>,
      %get3A_1889 = vector.shape_cast %get3A_1888 : vector<1x16xf32> to vector<16xf32>
      %max3A_1890 = arith.maximumf %get3A_1889, %max3A_1884 : vector<16xf32>
      %swap3A_1891 = arith.constant 6 : i32
      %swap3A_1892 = arith.index_cast %swap3A_1891 : i32 to index
      %swap3A_1893 = arith.constant 96 : index
      %swap3A_1894 = tpu.vector_load %arg7[%swap3A_1892, %swap3A_1893] {strides = array<i32>} : memref<8x128xf32, #tpu.memory_space<vmem>>, vector<1x16xf32>,
      %swap3A_1895 = vector.shape_cast %swap3A_1894 : vector<1x16xf32> to vector<16xf32>
      %swap3A_1896 = vector.shape_cast %max3A_1890 : vector<16xf32> to vector<1x16xf32>
      tpu.vector_store %arg7[%swap3A_1892, %swap3A_1893], %swap3A_1896 {strides = array<i32>} : memref<8x128xf32, #tpu.memory_space<vmem>>, vector<1x16xf32>,
      %get3A_1897 = arith.constant 6 : i32
      %get3A_1898 = arith.index_cast %get3A_1897 : i32 to index
      %get3A_1899 = arith.constant 112 : index
      %get3A_1900 = tpu.vector_load %arg6[%get3A_1898, %get3A_1899] {strides = array<i32>} : memref<16x128xf32, #tpu.memory_space<vmem>>, vector<1x16xf32>,
      %get3A_1901 = vector.shape_cast %get3A_1900 : vector<1x16xf32> to vector<16xf32>
      %get3A_1902 = arith.constant 14 : i32
      %get3A_1903 = arith.index_cast %get3A_1902 : i32 to index
      %get3A_1904 = arith.constant 112 : index
      %get3A_1905 = tpu.vector_load %arg6[%get3A_1903, %get3A_1904] {strides = array<i32>} : memref<16x128xf32, #tpu.memory_space<vmem>>, vector<1x16xf32>,
      %get3A_1906 = vector.shape_cast %get3A_1905 : vector<1x16xf32> to vector<16xf32>
      %max3A_1907 = arith.maximumf %get3A_1901, %get3A_1906 : vector<16xf32>
      %get3A_1908 = arith.constant 6 : i32
      %get3A_1909 = arith.index_cast %get3A_1908 : i32 to index
      %get3A_1910 = arith.constant 112 : index
      %get3A_1911 = tpu.vector_load %arg7[%get3A_1909, %get3A_1910] {strides = array<i32>} : memref<8x128xf32, #tpu.memory_space<vmem>>, vector<1x16xf32>,
      %get3A_1912 = vector.shape_cast %get3A_1911 : vector<1x16xf32> to vector<16xf32>
      %max3A_1913 = arith.maximumf %get3A_1912, %max3A_1907 : vector<16xf32>
      %swap3A_1914 = arith.constant 6 : i32
      %swap3A_1915 = arith.index_cast %swap3A_1914 : i32 to index
      %swap3A_1916 = arith.constant 112 : index
      %swap3A_1917 = tpu.vector_load %arg7[%swap3A_1915, %swap3A_1916] {strides = array<i32>} : memref<8x128xf32, #tpu.memory_space<vmem>>, vector<1x16xf32>,
      %swap3A_1918 = vector.shape_cast %swap3A_1917 : vector<1x16xf32> to vector<16xf32>
      %swap3A_1919 = vector.shape_cast %max3A_1913 : vector<16xf32> to vector<1x16xf32>
      tpu.vector_store %arg7[%swap3A_1915, %swap3A_1916], %swap3A_1919 {strides = array<i32>} : memref<8x128xf32, #tpu.memory_space<vmem>>, vector<1x16xf32>,
      %get3A_1920 = arith.constant 7 : i32
      %get3A_1921 = arith.index_cast %get3A_1920 : i32 to index
      %get3A_1922 = arith.constant 0 : index
      %get3A_1923 = tpu.vector_load %arg6[%get3A_1921, %get3A_1922] {strides = array<i32>} : memref<16x128xf32, #tpu.memory_space<vmem>>, vector<1x16xf32>,
      %get3A_1924 = vector.shape_cast %get3A_1923 : vector<1x16xf32> to vector<16xf32>
      %get3A_1925 = arith.constant 15 : i32
      %get3A_1926 = arith.index_cast %get3A_1925 : i32 to index
      %get3A_1927 = arith.constant 0 : index
      %get3A_1928 = tpu.vector_load %arg6[%get3A_1926, %get3A_1927] {strides = array<i32>} : memref<16x128xf32, #tpu.memory_space<vmem>>, vector<1x16xf32>,
      %get3A_1929 = vector.shape_cast %get3A_1928 : vector<1x16xf32> to vector<16xf32>
      %max3A_1930 = arith.maximumf %get3A_1924, %get3A_1929 : vector<16xf32>
      %get3A_1931 = arith.constant 7 : i32
      %get3A_1932 = arith.index_cast %get3A_1931 : i32 to index
      %get3A_1933 = arith.constant 0 : index
      %get3A_1934 = tpu.vector_load %arg7[%get3A_1932, %get3A_1933] {strides = array<i32>} : memref<8x128xf32, #tpu.memory_space<vmem>>, vector<1x16xf32>,
      %get3A_1935 = vector.shape_cast %get3A_1934 : vector<1x16xf32> to vector<16xf32>
      %max3A_1936 = arith.maximumf %get3A_1935, %max3A_1930 : vector<16xf32>
      %swap3A_1937 = arith.constant 7 : i32
      %swap3A_1938 = arith.index_cast %swap3A_1937 : i32 to index
      %swap3A_1939 = arith.constant 0 : index
      %swap3A_1940 = tpu.vector_load %arg7[%swap3A_1938, %swap3A_1939] {strides = array<i32>} : memref<8x128xf32, #tpu.memory_space<vmem>>, vector<1x16xf32>,
      %swap3A_1941 = vector.shape_cast %swap3A_1940 : vector<1x16xf32> to vector<16xf32>
      %swap3A_1942 = vector.shape_cast %max3A_1936 : vector<16xf32> to vector<1x16xf32>
      tpu.vector_store %arg7[%swap3A_1938, %swap3A_1939], %swap3A_1942 {strides = array<i32>} : memref<8x128xf32, #tpu.memory_space<vmem>>, vector<1x16xf32>,
      %get3A_1943 = arith.constant 7 : i32
      %get3A_1944 = arith.index_cast %get3A_1943 : i32 to index
      %get3A_1945 = arith.constant 16 : index
      %get3A_1946 = tpu.vector_load %arg6[%get3A_1944, %get3A_1945] {strides = array<i32>} : memref<16x128xf32, #tpu.memory_space<vmem>>, vector<1x16xf32>,
      %get3A_1947 = vector.shape_cast %get3A_1946 : vector<1x16xf32> to vector<16xf32>
      %get3A_1948 = arith.constant 15 : i32
      %get3A_1949 = arith.index_cast %get3A_1948 : i32 to index
      %get3A_1950 = arith.constant 16 : index
      %get3A_1951 = tpu.vector_load %arg6[%get3A_1949, %get3A_1950] {strides = array<i32>} : memref<16x128xf32, #tpu.memory_space<vmem>>, vector<1x16xf32>,
      %get3A_1952 = vector.shape_cast %get3A_1951 : vector<1x16xf32> to vector<16xf32>
      %max3A_1953 = arith.maximumf %get3A_1947, %get3A_1952 : vector<16xf32>
      %get3A_1954 = arith.constant 7 : i32
      %get3A_1955 = arith.index_cast %get3A_1954 : i32 to index
      %get3A_1956 = arith.constant 16 : index
      %get3A_1957 = tpu.vector_load %arg7[%get3A_1955, %get3A_1956] {strides = array<i32>} : memref<8x128xf32, #tpu.memory_space<vmem>>, vector<1x16xf32>,
      %get3A_1958 = vector.shape_cast %get3A_1957 : vector<1x16xf32> to vector<16xf32>
      %max3A_1959 = arith.maximumf %get3A_1958, %max3A_1953 : vector<16xf32>
      %swap3A_1960 = arith.constant 7 : i32
      %swap3A_1961 = arith.index_cast %swap3A_1960 : i32 to index
      %swap3A_1962 = arith.constant 16 : index
      %swap3A_1963 = tpu.vector_load %arg7[%swap3A_1961, %swap3A_1962] {strides = array<i32>} : memref<8x128xf32, #tpu.memory_space<vmem>>, vector<1x16xf32>,
      %swap3A_1964 = vector.shape_cast %swap3A_1963 : vector<1x16xf32> to vector<16xf32>
      %swap3A_1965 = vector.shape_cast %max3A_1959 : vector<16xf32> to vector<1x16xf32>
      tpu.vector_store %arg7[%swap3A_1961, %swap3A_1962], %swap3A_1965 {strides = array<i32>} : memref<8x128xf32, #tpu.memory_space<vmem>>, vector<1x16xf32>,
      %get3A_1966 = arith.constant 7 : i32
      %get3A_1967 = arith.index_cast %get3A_1966 : i32 to index
      %get3A_1968 = arith.constant 32 : index
      %get3A_1969 = tpu.vector_load %arg6[%get3A_1967, %get3A_1968] {strides = array<i32>} : memref<16x128xf32, #tpu.memory_space<vmem>>, vector<1x16xf32>,
      %get3A_1970 = vector.shape_cast %get3A_1969 : vector<1x16xf32> to vector<16xf32>
      %get3A_1971 = arith.constant 15 : i32
      %get3A_1972 = arith.index_cast %get3A_1971 : i32 to index
      %get3A_1973 = arith.constant 32 : index
      %get3A_1974 = tpu.vector_load %arg6[%get3A_1972, %get3A_1973] {strides = array<i32>} : memref<16x128xf32, #tpu.memory_space<vmem>>, vector<1x16xf32>,
      %get3A_1975 = vector.shape_cast %get3A_1974 : vector<1x16xf32> to vector<16xf32>
      %max3A_1976 = arith.maximumf %get3A_1970, %get3A_1975 : vector<16xf32>
      %get3A_1977 = arith.constant 7 : i32
      %get3A_1978 = arith.index_cast %get3A_1977 : i32 to index
      %get3A_1979 = arith.constant 32 : index
      %get3A_1980 = tpu.vector_load %arg7[%get3A_1978, %get3A_1979] {strides = array<i32>} : memref<8x128xf32, #tpu.memory_space<vmem>>, vector<1x16xf32>,
      %get3A_1981 = vector.shape_cast %get3A_1980 : vector<1x16xf32> to vector<16xf32>
      %max3A_1982 = arith.maximumf %get3A_1981, %max3A_1976 : vector<16xf32>
      %swap3A_1983 = arith.constant 7 : i32
      %swap3A_1984 = arith.index_cast %swap3A_1983 : i32 to index
      %swap3A_1985 = arith.constant 32 : index
      %swap3A_1986 = tpu.vector_load %arg7[%swap3A_1984, %swap3A_1985] {strides = array<i32>} : memref<8x128xf32, #tpu.memory_space<vmem>>, vector<1x16xf32>,
      %swap3A_1987 = vector.shape_cast %swap3A_1986 : vector<1x16xf32> to vector<16xf32>
      %swap3A_1988 = vector.shape_cast %max3A_1982 : vector<16xf32> to vector<1x16xf32>
      tpu.vector_store %arg7[%swap3A_1984, %swap3A_1985], %swap3A_1988 {strides = array<i32>} : memref<8x128xf32, #tpu.memory_space<vmem>>, vector<1x16xf32>,
      %get3A_1989 = arith.constant 7 : i32
      %get3A_1990 = arith.index_cast %get3A_1989 : i32 to index
      %get3A_1991 = arith.constant 48 : index
      %get3A_1992 = tpu.vector_load %arg6[%get3A_1990, %get3A_1991] {strides = array<i32>} : memref<16x128xf32, #tpu.memory_space<vmem>>, vector<1x16xf32>,
      %get3A_1993 = vector.shape_cast %get3A_1992 : vector<1x16xf32> to vector<16xf32>
      %get3A_1994 = arith.constant 15 : i32
      %get3A_1995 = arith.index_cast %get3A_1994 : i32 to index
      %get3A_1996 = arith.constant 48 : index
      %get3A_1997 = tpu.vector_load %arg6[%get3A_1995, %get3A_1996] {strides = array<i32>} : memref<16x128xf32, #tpu.memory_space<vmem>>, vector<1x16xf32>,
      %get3A_1998 = vector.shape_cast %get3A_1997 : vector<1x16xf32> to vector<16xf32>
      %max3A_1999 = arith.maximumf %get3A_1993, %get3A_1998 : vector<16xf32>
      %get3A_2000 = arith.constant 7 : i32
      %get3A_2001 = arith.index_cast %get3A_2000 : i32 to index
      %get3A_2002 = arith.constant 48 : index
      %get3A_2003 = tpu.vector_load %arg7[%get3A_2001, %get3A_2002] {strides = array<i32>} : memref<8x128xf32, #tpu.memory_space<vmem>>, vector<1x16xf32>,
      %get3A_2004 = vector.shape_cast %get3A_2003 : vector<1x16xf32> to vector<16xf32>
      %max3A_2005 = arith.maximumf %get3A_2004, %max3A_1999 : vector<16xf32>
      %swap3A_2006 = arith.constant 7 : i32
      %swap3A_2007 = arith.index_cast %swap3A_2006 : i32 to index
      %swap3A_2008 = arith.constant 48 : index
      %swap3A_2009 = tpu.vector_load %arg7[%swap3A_2007, %swap3A_2008] {strides = array<i32>} : memref<8x128xf32, #tpu.memory_space<vmem>>, vector<1x16xf32>,
      %swap3A_2010 = vector.shape_cast %swap3A_2009 : vector<1x16xf32> to vector<16xf32>
      %swap3A_2011 = vector.shape_cast %max3A_2005 : vector<16xf32> to vector<1x16xf32>
      tpu.vector_store %arg7[%swap3A_2007, %swap3A_2008], %swap3A_2011 {strides = array<i32>} : memref<8x128xf32, #tpu.memory_space<vmem>>, vector<1x16xf32>,
      %get3A_2012 = arith.constant 7 : i32
      %get3A_2013 = arith.index_cast %get3A_2012 : i32 to index
      %get3A_2014 = arith.constant 64 : index
      %get3A_2015 = tpu.vector_load %arg6[%get3A_2013, %get3A_2014] {strides = array<i32>} : memref<16x128xf32, #tpu.memory_space<vmem>>, vector<1x16xf32>,
      %get3A_2016 = vector.shape_cast %get3A_2015 : vector<1x16xf32> to vector<16xf32>
      %get3A_2017 = arith.constant 15 : i32
      %get3A_2018 = arith.index_cast %get3A_2017 : i32 to index
      %get3A_2019 = arith.constant 64 : index
      %get3A_2020 = tpu.vector_load %arg6[%get3A_2018, %get3A_2019] {strides = array<i32>} : memref<16x128xf32, #tpu.memory_space<vmem>>, vector<1x16xf32>,
      %get3A_2021 = vector.shape_cast %get3A_2020 : vector<1x16xf32> to vector<16xf32>
      %max3A_2022 = arith.maximumf %get3A_2016, %get3A_2021 : vector<16xf32>
      %get3A_2023 = arith.constant 7 : i32
      %get3A_2024 = arith.index_cast %get3A_2023 : i32 to index
      %get3A_2025 = arith.constant 64 : index
      %get3A_2026 = tpu.vector_load %arg7[%get3A_2024, %get3A_2025] {strides = array<i32>} : memref<8x128xf32, #tpu.memory_space<vmem>>, vector<1x16xf32>,
      %get3A_2027 = vector.shape_cast %get3A_2026 : vector<1x16xf32> to vector<16xf32>
      %max3A_2028 = arith.maximumf %get3A_2027, %max3A_2022 : vector<16xf32>
      %swap3A_2029 = arith.constant 7 : i32
      %swap3A_2030 = arith.index_cast %swap3A_2029 : i32 to index
      %swap3A_2031 = arith.constant 64 : index
      %swap3A_2032 = tpu.vector_load %arg7[%swap3A_2030, %swap3A_2031] {strides = array<i32>} : memref<8x128xf32, #tpu.memory_space<vmem>>, vector<1x16xf32>,
      %swap3A_2033 = vector.shape_cast %swap3A_2032 : vector<1x16xf32> to vector<16xf32>
      %swap3A_2034 = vector.shape_cast %max3A_2028 : vector<16xf32> to vector<1x16xf32>
      tpu.vector_store %arg7[%swap3A_2030, %swap3A_2031], %swap3A_2034 {strides = array<i32>} : memref<8x128xf32, #tpu.memory_space<vmem>>, vector<1x16xf32>,
      %get3A_2035 = arith.constant 7 : i32
      %get3A_2036 = arith.index_cast %get3A_2035 : i32 to index
      %get3A_2037 = arith.constant 80 : index
      %get3A_2038 = tpu.vector_load %arg6[%get3A_2036, %get3A_2037] {strides = array<i32>} : memref<16x128xf32, #tpu.memory_space<vmem>>, vector<1x16xf32>,
      %get3A_2039 = vector.shape_cast %get3A_2038 : vector<1x16xf32> to vector<16xf32>
      %get3A_2040 = arith.constant 15 : i32
      %get3A_2041 = arith.index_cast %get3A_2040 : i32 to index
      %get3A_2042 = arith.constant 80 : index
      %get3A_2043 = tpu.vector_load %arg6[%get3A_2041, %get3A_2042] {strides = array<i32>} : memref<16x128xf32, #tpu.memory_space<vmem>>, vector<1x16xf32>,
      %get3A_2044 = vector.shape_cast %get3A_2043 : vector<1x16xf32> to vector<16xf32>
      %max3A_2045 = arith.maximumf %get3A_2039, %get3A_2044 : vector<16xf32>
      %get3A_2046 = arith.constant 7 : i32
      %get3A_2047 = arith.index_cast %get3A_2046 : i32 to index
      %get3A_2048 = arith.constant 80 : index
      %get3A_2049 = tpu.vector_load %arg7[%get3A_2047, %get3A_2048] {strides = array<i32>} : memref<8x128xf32, #tpu.memory_space<vmem>>, vector<1x16xf32>,
      %get3A_2050 = vector.shape_cast %get3A_2049 : vector<1x16xf32> to vector<16xf32>
      %max3A_2051 = arith.maximumf %get3A_2050, %max3A_2045 : vector<16xf32>
      %swap3A_2052 = arith.constant 7 : i32
      %swap3A_2053 = arith.index_cast %swap3A_2052 : i32 to index
      %swap3A_2054 = arith.constant 80 : index
      %swap3A_2055 = tpu.vector_load %arg7[%swap3A_2053, %swap3A_2054] {strides = array<i32>} : memref<8x128xf32, #tpu.memory_space<vmem>>, vector<1x16xf32>,
      %swap3A_2056 = vector.shape_cast %swap3A_2055 : vector<1x16xf32> to vector<16xf32>
      %swap3A_2057 = vector.shape_cast %max3A_2051 : vector<16xf32> to vector<1x16xf32>
      tpu.vector_store %arg7[%swap3A_2053, %swap3A_2054], %swap3A_2057 {strides = array<i32>} : memref<8x128xf32, #tpu.memory_space<vmem>>, vector<1x16xf32>,
      %get3A_2058 = arith.constant 7 : i32
      %get3A_2059 = arith.index_cast %get3A_2058 : i32 to index
      %get3A_2060 = arith.constant 96 : index
      %get3A_2061 = tpu.vector_load %arg6[%get3A_2059, %get3A_2060] {strides = array<i32>} : memref<16x128xf32, #tpu.memory_space<vmem>>, vector<1x16xf32>,
      %get3A_2062 = vector.shape_cast %get3A_2061 : vector<1x16xf32> to vector<16xf32>
      %get3A_2063 = arith.constant 15 : i32
      %get3A_2064 = arith.index_cast %get3A_2063 : i32 to index
      %get3A_2065 = arith.constant 96 : index
      %get3A_2066 = tpu.vector_load %arg6[%get3A_2064, %get3A_2065] {strides = array<i32>} : memref<16x128xf32, #tpu.memory_space<vmem>>, vector<1x16xf32>,
      %get3A_2067 = vector.shape_cast %get3A_2066 : vector<1x16xf32> to vector<16xf32>
      %max3A_2068 = arith.maximumf %get3A_2062, %get3A_2067 : vector<16xf32>
      %get3A_2069 = arith.constant 7 : i32
      %get3A_2070 = arith.index_cast %get3A_2069 : i32 to index
      %get3A_2071 = arith.constant 96 : index
      %get3A_2072 = tpu.vector_load %arg7[%get3A_2070, %get3A_2071] {strides = array<i32>} : memref<8x128xf32, #tpu.memory_space<vmem>>, vector<1x16xf32>,
      %get3A_2073 = vector.shape_cast %get3A_2072 : vector<1x16xf32> to vector<16xf32>
      %max3A_2074 = arith.maximumf %get3A_2073, %max3A_2068 : vector<16xf32>
      %swap3A_2075 = arith.constant 7 : i32
      %swap3A_2076 = arith.index_cast %swap3A_2075 : i32 to index
      %swap3A_2077 = arith.constant 96 : index
      %swap3A_2078 = tpu.vector_load %arg7[%swap3A_2076, %swap3A_2077] {strides = array<i32>} : memref<8x128xf32, #tpu.memory_space<vmem>>, vector<1x16xf32>,
      %swap3A_2079 = vector.shape_cast %swap3A_2078 : vector<1x16xf32> to vector<16xf32>
      %swap3A_2080 = vector.shape_cast %max3A_2074 : vector<16xf32> to vector<1x16xf32>
      tpu.vector_store %arg7[%swap3A_2076, %swap3A_2077], %swap3A_2080 {strides = array<i32>} : memref<8x128xf32, #tpu.memory_space<vmem>>, vector<1x16xf32>,
      %get3A_2081 = arith.constant 7 : i32
      %get3A_2082 = arith.index_cast %get3A_2081 : i32 to index
      %get3A_2083 = arith.constant 112 : index
      %get3A_2084 = tpu.vector_load %arg6[%get3A_2082, %get3A_2083] {strides = array<i32>} : memref<16x128xf32, #tpu.memory_space<vmem>>, vector<1x16xf32>,
      %get3A_2085 = vector.shape_cast %get3A_2084 : vector<1x16xf32> to vector<16xf32>
      %get3A_2086 = arith.constant 15 : i32
      %get3A_2087 = arith.index_cast %get3A_2086 : i32 to index
      %get3A_2088 = arith.constant 112 : index
      %get3A_2089 = tpu.vector_load %arg6[%get3A_2087, %get3A_2088] {strides = array<i32>} : memref<16x128xf32, #tpu.memory_space<vmem>>, vector<1x16xf32>,
      %get3A_2090 = vector.shape_cast %get3A_2089 : vector<1x16xf32> to vector<16xf32>
      %max3A_2091 = arith.maximumf %get3A_2085, %get3A_2090 : vector<16xf32>
      %get3A_2092 = arith.constant 7 : i32
      %get3A_2093 = arith.index_cast %get3A_2092 : i32 to index
      %get3A_2094 = arith.constant 112 : index
      %get3A_2095 = tpu.vector_load %arg7[%get3A_2093, %get3A_2094] {strides = array<i32>} : memref<8x128xf32, #tpu.memory_space<vmem>>, vector<1x16xf32>,
      %get3A_2096 = vector.shape_cast %get3A_2095 : vector<1x16xf32> to vector<16xf32>
      %max3A_2097 = arith.maximumf %get3A_2096, %max3A_2091 : vector<16xf32>
      %swap3A_2098 = arith.constant 7 : i32
      %swap3A_2099 = arith.index_cast %swap3A_2098 : i32 to index
      %swap3A_2100 = arith.constant 112 : index
      %swap3A_2101 = tpu.vector_load %arg7[%swap3A_2099, %swap3A_2100] {strides = array<i32>} : memref<8x128xf32, #tpu.memory_space<vmem>>, vector<1x16xf32>,
      %swap3A_2102 = vector.shape_cast %swap3A_2101 : vector<1x16xf32> to vector<16xf32>
      %swap3A_2103 = vector.shape_cast %max3A_2097 : vector<16xf32> to vector<1x16xf32>
      tpu.vector_store %arg7[%swap3A_2099, %swap3A_2100], %swap3A_2103 {strides = array<i32>} : memref<8x128xf32, #tpu.memory_space<vmem>>, vector<1x16xf32>,
    }
    %not3A = arith.constant true
    %not3A_606 = arith.xori %and3A_45, %not3A : i1
    %convert_element_type3A = arith.extui %not3A_606 : i1 to i32
    %cond3A = arith.constant 0 : i32
    %cond3A_607 = arith.cmpi ne, %convert_element_type3A, %cond3A : i32
    scf.if %cond3A_607 {
      "tpu.region"() ({
        %run_scoped3A = tpu.sem_alloc : memref<!tpu.dma_semaphore, #tpu.memory_space<semaphore_mem>>
        %dma_start3A = arith.constant 0 : i32
        %dma_start3A_608 = arith.constant 0 : i32
        %dma_start3A_609 = tpu.memref_slice %arg4[%select_n3A_32, %dma_start3A, %dma_start3A_608] : memref<2x8x128xf32, #tpu.memory_space<hbm>> -> memref<1x8x128xf32, #tpu.memory_space<hbm>>
        %dma_start3A_610 = tpu.memref_squeeze %dma_start3A_609 : memref<1x8x128xf32, #tpu.memory_space<hbm>> -> memref<8x128xf32, #tpu.memory_space<hbm>>
        %dma_start3A_611 = arith.constant 0 : i32
        %dma_start3A_612 = arith.constant 0 : i32
        %dma_start3A_613 = tpu.memref_slice %arg4[%select_n3A_32, %dma_start3A_611, %dma_start3A_612] : memref<2x8x128xf32, #tpu.memory_space<hbm>> -> memref<1x8x128xf32, #tpu.memory_space<hbm>>
        %dma_start3A_614 = tpu.memref_squeeze %dma_start3A_613 : memref<1x8x128xf32, #tpu.memory_space<hbm>> -> memref<8x128xf32, #tpu.memory_space<hbm>>
        tpu.enqueue_dma source(%dma_start3A_614 : memref<8x128xf32, #tpu.memory_space<hbm>>) target(%arg7 : memref<8x128xf32, #tpu.memory_space<vmem>>) target_semaphore(%run_scoped3A : memref<!tpu.dma_semaphore, #tpu.memory_space<semaphore_mem>>)
        %dma_wait3A = arith.constant 0 : i32
        %dma_wait3A_615 = arith.constant 0 : i32
        %dma_wait3A_616 = tpu.memref_slice %arg4[%select_n3A_32, %dma_wait3A, %dma_wait3A_615] : memref<2x8x128xf32, #tpu.memory_space<hbm>> -> memref<1x8x128xf32, #tpu.memory_space<hbm>>
        %dma_wait3A_617 = tpu.memref_squeeze %dma_wait3A_616 : memref<1x8x128xf32, #tpu.memory_space<hbm>> -> memref<8x128xf32, #tpu.memory_space<hbm>>
        %dma_wait3A_618 = arith.constant 0 : i32
        %dma_wait3A_619 = arith.constant 0 : i32
        %dma_wait3A_620 = tpu.memref_slice %arg4[%select_n3A_32, %dma_wait3A_618, %dma_wait3A_619] : memref<2x8x128xf32, #tpu.memory_space<hbm>> -> memref<1x8x128xf32, #tpu.memory_space<hbm>>
        %dma_wait3A_621 = tpu.memref_squeeze %dma_wait3A_620 : memref<1x8x128xf32, #tpu.memory_space<hbm>> -> memref<8x128xf32, #tpu.memory_space<hbm>>
        tpu.wait_dma2 semaphore(%run_scoped3A : memref<!tpu.dma_semaphore, #tpu.memory_space<semaphore_mem>>) src(%dma_wait3A_621 : memref<8x128xf32, #tpu.memory_space<hbm>>) dst(%arg7 : memref<8x128xf32, #tpu.memory_space<vmem>>)
        tpu.yield
      }) : () -> ()
    } else {
    }
    "tpu.region"() ({
      %run_scoped3A = tpu.sem_alloc : memref<!tpu.dma_semaphore, #tpu.memory_space<semaphore_mem>>
      %dma_start3A = arith.constant 0 : i32
      %dma_start3A_608 = arith.constant 0 : i32
      %dma_start3A_609 = tpu.memref_slice %arg5[%add3A_2, %dma_start3A, %dma_start3A_608] : memref<32x8x128xf32, #tpu.memory_space<hbm>> -> memref<1x8x128xf32, #tpu.memory_space<hbm>>
      %dma_start3A_610 = tpu.memref_squeeze %dma_start3A_609 : memref<1x8x128xf32, #tpu.memory_space<hbm>> -> memref<8x128xf32, #tpu.memory_space<hbm>>
      %dma_start3A_611 = arith.constant 0 : i32
      %dma_start3A_612 = arith.constant 0 : i32
      %dma_start3A_613 = tpu.memref_slice %arg5[%add3A_2, %dma_start3A_611, %dma_start3A_612] : memref<32x8x128xf32, #tpu.memory_space<hbm>> -> memref<1x8x128xf32, #tpu.memory_space<hbm>>
      %dma_start3A_614 = tpu.memref_squeeze %dma_start3A_613 : memref<1x8x128xf32, #tpu.memory_space<hbm>> -> memref<8x128xf32, #tpu.memory_space<hbm>>
      tpu.enqueue_dma source(%arg7 : memref<8x128xf32, #tpu.memory_space<vmem>>) target(%dma_start3A_614 : memref<8x128xf32, #tpu.memory_space<hbm>>) target_semaphore(%run_scoped3A : memref<!tpu.dma_semaphore, #tpu.memory_space<semaphore_mem>>)
      %dma_wait3A = arith.constant 0 : i32
      %dma_wait3A_615 = arith.constant 0 : i32
      %dma_wait3A_616 = tpu.memref_slice %arg5[%add3A_2, %dma_wait3A, %dma_wait3A_615] : memref<32x8x128xf32, #tpu.memory_space<hbm>> -> memref<1x8x128xf32, #tpu.memory_space<hbm>>
      %dma_wait3A_617 = tpu.memref_squeeze %dma_wait3A_616 : memref<1x8x128xf32, #tpu.memory_space<hbm>> -> memref<8x128xf32, #tpu.memory_space<hbm>>
      %dma_wait3A_618 = arith.constant 0 : i32
      %dma_wait3A_619 = arith.constant 0 : i32
      %dma_wait3A_620 = tpu.memref_slice %arg5[%add3A_2, %dma_wait3A_618, %dma_wait3A_619] : memref<32x8x128xf32, #tpu.memory_space<hbm>> -> memref<1x8x128xf32, #tpu.memory_space<hbm>>
      %dma_wait3A_621 = tpu.memref_squeeze %dma_wait3A_620 : memref<1x8x128xf32, #tpu.memory_space<hbm>> -> memref<8x128xf32, #tpu.memory_space<hbm>>
      tpu.wait_dma2 semaphore(%run_scoped3A : memref<!tpu.dma_semaphore, #tpu.memory_space<semaphore_mem>>) src(%arg7 : memref<8x128xf32, #tpu.memory_space<vmem>>) dst(%dma_wait3A_621 : memref<8x128xf32, #tpu.memory_space<hbm>>)
      tpu.yield
    }) : () -> ()
    return
  }
}

</mosaic_0001>

<sc_bundles>
// kernel: kernel.3.cloned.1.call-start
scs
__scs_entry_jumppad:
0x0: {  	(pc) =	sbr.rel $0x88, $3  }
0x1: {  	(tag) =	ssettag $0x0;
	lr =	simm.s32 $0x1  }
0x2: {  	[smem:$0x3F9D] =	sst lr;
	_ =	strace $0xD0000000  }
0x3: {  	_ = 	snop  }
0x4: {  	_ = 	snop  }
0x5: {  	_ = 	snop  }
0x6: {  	_ = 	snop  }
0x7: {  	_ = 	snop  }
__scs_overlays_trampoline_lowered:
0x8: {  	[smem:$0x3FAC] =	sst s0  }
0x9: {  	[smem:$0x3FAD] =	sst s1  }
0xa: {  	[smem:$0x3FAE] =	sst s2  }
0xb: {  	[smem:$0x3FAF] =	sst s3  }
0xc: {  	[smem:$0x3FB0] =	sst s4  }
0xd: {  	[smem:$0x3FB1] =	sst s5  }
0xe: {  	[smem:$0x3FB2] =	sst s6  }
0xf: {  	[smem:$0x3FB3] =	sst s7  }
0x10: {  	[smem:$0x3FB4] =	sst s8  }
0x11: {  	[smem:$0x3FB5] =	sst s9;
	s0 =	simm.s32 @!p0 $0x0  }
0x12: {  	s1 =	sld [smem:$0x3F9B];
	s0 =	simm.s32 @p0 $0x1  }
0x13: {  	[smem:$0x3FB6] =	sst s0;
	s0 =	simm.s32 @!p1 $0x0  }
0x14: {  	s2 =	sld [smem:$0x3F9A];
	s0 =	simm.s32 @p1 $0x1  }
0x15: {  	[smem:$0x3FB7] =	sst s0;
	s0 =	simm.s32 @!p2 $0x0  }
0x16: {  	s3 =	sld [smem:$0x3FDB];
	s0 =	simm.s32 @p2 $0x1  }
0x17: {  	s4 =	simm.s32 $0x1BF5;
	[smem:$0x3FB9] =	sst s0  }
0x18: {  	s0 =	sld [smem:$0x3F9C];
	_ =	swait.ge [sflag:s4], $0x0  }
0x19: {  	s7 =	sld [smem:$0x3F9D]  }
0x1a: {  	s8 =	sadd.s32 $0xFFFFE003, lr  }
0x1b: {  	s9 =	sadd.s32 $0xFFFFFEF7, lr;
	s5 =	simm.s32 $0xFFFFFFFF;
	p2 =	slt.u32 s8, $0xFFFFF086  }
0x1c: {  	p1 =	slt.u32 s9, $0xF7A;
	s5 =	simm.s32 @!p2 $0x0  }
0x1d: {  	s5 =	simm.s32 @p1 $0x1;
	p0 =	seq.s32 s7, s2  }
0x1e: {  	s7 =	smul.u32 @!p0 $0xF7A, s2;
	p2 =	seq.s32 @!p0 s5, $0x0  }
0x1f: {  	s9 =	smul.u32 $0xF7A, s1;
	s8 =	simm.s32 @!p0 $0x1BF5;
	p2 =	por !p2, p0  }
0x20: {  	[sflag:s8] =	ssyncset.s32 @!p0 $0xFFFFF086;
	s6 =	sadd.s32 @!p0 s3, s7;
	s7 =	simm.s32 @!p0 $0x108  }
0x21: {  	s3 =	sadd.s32 s3, s9;
	s6 =	sadd.s32 @!p0 $0x88, s6;
	s7 =	simm.s32 @p2 $0x1082  }
0x22: {  	[simem:s7], [sflag:s8] =	dma.local @!p0 [hbm:s6], $0xF7A  }
0x23: {  	s9 =	sor.u32 $0xD0000000, s2;
	s6 =	simm.s32 $0x108;
	_ =	swait.ge @!p0 [sflag:s8], $0x0  }
0x24: {  	s3 =	sadd.s32 $0x88, s3;
	s6 =	simm.s32 @!p1 $0x1082;
	[sflag:s4] =	ssyncset.s32 $0xFFFFF086  }
0x25: {  	[simem:s6], [sflag:s4] =	dma.local [hbm:s3], $0xF7A  }
0x26: {  	[smem:$0x3F9D] =	sst s1;
	(tag) =	ssettag s2;
	_ =	strace s9  }
0x27: {  	s1 =	sld [smem:$0x3FAD]  }
0x28: {  	s2 =	sld [smem:$0x3FAE]  }
0x29: {  	s4 =	sld [smem:$0x3FB0]  }
0x2a: {  	p0 =	seq.s32 s5, $0x0;
	s5 =	sld [smem:$0x3FB1]  }
0x2b: {  	s6 =	sld [smem:$0x3FB2]  }
0x2c: {  	s7 =	sld [smem:$0x3FB3]  }
0x2d: {  	s3 =	simm.s32 $0x108;
	s8 =	sld [smem:$0x3FB4]  }
0x2e: {  	s3 =	simm.s32 @!p0 $0x1082;
	s9 =	sld [smem:$0x3FB5]  }
0x2f: {  	lr =	sadd.s32 s0, s3;
	s0 =	sld [smem:$0x3FAC]  }
0x30: {  	s3 =	sld [smem:$0x3FAF]  }
0x31: {  	[smem:$0x3FB8] =	sst s10  }
0x32: {  	s10 =	sld [smem:$0x3FB6];
	_ =	sdelay $0x3  }
0x33: {  	p0 =	seq.s32 s10, $0x1;
	s10 =	sld [smem:$0x3FB8];
	_ =	sdelay $0x3  }
0x34: {  	[smem:$0x3FB8] =	sst s10  }
0x35: {  	s10 =	sld [smem:$0x3FB7];
	_ =	sdelay $0x3  }
0x36: {  	p1 =	seq.s32 s10, $0x1;
	s10 =	sld [smem:$0x3FB8];
	_ =	sdelay $0x3  }
0x37: {  	[smem:$0x3FB8] =	sst s10  }
0x38: {  	s10 =	sld [smem:$0x3FB9]  }
0x39: {  	_ = 	snop;
	(pc) =	sbr.ind lr, $3  }
0x3a: {  	_ = 	snop  }
0x3b: {  	_ = 	snop  }
0x3c: {  	p2 =	seq.s32 s10, $0x1;
	s10 =	sld [smem:$0x3FB8]  }
0x3d: {  	_ =	shalt  }
0x3e: {  	_ =	shalt  }
0x3f: {  	_ =	shalt  }
0x40: {  	_ =	shalt  }
0x41: {  	_ =	shalt  }
0x42: {  	_ =	shalt  }
0x43: {  	_ =	shalt  }
0x44: {  	_ =	shalt  }
0x45: {  	_ =	shalt  }
0x46: {  	_ =	shalt  }
0x47: {  	_ =	shalt  }
0x48: {  	_ =	shalt  }
0x49: {  	_ =	shalt  }
0x4a: {  	_ =	shalt  }
0x4b: {  	_ =	shalt  }
0x4c: {  	_ =	shalt  }
0x4d: {  	_ =	shalt  }
0x4e: {  	_ =	shalt  }
0x4f: {  	_ =	shalt  }
0x50: {  	_ =	shalt  }
0x51: {  	_ =	shalt  }
0x52: {  	_ =	shalt  }
0x53: {  	_ =	shalt  }
0x54: {  	_ =	shalt  }
0x55: {  	_ =	shalt  }
0x56: {  	_ =	shalt  }
0x57: {  	_ =	shalt  }
0x58: {  	_ =	shalt  }
0x59: {  	_ =	shalt  }
0x5a: {  	_ =	shalt  }
0x5b: {  	_ =	shalt  }
0x5c: {  	_ =	shalt  }
0x5d: {  	_ =	shalt  }
0x5e: {  	_ =	shalt  }
0x5f: {  	_ =	shalt  }
0x60: {  	_ =	shalt  }
0x61: {  	_ =	shalt  }
0x62: {  	_ =	shalt  }
0x63: {  	_ =	shalt  }
0x64: {  	_ =	shalt  }
0x65: {  	_ =	shalt  }
0x66: {  	_ =	shalt  }
0x67: {  	_ =	shalt  }
0x68: {  	_ =	shalt  }
0x69: {  	_ =	shalt  }
0x6a: {  	_ =	shalt  }
0x6b: {  	_ =	shalt  }
0x6c: {  	_ =	shalt  }
0x6d: {  	_ =	shalt  }
0x6e: {  	_ =	shalt  }
0x6f: {  	_ =	shalt  }
0x70: {  	_ =	shalt  }
0x71: {  	_ =	shalt  }
0x72: {  	_ =	shalt  }
0x73: {  	_ =	shalt  }
0x74: {  	_ =	shalt  }
0x75: {  	_ =	shalt  }
0x76: {  	_ =	shalt  }
0x77: {  	_ =	shalt  }
0x78: {  	_ =	shalt  }
0x79: {  	_ =	shalt  }
0x7a: {  	_ =	shalt  }
0x7b: {  	_ =	shalt  }
0x7c: {  	_ =	shalt  }
0x7d: {  	_ =	shalt  }
0x7e: {  	_ =	shalt  }
0x7f: {  	_ =	shalt  }
0x80: {  	_ =	shalt  }
0x81: {  	_ =	shalt  }
0x82: {  	_ =	shalt  }
0x83: {  	_ =	shalt  }
0x84: {  	_ =	shalt  }
0x85: {  	_ =	shalt  }
0x86: {  	_ =	shalt  }
0x87: {  	_ =	shalt  }
.Lfunc_end0:
.L_simem_size_0:
called_computation_lowered:
.L_overlay_start_0:
0x88: {  	s2 =	sld [smem:$0x3FD9]  }
0x89: {  	s3 =	sld [smem:$0x3FFE];
	_ =	sdelay $0x1  }
0x8a: {  	s1 =	srdreg.scid  }
0x8b: {  	s0 =	sand.u32 $0x1, s1  }
0x8c: {  	s17 =	sshll.u32 s0, $0xA;
	s2 =	sadd.s32 s3, s2  }
0x8d: {  	s2 =	sadd.s32 s2, s17  }
0x8e: {  	[smem:$0x3FC4] =	sst s2  }
0x8f: {  	_ = 	snop  }
0x90: {  	s2 =	sld [smem:$0x3FD0];
	(tm) =	ssettm $0x1  }
0x91: {  	s18 =	sld [smem:$0x3FFB];
	_ =	sdelay $0x3  }
0x92: {  	_ =	strace s18  }
0x93: {  	s3 =	sld [smem:$0x3FFC];
	_ =	sdelay $0x3  }
0x94: {  	_ =	strace s3  }
0x95: {  	s3 =	sld [smem:$0x3FFD];
	_ =	sdelay $0x3  }
0x96: {  	_ =	strace s3  }
0x97: {  	_ =	strace $0x8FFFFFFF  }
0x98: {  	s19 =	sld [smem:$0x3FDB];
	_ =	sdelay $0x1  }
0x99: {  	s4 =	simm.s32 $_scs_section_size  }
0x9a: {  	s5 =	simm.s32 $_size__tile_overlayer_lowered;
	s6 =	simm.s32 $_tile_overlayer_lowered  }
0x9b: {  	s22 =	simm.s32 $0x1BFF;
	s21 =	sshll.u32 s6, $0x1;
	s3 =	sadd.s32 s4, s19  }
0x9c: {  	s7 =	simm.s32 $0x0;
	s20 =	sshll.u32 s5, $0x1;
	s5 =	sadd.s32 s21, s3  }
0x9d: {  	[timem:s7], [sflag:s22] =	dma.local [hbm:s5], s20  }
0x9e: {  	_ =	swait.ge [sflag:s22], s20  }
0x9f: {  	s4 =	ssub.s32 $0x0, s20;
	[sflag:s22] =	ssyncset.done $0x0  }
0xa0: {  	[sflag:s22] =	ssyncadd.s32 s4;
	_ =	sdelay $0x1  }
0xa1: {  	s23 =	simm.s32 $0x1B8B  }
0xa2: {  	_ =	swait.ge [sflag:s23], $0x1  }
0xa3: {  	[sflag:s23] =	ssyncset.done $0x0  }
0xa4: {  	s25 =	simm.s32 $0x1B8E;
	s24 =	sld [smem:$0x3FFE];
	[sflag:s23] =	ssyncadd.s32 $0xFFFFFFFF  }
0xa5: {  	s26 =	simm.s32 $execute0_lowered;
	[smem:$0x3FD2] =	sst s25  }
0xa6: {  	s5 =	sshll.u32 s26, $0x1;
	_ =	strace $0x80000046;
	[dreg:$0x1] =	wrdreg $0xFFFFFFFF  }
0xa7: {  	s28 =	simm.s32 $_size_execute0_lowered;
	s3 =	sadd.s32 s3, s5;
	[dreg:$0x0] =	wrdreg $0x0  }
0xa8: {  	s5 =	sshll.u32 s28, $0x1;
	[dreg:$0x2] =	wrdreg s3  }
0xa9: {  	[dreg:$0x3] =	wrdreg s5  }
0xaa: {  	[dreg:$0x4] =	wrdreg $0xC0  }
0xab: {  	_ =	task [dreg:s7], $0x5FFFF  }
0xac: {  	[dreg:$0x1] =	wrdreg $0xFFFFFFFF  }
0xad: {  	[dreg:$0x0] =	wrdreg $0x60  }
0xae: {  	[dreg:$0x2] =	wrdreg s24  }
0xaf: {  	[dreg:$0x3] =	wrdreg s2  }
0xb0: {  	[dreg:$0x4] =	wrdreg $0x9  }
0xb1: {  	_ =	task.clear_ibuf [dreg:s7], $0x5FFFF;
	_ =	strace $0x90000046  }
0xb2: {  	s29 =	simm.s32 $0x9;
	_ =	strace $0x80000048  }
0xb3: {  	_ =	swait.ge [sflag:s29], $0x1  }
0xb4: {  	[sflag:s29] =	ssyncadd.s32 $0xFFFFFFFF  }
0xb5: {  	_ =	strace $0x90000048  }
0xb6: {  	_ =	sfence  }
0xb7: {  	s30 =	sld [smem:$0x0];
	_ =	sdelay $0x2  }
0xb8: {  	s31 =	sshll.u32 s1, $0xD;
	s1 =	sshrl.u32 s1, $0x2  }
0xb9: {  	s3 =	sand.u32 $0x4000, s31;
	s1 =	sadd.s32 s1, s30  }
0xba: {  	s0 =	sor.u32 s3, s0;
	s1 =	sshll.u32 s1, $0x11  }
0xbb: {  	s0 =	sor.u32 s1, s0  }
0xbc: {  	s0 =	sadd.s32 $0x8F2B, s0  }
0xbd: {  	[sflag:s0] =	ssyncadd.remote.s32 $0x1  }
0xbe: {  	_ =	sfence.sel $0xFFFF  }
0xbf: {  	[dreg:$0x0] =	wrdreg $0xFFFFFFFF;
	(pc) =	sbr.abs _section_cstart, $3  }
0xc0: {  	[dreg:$0x1] =	wrdreg $0xFFFFFFFF  }
0xc1: {  	_ =	task.clear_ibuf [dreg:s7], $0x2FFFF;
	_ =	strace $0x9FFFFFFF  }
0xc2: {  	(tm) =	ssettm $0x7FFFFFFF  }
0xc3: {  	_ =	shalt  }
tec
execute0_lowered:
.L_overlay_start_1:
0x0: {  	(tag) =	ssettag $0x1  }
0x1: {  	s6 =	rddreg [dreg:$0x0]  }
0x2: {  	s8 =	rddreg [dreg:$0x1]  }
0x3: {  	s0 =	rddreg [dreg:$0x2]  }
0x4: {  	s2 =	simm.s32 $0x0;
	s3 =	srdreg.scid;
	s1 =	stileid.u32  }
0x5: {  	s11 =	simm.s32 $0x1;
	s13 =	simm.s32 $0x800;
	s14 =	simm.s32 $0x0  }
0x6: {  	[smem:$0x7FF] =	sst s2;
	s7 =	sand.u32 $0x1, s3;
	s30 =	sshll.u32 s1, $0x1  }
0x7: {  	s4 =	sadd.s32 $0x400, s6;
	s5 =	sadd.s32 $0x400400, s6;
	_ =	strace $0x80000047  }
0x8: {  	s3 =	sor.u32 s7, s30;
	p1 =	seq.s32 s7, $0x1;
	s10 =	ssub.s32 $0x2, s7  }
0x9: {  	s12 =	sshll.u32 s7, $0x7;
	p0 =	seq.s32 s3, $0x0;
	s9 =	sshll.u32 s3, $0x7  }
.Ltmp0:
0xa: {  	s31 =	sshrl.u32 s10, $0x1;
	p0 =	por !p0, !p1;
	(pc) =	sbr.rel .LBB2_1-.Ltmp0, $4  }
0xb: {  	s8 =	sadd.s32 s8, s12;
	s12 =	simm.s32 $0x2;
	p0 =	por !p0, !p0  }
0xc: {  	v1 =	vlaneseq.u32;
	s9 =	sadd.s32 s9, s6;
	s10 =	ssub.s32 s10, s31;
	s11 =	simm.s32 @!p0 $0x0  }
0xd: {  	v0 =	vand.u32 $0x7, v1;
	s6 =	simm.s32 $0x1;
	s9 =	sadd.s32 $0x400600, s9;
	s11 =	ssub.s32 s1, s11  }
0xe: {  	vm0 =	vmmov $0xffff;
	v2 =	vshrl.u32 v1, $0x3;
	[tilespmem:$0x1FFF0] =	vst v0;
	s10 =	smax.u32 s10, $0x1;
	s7 =	sshll.u32 s11, $0xE;
	s11 =	simm.s32 $0xC00  }
.LBB2_4:
0xf: {  	[tilespmem:$0xAF0] =	vst v1  }
.LBB2_5:
0x10: {  	s15 =	sor.u32 s15, s16  }
0x11: {  	p0 =	sgt.s32 s15, $0xFFFFFFFF  }
0x12: {  	s15 =	simm.s32 @!p0 $0x0;
	s16 =	simm.s32 @!p0 $0x800  }
0x13: {  	[tilespmem:s16], [sflag:$0x2] =	stream.linear.gather @!p0 [hbm4b:s8+s15], $0x400, $0x38;
	[tilespmem:$0xC80] =	vst v63  }
0x14: {  	s15 =	simm.s32 @!p0 $0x2  }
0x15: {  	_ =	swait.ge @!p0 [sflag:s15], $0x400  }
0x16: {  	s14 =	sadd.s32 $0x1, s14;
	[sflag:s15] =	ssyncset.done @!p0 $0x0  }
0x17: {  	[sflag:s15] =	ssyncadd.s32 @!p0 $0xFFFFFC00;
	p0 =	sne.s32 s14, s10  }
.Ltmp1:
0x18: {  	_ = 	snop;
	(pc) =	sbr.rel @!p0 .LBB2_6-.Ltmp1, $4  }
0x19: {  	[hbm4b:s9+s2] =	stream.linear.scatter [tilespmem:s13], [sflag:$0x2], $0x400, $0x38;
	[tilespmem:$0xC80] =	vst v63  }
0x1a: {  	_ =	swait.ge [sflag:s12], $0x400  }
0x1b: {  	[sflag:s12] =	ssyncset.done $0x0  }
0x1c: {  	[sflag:s12] =	ssyncadd.s32 $0xFFFFFC00  }
.LBB2_1:
0x1d: {  	[tilespmem:s11], [sflag:$0x2] =	stream.linear.gather [hbm4b:s5+s2], $0x40, $0x38;
	[tilespmem:$0xC80] =	vst v63  }
0x1e: {  	_ =	swait.ge [sflag:s12], $0x40  }
0x1f: {  	[sflag:s12] =	ssyncset.done $0x0  }
0x20: {  	[sflag:s12] =	ssyncadd.s32 $0xFFFFFFC0  }
0x21: {  	v0 =	vimm.f32 $-3.402823470e+38;
	v1 =	vld [tilespmem:s3+$0xC00]  }
0x22: {  	v3 =	vld [tilespmem:s3+$0xC20];
	[tilespmem:$0x800] =	vst v0  }
0x23: {  	[tilespmem:$0x810] =	vst v0  }
0x24: {  	[tilespmem:$0x820] =	vst v0  }
0x25: {  	[tilespmem:$0x830] =	vst v0  }
0x26: {  	[tilespmem:$0x840] =	vst v0  }
0x27: {  	[tilespmem:$0x850] =	vst v0  }
0x28: {  	[tilespmem:$0x860] =	vst v0  }
0x29: {  	[tilespmem:$0x870] =	vst v0  }
0x2a: {  	[tilespmem:$0x880] =	vst v0  }
0x2b: {  	[tilespmem:$0x890] =	vst v0  }
0x2c: {  	[tilespmem:$0x8A0] =	vst v0  }
0x2d: {  	[tilespmem:$0x8B0] =	vst v0  }
0x2e: {  	[tilespmem:$0x8C0] =	vst v0  }
0x2f: {  	[tilespmem:$0x8D0] =	vst v0  }
0x30: {  	[tilespmem:$0x8E0] =	vst v0  }
0x31: {  	[tilespmem:$0x8F0] =	vst v0  }
0x32: {  	[tilespmem:$0x900] =	vst v0  }
0x33: {  	[tilespmem:$0x910] =	vst v0  }
0x34: {  	[tilespmem:$0x920] =	vst v0  }
0x35: {  	[tilespmem:$0x930] =	vst v0  }
0x36: {  	[tilespmem:$0x940] =	vst v0  }
0x37: {  	[tilespmem:$0x950] =	vst v0  }
0x38: {  	[tilespmem:$0x960] =	vst v0  }
0x39: {  	[tilespmem:$0x970] =	vst v0  }
0x3a: {  	[tilespmem:$0x980] =	vst v0  }
0x3b: {  	[tilespmem:$0x990] =	vst v0  }
0x3c: {  	[tilespmem:$0x9A0] =	vst v0  }
0x3d: {  	[tilespmem:$0x9B0] =	vst v0  }
0x3e: {  	[tilespmem:$0x9C0] =	vst v0  }
0x3f: {  	[tilespmem:$0x9D0] =	vst v0;
	(v2sf) =	vpush v1, $0x0  }
0x40: {  	[tilespmem:$0x9E0] =	vst v0;
	(v2sf) =	vpush v3, $0x0  }
0x41: {  	[tilespmem:$0x9F0] =	vst v0  }
0x42: {  	[tilespmem:$0xA00] =	vst v0  }
0x43: {  	[tilespmem:$0xA10] =	vst v0  }
0x44: {  	[tilespmem:$0xA20] =	vst v0  }
0x45: {  	[tilespmem:$0xA30] =	vst v0  }
0x46: {  	[tilespmem:$0xA40] =	vst v0  }
0x47: {  	[tilespmem:$0xA50] =	vst v0  }
0x48: {  	[tilespmem:$0xA60] =	vst v0  }
0x49: {  	[tilespmem:$0xA70] =	vst v0  }
0x4a: {  	[tilespmem:$0xA80] =	vst v0  }
0x4b: {  	[tilespmem:$0xA90] =	vst v0  }
0x4c: {  	[tilespmem:$0xAA0] =	vst v0  }
0x4d: {  	[tilespmem:$0xAB0] =	vst v0  }
0x4e: {  	[tilespmem:$0xAC0] =	vst v0;
	s15 =	spop (v2sf)  }
0x4f: {  	[tilespmem:$0xAD0] =	vst v0;
	s16 =	spop (v2sf);
	p0 =	sgt.s32 s15, $0x0  }
0x50: {  	[tilespmem:$0xAE0] =	vst v0;
	s17 =	smov.u32 s15;
	p1 =	sgt.s32 s16, $0x0;
	s19 =	smov.u32 s16  }
0x51: {  	[tilespmem:$0xAF0] =	vst v0;
	s17 =	simm.s32 @!p0 $0x0;
	s19 =	simm.s32 @!p1 $0x0  }
0x52: {  	[tilespmem:$0xB00] =	vst v0;
	s18 =	smin.u32 s17, $0x800;
	s29 =	smin.u32 s19, $0x800  }
0x53: {  	[tilespmem:$0xB10] =	vst v0;
	s19 =	ssub.s32 s29, s18  }
0x54: {  	[tilespmem:$0xB20] =	vst v0;
	s17 =	simm.s32 $0x1;
	p0 =	sgt.s32 s19, $0x0  }
0x55: {  	[tilespmem:$0xB30] =	vst v0;
	s20 =	sshrl.u32 s19, $0x1F;
	s17 =	simm.s32 @!p0 $0x0  }
0x56: {  	[tilespmem:$0xB40] =	vst v0;
	s21 =	sand.u32 $0x8000, s19;
	s30 =	sand.u32 $0x1, s19;
	s17 =	ssub.s32 s20, s17  }
0x57: {  	[tilespmem:$0xB50] =	vst v0;
	s21 =	sshrl.u32 s21, $0xF;
	p6 =	seq.s32 s30, $0x1;
	p5 =	sne.s32 s17, $0x1  }
0x58: {  	[tilespmem:$0xB60] =	vst v0;
	s31 =	sadd.s32 s21, s19;
	p0 =	por !p5, !p6  }
0x59: {  	[tilespmem:$0xB70] =	vst v0;
	s20 =	simm.s32 $0x1;
	s17 =	sshll.u32 s31, $0x10;
	p0 =	por !p0, !p0  }
0x5a: {  	[tilespmem:$0xB80] =	vst v0;
	s17 =	sshra.s32 s17, $0x11;
	s20 =	simm.s32 @!p0 $0x0  }
0x5b: {  	[tilespmem:$0xB90] =	vst v0;
	s17 =	sadd.s32 s17, s20  }
0x5c: {  	[tilespmem:$0xBA0] =	vst v0;
	p0 =	slt.s32 s17, $0x1  }
.Ltmp2:
0x5d: {  	[tilespmem:$0xBB0] =	vst v0;
	(pc) =	sbr.rel @p0 .LBB2_5-.Ltmp2, $4  }
0x5e: {  	[tilespmem:$0xBC0] =	vst v0  }
0x5f: {  	[tilespmem:$0xBD0] =	vst v0  }
0x60: {  	[tilespmem:$0xBE0] =	vst v0  }
0x61: {  	[tilespmem:$0xBF0] =	vst v0  }
0x62: {  	s19 =	sadd.s32 $0xFFFFFFFF, s19;
	s20 =	simm.s32 $0x0  }
0x63: {  	v0 =	vmov s19;
	v1 =	vor.u32 s20, v2  }
0x64: {  	vm1 =	vlt.s32 v1, v0  }
0x65: {  	[tilespmem:$0x1FB80] =	vst v0;
	v1 =	vsel vm1, v1, v0;
	v0 =	vld [tilespmem:$0x1FFF0];
	_ =	sdelay $0x2  }
0x66: {  	s18 =	sshll.u32 s18, $0x3  }
0x67: {  	s18 =	sadd.s32 s7, s18  }
0x68: {  	v1 =	vshll.u32 v1, $0x3;
	v0 =	vor.u32 s18, v0  }
0x69: {  	v1 =	vadd.s32 v0, v1;
	_ =	sdelay $0x3  }
0x6a: {  	[tilespmem:$0x1FB90] =	vst v0  }
0x6b: {  	[tilespmem:s2], [sflag:$0x1] =	stream.indirect_vreg.gather [hbm4b:s4+s2], $0x80, v1, vm0, $0xb8;
	[tilespmem:$0xC80] =	vst v63  }
0x6c: {  	_ =	swait.ge [sflag:s6], $0x800  }
0x6d: {  	[sflag:s6] =	ssyncset.done $0x0  }
0x6e: {  	[sflag:s6] =	ssyncadd.s32 $0xFFFFF800  }
0x6f: {  	v0 =	vld [tilespmem:$0xC0];
	_ =	sdelay $0x4  }
0x70: {  	[tilespmem:$0x1FBA0] =	vst v0;
	v0 =	vld [tilespmem:$0x4C0];
	_ =	sdelay $0x4  }
0x71: {  	[tilespmem:$0x1FBB0] =	vst v0;
	v0 =	vld [tilespmem:$0xD0];
	_ =	sdelay $0x4  }
0x72: {  	[tilespmem:$0x1FBC0] =	vst v0;
	v0 =	vld [tilespmem:$0x4D0];
	_ =	sdelay $0x4  }
0x73: {  	[tilespmem:$0x1FBD0] =	vst v0;
	v0 =	vld [tilespmem:$0xE0];
	_ =	sdelay $0x4  }
0x74: {  	[tilespmem:$0x1FBE0] =	vst v0;
	v0 =	vld [tilespmem:$0x4E0];
	_ =	sdelay $0x4  }
0x75: {  	[tilespmem:$0x1FBF0] =	vst v0;
	v0 =	vld [tilespmem:$0xF0];
	_ =	sdelay $0x4  }
0x76: {  	[tilespmem:$0x1FC00] =	vst v0;
	v0 =	vld [tilespmem:$0x4F0];
	_ =	sdelay $0x4  }
0x77: {  	[tilespmem:$0x1FC10] =	vst v0;
	v0 =	vld [tilespmem:$0x100];
	_ =	sdelay $0x4  }
0x78: {  	[tilespmem:$0x1FC20] =	vst v0;
	v0 =	vld [tilespmem:$0x500];
	_ =	sdelay $0x4  }
0x79: {  	[tilespmem:$0x1FC30] =	vst v0;
	v0 =	vld [tilespmem:$0x110];
	_ =	sdelay $0x4  }
0x7a: {  	[tilespmem:$0x1FC40] =	vst v0;
	v0 =	vld [tilespmem:$0x510];
	_ =	sdelay $0x4  }
0x7b: {  	[tilespmem:$0x1FC50] =	vst v0;
	v0 =	vld [tilespmem:$0x120];
	_ =	sdelay $0x4  }
0x7c: {  	[tilespmem:$0x1FC60] =	vst v0;
	v0 =	vld [tilespmem:$0x520];
	_ =	sdelay $0x4  }
0x7d: {  	[tilespmem:$0x1FC70] =	vst v0;
	v0 =	vld [tilespmem:$0x130];
	_ =	sdelay $0x4  }
0x7e: {  	[tilespmem:$0x1FC80] =	vst v0;
	v0 =	vld [tilespmem:$0x530];
	_ =	sdelay $0x4  }
0x7f: {  	[tilespmem:$0x1FC90] =	vst v0;
	v0 =	vld [tilespmem:$0x140];
	_ =	sdelay $0x4  }
0x80: {  	[tilespmem:$0x1FCA0] =	vst v0;
	v0 =	vld [tilespmem:$0x540];
	_ =	sdelay $0x4  }
0x81: {  	[tilespmem:$0x1FCB0] =	vst v0;
	v0 =	vld [tilespmem:$0x150];
	_ =	sdelay $0x4  }
0x82: {  	[tilespmem:$0x1FCC0] =	vst v0;
	v0 =	vld [tilespmem:$0x550];
	_ =	sdelay $0x4  }
0x83: {  	[tilespmem:$0x1FCD0] =	vst v0;
	v0 =	vld [tilespmem:$0x160];
	_ =	sdelay $0x4  }
0x84: {  	[tilespmem:$0x1FCE0] =	vst v0;
	v0 =	vld [tilespmem:$0x560];
	_ =	sdelay $0x4  }
0x85: {  	[tilespmem:$0x1FCF0] =	vst v0;
	v0 =	vld [tilespmem:$0x170]  }
0x86: {  	v62 =	vld [tilespmem:$0x840]  }
0x87: {  	v59 =	vld [tilespmem:$0x830]  }
0x88: {  	v58 =	vld [tilespmem:$0x820]  }
0x89: {  	v57 =	vld [tilespmem:$0x810]  }
0x8a: {  	[tilespmem:$0x1FD00] =	vst v0;
	v0 =	vld [tilespmem:$0x570]  }
0x8b: {  	v56 =	vld [tilespmem:$0x800]  }
0x8c: {  	v44 =	vld [tilespmem:$0xB30]  }
0x8d: {  	v47 =	vld [tilespmem:$0xB50]  }
0x8e: {  	v49 =	vld [tilespmem:$0xB80]  }
0x8f: {  	[tilespmem:$0x1FD10] =	vst v0;
	v0 =	vld [tilespmem:$0x180]  }
0x90: {  	v55 =	vld [tilespmem:$0xBE0]  }
0x91: {  	v43 =	vld [tilespmem:$0xB40]  }
0x92: {  	v54 =	vld [tilespmem:$0x7F0]  }
0x93: {  	v42 =	vld [tilespmem:$0xB20]  }
0x94: {  	[tilespmem:$0x1FD20] =	vst v0;
	v0 =	vld [tilespmem:$0x580]  }
0x95: {  	v45 =	vld [tilespmem:$0xB60]  }
0x96: {  	v48 =	vld [tilespmem:$0xB90]  }
0x97: {  	v50 =	vld [tilespmem:$0xBA0]  }
0x98: {  	v46 =	vld [tilespmem:$0xB70]  }
0x99: {  	[tilespmem:$0x1FD30] =	vst v0;
	v0 =	vld [tilespmem:$0x190]  }
0x9a: {  	v53 =	vld [tilespmem:$0xBD0]  }
0x9b: {  	v52 =	vld [tilespmem:$0xBC0]  }
0x9c: {  	v51 =	vld [tilespmem:$0xBB0]  }
0x9d: {  	v41 =	vld [tilespmem:$0xB10]  }
0x9e: {  	[tilespmem:$0x1FD40] =	vst v0;
	v0 =	vld [tilespmem:$0x590]  }
0x9f: {  	v40 =	vld [tilespmem:$0xB00]  }
0xa0: {  	v60 =	vld [tilespmem:$0x4A0]  }
0xa1: {  	v63 =	vld [tilespmem:$0xB0]  }
0xa2: {  	v61 =	vld [tilespmem:$0x4B0]  }
0xa3: {  	[tilespmem:$0x1FD50] =	vst v0;
	v0 =	vld [tilespmem:$0x1A0]  }
0xa4: {  	v3 =	vld [tilespmem:$0x2E0]  }
0xa5: {  	v4 =	vld [tilespmem:$0x6F0]  }
0xa6: {  	v5 =	vld [tilespmem:$0x300]  }
0xa7: {  	v1 =	vld [tilespmem:$0x700]  }
0xa8: {  	[tilespmem:$0x1FD60] =	vst v0;
	v0 =	vld [tilespmem:$0x5A0]  }
0xa9: {  	v7 =	vld [tilespmem:$0x310]  }
0xaa: {  	v6 =	vld [tilespmem:$0x710]  }
0xab: {  	v9 =	vld [tilespmem:$0x320]  }
0xac: {  	v8 =	vld [tilespmem:$0x720]  }
0xad: {  	[tilespmem:$0x1FD70] =	vst v0;
	v0 =	vld [tilespmem:$0x1B0]  }
0xae: {  	v11 =	vld [tilespmem:$0x330]  }
0xaf: {  	v10 =	vld [tilespmem:$0x730]  }
0xb0: {  	v13 =	vld [tilespmem:$0x340]  }
0xb1: {  	v12 =	vld [tilespmem:$0x740]  }
0xb2: {  	[tilespmem:$0x1FD80] =	vst v0;
	v0 =	vld [tilespmem:$0x5B0]  }
0xb3: {  	v15 =	vld [tilespmem:$0x350]  }
0xb4: {  	v14 =	vld [tilespmem:$0x750]  }
0xb5: {  	v17 =	vld [tilespmem:$0x360]  }
0xb6: {  	v16 =	vld [tilespmem:$0x760]  }
0xb7: {  	[tilespmem:$0x1FD90] =	vst v0;
	v0 =	vld [tilespmem:$0x1C0]  }
0xb8: {  	v19 =	vld [tilespmem:$0x370]  }
0xb9: {  	v18 =	vld [tilespmem:$0x770]  }
0xba: {  	v21 =	vld [tilespmem:$0x380]  }
0xbb: {  	v20 =	vld [tilespmem:$0x780]  }
0xbc: {  	[tilespmem:$0x1FDA0] =	vst v0;
	v0 =	vld [tilespmem:$0x5C0]  }
0xbd: {  	v23 =	vld [tilespmem:$0x390]  }
0xbe: {  	v22 =	vld [tilespmem:$0x790]  }
0xbf: {  	v25 =	vld [tilespmem:$0x3A0]  }
0xc0: {  	v24 =	vld [tilespmem:$0x7A0]  }
0xc1: {  	[tilespmem:$0x1FDB0] =	vst v0;
	v0 =	vld [tilespmem:$0x1D0]  }
0xc2: {  	v27 =	vld [tilespmem:$0x3B0]  }
0xc3: {  	v26 =	vld [tilespmem:$0x7B0]  }
0xc4: {  	v29 =	vld [tilespmem:$0x3C0]  }
0xc5: {  	v28 =	vld [tilespmem:$0x7C0]  }
0xc6: {  	[tilespmem:$0x1FDC0] =	vst v0;
	v0 =	vld [tilespmem:$0x5D0]  }
0xc7: {  	v31 =	vld [tilespmem:$0x3D0]  }
0xc8: {  	v30 =	vld [tilespmem:$0x7D0]  }
0xc9: {  	v33 =	vld [tilespmem:$0x3E0]  }
0xca: {  	v32 =	vld [tilespmem:$0x7E0]  }
0xcb: {  	[tilespmem:$0x1FDD0] =	vst v0;
	v0 =	vld [tilespmem:$0x1E0]  }
0xcc: {  	v34 =	vld [tilespmem:$0x3F0]  }
0xcd: {  	v37 =	vld [tilespmem:$0xBF0]  }
0xce: {  	v36 =	vld [tilespmem:$0x0]  }
0xcf: {  	v39 =	vld [tilespmem:$0x10]  }
0xd0: {  	[tilespmem:$0x1FDE0] =	vst v0;
	v0 =	vld [tilespmem:$0x5E0]  }
0xd1: {  	v38 =	vld [tilespmem:$0x410]  }
0xd2: {  	v35 =	vld [tilespmem:$0x400]  }
0xd3: {  	v1 =	vmax.f32 v5, v1;
	v5 =	vld [tilespmem:$0x20]  }
0xd4: {  	v6 =	vmax.f32 v7, v6;
	v7 =	vld [tilespmem:$0x420]  }
0xd5: {  	[tilespmem:$0x1FDF0] =	vst v0;
	v0 =	vld [tilespmem:$0x1F0]  }
0xd6: {  	v38 =	vmax.f32 v39, v38;
	v39 =	vld [tilespmem:$0xA0]  }
0xd7: {  	v1 =	vmax.f32 v40, v1;
	v40 =	vmax.f32 v11, v10;
	v10 =	vld [tilespmem:$0x40]  }
0xd8: {  	v11 =	vld [tilespmem:$0x440]  }
0xd9: {  	[tilespmem:$0xB00] =	vst v1;
	v1 =	vmax.f32 v41, v6;
	v41 =	vmax.f32 v9, v8;
	v8 =	vld [tilespmem:$0x30]  }
0xda: {  	[tilespmem:$0x1FE00] =	vst v0;
	v0 =	vld [tilespmem:$0x5F0]  }
0xdb: {  	v9 =	vld [tilespmem:$0x430]  }
0xdc: {  	[tilespmem:$0xB10] =	vst v1;
	v1 =	vmax.f32 v42, v41;
	v41 =	vmax.f32 v13, v12;
	v12 =	vld [tilespmem:$0x50]  }
0xdd: {  	v42 =	vmax.f32 v15, v14;
	v14 =	vld [tilespmem:$0x850]  }
0xde: {  	[tilespmem:$0xB20] =	vst v1;
	v1 =	vmax.f32 v44, v40;
	v40 =	vld [tilespmem:$0x860]  }
0xdf: {  	[tilespmem:$0x1FE10] =	vst v0;
	v0 =	vld [tilespmem:$0x200]  }
0xe0: {  	v44 =	vmax.f32 v19, v18;
	v18 =	vld [tilespmem:$0x920];
	[tilespmem:$0xB30] =	vst v1;
	v1 =	vmax.f32 v43, v41  }
0xe1: {  	[tilespmem:$0xB40] =	vst v1;
	v1 =	vmax.f32 v47, v42;
	v47 =	vmax.f32 v23, v22;
	v23 =	vmax.f32 v25, v24;
	v24 =	vld [tilespmem:$0x460]  }
0xe2: {  	v25 =	vmax.f32 v27, v26;
	v26 =	vld [tilespmem:$0x70]  }
0xe3: {  	v27 =	vmax.f32 v29, v28;
	v28 =	vld [tilespmem:$0x470]  }
0xe4: {  	[tilespmem:$0x1FE20] =	vst v0;
	v0 =	vld [tilespmem:$0x600]  }
0xe5: {  	v29 =	vmax.f32 v31, v30;
	v30 =	vld [tilespmem:$0x80]  }
0xe6: {  	v31 =	vmax.f32 v33, v32;
	v32 =	vld [tilespmem:$0x480]  }
0xe7: {  	v33 =	vmax.f32 v34, v54;
	v34 =	vld [tilespmem:$0x90]  }
0xe8: {  	v42 =	vld [tilespmem:$0x870]  }
0xe9: {  	[tilespmem:$0x1FE30] =	vst v0;
	v0 =	vld [tilespmem:$0x210]  }
0xea: {  	v54 =	vmax.f32 v39, v60;
	v60 =	vld [tilespmem:$0x900]  }
0xeb: {  	v43 =	vmax.f32 v17, v16;
	v39 =	vld [tilespmem:$0x990]  }
0xec: {  	[tilespmem:$0xB50] =	vst v1;
	v1 =	vmax.f32 v45, v43;
	v45 =	vld [tilespmem:$0x450]  }
0xed: {  	[tilespmem:$0xB60] =	vst v1;
	v1 =	vmax.f32 v46, v44;
	v44 =	vld [tilespmem:$0x880]  }
0xee: {  	[tilespmem:$0x1FE40] =	vst v0;
	v0 =	vld [tilespmem:$0x610]  }
0xef: {  	v46 =	vmax.f32 v21, v20;
	v21 =	vld [tilespmem:$0x930]  }
0xf0: {  	[tilespmem:$0xB70] =	vst v1;
	v1 =	vmax.f32 v49, v46;
	v49 =	vld [tilespmem:$0x60]  }
0xf1: {  	v46 =	vld [tilespmem:$0x890]  }
0xf2: {  	[tilespmem:$0xB80] =	vst v1;
	v1 =	vmax.f32 v48, v47;
	v48 =	vld [tilespmem:$0x8A0]  }
0xf3: {  	[tilespmem:$0x1FE50] =	vst v0;
	v0 =	vld [tilespmem:$0x220]  }
0xf4: {  	[tilespmem:$0xB90] =	vst v1;
	v1 =	vmax.f32 v50, v23;
	v50 =	vmax.f32 v30, v32;
	v30 =	vld [tilespmem:$0x960]  }
0xf5: {  	[tilespmem:$0xBA0] =	vst v1;
	v1 =	vmax.f32 v51, v25;
	v51 =	vld [tilespmem:$0x8C0]  }
0xf6: {  	[tilespmem:$0xBB0] =	vst v1;
	v1 =	vmax.f32 v52, v27;
	v27 =	vld [tilespmem:$0x950]  }
0xf7: {  	v47 =	vmax.f32 v49, v24;
	v49 =	vld [tilespmem:$0x8B0]  }
0xf8: {  	[tilespmem:$0x1FE60] =	vst v0;
	v0 =	vld [tilespmem:$0x620]  }
0xf9: {  	[tilespmem:$0xBC0] =	vst v1;
	v1 =	vmax.f32 v53, v29;
	v53 =	vld [tilespmem:$0x8D0]  }
0xfa: {  	v24 =	vld [tilespmem:$0x940]  }
0xfb: {  	[tilespmem:$0xBD0] =	vst v1;
	v1 =	vmax.f32 v55, v31;
	v55 =	vld [tilespmem:$0x8E0]  }
0xfc: {  	[tilespmem:$0xBE0] =	vst v1;
	v1 =	vmax.f32 v37, v33;
	v37 =	vld [tilespmem:$0x490]  }
0xfd: {  	[tilespmem:$0x1FE70] =	vst v0;
	v0 =	vld [tilespmem:$0x230]  }
0xfe: {  	v36 =	vmax.f32 v36, v35;
	v33 =	vld [tilespmem:$0x970]  }
0xff: {  	[tilespmem:$0xBF0] =	vst v1;
	v1 =	vmax.f32 v56, v36;
	v56 =	vmax.f32 v63, v61;
	v61 =	vld [tilespmem:$0x1FBC0]  }
0x100: {  	v63 =	vld [tilespmem:$0x910]  }
0x101: {  	v36 =	vld [tilespmem:$0x980];
	[tilespmem:$0x800] =	vst v1  }
0x102: {  	v5 =	vmax.f32 v5, v7;
	v1 =	vmax.f32 v57, v38;
	[tilespmem:$0x1FE80] =	vst v0;
	v0 =	vld [tilespmem:$0x630]  }
0x103: {  	v41 =	vmax.f32 v8, v9;
	v57 =	vld [tilespmem:$0x8F0];
	[tilespmem:$0x810] =	vst v1;
	v1 =	vmax.f32 v58, v5  }
0x104: {  	v43 =	vmax.f32 v10, v11;
	v58 =	vld [tilespmem:$0x1FBA0];
	[tilespmem:$0x820] =	vst v1;
	v1 =	vmax.f32 v59, v41  }
0x105: {  	v59 =	vld [tilespmem:$0x1FBB0];
	[tilespmem:$0x830] =	vst v1;
	v1 =	vmax.f32 v62, v43  }
0x106: {  	v45 =	vmax.f32 v12, v45;
	v62 =	vld [tilespmem:$0x1FBD0];
	[tilespmem:$0x840] =	vst v1  }
0x107: {  	v1 =	vmax.f32 v14, v45;
	[tilespmem:$0x1FE90] =	vst v0;
	v0 =	vld [tilespmem:$0x240]  }
0x108: {  	v16 =	vld [tilespmem:$0x1FBE0];
	[tilespmem:$0x850] =	vst v1;
	v1 =	vmax.f32 v26, v28  }
0x109: {  	v45 =	vld [tilespmem:$0x9B0];
	v1 =	vmax.f32 v42, v1  }
0x10a: {  	v42 =	vld [tilespmem:$0x9A0];
	[tilespmem:$0x870] =	vst v1;
	v1 =	vmax.f32 v44, v50  }
0x10b: {  	v52 =	vmax.f32 v34, v37;
	[tilespmem:$0x880] =	vst v1;
	v17 =	vld [tilespmem:$0x1FBF0]  }
0x10c: {  	v1 =	vmax.f32 v46, v52;
	[tilespmem:$0x1FEA0] =	vst v0;
	v0 =	vld [tilespmem:$0x640]  }
0x10d: {  	[tilespmem:$0x890] =	vst v1;
	v1 =	vmax.f32 v48, v54;
	v48 =	vld [tilespmem:$0x9C0]  }
0x10e: {  	v11 =	vmax.f32 v58, v59;
	v54 =	vld [tilespmem:$0x9E0];
	[tilespmem:$0x8A0] =	vst v1;
	v1 =	vmax.f32 v49, v56  }
0x10f: {  	[tilespmem:$0x8B0] =	vst v1;
	v1 =	vmax.f32 v51, v11;
	v51 =	vld [tilespmem:$0x9D0]  }
0x110: {  	v19 =	vld [tilespmem:$0x1FC00]  }
0x111: {  	[tilespmem:$0x1FEB0] =	vst v0;
	v0 =	vld [tilespmem:$0x250]  }
0x112: {  	v20 =	vld [tilespmem:$0x1FC10]  }
0x113: {  	v22 =	vld [tilespmem:$0x1FC20]  }
0x114: {  	v23 =	vld [tilespmem:$0x1FC30]  }
0x115: {  	v25 =	vld [tilespmem:$0x1FC40]  }
0x116: {  	[tilespmem:$0x1FEC0] =	vst v0;
	v0 =	vld [tilespmem:$0x650]  }
0x117: {  	v9 =	vmax.f32 v61, v62;
	v26 =	vld [tilespmem:$0x1FC50]  }
0x118: {  	[tilespmem:$0x8C0] =	vst v1;
	v1 =	vmax.f32 v53, v9;
	v11 =	vmax.f32 v16, v17;
	v28 =	vld [tilespmem:$0x1FC60]  }
0x119: {  	[tilespmem:$0x8D0] =	vst v1;
	v1 =	vmax.f32 v55, v11;
	v9 =	vmax.f32 v19, v20;
	v29 =	vld [tilespmem:$0x1FC70]  }
0x11a: {  	[tilespmem:$0x8E0] =	vst v1;
	v1 =	vmax.f32 v57, v9;
	v57 =	vld [tilespmem:$0x9F0]  }
0x11b: {  	v11 =	vmax.f32 v22, v23;
	[tilespmem:$0x1FED0] =	vst v0;
	v0 =	vld [tilespmem:$0x260]  }
0x11c: {  	[tilespmem:$0x8F0] =	vst v1;
	v1 =	vmax.f32 v60, v11;
	v60 =	vld [tilespmem:$0xA00];
	v10 =	vmax.f32 v25, v26  }
0x11d: {  	[tilespmem:$0x900] =	vst v1;
	v1 =	vmax.f32 v63, v10;
	v63 =	vld [tilespmem:$0xA10]  }
0x11e: {  	v11 =	vmax.f32 v28, v29;
	v31 =	vld [tilespmem:$0x1FC80]  }
0x11f: {  	[tilespmem:$0x910] =	vst v1;
	v1 =	vmax.f32 v18, v11;
	v18 =	vld [tilespmem:$0xA20]  }
0x120: {  	[tilespmem:$0x1FEE0] =	vst v0;
	v0 =	vld [tilespmem:$0x660]  }
0x121: {  	v32 =	vld [tilespmem:$0x1FC90]  }
0x122: {  	v34 =	vld [tilespmem:$0x1FCA0]  }
0x123: {  	v35 =	vld [tilespmem:$0x1FCB0]  }
0x124: {  	v37 =	vld [tilespmem:$0x1FCC0]  }
0x125: {  	[tilespmem:$0x1FEF0] =	vst v0;
	v0 =	vld [tilespmem:$0x270]  }
0x126: {  	v38 =	vld [tilespmem:$0x1FCD0]  }
0x127: {  	v5 =	vmax.f32 v40, v47;
	v40 =	vld [tilespmem:$0x1FCE0]  }
0x128: {  	v10 =	vmax.f32 v31, v32;
	v41 =	vld [tilespmem:$0x1FCF0]  }
0x129: {  	[tilespmem:$0x920] =	vst v1;
	v1 =	vmax.f32 v21, v10;
	v21 =	vld [tilespmem:$0xA30]  }
0x12a: {  	v11 =	vmax.f32 v34, v35;
	[tilespmem:$0x1FF00] =	vst v0;
	v0 =	vld [tilespmem:$0x670]  }
0x12b: {  	[tilespmem:$0x930] =	vst v1;
	v1 =	vmax.f32 v24, v11;
	v24 =	vld [tilespmem:$0xA40];
	v10 =	vmax.f32 v37, v38  }
0x12c: {  	[tilespmem:$0x940] =	vst v1;
	v1 =	vmax.f32 v27, v10;
	v27 =	vld [tilespmem:$0xA50]  }
0x12d: {  	v11 =	vmax.f32 v40, v41;
	v43 =	vld [tilespmem:$0x1FD00]  }
0x12e: {  	[tilespmem:$0x950] =	vst v1;
	v1 =	vmax.f32 v30, v11;
	v30 =	vld [tilespmem:$0xA60]  }
0x12f: {  	[tilespmem:$0x1FF10] =	vst v0;
	v0 =	vld [tilespmem:$0x280]  }
0x130: {  	v44 =	vld [tilespmem:$0x1FD10]  }
0x131: {  	v46 =	vld [tilespmem:$0x1FD20]  }
0x132: {  	v47 =	vld [tilespmem:$0x1FD30]  }
0x133: {  	v49 =	vld [tilespmem:$0x1FD40]  }
0x134: {  	[tilespmem:$0x1FF20] =	vst v0;
	v0 =	vld [tilespmem:$0x680]  }
0x135: {  	v50 =	vld [tilespmem:$0x1FD50]  }
0x136: {  	v52 =	vld [tilespmem:$0x1FD60]  }
0x137: {  	v10 =	vmax.f32 v43, v44;
	v53 =	vld [tilespmem:$0x1FD70]  }
0x138: {  	[tilespmem:$0x960] =	vst v1;
	v1 =	vmax.f32 v33, v10;
	v33 =	vld [tilespmem:$0xA70]  }
0x139: {  	v11 =	vmax.f32 v46, v47;
	[tilespmem:$0x1FF30] =	vst v0;
	v0 =	vld [tilespmem:$0x290]  }
0x13a: {  	[tilespmem:$0x970] =	vst v1;
	v1 =	vmax.f32 v36, v11;
	v36 =	vld [tilespmem:$0xA80];
	v10 =	vmax.f32 v49, v50  }
0x13b: {  	[tilespmem:$0x980] =	vst v1;
	v1 =	vmax.f32 v39, v10;
	v39 =	vld [tilespmem:$0xA90]  }
0x13c: {  	v11 =	vmax.f32 v52, v53;
	v55 =	vld [tilespmem:$0x1FD80]  }
0x13d: {  	[tilespmem:$0x990] =	vst v1;
	v1 =	vmax.f32 v42, v11;
	v42 =	vld [tilespmem:$0xAA0]  }
0x13e: {  	[tilespmem:$0x1FF40] =	vst v0;
	v0 =	vld [tilespmem:$0x690]  }
0x13f: {  	v56 =	vld [tilespmem:$0x1FD90]  }
0x140: {  	v58 =	vld [tilespmem:$0x1FDA0]  }
0x141: {  	v59 =	vld [tilespmem:$0x1FDB0]  }
0x142: {  	v61 =	vld [tilespmem:$0x1FDC0]  }
0x143: {  	[tilespmem:$0x1FF50] =	vst v0;
	v0 =	vld [tilespmem:$0x2A0]  }
0x144: {  	v62 =	vld [tilespmem:$0x1FDD0]  }
0x145: {  	v16 =	vld [tilespmem:$0x1FDE0]  }
0x146: {  	v10 =	vmax.f32 v55, v56;
	v17 =	vld [tilespmem:$0x1FDF0]  }
0x147: {  	[tilespmem:$0x9A0] =	vst v1;
	v1 =	vmax.f32 v45, v10;
	v45 =	vld [tilespmem:$0xAB0]  }
0x148: {  	v11 =	vmax.f32 v58, v59;
	[tilespmem:$0x1FF60] =	vst v0;
	v0 =	vld [tilespmem:$0x6A0]  }
0x149: {  	[tilespmem:$0x9B0] =	vst v1;
	v1 =	vmax.f32 v48, v11;
	v48 =	vld [tilespmem:$0xAC0];
	v10 =	vmax.f32 v61, v62  }
0x14a: {  	[tilespmem:$0x9C0] =	vst v1;
	v1 =	vmax.f32 v51, v10;
	v51 =	vld [tilespmem:$0xAD0]  }
0x14b: {  	v11 =	vmax.f32 v16, v17;
	v19 =	vld [tilespmem:$0x1FE00]  }
0x14c: {  	[tilespmem:$0x9D0] =	vst v1;
	v1 =	vmax.f32 v54, v11;
	v54 =	vld [tilespmem:$0xAE0]  }
0x14d: {  	[tilespmem:$0x1FF70] =	vst v0;
	v0 =	vld [tilespmem:$0x2B0]  }
0x14e: {  	v20 =	vld [tilespmem:$0x1FE10]  }
0x14f: {  	v22 =	vld [tilespmem:$0x1FE20]  }
0x150: {  	v23 =	vld [tilespmem:$0x1FE30]  }
0x151: {  	v25 =	vld [tilespmem:$0x1FE40]  }
0x152: {  	[tilespmem:$0x1FF80] =	vst v0;
	v0 =	vld [tilespmem:$0x6B0]  }
0x153: {  	v26 =	vld [tilespmem:$0x1FE50]  }
0x154: {  	v28 =	vld [tilespmem:$0x1FE60]  }
0x155: {  	v29 =	vld [tilespmem:$0x1FE70]  }
0x156: {  	v31 =	vld [tilespmem:$0x1FE80]  }
0x157: {  	[tilespmem:$0x1FF90] =	vst v0;
	v0 =	vld [tilespmem:$0x2C0]  }
0x158: {  	v32 =	vld [tilespmem:$0x1FE90]  }
0x159: {  	v34 =	vld [tilespmem:$0x1FEA0]  }
0x15a: {  	v35 =	vld [tilespmem:$0x1FEB0]  }
0x15b: {  	v37 =	vld [tilespmem:$0x1FEC0]  }
0x15c: {  	[tilespmem:$0x1FFA0] =	vst v0;
	v0 =	vld [tilespmem:$0x6C0]  }
0x15d: {  	v38 =	vld [tilespmem:$0x1FED0]  }
0x15e: {  	v40 =	vld [tilespmem:$0x1FEE0]  }
0x15f: {  	v41 =	vld [tilespmem:$0x1FEF0]  }
0x160: {  	v43 =	vld [tilespmem:$0x1FF00]  }
0x161: {  	[tilespmem:$0x1FFB0] =	vst v0;
	v0 =	vld [tilespmem:$0x2D0]  }
0x162: {  	v44 =	vld [tilespmem:$0x1FF10]  }
0x163: {  	v46 =	vld [tilespmem:$0x1FF20]  }
0x164: {  	[tilespmem:$0x860] =	vst v5;
	v47 =	vld [tilespmem:$0x1FF30]  }
0x165: {  	[tilespmem:$0x9E0] =	vst v1;
	v10 =	vmax.f32 v19, v20;
	v49 =	vld [tilespmem:$0x1FF40]  }
0x166: {  	v1 =	vmax.f32 v57, v10;
	v11 =	vmax.f32 v22, v23;
	[tilespmem:$0x1FFC0] =	vst v0;
	v0 =	vld [tilespmem:$0x6D0]  }
0x167: {  	[tilespmem:$0x9F0] =	vst v1;
	v1 =	vmax.f32 v60, v11;
	v10 =	vmax.f32 v25, v26;
	v50 =	vld [tilespmem:$0x1FF50]  }
0x168: {  	[tilespmem:$0xA00] =	vst v1;
	v1 =	vmax.f32 v63, v10;
	v11 =	vmax.f32 v28, v29;
	v52 =	vld [tilespmem:$0x1FF60]  }
0x169: {  	[tilespmem:$0xA10] =	vst v1;
	v1 =	vmax.f32 v18, v11;
	v53 =	vld [tilespmem:$0x1FF70]  }
0x16a: {  	[tilespmem:$0xA20] =	vst v1;
	v10 =	vmax.f32 v31, v32;
	v55 =	vld [tilespmem:$0x1FF80]  }
0x16b: {  	v1 =	vmax.f32 v21, v10;
	v11 =	vmax.f32 v34, v35;
	[tilespmem:$0x1FFD0] =	vst v0;
	v0 =	vld [tilespmem:$0x6E0]  }
0x16c: {  	[tilespmem:$0xA30] =	vst v1;
	v1 =	vmax.f32 v24, v11;
	v10 =	vmax.f32 v37, v38;
	v56 =	vld [tilespmem:$0x1FF90]  }
0x16d: {  	[tilespmem:$0xA40] =	vst v1;
	v1 =	vmax.f32 v27, v10;
	v11 =	vmax.f32 v40, v41;
	v58 =	vld [tilespmem:$0x1FFA0]  }
0x16e: {  	[tilespmem:$0xA50] =	vst v1;
	v1 =	vmax.f32 v30, v11;
	v59 =	vld [tilespmem:$0x1FFB0]  }
0x16f: {  	[tilespmem:$0xA60] =	vst v1;
	v10 =	vmax.f32 v43, v44;
	v60 =	vld [tilespmem:$0x1FFC0]  }
0x170: {  	v1 =	vmax.f32 v33, v10;
	v11 =	vmax.f32 v46, v47;
	v61 =	vld [tilespmem:$0x1FFD0];
	[tilespmem:$0x1FFE0] =	vst v0  }
0x171: {  	[tilespmem:$0xA70] =	vst v1;
	v1 =	vmax.f32 v36, v11;
	v10 =	vmax.f32 v49, v50;
	v62 =	vld [tilespmem:$0x1FFE0]  }
0x172: {  	[tilespmem:$0xA80] =	vst v1;
	v1 =	vmax.f32 v39, v10;
	v11 =	vmax.f32 v52, v53;
	v0 =	vld [tilespmem:$0x2F0]  }
0x173: {  	p0 =	sne.s32 s17, $0x1;
	v57 =	vld [tilespmem:$0xAF0];
	[tilespmem:$0xA90] =	vst v1;
	v1 =	vmax.f32 v42, v11;
	v10 =	vmax.f32 v55, v56  }
.Ltmp3:
0x174: {  	[tilespmem:$0xAA0] =	vst v1;
	v1 =	vmax.f32 v45, v10;
	v11 =	vmax.f32 v58, v59;
	(pc) =	sbr.rel @!p0 .LBB2_4-.Ltmp3, $4  }
0x175: {  	[tilespmem:$0xAB0] =	vst v1;
	v1 =	vmax.f32 v48, v11;
	v8 =	vmax.f32 v60, v61  }
0x176: {  	[tilespmem:$0xAC0] =	vst v1;
	v1 =	vmax.f32 v51, v8;
	v7 =	vmax.f32 v3, v62  }
0x177: {  	[tilespmem:$0xAD0] =	vst v1;
	v63 =	vmax.f32 v0, v4;
	v1 =	vmax.f32 v54, v7  }
0x178: {  	s17 =	sadd.s32 $0xFFFFFFFF, s17;
	s18 =	simm.s32 $0x2;
	[tilespmem:$0xAE0] =	vst v1;
	v1 =	vmax.f32 v57, v63  }
.LBB2_3:
0x179: {  	v0 =	vld [tilespmem:$0x1FB80];
	_ =	sdelay $0x3  }
0x17a: {  	v5 =	vor.u32 s18, v2  }
0x17b: {  	vm1 =	vlt.s32 v5, v0  }
0x17c: {  	[tilespmem:$0xAF0] =	vst v1;
	v1 =	vsel vm1, v5, v0;
	v0 =	vld [tilespmem:$0x1FB90];
	_ =	sdelay $0x3  }
0x17d: {  	v1 =	vshll.u32 v1, $0x3  }
0x17e: {  	v1 =	vadd.s32 v0, v1;
	_ =	sdelay $0x4  }
0x17f: {  	[tilespmem:s2], [sflag:$0x1] =	stream.indirect_vreg.gather [hbm4b:s4+s2], $0x80, v1, vm0, $0xb8;
	[tilespmem:$0xC80] =	vst v63  }
0x180: {  	_ =	swait.ge [sflag:s6], $0x800  }
0x181: {  	[sflag:s6] =	ssyncset.done $0x0  }
0x182: {  	[sflag:s6] =	ssyncadd.s32 $0xFFFFF800  }
0x183: {  	v0 =	vld [tilespmem:$0x840]  }
0x184: {  	v13 =	vld [tilespmem:$0x830]  }
0x185: {  	v24 =	vld [tilespmem:$0x820]  }
0x186: {  	v34 =	vld [tilespmem:$0x810]  }
0x187: {  	v43 =	vld [tilespmem:$0x800]  }
0x188: {  	v59 =	vld [tilespmem:$0xB30]  }
0x189: {  	v56 =	vld [tilespmem:$0xB50]  }
0x18a: {  	v52 =	vld [tilespmem:$0xB80]  }
0x18b: {  	v48 =	vld [tilespmem:$0xBE0]  }
0x18c: {  	v60 =	vld [tilespmem:$0xB40]  }
0x18d: {  	v49 =	vld [tilespmem:$0x7F0]  }
0x18e: {  	v61 =	vld [tilespmem:$0xB20]  }
0x18f: {  	v58 =	vld [tilespmem:$0xB60]  }
0x190: {  	v55 =	vld [tilespmem:$0xB90]  }
0x191: {  	v53 =	vld [tilespmem:$0xBA0]  }
0x192: {  	v57 =	vld [tilespmem:$0xB70]  }
0x193: {  	v50 =	vld [tilespmem:$0xBD0]  }
0x194: {  	v51 =	vld [tilespmem:$0xBC0]  }
0x195: {  	v54 =	vld [tilespmem:$0xBB0]  }
0x196: {  	v5 =	vld [tilespmem:$0xB10]  }
0x197: {  	v62 =	vld [tilespmem:$0xB00]  }
0x198: {  	v6 =	vld [tilespmem:$0xB0]  }
0x199: {  	v7 =	vld [tilespmem:$0x4B0]  }
0x19a: {  	v8 =	vld [tilespmem:$0xC0]  }
0x19b: {  	v9 =	vld [tilespmem:$0x4C0]  }
0x19c: {  	v10 =	vld [tilespmem:$0xD0]  }
0x19d: {  	v11 =	vld [tilespmem:$0x4D0]  }
0x19e: {  	v12 =	vld [tilespmem:$0xE0]  }
0x19f: {  	v14 =	vld [tilespmem:$0x4E0]  }
0x1a0: {  	v15 =	vld [tilespmem:$0xF0]  }
0x1a1: {  	v17 =	vld [tilespmem:$0x4F0]  }
0x1a2: {  	v25 =	vld [tilespmem:$0x100]  }
0x1a3: {  	v18 =	vld [tilespmem:$0x500]  }
0x1a4: {  	v26 =	vld [tilespmem:$0x110]  }
0x1a5: {  	v27 =	vld [tilespmem:$0x510]  }
0x1a6: {  	v28 =	vld [tilespmem:$0x120]  }
0x1a7: {  	v29 =	vld [tilespmem:$0x520]  }
0x1a8: {  	v30 =	vld [tilespmem:$0x130]  }
0x1a9: {  	v19 =	vld [tilespmem:$0x530]  }
0x1aa: {  	v20 =	vld [tilespmem:$0x140]  }
0x1ab: {  	v21 =	vld [tilespmem:$0x540]  }
0x1ac: {  	v22 =	vld [tilespmem:$0x150]  }
0x1ad: {  	v23 =	vld [tilespmem:$0x550]  }
0x1ae: {  	v31 =	vld [tilespmem:$0x160]  }
0x1af: {  	v32 =	vld [tilespmem:$0x170]  }
0x1b0: {  	v33 =	vld [tilespmem:$0x570]  }
0x1b1: {  	v35 =	vld [tilespmem:$0x180]  }
0x1b2: {  	v36 =	vld [tilespmem:$0x580]  }
0x1b3: {  	v37 =	vld [tilespmem:$0x190]  }
0x1b4: {  	v38 =	vld [tilespmem:$0x1C0]  }
0x1b5: {  	v39 =	vld [tilespmem:$0x1D0]  }
0x1b6: {  	v40 =	vld [tilespmem:$0x5D0]  }
0x1b7: {  	v41 =	vld [tilespmem:$0x1E0]  }
0x1b8: {  	v42 =	vld [tilespmem:$0x5E0]  }
0x1b9: {  	v44 =	vld [tilespmem:$0x1F0]  }
0x1ba: {  	v45 =	vld [tilespmem:$0x220]  }
0x1bb: {  	v46 =	vld [tilespmem:$0x230]  }
0x1bc: {  	v47 =	vld [tilespmem:$0x630]  }
0x1bd: {  	v63 =	vld [tilespmem:$0x240]  }
0x1be: {  	v4 =	vld [tilespmem:$0x640];
	[tilespmem:$0x1FB60] =	vst v0;
	v0 =	vmax.f32 v6, v7  }
0x1bf: {  	v7 =	vmax.f32 v8, v9;
	v8 =	vmax.f32 v10, v11;
	v11 =	vmax.f32 v25, v18;
	v25 =	vld [tilespmem:$0x560]  }
0x1c0: {  	v9 =	vmax.f32 v12, v14;
	v12 =	vmax.f32 v26, v27;
	v26 =	vld [tilespmem:$0x590]  }
0x1c1: {  	v27 =	vld [tilespmem:$0x1A0]  }
0x1c2: {  	v14 =	vmax.f32 v28, v29;
	v28 =	vld [tilespmem:$0x5A0]  }
0x1c3: {  	v29 =	vld [tilespmem:$0x1B0]  }
0x1c4: {  	v10 =	vmax.f32 v15, v17;
	v15 =	vmax.f32 v30, v19;
	v30 =	vld [tilespmem:$0x5B0]  }
0x1c5: {  	v17 =	vmax.f32 v20, v21;
	v20 =	vmax.f32 v32, v33;
	v32 =	vld [tilespmem:$0x5F0]  }
0x1c6: {  	v33 =	vld [tilespmem:$0x200]  }
0x1c7: {  	v21 =	vmax.f32 v35, v36;
	v35 =	vld [tilespmem:$0x600]  }
0x1c8: {  	v36 =	vld [tilespmem:$0x210]  }
0x1c9: {  	v6 =	vld [tilespmem:$0x250]  }
0x1ca: {  	v19 =	vmax.f32 v31, v25;
	v31 =	vld [tilespmem:$0x5C0]  }
0x1cb: {  	v18 =	vmax.f32 v22, v23;
	v22 =	vmax.f32 v37, v26;
	v37 =	vld [tilespmem:$0x610]  }
0x1cc: {  	v23 =	vmax.f32 v27, v28;
	v27 =	vmax.f32 v39, v40;
	v39 =	vld [tilespmem:$0x650]  }
0x1cd: {  	v40 =	vld [tilespmem:$0x260]  }
0x1ce: {  	v28 =	vmax.f32 v41, v42;
	v41 =	vld [tilespmem:$0x660]  }
0x1cf: {  	v42 =	vld [tilespmem:$0x270]  }
0x1d0: {  	v25 =	vmax.f32 v29, v30;
	v29 =	vmax.f32 v44, v32;
	v44 =	vld [tilespmem:$0x670]  }
0x1d1: {  	v26 =	vmax.f32 v38, v31;
	v38 =	vld [tilespmem:$0x620]  }
0x1d2: {  	v30 =	vmax.f32 v33, v35;
	v35 =	vmax.f32 v63, v4;
	v63 =	vld [tilespmem:$0x690]  }
0x1d3: {  	v4 =	vld [tilespmem:$0x2A0]  }
0x1d4: {  	v31 =	vmax.f32 v36, v37;
	v36 =	vmax.f32 v6, v39;
	v39 =	vld [tilespmem:$0x280]  }
0x1d5: {  	v37 =	vmax.f32 v40, v41;
	v40 =	vld [tilespmem:$0x290]  }
0x1d6: {  	v32 =	vmax.f32 v45, v38;
	v45 =	vld [tilespmem:$0x680]  }
0x1d7: {  	v33 =	vmax.f32 v46, v47;
	v46 =	vld [tilespmem:$0x6B0]  }
0x1d8: {  	v6 =	vld [tilespmem:$0x6A0]  }
0x1d9: {  	v47 =	vld [tilespmem:$0x2C0]  }
0x1da: {  	v40 =	vmax.f32 v40, v63;
	v63 =	vld [tilespmem:$0x6C0]  }
0x1db: {  	v39 =	vmax.f32 v39, v45;
	v45 =	vld [tilespmem:$0x2B0]  }
0x1dc: {  	[tilespmem:$0x1FB70] =	vst v0;
	v0 =	vld [tilespmem:$0x2D0]  }
0x1dd: {  	v41 =	vmax.f32 v4, v6;
	v6 =	vmov v2;
	v2 =	vld [tilespmem:$0x6D0]  }
0x1de: {  	v4 =	vld [tilespmem:$0x6E0]  }
0x1df: {  	v38 =	vmax.f32 v42, v44;
	v44 =	vmax.f32 v47, v63;
	v47 =	vld [tilespmem:$0x2F0]  }
0x1e0: {  	v42 =	vmax.f32 v45, v46;
	v46 =	vld [tilespmem:$0x2E0]  }
0x1e1: {  	v63 =	vld [tilespmem:$0x6F0]  }
0x1e2: {  	v45 =	vmax.f32 v0, v2;
	v0 =	vld [tilespmem:$0x300]  }
0x1e3: {  	v2 =	vld [tilespmem:$0x700]  }
0x1e4: {  	v3 =	vld [tilespmem:$0x710]  }
0x1e5: {  	v46 =	vmax.f32 v46, v4;
	v4 =	vld [tilespmem:$0x310]  }
0x1e6: {  	v1 =	vld [tilespmem:$0x720]  }
0x1e7: {  	v47 =	vmax.f32 v47, v63;
	v63 =	vld [tilespmem:$0x320]  }
0x1e8: {  	v0 =	vmax.f32 v0, v2;
	v2 =	vld [tilespmem:$0x330]  }
0x1e9: {  	v0 =	vmax.f32 v62, v0;
	v62 =	vld [tilespmem:$0x730]  }
0x1ea: {  	[tilespmem:$0xB00] =	vst v0;
	v0 =	vmax.f32 v4, v3;
	v3 =	vld [tilespmem:$0x340]  }
0x1eb: {  	v4 =	vld [tilespmem:$0x740];
	v0 =	vmax.f32 v5, v0  }
0x1ec: {  	[tilespmem:$0xB10] =	vst v0;
	v0 =	vmax.f32 v63, v1;
	v1 =	vld [tilespmem:$0x350]  }
0x1ed: {  	v63 =	vld [tilespmem:$0x760]  }
0x1ee: {  	v0 =	vmax.f32 v61, v0;
	v61 =	vld [tilespmem:$0x750]  }
0x1ef: {  	[tilespmem:$0xB20] =	vst v0;
	v0 =	vmax.f32 v2, v62;
	v2 =	vld [tilespmem:$0x360]  }
0x1f0: {  	v62 =	vld [tilespmem:$0x790]  }
0x1f1: {  	v0 =	vmax.f32 v59, v0;
	v59 =	vld [tilespmem:$0x7D0]  }
0x1f2: {  	[tilespmem:$0xB30] =	vst v0;
	v0 =	vmax.f32 v3, v4;
	v3 =	vld [tilespmem:$0x370]  }
0x1f3: {  	v0 =	vmax.f32 v60, v0;
	v60 =	vld [tilespmem:$0x770]  }
0x1f4: {  	[tilespmem:$0xB40] =	vst v0;
	v0 =	vmax.f32 v1, v61;
	v1 =	vld [tilespmem:$0x380]  }
0x1f5: {  	v61 =	vld [tilespmem:$0x780];
	v0 =	vmax.f32 v56, v0  }
0x1f6: {  	[tilespmem:$0xB50] =	vst v0;
	v0 =	vmax.f32 v2, v63;
	v2 =	vld [tilespmem:$0x390]  }
0x1f7: {  	v63 =	vld [tilespmem:$0x7A0];
	v0 =	vmax.f32 v58, v0  }
0x1f8: {  	v58 =	vld [tilespmem:$0x7C0];
	[tilespmem:$0xB60] =	vst v0;
	v0 =	vmax.f32 v3, v60  }
0x1f9: {  	v3 =	vld [tilespmem:$0x3A0];
	v0 =	vmax.f32 v57, v0  }
0x1fa: {  	v57 =	vld [tilespmem:$0x7B0];
	[tilespmem:$0xB70] =	vst v0;
	v0 =	vmax.f32 v1, v61  }
0x1fb: {  	v1 =	vld [tilespmem:$0x3B0];
	v0 =	vmax.f32 v52, v0  }
0x1fc: {  	v60 =	vld [tilespmem:$0x7E0];
	[tilespmem:$0xB80] =	vst v0;
	v0 =	vmax.f32 v2, v62  }
0x1fd: {  	v2 =	vld [tilespmem:$0x3C0];
	v0 =	vmax.f32 v55, v0  }
0x1fe: {  	v61 =	vld [tilespmem:$0xBF0];
	[tilespmem:$0xB90] =	vst v0;
	v0 =	vmax.f32 v3, v63  }
0x1ff: {  	v3 =	vld [tilespmem:$0x3D0];
	v0 =	vmax.f32 v53, v0  }
0x200: {  	v62 =	vld [tilespmem:$0x0];
	[tilespmem:$0xBA0] =	vst v0;
	v0 =	vmax.f32 v1, v57  }
0x201: {  	v1 =	vld [tilespmem:$0x3E0];
	v0 =	vmax.f32 v54, v0  }
0x202: {  	[tilespmem:$0xBB0] =	vst v0;
	v0 =	vmax.f32 v2, v58;
	v2 =	vld [tilespmem:$0x3F0]  }
0x203: {  	v55 =	vld [tilespmem:$0x450];
	v0 =	vmax.f32 v51, v0  }
0x204: {  	[tilespmem:$0xBC0] =	vst v0;
	v0 =	vmax.f32 v3, v59;
	v3 =	vld [tilespmem:$0x400]  }
0x205: {  	v63 =	vld [tilespmem:$0x10];
	v0 =	vmax.f32 v50, v0  }
0x206: {  	[tilespmem:$0xBD0] =	vst v0;
	v0 =	vmax.f32 v1, v60;
	v1 =	vld [tilespmem:$0x410]  }
0x207: {  	v50 =	vld [tilespmem:$0x20];
	v0 =	vmax.f32 v48, v0;
	v2 =	vmax.f32 v2, v49  }
0x208: {  	[tilespmem:$0xBE0] =	vst v0;
	v0 =	vmax.f32 v61, v2;
	v2 =	vld [tilespmem:$0x420]  }
0x209: {  	v53 =	vld [tilespmem:$0x430];
	[tilespmem:$0xBF0] =	vst v0;
	v0 =	vmax.f32 v62, v3  }
0x20a: {  	v3 =	vld [tilespmem:$0x30];
	v0 =	vmax.f32 v43, v0  }
0x20b: {  	v54 =	vld [tilespmem:$0x440];
	[tilespmem:$0x800] =	vst v0;
	v0 =	vmax.f32 v63, v1  }
0x20c: {  	v1 =	vld [tilespmem:$0x40];
	v0 =	vmax.f32 v34, v0  }
0x20d: {  	v57 =	vld [tilespmem:$0x1FB60];
	[tilespmem:$0x810] =	vst v0;
	v0 =	vmax.f32 v50, v2  }
0x20e: {  	v2 =	vld [tilespmem:$0x50];
	v0 =	vmax.f32 v24, v0  }
0x20f: {  	[tilespmem:$0x820] =	vst v0;
	v0 =	vmax.f32 v3, v53;
	v3 =	vld [tilespmem:$0x850]  }
0x210: {  	v16 =	vld [tilespmem:$0x4A0];
	v0 =	vmax.f32 v13, v0  }
0x211: {  	v56 =	vld [tilespmem:$0x60];
	[tilespmem:$0x830] =	vst v0;
	v0 =	vmax.f32 v1, v54  }
0x212: {  	v58 =	vld [tilespmem:$0x70];
	v0 =	vmax.f32 v57, v0  }
0x213: {  	v59 =	vld [tilespmem:$0x90];
	[tilespmem:$0x840] =	vst v0;
	v0 =	vmax.f32 v2, v55  }
0x214: {  	v0 =	vmax.f32 v3, v0;
	v3 =	vld [tilespmem:$0x80]  }
0x215: {  	[tilespmem:$0x850] =	vst v0;
	v0 =	vld [tilespmem:$0x480]  }
0x216: {  	v60 =	vld [tilespmem:$0x490]  }
0x217: {  	v48 =	vld [tilespmem:$0x8A0]  }
0x218: {  	v61 =	vld [tilespmem:$0xA0]  }
0x219: {  	v62 =	vld [tilespmem:$0x860]  }
0x21a: {  	v0 =	vmax.f32 v3, v0;
	v3 =	vld [tilespmem:$0x880]  }
0x21b: {  	v43 =	vld [tilespmem:$0x890]  }
0x21c: {  	v1 =	vld [tilespmem:$0x460]  }
0x21d: {  	v2 =	vld [tilespmem:$0x470]  }
0x21e: {  	v63 =	vld [tilespmem:$0x870]  }
0x21f: {  	v5 =	vmax.f32 v59, v60;
	v0 =	vmax.f32 v3, v0  }
0x220: {  	v4 =	vmax.f32 v61, v16;
	[tilespmem:$0x880] =	vst v0;
	v0 =	vmax.f32 v43, v5  }
0x221: {  	v49 =	vld [tilespmem:$0x8B0];
	v1 =	vmax.f32 v56, v1;
	[tilespmem:$0x890] =	vst v0;
	v0 =	vmax.f32 v48, v4  }
0x222: {  	v1 =	vmax.f32 v62, v1;
	v2 =	vmax.f32 v58, v2;
	[tilespmem:$0x8A0] =	vst v0;
	v0 =	vld [tilespmem:$0x1FB70]  }
0x223: {  	[tilespmem:$0x860] =	vst v1;
	v1 =	vmax.f32 v63, v2;
	v2 =	vld [tilespmem:$0x8C0]  }
0x224: {  	[tilespmem:$0x870] =	vst v1;
	v1 =	vld [tilespmem:$0x8D0]  }
0x225: {  	v3 =	vld [tilespmem:$0x8E0]  }
0x226: {  	v50 =	vld [tilespmem:$0x8F0]  }
0x227: {  	v51 =	vld [tilespmem:$0x900];
	v0 =	vmax.f32 v49, v0  }
0x228: {  	[tilespmem:$0x8B0] =	vst v0;
	v0 =	vmax.f32 v2, v7;
	v2 =	vld [tilespmem:$0x910]  }
0x229: {  	[tilespmem:$0x8C0] =	vst v0;
	v0 =	vmax.f32 v1, v8;
	v1 =	vld [tilespmem:$0x920]  }
0x22a: {  	[tilespmem:$0x8D0] =	vst v0;
	v0 =	vmax.f32 v3, v9;
	v3 =	vld [tilespmem:$0x930]  }
0x22b: {  	v52 =	vld [tilespmem:$0x940];
	[tilespmem:$0x8E0] =	vst v0;
	v0 =	vmax.f32 v50, v10  }
0x22c: {  	v53 =	vld [tilespmem:$0x950];
	[tilespmem:$0x8F0] =	vst v0;
	v0 =	vmax.f32 v51, v11  }
0x22d: {  	[tilespmem:$0x900] =	vst v0;
	v0 =	vmax.f32 v2, v12;
	v2 =	vld [tilespmem:$0x960]  }
0x22e: {  	[tilespmem:$0x910] =	vst v0;
	v0 =	vmax.f32 v1, v14;
	v1 =	vld [tilespmem:$0x970]  }
0x22f: {  	[tilespmem:$0x920] =	vst v0;
	v0 =	vmax.f32 v3, v15;
	v3 =	vld [tilespmem:$0x980]  }
0x230: {  	v54 =	vld [tilespmem:$0x990];
	[tilespmem:$0x930] =	vst v0;
	v0 =	vmax.f32 v52, v17  }
0x231: {  	v55 =	vld [tilespmem:$0x9A0];
	[tilespmem:$0x940] =	vst v0;
	v0 =	vmax.f32 v53, v18  }
0x232: {  	[tilespmem:$0x950] =	vst v0;
	v0 =	vmax.f32 v2, v19;
	v2 =	vld [tilespmem:$0x9B0]  }
0x233: {  	[tilespmem:$0x960] =	vst v0;
	v0 =	vmax.f32 v1, v20;
	v1 =	vld [tilespmem:$0x9C0]  }
0x234: {  	[tilespmem:$0x970] =	vst v0;
	v0 =	vmax.f32 v3, v21;
	v3 =	vld [tilespmem:$0x9D0]  }
0x235: {  	v56 =	vld [tilespmem:$0x9E0];
	[tilespmem:$0x980] =	vst v0;
	v0 =	vmax.f32 v54, v22  }
0x236: {  	v57 =	vld [tilespmem:$0x9F0];
	[tilespmem:$0x990] =	vst v0;
	v0 =	vmax.f32 v55, v23  }
0x237: {  	[tilespmem:$0x9A0] =	vst v0;
	v0 =	vmax.f32 v2, v25;
	v2 =	vld [tilespmem:$0xA00]  }
0x238: {  	[tilespmem:$0x9B0] =	vst v0;
	v0 =	vmax.f32 v1, v26;
	v1 =	vld [tilespmem:$0xA10]  }
0x239: {  	[tilespmem:$0x9C0] =	vst v0;
	v0 =	vmax.f32 v3, v27;
	v3 =	vld [tilespmem:$0xA20]  }
0x23a: {  	v58 =	vld [tilespmem:$0xA30];
	[tilespmem:$0x9D0] =	vst v0;
	v0 =	vmax.f32 v56, v28  }
0x23b: {  	v59 =	vld [tilespmem:$0xA40];
	[tilespmem:$0x9E0] =	vst v0;
	v0 =	vmax.f32 v57, v29  }
0x23c: {  	[tilespmem:$0x9F0] =	vst v0;
	v0 =	vmax.f32 v2, v30;
	v2 =	vld [tilespmem:$0xA50]  }
0x23d: {  	[tilespmem:$0xA00] =	vst v0;
	v0 =	vmax.f32 v1, v31;
	v1 =	vld [tilespmem:$0xA60]  }
0x23e: {  	[tilespmem:$0xA10] =	vst v0;
	v0 =	vmax.f32 v3, v32;
	v3 =	vld [tilespmem:$0xA70]  }
0x23f: {  	v60 =	vld [tilespmem:$0xA80];
	[tilespmem:$0xA20] =	vst v0;
	v0 =	vmax.f32 v58, v33  }
0x240: {  	v61 =	vld [tilespmem:$0xA90];
	[tilespmem:$0xA30] =	vst v0;
	v0 =	vmax.f32 v59, v35  }
0x241: {  	[tilespmem:$0xA40] =	vst v0;
	v0 =	vmax.f32 v2, v36;
	v2 =	vld [tilespmem:$0xAA0]  }
0x242: {  	[tilespmem:$0xA50] =	vst v0;
	v0 =	vmax.f32 v1, v37;
	v1 =	vld [tilespmem:$0xAB0]  }
0x243: {  	[tilespmem:$0xA60] =	vst v0;
	v0 =	vmax.f32 v3, v38;
	v3 =	vld [tilespmem:$0xAC0]  }
0x244: {  	v62 =	vld [tilespmem:$0xAD0];
	[tilespmem:$0xA70] =	vst v0;
	v0 =	vmax.f32 v60, v39  }
0x245: {  	v63 =	vld [tilespmem:$0xAE0];
	[tilespmem:$0xA80] =	vst v0;
	v0 =	vmax.f32 v61, v40  }
0x246: {  	p0 =	sne.s32 s17, $0x1;
	[tilespmem:$0xA90] =	vst v0;
	v0 =	vmax.f32 v2, v41;
	v2 =	vld [tilespmem:$0xAF0]  }
.Ltmp4:
0x247: {  	[tilespmem:$0xAA0] =	vst v0;
	v0 =	vmax.f32 v1, v42;
	(pc) =	sbr.rel @p0 .LBB2_3-.Ltmp4, $4  }
0x248: {  	[tilespmem:$0xAB0] =	vst v0;
	v0 =	vmax.f32 v3, v44  }
0x249: {  	[tilespmem:$0xAC0] =	vst v0;
	v0 =	vmax.f32 v62, v45  }
0x24a: {  	[tilespmem:$0xAD0] =	vst v0;
	v0 =	vmax.f32 v63, v46  }
0x24b: {  	s17 =	sadd.s32 $0xFFFFFFFF, s17;
	s18 =	sadd.s32 $0x2, s18;
	[tilespmem:$0xAE0] =	vst v0;
	v1 =	vmax.f32 v2, v47;
	v2 =	vmov v6  }
.Ltmp5:
0x24c: {  	_ = 	snop;
	(pc) =	sbr.rel .LBB2_4-.Ltmp5, $1  }
0x24d: {  	_ =	sdelay $0x3  }
.LBB2_6:
0x24e: {  	_ =	sfence.sel $0x180000  }
0x24f: {  	[bflag:$0x0] =	sbarrier.arrive $0xFFFF  }
0x250: {  	p0 =	sne.s32 s1, $0x0;
	_ =	strace $0x90000047  }
0x251: {  	s0 =	sadd.s32 @!p0 $0x100000, s0;
	[bflag:$0x2] =	sbarrier.arrive $0xFFFF  }
0x252: {  	[sflag:s0] =	ssyncadd.tile.s32 @!p0 $0x1;
	_ =	shalt  }
.Lfunc_end2:
_tile_overlayer_lowered:
.L_overlay_start_2:
0x253: {  	(tag) =	ssettag $0x2  }
0x254: {  	s0 =	rddreg [dreg:$0x0];
	s2 =	stileid.u32  }
0x255: {  	s1 =	rddreg [dreg:$0x1];
	p0 =	sne.s32 s2, $0x0  }
0x256: {  	s3 =	rddreg [dreg:$0x2];
	[bflag:$0x3] =	sbarrier.arrive $0xFFFF;
	s2 =	simm.s32 @!p0 $0x1C02  }
0x257: {  	[timem:s3], [sflag:s2] =	dma.local @!p0 [hbm:s0], s1  }
0x258: {  	s0 =	simm.s32 @!p0 $0x2  }
0x259: {  	_ =	swait.ge @!p0 [sflag:s0], s1  }
0x25a: {  	s1 =	ssub.s32 @!p0 $0x0, s1;
	[sflag:s0] =	ssyncset.done @!p0 $0x0  }
0x25b: {  	[sflag:s0] =	ssyncadd.s32 @!p0 s1  }
0x25c: {  	[bflag:$0x3] =	sbarrier.arrive $0xFFFF  }
0x25d: {  	_ =	shalt  }

</sc_bundles>
